<compile_context>
chip_gen: v7x
topology: tpu7x:2x2x1
jax: 0.10.2.dev20260603
libtpu: 0.0.44.dev20260713+nightly
codegen_flags: <defaults>
</compile_context>

<pallas_src>
import functools

import jax
import jax.numpy as jnp
from jax import lax
from jax.experimental import pallas as pl
from jax.experimental.pallas import tpu as pltpu
from jax.experimental.pallas import tpu_sc as plsc

_SEQ = 2048
_DIM = 64
_MAXLEN = 160
_NW = 32
_G = 4224
_AD = _DIM // _NW
_ROWS = _SEQ // _NW
_W = 256
_SPAN_LD = 512

_mesh = plsc.VectorSubcoreMesh(core_axis_name="c", subcore_axis_name="s")


def _build_gt_body(pe_hbm, gt_hbm, pe_v, row_v):
    wid = lax.axis_index("s") * 2 + lax.axis_index("c")
    lanes = lax.broadcasted_iota(jnp.int32, (16,), 0)
    pltpu.sync_copy(pe_hbm, pe_v)

    for dl in range(_AD):
        d = wid * _AD + dl
        col_idx = jnp.full((16,), 0, jnp.int32) + d

        def fill(c, _):
            cc = pl.multiple_of(c * 16, 16)
            vec = (2047 - cc) - lanes
            row_idx = (
                jnp.minimum(jnp.maximum(vec, -_MAXLEN), _MAXLEN - 1) + _MAXLEN
            )
            row_v[pl.ds(cc, 16)] = plsc.load_gather(pe_v, [row_idx, col_idx])
            return 0

        lax.fori_loop(0, _G // 16, fill, 0)
        pltpu.sync_copy(row_v, gt_hbm.at[d])


_build_gt = functools.partial(
    pl.kernel,
    out_type=jax.ShapeDtypeStruct((_DIM, _G), jnp.float32),
    mesh=_mesh,
    scratch_types=[
        pltpu.VMEM((2 * _MAXLEN, _DIM), jnp.float32),
        pltpu.VMEM((_G,), jnp.float32),
    ],
    compiler_params=pltpu.CompilerParams(needs_layout_passes=False),
)(_build_gt_body)


def _emit_body(gt_hbm, out_hbm, span_v, buf0, buf1, cb0, cb319, sem0, sem1, semc):
    wid = lax.axis_index("s") * 2 + lax.axis_index("c")
    r0 = wid * _ROWS
    lanes = lax.broadcasted_iota(jnp.int32, (16,), 0)

    pltpu.sync_copy(gt_hbm.at[:, pl.ds(0, _W)], cb319)
    pltpu.sync_copy(gt_hbm.at[:, pl.ds(2304, _W)], cb0)

    def task(h, nconst):
        c0 = pl.multiple_of(h * _W, 128)
        s0 = 2047 - (r0 + _ROWS - 1) + c0
        rem = lax.rem(s0, 128)
        sa = pl.multiple_of(s0 - rem, 128)

        count0 = jnp.clip(s0 - 2143, 0, _ROWS)
        hi = jnp.clip(s0 - 1570, 0, _ROWS)

        pltpu.sync_copy(gt_hbm.at[:, pl.ds(sa, _SPAN_LD)], span_v)

        def row(li, buf, sem):
            off = rem + (_ROWS - 1) - li

            def fill(c, _):
                cc = pl.multiple_of(c * 16, 16)
                idx = off + cc + lanes
                for d in range(_DIM):
                    dvec = jnp.full((16,), d, jnp.int32)
                    buf[d, pl.ds(cc, 16)] = plsc.load_gather(
                        span_v, [dvec, idx]
                    )
                return 0

            lax.fori_loop(0, _W // 16, fill, 0)
            pltpu.make_async_copy(
                buf, out_hbm.at[r0 + li, :, pl.ds(c0, _W)], sem
            ).start()

        def step(li, _):
            vi = li - count0

            @pl.when(lax.rem(vi, 2) == 0)
            def _():
                @pl.when(vi >= 2)
                def _():
                    pltpu.make_async_copy(
                        buf0, out_hbm.at[r0, :, pl.ds(c0, _W)], sem0
                    ).wait()

                row(li, buf0, sem0)

            @pl.when(lax.rem(vi, 2) == 1)
            def _():
                @pl.when(vi >= 2)
                def _():
                    pltpu.make_async_copy(
                        buf1, out_hbm.at[r0, :, pl.ds(c0, _W)], sem1
                    ).wait()

                row(li, buf1, sem1)

            return 0

        lax.fori_loop(count0, hi, step, 0)

        def const_row(cb):
            def body(li, _):
                pltpu.make_async_copy(
                    cb, out_hbm.at[r0 + li, :, pl.ds(c0, _W)], semc
                ).start()
                return 0

            return body

        lax.fori_loop(0, count0, const_row(cb0), 0)
        lax.fori_loop(hi, _ROWS, const_row(cb319), 0)
        nvar = hi - count0

        @pl.when(nvar >= 1)
        def _():
            pltpu.make_async_copy(
                buf0, out_hbm.at[r0, :, pl.ds(c0, _W)], sem0
            ).wait()

        @pl.when(nvar >= 2)
        def _():
            pltpu.make_async_copy(
                buf1, out_hbm.at[r0, :, pl.ds(c0, _W)], sem1
            ).wait()

        return nconst + count0 + (_ROWS - hi)

    nconst = lax.fori_loop(0, _SEQ // _W, task, 0)

    def drainc(i, _):
        pltpu.make_async_copy(
            cb0, out_hbm.at[r0, :, pl.ds(0, _W)], semc
        ).wait()
        return 0

    lax.fori_loop(0, nconst, drainc, 0)


_emit = functools.partial(
    pl.kernel,
    out_type=jax.ShapeDtypeStruct((_SEQ, _DIM, _SEQ), jnp.float32),
    mesh=_mesh,
    scratch_types=[
        pltpu.VMEM((_DIM, _SPAN_LD), jnp.float32),
        pltpu.VMEM((_DIM, _W), jnp.float32),
        pltpu.VMEM((_DIM, _W), jnp.float32),
        pltpu.VMEM((_DIM, _W), jnp.float32),
        pltpu.VMEM((_DIM, _W), jnp.float32),
        pltpu.SemaphoreType.DMA,
        pltpu.SemaphoreType.DMA,
        pltpu.SemaphoreType.DMA,
    ],
    compiler_params=pltpu.CompilerParams(needs_layout_passes=False),
)(_emit_body)


@jax.jit
def kernel(hidden_states, pe_k):
    del hidden_states
    gt = _build_gt(pe_k)
    out = _emit(gt)
    return out.transpose(0, 2, 1)

# --- scband reference (transcript-rebuilt; emitter-appended) ---
"""Pipeline reference for scband-speech-t5-relative-positional-encoding-fixed-71854802862202 (READ-ONLY COPY).

The authoritative reference and input builder live on the scoring server;
editing this copy changes nothing except your own understanding.
"""

import jax, jax.numpy as jnp
import numpy as np

DIM = 64
MAX_LENGTH = 160


def setup_inputs(seed: int = 0) -> dict:
    key = jax.random.key(seed)
    k1, k2 = jax.random.split(key)
    hidden_states = jax.random.normal(k1, (2, 2048, 768), dtype=jnp.float32)
    # learned parameter: pe_k embedding table [2*max_length, dim]
    pe_k = jax.random.normal(k2, (2 * MAX_LENGTH, DIM), dtype=jnp.float32) * 0.02
    return {"hidden_states": hidden_states, "pe_k": pe_k}


def reference(hidden_states, pe_k):
    seq_len = hidden_states.shape[1]
    pos_seq = jnp.arange(0, seq_len, dtype=jnp.int32)
    rel = pos_seq[:, None] - pos_seq[None, :]
    rel = jnp.clip(rel, -MAX_LENGTH, MAX_LENGTH - 1)
    rel = rel + MAX_LENGTH
    # embedding lookup: [seq_len, seq_len] int indices -> [seq_len, seq_len, dim]
    return jnp.take(pe_k, rel, axis=0)

if __name__ == "__main__":
    import jax
    _d = setup_inputs()
    print(jax.jit(kernel)(*tuple(_d.values())))

</pallas_src>

<mosaic_0001>
#map = affine_map<(d0, d1) -> (0, 0)>
module attributes {stable_mosaic.version = 14 : i64} {
  func.func @_build_gt_body(%arg0: i32, %arg1: i32, %arg2: memref<320x64xf32, #tpu.memory_space<hbm>>, %arg3: memref<64x4224xf32, #tpu.memory_space<hbm>>, %arg4: memref<320x64xf32, #tpu.memory_space<vmem>>, %arg5: memref<4224xf32, #tpu.memory_space<vmem>>) attributes {dimension_semantics = [#tpu.dimension_semantics<core_parallel>, #tpu.dimension_semantics<subcore_parallel>], iteration_bounds = array<i64: 2, 16>, scalar_prefetch = 0 : i64, scratch_operands = 2 : i64, tpu.core_type = #tpu.core_type<sc_vector_subcore>, window_params = [{transform_indices = #map}, {transform_indices = #map}]} {
    %mul3A = arith.constant 2 : i32
    %mul3A_0 = arith.muli %arg1, %mul3A : i32
    %add3A = arith.addi %mul3A_0, %arg0 : i32
    %iota3A = tpu.iota {dimensions = array<i32: 0>} : vector<16xi32>
    "tpu.region"() ({
      %run_scoped3A = tpu.sem_alloc : memref<!tpu.dma_semaphore, #tpu.memory_space<semaphore_mem>>
      tpu.enqueue_dma source(%arg2 : memref<320x64xf32, #tpu.memory_space<hbm>>) target(%arg4 : memref<320x64xf32, #tpu.memory_space<vmem>>) target_semaphore(%run_scoped3A : memref<!tpu.dma_semaphore, #tpu.memory_space<semaphore_mem>>)
      tpu.wait_dma2 semaphore(%run_scoped3A : memref<!tpu.dma_semaphore, #tpu.memory_space<semaphore_mem>>) src(%arg2 : memref<320x64xf32, #tpu.memory_space<hbm>>) dst(%arg4 : memref<320x64xf32, #tpu.memory_space<vmem>>)
      tpu.yield
    }) : () -> ()
    %mul3A_1 = arith.constant 2 : i32
    %mul3A_2 = arith.muli %add3A, %mul3A_1 : i32
    %add3A_3 = arith.constant 0 : i32
    %add3A_4 = arith.addi %mul3A_2, %add3A_3 : i32
    %broadcast_in_dim3A = arith.constant 0 : i32
    %broadcast_in_dim3A_5 = vector.broadcast %broadcast_in_dim3A : i32 to vector<16xi32>
    %add3A_6 = vector.broadcast %add3A_4 : i32 to vector<16xi32>
    %add3A_7 = arith.addi %broadcast_in_dim3A_5, %add3A_6 : vector<16xi32>
    %scan3A = arith.constant 0 : i32
    %scan3A_8 = arith.constant 0 : i32
    %scan3A_9 = arith.constant 264 : i32
    %scan3A_10 = arith.addi %scan3A_8, %scan3A_9 : i32
    %scan3A_11 = arith.constant 1 : i32
    %scan3A_12 = scf.for %scan3A_29 = %scan3A_8 to %scan3A_10 step %scan3A_11 iter_args(%scan3A_30 = %scan3A) -> (i32)  : i32 {
      %mul3A_31 = arith.constant 16 : i32
      %mul3A_32 = arith.muli %scan3A_29, %mul3A_31 : i32
      %multiple_of3A = tpu.assume_multiple %mul3A_32, 16 : i32
      %sub3A = arith.constant 2047 : i32
      %sub3A_33 = arith.subi %sub3A, %multiple_of3A : i32
      %sub3A_34 = vector.broadcast %sub3A_33 : i32 to vector<16xi32>
      %sub3A_35 = arith.subi %sub3A_34, %iota3A : vector<16xi32>
      %max3A = arith.constant -160 : i32
      %max3A_36 = vector.broadcast %max3A : i32 to vector<16xi32>
      %max3A_37 = arith.maxsi %sub3A_35, %max3A_36 : vector<16xi32>
      %min3A = arith.constant 159 : i32
      %min3A_38 = vector.broadcast %min3A : i32 to vector<16xi32>
      %min3A_39 = arith.minsi %max3A_37, %min3A_38 : vector<16xi32>
      %add3A_40 = arith.constant 160 : i32
      %add3A_41 = vector.broadcast %add3A_40 : i32 to vector<16xi32>
      %add3A_42 = arith.addi %min3A_39, %add3A_41 : vector<16xi32>
      %gather3A = tpu.vector_load_idx %arg4[%add3A_42, %add3A_7] : memref<320x64xf32, #tpu.memory_space<vmem>>[vector<16xi32>, vector<16xi32>], vector<16xf32>,
      %swap3A = arith.index_cast %multiple_of3A : i32 to index
      %swap3A_43 = tpu.vector_load %arg5[%swap3A] {strides = array<i32>} : memref<4224xf32, #tpu.memory_space<vmem>>, vector<16xf32>,
      tpu.vector_store %arg5[%swap3A], %gather3A {strides = array<i32>} : memref<4224xf32, #tpu.memory_space<vmem>>, vector<16xf32>,
      %scan3A_44 = arith.constant 0 : i32
      scf.yield %scan3A_44 : i32
    }
    %scan3A_13 = arith.constant 264 : i32
    "tpu.region"() ({
      %run_scoped3A = tpu.sem_alloc : memref<!tpu.dma_semaphore, #tpu.memory_space<semaphore_mem>>
      %dma_start3A = arith.constant 0 : i32
      %dma_start3A_29 = tpu.memref_slice %arg3[%add3A_4, %dma_start3A] : memref<64x4224xf32, #tpu.memory_space<hbm>> -> memref<1x4224xf32, #tpu.memory_space<hbm>>
      %dma_start3A_30 = tpu.memref_squeeze %dma_start3A_29 : memref<1x4224xf32, #tpu.memory_space<hbm>> -> memref<4224xf32, #tpu.memory_space<hbm>>
      %dma_start3A_31 = arith.constant 0 : i32
      %dma_start3A_32 = tpu.memref_slice %arg3[%add3A_4, %dma_start3A_31] : memref<64x4224xf32, #tpu.memory_space<hbm>> -> memref<1x4224xf32, #tpu.memory_space<hbm>>
      %dma_start3A_33 = tpu.memref_squeeze %dma_start3A_32 : memref<1x4224xf32, #tpu.memory_space<hbm>> -> memref<4224xf32, #tpu.memory_space<hbm>>
      tpu.enqueue_dma source(%arg5 : memref<4224xf32, #tpu.memory_space<vmem>>) target(%dma_start3A_33 : memref<4224xf32, #tpu.memory_space<hbm>>) target_semaphore(%run_scoped3A : memref<!tpu.dma_semaphore, #tpu.memory_space<semaphore_mem>>)
      %dma_wait3A = arith.constant 0 : i32
      %dma_wait3A_34 = tpu.memref_slice %arg3[%add3A_4, %dma_wait3A] : memref<64x4224xf32, #tpu.memory_space<hbm>> -> memref<1x4224xf32, #tpu.memory_space<hbm>>
      %dma_wait3A_35 = tpu.memref_squeeze %dma_wait3A_34 : memref<1x4224xf32, #tpu.memory_space<hbm>> -> memref<4224xf32, #tpu.memory_space<hbm>>
      %dma_wait3A_36 = arith.constant 0 : i32
      %dma_wait3A_37 = tpu.memref_slice %arg3[%add3A_4, %dma_wait3A_36] : memref<64x4224xf32, #tpu.memory_space<hbm>> -> memref<1x4224xf32, #tpu.memory_space<hbm>>
      %dma_wait3A_38 = tpu.memref_squeeze %dma_wait3A_37 : memref<1x4224xf32, #tpu.memory_space<hbm>> -> memref<4224xf32, #tpu.memory_space<hbm>>
      tpu.wait_dma2 semaphore(%run_scoped3A : memref<!tpu.dma_semaphore, #tpu.memory_space<semaphore_mem>>) src(%arg5 : memref<4224xf32, #tpu.memory_space<vmem>>) dst(%dma_wait3A_38 : memref<4224xf32, #tpu.memory_space<hbm>>)
      tpu.yield
    }) : () -> ()
    %mul3A_14 = arith.constant 2 : i32
    %mul3A_15 = arith.muli %add3A, %mul3A_14 : i32
    %add3A_16 = arith.constant 1 : i32
    %add3A_17 = arith.addi %mul3A_15, %add3A_16 : i32
    %broadcast_in_dim3A_18 = arith.constant 0 : i32
    %broadcast_in_dim3A_19 = vector.broadcast %broadcast_in_dim3A_18 : i32 to vector<16xi32>
    %add3A_20 = vector.broadcast %add3A_17 : i32 to vector<16xi32>
    %add3A_21 = arith.addi %broadcast_in_dim3A_19, %add3A_20 : vector<16xi32>
    %scan3A_22 = arith.constant 0 : i32
    %scan3A_23 = arith.constant 0 : i32
    %scan3A_24 = arith.constant 264 : i32
    %scan3A_25 = arith.addi %scan3A_23, %scan3A_24 : i32
    %scan3A_26 = arith.constant 1 : i32
    %scan3A_27 = scf.for %scan3A_29 = %scan3A_23 to %scan3A_25 step %scan3A_26 iter_args(%scan3A_30 = %scan3A_22) -> (i32)  : i32 {
      %mul3A_31 = arith.constant 16 : i32
      %mul3A_32 = arith.muli %scan3A_29, %mul3A_31 : i32
      %multiple_of3A = tpu.assume_multiple %mul3A_32, 16 : i32
      %sub3A = arith.constant 2047 : i32
      %sub3A_33 = arith.subi %sub3A, %multiple_of3A : i32
      %sub3A_34 = vector.broadcast %sub3A_33 : i32 to vector<16xi32>
      %sub3A_35 = arith.subi %sub3A_34, %iota3A : vector<16xi32>
      %max3A = arith.constant -160 : i32
      %max3A_36 = vector.broadcast %max3A : i32 to vector<16xi32>
      %max3A_37 = arith.maxsi %sub3A_35, %max3A_36 : vector<16xi32>
      %min3A = arith.constant 159 : i32
      %min3A_38 = vector.broadcast %min3A : i32 to vector<16xi32>
      %min3A_39 = arith.minsi %max3A_37, %min3A_38 : vector<16xi32>
      %add3A_40 = arith.constant 160 : i32
      %add3A_41 = vector.broadcast %add3A_40 : i32 to vector<16xi32>
      %add3A_42 = arith.addi %min3A_39, %add3A_41 : vector<16xi32>
      %gather3A = tpu.vector_load_idx %arg4[%add3A_42, %add3A_21] : memref<320x64xf32, #tpu.memory_space<vmem>>[vector<16xi32>, vector<16xi32>], vector<16xf32>,
      %swap3A = arith.index_cast %multiple_of3A : i32 to index
      %swap3A_43 = tpu.vector_load %arg5[%swap3A] {strides = array<i32>} : memref<4224xf32, #tpu.memory_space<vmem>>, vector<16xf32>,
      tpu.vector_store %arg5[%swap3A], %gather3A {strides = array<i32>} : memref<4224xf32, #tpu.memory_space<vmem>>, vector<16xf32>,
      %scan3A_44 = arith.constant 0 : i32
      scf.yield %scan3A_44 : i32
    }
    %scan3A_28 = arith.constant 264 : i32
    "tpu.region"() ({
      %run_scoped3A = tpu.sem_alloc : memref<!tpu.dma_semaphore, #tpu.memory_space<semaphore_mem>>
      %dma_start3A = arith.constant 0 : i32
      %dma_start3A_29 = tpu.memref_slice %arg3[%add3A_17, %dma_start3A] : memref<64x4224xf32, #tpu.memory_space<hbm>> -> memref<1x4224xf32, #tpu.memory_space<hbm>>
      %dma_start3A_30 = tpu.memref_squeeze %dma_start3A_29 : memref<1x4224xf32, #tpu.memory_space<hbm>> -> memref<4224xf32, #tpu.memory_space<hbm>>
      %dma_start3A_31 = arith.constant 0 : i32
      %dma_start3A_32 = tpu.memref_slice %arg3[%add3A_17, %dma_start3A_31] : memref<64x4224xf32, #tpu.memory_space<hbm>> -> memref<1x4224xf32, #tpu.memory_space<hbm>>
      %dma_start3A_33 = tpu.memref_squeeze %dma_start3A_32 : memref<1x4224xf32, #tpu.memory_space<hbm>> -> memref<4224xf32, #tpu.memory_space<hbm>>
      tpu.enqueue_dma source(%arg5 : memref<4224xf32, #tpu.memory_space<vmem>>) target(%dma_start3A_33 : memref<4224xf32, #tpu.memory_space<hbm>>) target_semaphore(%run_scoped3A : memref<!tpu.dma_semaphore, #tpu.memory_space<semaphore_mem>>)
      %dma_wait3A = arith.constant 0 : i32
      %dma_wait3A_34 = tpu.memref_slice %arg3[%add3A_17, %dma_wait3A] : memref<64x4224xf32, #tpu.memory_space<hbm>> -> memref<1x4224xf32, #tpu.memory_space<hbm>>
      %dma_wait3A_35 = tpu.memref_squeeze %dma_wait3A_34 : memref<1x4224xf32, #tpu.memory_space<hbm>> -> memref<4224xf32, #tpu.memory_space<hbm>>
      %dma_wait3A_36 = arith.constant 0 : i32
      %dma_wait3A_37 = tpu.memref_slice %arg3[%add3A_17, %dma_wait3A_36] : memref<64x4224xf32, #tpu.memory_space<hbm>> -> memref<1x4224xf32, #tpu.memory_space<hbm>>
      %dma_wait3A_38 = tpu.memref_squeeze %dma_wait3A_37 : memref<1x4224xf32, #tpu.memory_space<hbm>> -> memref<4224xf32, #tpu.memory_space<hbm>>
      tpu.wait_dma2 semaphore(%run_scoped3A : memref<!tpu.dma_semaphore, #tpu.memory_space<semaphore_mem>>) src(%arg5 : memref<4224xf32, #tpu.memory_space<vmem>>) dst(%dma_wait3A_38 : memref<4224xf32, #tpu.memory_space<hbm>>)
      tpu.yield
    }) : () -> ()
    return
  }
}

#map = affine_map<(d0, d1) -> (0, 0)>
#map1 = affine_map<(d0, d1) -> (0, 0, 0)>
module attributes {stable_mosaic.version = 14 : i64} {
  func.func @_emit_body(%arg0: i32, %arg1: i32, %arg2: memref<64x4224xf32, #tpu.memory_space<hbm>>, %arg3: memref<2048x64x2048xf32, #tpu.memory_space<hbm>>, %arg4: memref<64x512xf32, #tpu.memory_space<vmem>>, %arg5: memref<64x256xf32, #tpu.memory_space<vmem>>, %arg6: memref<64x256xf32, #tpu.memory_space<vmem>>, %arg7: memref<64x256xf32, #tpu.memory_space<vmem>>, %arg8: memref<64x256xf32, #tpu.memory_space<vmem>>, %arg9: memref<!tpu.dma_semaphore, #tpu.memory_space<semaphore_mem>>, %arg10: memref<!tpu.dma_semaphore, #tpu.memory_space<semaphore_mem>>, %arg11: memref<!tpu.dma_semaphore, #tpu.memory_space<semaphore_mem>>) attributes {dimension_semantics = [#tpu.dimension_semantics<core_parallel>, #tpu.dimension_semantics<subcore_parallel>], iteration_bounds = array<i64: 2, 16>, scalar_prefetch = 0 : i64, scratch_operands = 8 : i64, tpu.core_type = #tpu.core_type<sc_vector_subcore>, window_params = [{transform_indices = #map}, {transform_indices = #map1}]} {
    %mul3A = arith.constant 2 : i32
    %mul3A_0 = arith.muli %arg1, %mul3A : i32
    %add3A = arith.addi %mul3A_0, %arg0 : i32
    %mul3A_1 = arith.constant 64 : i32
    %mul3A_2 = arith.muli %add3A, %mul3A_1 : i32
    %iota3A = tpu.iota {dimensions = array<i32: 0>} : vector<16xi32>
    "tpu.region"() ({
      %run_scoped3A = tpu.sem_alloc : memref<!tpu.dma_semaphore, #tpu.memory_space<semaphore_mem>>
      %dma_start3A = arith.constant 0 : i32
      %dma_start3A_20 = arith.constant 0 : i32
      %dma_start3A_21 = tpu.memref_slice %arg2[%dma_start3A, %dma_start3A_20] : memref<64x4224xf32, #tpu.memory_space<hbm>> -> memref<64x256xf32, #tpu.memory_space<hbm>>
      %dma_start3A_22 = arith.constant 0 : i32
      %dma_start3A_23 = arith.constant 0 : i32
      %dma_start3A_24 = tpu.memref_slice %arg2[%dma_start3A_22, %dma_start3A_23] : memref<64x4224xf32, #tpu.memory_space<hbm>> -> memref<64x256xf32, #tpu.memory_space<hbm>>
      tpu.enqueue_dma source(%dma_start3A_24 : memref<64x256xf32, #tpu.memory_space<hbm>>) target(%arg8 : memref<64x256xf32, #tpu.memory_space<vmem>>) target_semaphore(%run_scoped3A : memref<!tpu.dma_semaphore, #tpu.memory_space<semaphore_mem>>)
      %dma_wait3A = arith.constant 0 : i32
      %dma_wait3A_25 = arith.constant 0 : i32
      %dma_wait3A_26 = tpu.memref_slice %arg2[%dma_wait3A, %dma_wait3A_25] : memref<64x4224xf32, #tpu.memory_space<hbm>> -> memref<64x256xf32, #tpu.memory_space<hbm>>
      %dma_wait3A_27 = arith.constant 0 : i32
      %dma_wait3A_28 = arith.constant 0 : i32
      %dma_wait3A_29 = tpu.memref_slice %arg2[%dma_wait3A_27, %dma_wait3A_28] : memref<64x4224xf32, #tpu.memory_space<hbm>> -> memref<64x256xf32, #tpu.memory_space<hbm>>
      tpu.wait_dma2 semaphore(%run_scoped3A : memref<!tpu.dma_semaphore, #tpu.memory_space<semaphore_mem>>) src(%dma_wait3A_29 : memref<64x256xf32, #tpu.memory_space<hbm>>) dst(%arg8 : memref<64x256xf32, #tpu.memory_space<vmem>>)
      tpu.yield
    }) : () -> ()
    "tpu.region"() ({
      %run_scoped3A = tpu.sem_alloc : memref<!tpu.dma_semaphore, #tpu.memory_space<semaphore_mem>>
      %dma_start3A = arith.constant 0 : i32
      %dma_start3A_20 = arith.constant 2304 : i32
      %dma_start3A_21 = tpu.memref_slice %arg2[%dma_start3A, %dma_start3A_20] : memref<64x4224xf32, #tpu.memory_space<hbm>> -> memref<64x256xf32, #tpu.memory_space<hbm>>
      %dma_start3A_22 = arith.constant 0 : i32
      %dma_start3A_23 = arith.constant 2304 : i32
      %dma_start3A_24 = tpu.memref_slice %arg2[%dma_start3A_22, %dma_start3A_23] : memref<64x4224xf32, #tpu.memory_space<hbm>> -> memref<64x256xf32, #tpu.memory_space<hbm>>
      tpu.enqueue_dma source(%dma_start3A_24 : memref<64x256xf32, #tpu.memory_space<hbm>>) target(%arg7 : memref<64x256xf32, #tpu.memory_space<vmem>>) target_semaphore(%run_scoped3A : memref<!tpu.dma_semaphore, #tpu.memory_space<semaphore_mem>>)
      %dma_wait3A = arith.constant 0 : i32
      %dma_wait3A_25 = arith.constant 2304 : i32
      %dma_wait3A_26 = tpu.memref_slice %arg2[%dma_wait3A, %dma_wait3A_25] : memref<64x4224xf32, #tpu.memory_space<hbm>> -> memref<64x256xf32, #tpu.memory_space<hbm>>
      %dma_wait3A_27 = arith.constant 0 : i32
      %dma_wait3A_28 = arith.constant 2304 : i32
      %dma_wait3A_29 = tpu.memref_slice %arg2[%dma_wait3A_27, %dma_wait3A_28] : memref<64x4224xf32, #tpu.memory_space<hbm>> -> memref<64x256xf32, #tpu.memory_space<hbm>>
      tpu.wait_dma2 semaphore(%run_scoped3A : memref<!tpu.dma_semaphore, #tpu.memory_space<semaphore_mem>>) src(%dma_wait3A_29 : memref<64x256xf32, #tpu.memory_space<hbm>>) dst(%arg7 : memref<64x256xf32, #tpu.memory_space<vmem>>)
      tpu.yield
    }) : () -> ()
    %scan3A = arith.constant 0 : i32
    %scan3A_3 = arith.constant 0 : i32
    %scan3A_4 = arith.constant 8 : i32
    %scan3A_5 = arith.addi %scan3A_3, %scan3A_4 : i32
    %scan3A_6 = arith.constant 1 : i32
    %scan3A_7 = scf.for %scan3A_20 = %scan3A_3 to %scan3A_5 step %scan3A_6 iter_args(%scan3A_21 = %scan3A) -> (i32)  : i32 {
      %mul3A_22 = arith.constant 256 : i32
      %mul3A_23 = arith.muli %scan3A_20, %mul3A_22 : i32
      %multiple_of3A = tpu.assume_multiple %mul3A_23, 128 : i32
      %add3A_24 = arith.constant 64 : i32
      %add3A_25 = arith.addi %mul3A_2, %add3A_24 : i32
      %sub3A = arith.constant 1 : i32
      %sub3A_26 = arith.subi %add3A_25, %sub3A : i32
      %sub3A_27 = arith.constant 2047 : i32
      %sub3A_28 = arith.subi %sub3A_27, %sub3A_26 : i32
      %add3A_29 = arith.addi %sub3A_28, %multiple_of3A : i32
      %rem3A = arith.constant 128 : i32
      %rem3A_30 = arith.remsi %add3A_29, %rem3A : i32
      %sub3A_31 = arith.subi %add3A_29, %rem3A_30 : i32
      %multiple_of3A_32 = tpu.assume_multiple %sub3A_31, 128 : i32
      %sub3A_33 = arith.constant 2143 : i32
      %sub3A_34 = arith.subi %add3A_29, %sub3A_33 : i32
      %jit3A = arith.constant 0 : i32
      %jit3A_35 = arith.constant 64 : i32
      %max3A = arith.maxsi %jit3A, %sub3A_34 : i32
      %min3A = arith.minsi %jit3A_35, %max3A : i32
      %sub3A_36 = arith.constant 1570 : i32
      %sub3A_37 = arith.subi %add3A_29, %sub3A_36 : i32
      %jit3A_38 = arith.constant 0 : i32
      %jit3A_39 = arith.constant 64 : i32
      %max3A_40 = arith.maxsi %jit3A_38, %sub3A_37 : i32
      %min3A_41 = arith.minsi %jit3A_39, %max3A_40 : i32
      "tpu.region"() ({
        %run_scoped3A = tpu.sem_alloc : memref<!tpu.dma_semaphore, #tpu.memory_space<semaphore_mem>>
        %dma_start3A = arith.constant 0 : i32
        %dma_start3A_89 = tpu.memref_slice %arg2[%dma_start3A, %multiple_of3A_32] : memref<64x4224xf32, #tpu.memory_space<hbm>> -> memref<64x512xf32, #tpu.memory_space<hbm>>
        %dma_start3A_90 = arith.constant 0 : i32
        %dma_start3A_91 = tpu.memref_slice %arg2[%dma_start3A_90, %multiple_of3A_32] : memref<64x4224xf32, #tpu.memory_space<hbm>> -> memref<64x512xf32, #tpu.memory_space<hbm>>
        tpu.enqueue_dma source(%dma_start3A_91 : memref<64x512xf32, #tpu.memory_space<hbm>>) target(%arg4 : memref<64x512xf32, #tpu.memory_space<vmem>>) target_semaphore(%run_scoped3A : memref<!tpu.dma_semaphore, #tpu.memory_space<semaphore_mem>>)
        %dma_wait3A = arith.constant 0 : i32
        %dma_wait3A_92 = tpu.memref_slice %arg2[%dma_wait3A, %multiple_of3A_32] : memref<64x4224xf32, #tpu.memory_space<hbm>> -> memref<64x512xf32, #tpu.memory_space<hbm>>
        %dma_wait3A_93 = arith.constant 0 : i32
        %dma_wait3A_94 = tpu.memref_slice %arg2[%dma_wait3A_93, %multiple_of3A_32] : memref<64x4224xf32, #tpu.memory_space<hbm>> -> memref<64x512xf32, #tpu.memory_space<hbm>>
        tpu.wait_dma2 semaphore(%run_scoped3A : memref<!tpu.dma_semaphore, #tpu.memory_space<semaphore_mem>>) src(%dma_wait3A_94 : memref<64x512xf32, #tpu.memory_space<hbm>>) dst(%arg4 : memref<64x512xf32, #tpu.memory_space<vmem>>)
        tpu.yield
      }) : () -> ()
      %while3A_42 = arith.constant 0 : i32
      %while3A_43 = arith.subi %min3A_41, %min3A : i32
      %while3A_44 = arith.addi %min3A, %while3A_43 : i32
      %while3A_45 = arith.constant 1 : i32
      %while3A_46 = arith.divsi %while3A_43, %while3A_45 : i32
      %while3A_47 = arith.muli %while3A_46, %while3A_45 : i32
      %while3A_48 = arith.addi %min3A, %while3A_47 : i32
      %while3A_49 = arith.constant 1 : i32
      %while3A_50 = scf.for %while3A_89 = %min3A to %while3A_48 step %while3A_49 iter_args(%while3A_90 = %while3A_42) -> (i32)  : i32 {
        %sub3A_91 = arith.subi %while3A_89, %min3A : i32
        %rem3A_92 = arith.constant 2 : i32
        %rem3A_93 = arith.remsi %sub3A_91, %rem3A_92 : i32
        %eq3A = arith.constant 0 : i32
        %eq3A_94 = arith.cmpi eq, %rem3A_93, %eq3A : i32
        %convert_element_type3A_95 = arith.extui %eq3A_94 : i1 to i32
        %cond3A_96 = arith.constant 0 : i32
        %cond3A_97 = arith.cmpi ne, %convert_element_type3A_95, %cond3A_96 : i32
        scf.if %cond3A_97 {
          %ge3A_106 = arith.constant 2 : i32
          %ge3A_107 = arith.cmpi sge, %sub3A_91, %ge3A_106 : i32
          %convert_element_type3A_108 = arith.extui %ge3A_107 : i1 to i32
          %cond3A_109 = arith.constant 0 : i32
          %cond3A_110 = arith.cmpi ne, %convert_element_type3A_108, %cond3A_109 : i32
          scf.if %cond3A_110 {
            %dma_wait3A = arith.constant 0 : i32
            %dma_wait3A_127 = tpu.memref_slice %arg3[%mul3A_2, %dma_wait3A, %multiple_of3A] : memref<2048x64x2048xf32, #tpu.memory_space<hbm>> -> memref<1x64x256xf32, #tpu.memory_space<hbm>>
            %dma_wait3A_128 = tpu.memref_squeeze %dma_wait3A_127 : memref<1x64x256xf32, #tpu.memory_space<hbm>> -> memref<64x256xf32, #tpu.memory_space<hbm>>
            %dma_wait3A_129 = arith.constant 0 : i32
            %dma_wait3A_130 = tpu.memref_slice %arg3[%mul3A_2, %dma_wait3A_129, %multiple_of3A] : memref<2048x64x2048xf32, #tpu.memory_space<hbm>> -> memref<1x64x256xf32, #tpu.memory_space<hbm>>
            %dma_wait3A_131 = tpu.memref_squeeze %dma_wait3A_130 : memref<1x64x256xf32, #tpu.memory_space<hbm>> -> memref<64x256xf32, #tpu.memory_space<hbm>>
            tpu.wait_dma2 semaphore(%arg9 : memref<!tpu.dma_semaphore, #tpu.memory_space<semaphore_mem>>) src(%arg5 : memref<64x256xf32, #tpu.memory_space<vmem>>) dst(%dma_wait3A_131 : memref<64x256xf32, #tpu.memory_space<hbm>>)
          } else {
          }
          %add3A_111 = arith.constant 63 : i32
          %add3A_112 = arith.addi %rem3A_30, %add3A_111 : i32
          %sub3A_113 = arith.subi %add3A_112, %while3A_89 : i32
          %scan3A_114 = arith.constant 0 : i32
          %scan3A_115 = arith.constant 0 : i32
          %scan3A_116 = arith.constant 16 : i32
          %scan3A_117 = arith.addi %scan3A_115, %scan3A_116 : i32
          %scan3A_118 = arith.constant 1 : i32
          %scan3A_119 = scf.for %scan3A_127 = %scan3A_115 to %scan3A_117 step %scan3A_118 iter_args(%scan3A_128 = %scan3A_114) -> (i32)  : i32 {
            %mul3A_129 = arith.constant 16 : i32
            %mul3A_130 = arith.muli %scan3A_127, %mul3A_129 : i32
            %multiple_of3A_131 = tpu.assume_multiple %mul3A_130, 16 : i32
            %add3A_132 = arith.addi %sub3A_113, %multiple_of3A_131 : i32
            %add3A_133 = vector.broadcast %add3A_132 : i32 to vector<16xi32>
            %add3A_134 = arith.addi %add3A_133, %iota3A : vector<16xi32>
            %broadcast_in_dim3A = arith.constant 0 : i32
            %broadcast_in_dim3A_135 = vector.broadcast %broadcast_in_dim3A : i32 to vector<16xi32>
            %gather3A = tpu.vector_load_idx %arg4[%broadcast_in_dim3A_135, %add3A_134] : memref<64x512xf32, #tpu.memory_space<vmem>>[vector<16xi32>, vector<16xi32>], vector<16xf32>,
            %swap3A = arith.constant 0 : i32
            %swap3A_136 = arith.index_cast %swap3A : i32 to index
            %swap3A_137 = arith.index_cast %multiple_of3A_131 : i32 to index
            %swap3A_138 = tpu.vector_load %arg5[%swap3A_136, %swap3A_137] {strides = array<i32>} : memref<64x256xf32, #tpu.memory_space<vmem>>, vector<16xf32>,
            tpu.vector_store %arg5[%swap3A_136, %swap3A_137], %gather3A {strides = array<i32>} : memref<64x256xf32, #tpu.memory_space<vmem>>, vector<16xf32>,
            %broadcast_in_dim3A_139 = arith.constant 1 : i32
            %broadcast_in_dim3A_140 = vector.broadcast %broadcast_in_dim3A_139 : i32 to vector<16xi32>
            %gather3A_141 = tpu.vector_load_idx %arg4[%broadcast_in_dim3A_140, %add3A_134] : memref<64x512xf32, #tpu.memory_space<vmem>>[vector<16xi32>, vector<16xi32>], vector<16xf32>,
            %swap3A_142 = arith.constant 1 : i32
            %swap3A_143 = arith.index_cast %swap3A_142 : i32 to index
            %swap3A_144 = arith.index_cast %multiple_of3A_131 : i32 to index
            %swap3A_145 = tpu.vector_load %arg5[%swap3A_143, %swap3A_144] {strides = array<i32>} : memref<64x256xf32, #tpu.memory_space<vmem>>, vector<16xf32>,
            tpu.vector_store %arg5[%swap3A_143, %swap3A_144], %gather3A_141 {strides = array<i32>} : memref<64x256xf32, #tpu.memory_space<vmem>>, vector<16xf32>,
            %broadcast_in_dim3A_146 = arith.constant 2 : i32
            %broadcast_in_dim3A_147 = vector.broadcast %broadcast_in_dim3A_146 : i32 to vector<16xi32>
            %gather3A_148 = tpu.vector_load_idx %arg4[%broadcast_in_dim3A_147, %add3A_134] : memref<64x512xf32, #tpu.memory_space<vmem>>[vector<16xi32>, vector<16xi32>], vector<16xf32>,
            %swap3A_149 = arith.constant 2 : i32
            %swap3A_150 = arith.index_cast %swap3A_149 : i32 to index
            %swap3A_151 = arith.index_cast %multiple_of3A_131 : i32 to index
            %swap3A_152 = tpu.vector_load %arg5[%swap3A_150, %swap3A_151] {strides = array<i32>} : memref<64x256xf32, #tpu.memory_space<vmem>>, vector<16xf32>,
            tpu.vector_store %arg5[%swap3A_150, %swap3A_151], %gather3A_148 {strides = array<i32>} : memref<64x256xf32, #tpu.memory_space<vmem>>, vector<16xf32>,
            %broadcast_in_dim3A_153 = arith.constant 3 : i32
            %broadcast_in_dim3A_154 = vector.broadcast %broadcast_in_dim3A_153 : i32 to vector<16xi32>
            %gather3A_155 = tpu.vector_load_idx %arg4[%broadcast_in_dim3A_154, %add3A_134] : memref<64x512xf32, #tpu.memory_space<vmem>>[vector<16xi32>, vector<16xi32>], vector<16xf32>,
            %swap3A_156 = arith.constant 3 : i32
            %swap3A_157 = arith.index_cast %swap3A_156 : i32 to index
            %swap3A_158 = arith.index_cast %multiple_of3A_131 : i32 to index
            %swap3A_159 = tpu.vector_load %arg5[%swap3A_157, %swap3A_158] {strides = array<i32>} : memref<64x256xf32, #tpu.memory_space<vmem>>, vector<16xf32>,
            tpu.vector_store %arg5[%swap3A_157, %swap3A_158], %gather3A_155 {strides = array<i32>} : memref<64x256xf32, #tpu.memory_space<vmem>>, vector<16xf32>,
            %broadcast_in_dim3A_160 = arith.constant 4 : i32
            %broadcast_in_dim3A_161 = vector.broadcast %broadcast_in_dim3A_160 : i32 to vector<16xi32>
            %gather3A_162 = tpu.vector_load_idx %arg4[%broadcast_in_dim3A_161, %add3A_134] : memref<64x512xf32, #tpu.memory_space<vmem>>[vector<16xi32>, vector<16xi32>], vector<16xf32>,
            %swap3A_163 = arith.constant 4 : i32
            %swap3A_164 = arith.index_cast %swap3A_163 : i32 to index
            %swap3A_165 = arith.index_cast %multiple_of3A_131 : i32 to index
            %swap3A_166 = tpu.vector_load %arg5[%swap3A_164, %swap3A_165] {strides = array<i32>} : memref<64x256xf32, #tpu.memory_space<vmem>>, vector<16xf32>,
            tpu.vector_store %arg5[%swap3A_164, %swap3A_165], %gather3A_162 {strides = array<i32>} : memref<64x256xf32, #tpu.memory_space<vmem>>, vector<16xf32>,
            %broadcast_in_dim3A_167 = arith.constant 5 : i32
            %broadcast_in_dim3A_168 = vector.broadcast %broadcast_in_dim3A_167 : i32 to vector<16xi32>
            %gather3A_169 = tpu.vector_load_idx %arg4[%broadcast_in_dim3A_168, %add3A_134] : memref<64x512xf32, #tpu.memory_space<vmem>>[vector<16xi32>, vector<16xi32>], vector<16xf32>,
            %swap3A_170 = arith.constant 5 : i32
            %swap3A_171 = arith.index_cast %swap3A_170 : i32 to index
            %swap3A_172 = arith.index_cast %multiple_of3A_131 : i32 to index
            %swap3A_173 = tpu.vector_load %arg5[%swap3A_171, %swap3A_172] {strides = array<i32>} : memref<64x256xf32, #tpu.memory_space<vmem>>, vector<16xf32>,
            tpu.vector_store %arg5[%swap3A_171, %swap3A_172], %gather3A_169 {strides = array<i32>} : memref<64x256xf32, #tpu.memory_space<vmem>>, vector<16xf32>,
            %broadcast_in_dim3A_174 = arith.constant 6 : i32
            %broadcast_in_dim3A_175 = vector.broadcast %broadcast_in_dim3A_174 : i32 to vector<16xi32>
            %gather3A_176 = tpu.vector_load_idx %arg4[%broadcast_in_dim3A_175, %add3A_134] : memref<64x512xf32, #tpu.memory_space<vmem>>[vector<16xi32>, vector<16xi32>], vector<16xf32>,
            %swap3A_177 = arith.constant 6 : i32
            %swap3A_178 = arith.index_cast %swap3A_177 : i32 to index
            %swap3A_179 = arith.index_cast %multiple_of3A_131 : i32 to index
            %swap3A_180 = tpu.vector_load %arg5[%swap3A_178, %swap3A_179] {strides = array<i32>} : memref<64x256xf32, #tpu.memory_space<vmem>>, vector<16xf32>,
            tpu.vector_store %arg5[%swap3A_178, %swap3A_179], %gather3A_176 {strides = array<i32>} : memref<64x256xf32, #tpu.memory_space<vmem>>, vector<16xf32>,
            %broadcast_in_dim3A_181 = arith.constant 7 : i32
            %broadcast_in_dim3A_182 = vector.broadcast %broadcast_in_dim3A_181 : i32 to vector<16xi32>
            %gather3A_183 = tpu.vector_load_idx %arg4[%broadcast_in_dim3A_182, %add3A_134] : memref<64x512xf32, #tpu.memory_space<vmem>>[vector<16xi32>, vector<16xi32>], vector<16xf32>,
            %swap3A_184 = arith.constant 7 : i32
            %swap3A_185 = arith.index_cast %swap3A_184 : i32 to index
            %swap3A_186 = arith.index_cast %multiple_of3A_131 : i32 to index
            %swap3A_187 = tpu.vector_load %arg5[%swap3A_185, %swap3A_186] {strides = array<i32>} : memref<64x256xf32, #tpu.memory_space<vmem>>, vector<16xf32>,
            tpu.vector_store %arg5[%swap3A_185, %swap3A_186], %gather3A_183 {strides = array<i32>} : memref<64x256xf32, #tpu.memory_space<vmem>>, vector<16xf32>,
            %broadcast_in_dim3A_188 = arith.constant 8 : i32
            %broadcast_in_dim3A_189 = vector.broadcast %broadcast_in_dim3A_188 : i32 to vector<16xi32>
            %gather3A_190 = tpu.vector_load_idx %arg4[%broadcast_in_dim3A_189, %add3A_134] : memref<64x512xf32, #tpu.memory_space<vmem>>[vector<16xi32>, vector<16xi32>], vector<16xf32>,
            %swap3A_191 = arith.constant 8 : i32
            %swap3A_192 = arith.index_cast %swap3A_191 : i32 to index
            %swap3A_193 = arith.index_cast %multiple_of3A_131 : i32 to index
            %swap3A_194 = tpu.vector_load %arg5[%swap3A_192, %swap3A_193] {strides = array<i32>} : memref<64x256xf32, #tpu.memory_space<vmem>>, vector<16xf32>,
            tpu.vector_store %arg5[%swap3A_192, %swap3A_193], %gather3A_190 {strides = array<i32>} : memref<64x256xf32, #tpu.memory_space<vmem>>, vector<16xf32>,
            %broadcast_in_dim3A_195 = arith.constant 9 : i32
            %broadcast_in_dim3A_196 = vector.broadcast %broadcast_in_dim3A_195 : i32 to vector<16xi32>
            %gather3A_197 = tpu.vector_load_idx %arg4[%broadcast_in_dim3A_196, %add3A_134] : memref<64x512xf32, #tpu.memory_space<vmem>>[vector<16xi32>, vector<16xi32>], vector<16xf32>,
            %swap3A_198 = arith.constant 9 : i32
            %swap3A_199 = arith.index_cast %swap3A_198 : i32 to index
            %swap3A_200 = arith.index_cast %multiple_of3A_131 : i32 to index
            %swap3A_201 = tpu.vector_load %arg5[%swap3A_199, %swap3A_200] {strides = array<i32>} : memref<64x256xf32, #tpu.memory_space<vmem>>, vector<16xf32>,
            tpu.vector_store %arg5[%swap3A_199, %swap3A_200], %gather3A_197 {strides = array<i32>} : memref<64x256xf32, #tpu.memory_space<vmem>>, vector<16xf32>,
            %broadcast_in_dim3A_202 = arith.constant 10 : i32
            %broadcast_in_dim3A_203 = vector.broadcast %broadcast_in_dim3A_202 : i32 to vector<16xi32>
            %gather3A_204 = tpu.vector_load_idx %arg4[%broadcast_in_dim3A_203, %add3A_134] : memref<64x512xf32, #tpu.memory_space<vmem>>[vector<16xi32>, vector<16xi32>], vector<16xf32>,
            %swap3A_205 = arith.constant 10 : i32
            %swap3A_206 = arith.index_cast %swap3A_205 : i32 to index
            %swap3A_207 = arith.index_cast %multiple_of3A_131 : i32 to index
            %swap3A_208 = tpu.vector_load %arg5[%swap3A_206, %swap3A_207] {strides = array<i32>} : memref<64x256xf32, #tpu.memory_space<vmem>>, vector<16xf32>,
            tpu.vector_store %arg5[%swap3A_206, %swap3A_207], %gather3A_204 {strides = array<i32>} : memref<64x256xf32, #tpu.memory_space<vmem>>, vector<16xf32>,
            %broadcast_in_dim3A_209 = arith.constant 11 : i32
            %broadcast_in_dim3A_210 = vector.broadcast %broadcast_in_dim3A_209 : i32 to vector<16xi32>
            %gather3A_211 = tpu.vector_load_idx %arg4[%broadcast_in_dim3A_210, %add3A_134] : memref<64x512xf32, #tpu.memory_space<vmem>>[vector<16xi32>, vector<16xi32>], vector<16xf32>,
            %swap3A_212 = arith.constant 11 : i32
            %swap3A_213 = arith.index_cast %swap3A_212 : i32 to index
            %swap3A_214 = arith.index_cast %multiple_of3A_131 : i32 to index
            %swap3A_215 = tpu.vector_load %arg5[%swap3A_213, %swap3A_214] {strides = array<i32>} : memref<64x256xf32, #tpu.memory_space<vmem>>, vector<16xf32>,
            tpu.vector_store %arg5[%swap3A_213, %swap3A_214], %gather3A_211 {strides = array<i32>} : memref<64x256xf32, #tpu.memory_space<vmem>>, vector<16xf32>,
            %broadcast_in_dim3A_216 = arith.constant 12 : i32
            %broadcast_in_dim3A_217 = vector.broadcast %broadcast_in_dim3A_216 : i32 to vector<16xi32>
            %gather3A_218 = tpu.vector_load_idx %arg4[%broadcast_in_dim3A_217, %add3A_134] : memref<64x512xf32, #tpu.memory_space<vmem>>[vector<16xi32>, vector<16xi32>], vector<16xf32>,
            %swap3A_219 = arith.constant 12 : i32
            %swap3A_220 = arith.index_cast %swap3A_219 : i32 to index
            %swap3A_221 = arith.index_cast %multiple_of3A_131 : i32 to index
            %swap3A_222 = tpu.vector_load %arg5[%swap3A_220, %swap3A_221] {strides = array<i32>} : memref<64x256xf32, #tpu.memory_space<vmem>>, vector<16xf32>,
            tpu.vector_store %arg5[%swap3A_220, %swap3A_221], %gather3A_218 {strides = array<i32>} : memref<64x256xf32, #tpu.memory_space<vmem>>, vector<16xf32>,
            %broadcast_in_dim3A_223 = arith.constant 13 : i32
            %broadcast_in_dim3A_224 = vector.broadcast %broadcast_in_dim3A_223 : i32 to vector<16xi32>
            %gather3A_225 = tpu.vector_load_idx %arg4[%broadcast_in_dim3A_224, %add3A_134] : memref<64x512xf32, #tpu.memory_space<vmem>>[vector<16xi32>, vector<16xi32>], vector<16xf32>,
            %swap3A_226 = arith.constant 13 : i32
            %swap3A_227 = arith.index_cast %swap3A_226 : i32 to index
            %swap3A_228 = arith.index_cast %multiple_of3A_131 : i32 to index
            %swap3A_229 = tpu.vector_load %arg5[%swap3A_227, %swap3A_228] {strides = array<i32>} : memref<64x256xf32, #tpu.memory_space<vmem>>, vector<16xf32>,
            tpu.vector_store %arg5[%swap3A_227, %swap3A_228], %gather3A_225 {strides = array<i32>} : memref<64x256xf32, #tpu.memory_space<vmem>>, vector<16xf32>,
            %broadcast_in_dim3A_230 = arith.constant 14 : i32
            %broadcast_in_dim3A_231 = vector.broadcast %broadcast_in_dim3A_230 : i32 to vector<16xi32>
            %gather3A_232 = tpu.vector_load_idx %arg4[%broadcast_in_dim3A_231, %add3A_134] : memref<64x512xf32, #tpu.memory_space<vmem>>[vector<16xi32>, vector<16xi32>], vector<16xf32>,
            %swap3A_233 = arith.constant 14 : i32
            %swap3A_234 = arith.index_cast %swap3A_233 : i32 to index
            %swap3A_235 = arith.index_cast %multiple_of3A_131 : i32 to index
            %swap3A_236 = tpu.vector_load %arg5[%swap3A_234, %swap3A_235] {strides = array<i32>} : memref<64x256xf32, #tpu.memory_space<vmem>>, vector<16xf32>,
            tpu.vector_store %arg5[%swap3A_234, %swap3A_235], %gather3A_232 {strides = array<i32>} : memref<64x256xf32, #tpu.memory_space<vmem>>, vector<16xf32>,
            %broadcast_in_dim3A_237 = arith.constant 15 : i32
            %broadcast_in_dim3A_238 = vector.broadcast %broadcast_in_dim3A_237 : i32 to vector<16xi32>
            %gather3A_239 = tpu.vector_load_idx %arg4[%broadcast_in_dim3A_238, %add3A_134] : memref<64x512xf32, #tpu.memory_space<vmem>>[vector<16xi32>, vector<16xi32>], vector<16xf32>,
            %swap3A_240 = arith.constant 15 : i32
            %swap3A_241 = arith.index_cast %swap3A_240 : i32 to index
            %swap3A_242 = arith.index_cast %multiple_of3A_131 : i32 to index
            %swap3A_243 = tpu.vector_load %arg5[%swap3A_241, %swap3A_242] {strides = array<i32>} : memref<64x256xf32, #tpu.memory_space<vmem>>, vector<16xf32>,
            tpu.vector_store %arg5[%swap3A_241, %swap3A_242], %gather3A_239 {strides = array<i32>} : memref<64x256xf32, #tpu.memory_space<vmem>>, vector<16xf32>,
            %broadcast_in_dim3A_244 = arith.constant 16 : i32
            %broadcast_in_dim3A_245 = vector.broadcast %broadcast_in_dim3A_244 : i32 to vector<16xi32>
            %gather3A_246 = tpu.vector_load_idx %arg4[%broadcast_in_dim3A_245, %add3A_134] : memref<64x512xf32, #tpu.memory_space<vmem>>[vector<16xi32>, vector<16xi32>], vector<16xf32>,
            %swap3A_247 = arith.constant 16 : i32
            %swap3A_248 = arith.index_cast %swap3A_247 : i32 to index
            %swap3A_249 = arith.index_cast %multiple_of3A_131 : i32 to index
            %swap3A_250 = tpu.vector_load %arg5[%swap3A_248, %swap3A_249] {strides = array<i32>} : memref<64x256xf32, #tpu.memory_space<vmem>>, vector<16xf32>,
            tpu.vector_store %arg5[%swap3A_248, %swap3A_249], %gather3A_246 {strides = array<i32>} : memref<64x256xf32, #tpu.memory_space<vmem>>, vector<16xf32>,
            %broadcast_in_dim3A_251 = arith.constant 17 : i32
            %broadcast_in_dim3A_252 = vector.broadcast %broadcast_in_dim3A_251 : i32 to vector<16xi32>
            %gather3A_253 = tpu.vector_load_idx %arg4[%broadcast_in_dim3A_252, %add3A_134] : memref<64x512xf32, #tpu.memory_space<vmem>>[vector<16xi32>, vector<16xi32>], vector<16xf32>,
            %swap3A_254 = arith.constant 17 : i32
            %swap3A_255 = arith.index_cast %swap3A_254 : i32 to index
            %swap3A_256 = arith.index_cast %multiple_of3A_131 : i32 to index
            %swap3A_257 = tpu.vector_load %arg5[%swap3A_255, %swap3A_256] {strides = array<i32>} : memref<64x256xf32, #tpu.memory_space<vmem>>, vector<16xf32>,
            tpu.vector_store %arg5[%swap3A_255, %swap3A_256], %gather3A_253 {strides = array<i32>} : memref<64x256xf32, #tpu.memory_space<vmem>>, vector<16xf32>,
            %broadcast_in_dim3A_258 = arith.constant 18 : i32
            %broadcast_in_dim3A_259 = vector.broadcast %broadcast_in_dim3A_258 : i32 to vector<16xi32>
            %gather3A_260 = tpu.vector_load_idx %arg4[%broadcast_in_dim3A_259, %add3A_134] : memref<64x512xf32, #tpu.memory_space<vmem>>[vector<16xi32>, vector<16xi32>], vector<16xf32>,
            %swap3A_261 = arith.constant 18 : i32
            %swap3A_262 = arith.index_cast %swap3A_261 : i32 to index
            %swap3A_263 = arith.index_cast %multiple_of3A_131 : i32 to index
            %swap3A_264 = tpu.vector_load %arg5[%swap3A_262, %swap3A_263] {strides = array<i32>} : memref<64x256xf32, #tpu.memory_space<vmem>>, vector<16xf32>,
            tpu.vector_store %arg5[%swap3A_262, %swap3A_263], %gather3A_260 {strides = array<i32>} : memref<64x256xf32, #tpu.memory_space<vmem>>, vector<16xf32>,
            %broadcast_in_dim3A_265 = arith.constant 19 : i32
            %broadcast_in_dim3A_266 = vector.broadcast %broadcast_in_dim3A_265 : i32 to vector<16xi32>
            %gather3A_267 = tpu.vector_load_idx %arg4[%broadcast_in_dim3A_266, %add3A_134] : memref<64x512xf32, #tpu.memory_space<vmem>>[vector<16xi32>, vector<16xi32>], vector<16xf32>,
            %swap3A_268 = arith.constant 19 : i32
            %swap3A_269 = arith.index_cast %swap3A_268 : i32 to index
            %swap3A_270 = arith.index_cast %multiple_of3A_131 : i32 to index
            %swap3A_271 = tpu.vector_load %arg5[%swap3A_269, %swap3A_270] {strides = array<i32>} : memref<64x256xf32, #tpu.memory_space<vmem>>, vector<16xf32>,
            tpu.vector_store %arg5[%swap3A_269, %swap3A_270], %gather3A_267 {strides = array<i32>} : memref<64x256xf32, #tpu.memory_space<vmem>>, vector<16xf32>,
            %broadcast_in_dim3A_272 = arith.constant 20 : i32
            %broadcast_in_dim3A_273 = vector.broadcast %broadcast_in_dim3A_272 : i32 to vector<16xi32>
            %gather3A_274 = tpu.vector_load_idx %arg4[%broadcast_in_dim3A_273, %add3A_134] : memref<64x512xf32, #tpu.memory_space<vmem>>[vector<16xi32>, vector<16xi32>], vector<16xf32>,
            %swap3A_275 = arith.constant 20 : i32
            %swap3A_276 = arith.index_cast %swap3A_275 : i32 to index
            %swap3A_277 = arith.index_cast %multiple_of3A_131 : i32 to index
            %swap3A_278 = tpu.vector_load %arg5[%swap3A_276, %swap3A_277] {strides = array<i32>} : memref<64x256xf32, #tpu.memory_space<vmem>>, vector<16xf32>,
            tpu.vector_store %arg5[%swap3A_276, %swap3A_277], %gather3A_274 {strides = array<i32>} : memref<64x256xf32, #tpu.memory_space<vmem>>, vector<16xf32>,
            %broadcast_in_dim3A_279 = arith.constant 21 : i32
            %broadcast_in_dim3A_280 = vector.broadcast %broadcast_in_dim3A_279 : i32 to vector<16xi32>
            %gather3A_281 = tpu.vector_load_idx %arg4[%broadcast_in_dim3A_280, %add3A_134] : memref<64x512xf32, #tpu.memory_space<vmem>>[vector<16xi32>, vector<16xi32>], vector<16xf32>,
            %swap3A_282 = arith.constant 21 : i32
            %swap3A_283 = arith.index_cast %swap3A_282 : i32 to index
            %swap3A_284 = arith.index_cast %multiple_of3A_131 : i32 to index
            %swap3A_285 = tpu.vector_load %arg5[%swap3A_283, %swap3A_284] {strides = array<i32>} : memref<64x256xf32, #tpu.memory_space<vmem>>, vector<16xf32>,
            tpu.vector_store %arg5[%swap3A_283, %swap3A_284], %gather3A_281 {strides = array<i32>} : memref<64x256xf32, #tpu.memory_space<vmem>>, vector<16xf32>,
            %broadcast_in_dim3A_286 = arith.constant 22 : i32
            %broadcast_in_dim3A_287 = vector.broadcast %broadcast_in_dim3A_286 : i32 to vector<16xi32>
            %gather3A_288 = tpu.vector_load_idx %arg4[%broadcast_in_dim3A_287, %add3A_134] : memref<64x512xf32, #tpu.memory_space<vmem>>[vector<16xi32>, vector<16xi32>], vector<16xf32>,
            %swap3A_289 = arith.constant 22 : i32
            %swap3A_290 = arith.index_cast %swap3A_289 : i32 to index
            %swap3A_291 = arith.index_cast %multiple_of3A_131 : i32 to index
            %swap3A_292 = tpu.vector_load %arg5[%swap3A_290, %swap3A_291] {strides = array<i32>} : memref<64x256xf32, #tpu.memory_space<vmem>>, vector<16xf32>,
            tpu.vector_store %arg5[%swap3A_290, %swap3A_291], %gather3A_288 {strides = array<i32>} : memref<64x256xf32, #tpu.memory_space<vmem>>, vector<16xf32>,
            %broadcast_in_dim3A_293 = arith.constant 23 : i32
            %broadcast_in_dim3A_294 = vector.broadcast %broadcast_in_dim3A_293 : i32 to vector<16xi32>
            %gather3A_295 = tpu.vector_load_idx %arg4[%broadcast_in_dim3A_294, %add3A_134] : memref<64x512xf32, #tpu.memory_space<vmem>>[vector<16xi32>, vector<16xi32>], vector<16xf32>,
            %swap3A_296 = arith.constant 23 : i32
            %swap3A_297 = arith.index_cast %swap3A_296 : i32 to index
            %swap3A_298 = arith.index_cast %multiple_of3A_131 : i32 to index
            %swap3A_299 = tpu.vector_load %arg5[%swap3A_297, %swap3A_298] {strides = array<i32>} : memref<64x256xf32, #tpu.memory_space<vmem>>, vector<16xf32>,
            tpu.vector_store %arg5[%swap3A_297, %swap3A_298], %gather3A_295 {strides = array<i32>} : memref<64x256xf32, #tpu.memory_space<vmem>>, vector<16xf32>,
            %broadcast_in_dim3A_300 = arith.constant 24 : i32
            %broadcast_in_dim3A_301 = vector.broadcast %broadcast_in_dim3A_300 : i32 to vector<16xi32>
            %gather3A_302 = tpu.vector_load_idx %arg4[%broadcast_in_dim3A_301, %add3A_134] : memref<64x512xf32, #tpu.memory_space<vmem>>[vector<16xi32>, vector<16xi32>], vector<16xf32>,
            %swap3A_303 = arith.constant 24 : i32
            %swap3A_304 = arith.index_cast %swap3A_303 : i32 to index
            %swap3A_305 = arith.index_cast %multiple_of3A_131 : i32 to index
            %swap3A_306 = tpu.vector_load %arg5[%swap3A_304, %swap3A_305] {strides = array<i32>} : memref<64x256xf32, #tpu.memory_space<vmem>>, vector<16xf32>,
            tpu.vector_store %arg5[%swap3A_304, %swap3A_305], %gather3A_302 {strides = array<i32>} : memref<64x256xf32, #tpu.memory_space<vmem>>, vector<16xf32>,
            %broadcast_in_dim3A_307 = arith.constant 25 : i32
            %broadcast_in_dim3A_308 = vector.broadcast %broadcast_in_dim3A_307 : i32 to vector<16xi32>
            %gather3A_309 = tpu.vector_load_idx %arg4[%broadcast_in_dim3A_308, %add3A_134] : memref<64x512xf32, #tpu.memory_space<vmem>>[vector<16xi32>, vector<16xi32>], vector<16xf32>,
            %swap3A_310 = arith.constant 25 : i32
            %swap3A_311 = arith.index_cast %swap3A_310 : i32 to index
            %swap3A_312 = arith.index_cast %multiple_of3A_131 : i32 to index
            %swap3A_313 = tpu.vector_load %arg5[%swap3A_311, %swap3A_312] {strides = array<i32>} : memref<64x256xf32, #tpu.memory_space<vmem>>, vector<16xf32>,
            tpu.vector_store %arg5[%swap3A_311, %swap3A_312], %gather3A_309 {strides = array<i32>} : memref<64x256xf32, #tpu.memory_space<vmem>>, vector<16xf32>,
            %broadcast_in_dim3A_314 = arith.constant 26 : i32
            %broadcast_in_dim3A_315 = vector.broadcast %broadcast_in_dim3A_314 : i32 to vector<16xi32>
            %gather3A_316 = tpu.vector_load_idx %arg4[%broadcast_in_dim3A_315, %add3A_134] : memref<64x512xf32, #tpu.memory_space<vmem>>[vector<16xi32>, vector<16xi32>], vector<16xf32>,
            %swap3A_317 = arith.constant 26 : i32
            %swap3A_318 = arith.index_cast %swap3A_317 : i32 to index
            %swap3A_319 = arith.index_cast %multiple_of3A_131 : i32 to index
            %swap3A_320 = tpu.vector_load %arg5[%swap3A_318, %swap3A_319] {strides = array<i32>} : memref<64x256xf32, #tpu.memory_space<vmem>>, vector<16xf32>,
            tpu.vector_store %arg5[%swap3A_318, %swap3A_319], %gather3A_316 {strides = array<i32>} : memref<64x256xf32, #tpu.memory_space<vmem>>, vector<16xf32>,
            %broadcast_in_dim3A_321 = arith.constant 27 : i32
            %broadcast_in_dim3A_322 = vector.broadcast %broadcast_in_dim3A_321 : i32 to vector<16xi32>
            %gather3A_323 = tpu.vector_load_idx %arg4[%broadcast_in_dim3A_322, %add3A_134] : memref<64x512xf32, #tpu.memory_space<vmem>>[vector<16xi32>, vector<16xi32>], vector<16xf32>,
            %swap3A_324 = arith.constant 27 : i32
            %swap3A_325 = arith.index_cast %swap3A_324 : i32 to index
            %swap3A_326 = arith.index_cast %multiple_of3A_131 : i32 to index
            %swap3A_327 = tpu.vector_load %arg5[%swap3A_325, %swap3A_326] {strides = array<i32>} : memref<64x256xf32, #tpu.memory_space<vmem>>, vector<16xf32>,
            tpu.vector_store %arg5[%swap3A_325, %swap3A_326], %gather3A_323 {strides = array<i32>} : memref<64x256xf32, #tpu.memory_space<vmem>>, vector<16xf32>,
            %broadcast_in_dim3A_328 = arith.constant 28 : i32
            %broadcast_in_dim3A_329 = vector.broadcast %broadcast_in_dim3A_328 : i32 to vector<16xi32>
            %gather3A_330 = tpu.vector_load_idx %arg4[%broadcast_in_dim3A_329, %add3A_134] : memref<64x512xf32, #tpu.memory_space<vmem>>[vector<16xi32>, vector<16xi32>], vector<16xf32>,
            %swap3A_331 = arith.constant 28 : i32
            %swap3A_332 = arith.index_cast %swap3A_331 : i32 to index
            %swap3A_333 = arith.index_cast %multiple_of3A_131 : i32 to index
            %swap3A_334 = tpu.vector_load %arg5[%swap3A_332, %swap3A_333] {strides = array<i32>} : memref<64x256xf32, #tpu.memory_space<vmem>>, vector<16xf32>,
            tpu.vector_store %arg5[%swap3A_332, %swap3A_333], %gather3A_330 {strides = array<i32>} : memref<64x256xf32, #tpu.memory_space<vmem>>, vector<16xf32>,
            %broadcast_in_dim3A_335 = arith.constant 29 : i32
            %broadcast_in_dim3A_336 = vector.broadcast %broadcast_in_dim3A_335 : i32 to vector<16xi32>
            %gather3A_337 = tpu.vector_load_idx %arg4[%broadcast_in_dim3A_336, %add3A_134] : memref<64x512xf32, #tpu.memory_space<vmem>>[vector<16xi32>, vector<16xi32>], vector<16xf32>,
            %swap3A_338 = arith.constant 29 : i32
            %swap3A_339 = arith.index_cast %swap3A_338 : i32 to index
            %swap3A_340 = arith.index_cast %multiple_of3A_131 : i32 to index
            %swap3A_341 = tpu.vector_load %arg5[%swap3A_339, %swap3A_340] {strides = array<i32>} : memref<64x256xf32, #tpu.memory_space<vmem>>, vector<16xf32>,
            tpu.vector_store %arg5[%swap3A_339, %swap3A_340], %gather3A_337 {strides = array<i32>} : memref<64x256xf32, #tpu.memory_space<vmem>>, vector<16xf32>,
            %broadcast_in_dim3A_342 = arith.constant 30 : i32
            %broadcast_in_dim3A_343 = vector.broadcast %broadcast_in_dim3A_342 : i32 to vector<16xi32>
            %gather3A_344 = tpu.vector_load_idx %arg4[%broadcast_in_dim3A_343, %add3A_134] : memref<64x512xf32, #tpu.memory_space<vmem>>[vector<16xi32>, vector<16xi32>], vector<16xf32>,
            %swap3A_345 = arith.constant 30 : i32
            %swap3A_346 = arith.index_cast %swap3A_345 : i32 to index
            %swap3A_347 = arith.index_cast %multiple_of3A_131 : i32 to index
            %swap3A_348 = tpu.vector_load %arg5[%swap3A_346, %swap3A_347] {strides = array<i32>} : memref<64x256xf32, #tpu.memory_space<vmem>>, vector<16xf32>,
            tpu.vector_store %arg5[%swap3A_346, %swap3A_347], %gather3A_344 {strides = array<i32>} : memref<64x256xf32, #tpu.memory_space<vmem>>, vector<16xf32>,
            %broadcast_in_dim3A_349 = arith.constant 31 : i32
            %broadcast_in_dim3A_350 = vector.broadcast %broadcast_in_dim3A_349 : i32 to vector<16xi32>
            %gather3A_351 = tpu.vector_load_idx %arg4[%broadcast_in_dim3A_350, %add3A_134] : memref<64x512xf32, #tpu.memory_space<vmem>>[vector<16xi32>, vector<16xi32>], vector<16xf32>,
            %swap3A_352 = arith.constant 31 : i32
            %swap3A_353 = arith.index_cast %swap3A_352 : i32 to index
            %swap3A_354 = arith.index_cast %multiple_of3A_131 : i32 to index
            %swap3A_355 = tpu.vector_load %arg5[%swap3A_353, %swap3A_354] {strides = array<i32>} : memref<64x256xf32, #tpu.memory_space<vmem>>, vector<16xf32>,
            tpu.vector_store %arg5[%swap3A_353, %swap3A_354], %gather3A_351 {strides = array<i32>} : memref<64x256xf32, #tpu.memory_space<vmem>>, vector<16xf32>,
            %broadcast_in_dim3A_356 = arith.constant 32 : i32
            %broadcast_in_dim3A_357 = vector.broadcast %broadcast_in_dim3A_356 : i32 to vector<16xi32>
            %gather3A_358 = tpu.vector_load_idx %arg4[%broadcast_in_dim3A_357, %add3A_134] : memref<64x512xf32, #tpu.memory_space<vmem>>[vector<16xi32>, vector<16xi32>], vector<16xf32>,
            %swap3A_359 = arith.constant 32 : i32
            %swap3A_360 = arith.index_cast %swap3A_359 : i32 to index
            %swap3A_361 = arith.index_cast %multiple_of3A_131 : i32 to index
            %swap3A_362 = tpu.vector_load %arg5[%swap3A_360, %swap3A_361] {strides = array<i32>} : memref<64x256xf32, #tpu.memory_space<vmem>>, vector<16xf32>,
            tpu.vector_store %arg5[%swap3A_360, %swap3A_361], %gather3A_358 {strides = array<i32>} : memref<64x256xf32, #tpu.memory_space<vmem>>, vector<16xf32>,
            %broadcast_in_dim3A_363 = arith.constant 33 : i32
            %broadcast_in_dim3A_364 = vector.broadcast %broadcast_in_dim3A_363 : i32 to vector<16xi32>
            %gather3A_365 = tpu.vector_load_idx %arg4[%broadcast_in_dim3A_364, %add3A_134] : memref<64x512xf32, #tpu.memory_space<vmem>>[vector<16xi32>, vector<16xi32>], vector<16xf32>,
            %swap3A_366 = arith.constant 33 : i32
            %swap3A_367 = arith.index_cast %swap3A_366 : i32 to index
            %swap3A_368 = arith.index_cast %multiple_of3A_131 : i32 to index
            %swap3A_369 = tpu.vector_load %arg5[%swap3A_367, %swap3A_368] {strides = array<i32>} : memref<64x256xf32, #tpu.memory_space<vmem>>, vector<16xf32>,
            tpu.vector_store %arg5[%swap3A_367, %swap3A_368], %gather3A_365 {strides = array<i32>} : memref<64x256xf32, #tpu.memory_space<vmem>>, vector<16xf32>,
            %broadcast_in_dim3A_370 = arith.constant 34 : i32
            %broadcast_in_dim3A_371 = vector.broadcast %broadcast_in_dim3A_370 : i32 to vector<16xi32>
            %gather3A_372 = tpu.vector_load_idx %arg4[%broadcast_in_dim3A_371, %add3A_134] : memref<64x512xf32, #tpu.memory_space<vmem>>[vector<16xi32>, vector<16xi32>], vector<16xf32>,
            %swap3A_373 = arith.constant 34 : i32
            %swap3A_374 = arith.index_cast %swap3A_373 : i32 to index
            %swap3A_375 = arith.index_cast %multiple_of3A_131 : i32 to index
            %swap3A_376 = tpu.vector_load %arg5[%swap3A_374, %swap3A_375] {strides = array<i32>} : memref<64x256xf32, #tpu.memory_space<vmem>>, vector<16xf32>,
            tpu.vector_store %arg5[%swap3A_374, %swap3A_375], %gather3A_372 {strides = array<i32>} : memref<64x256xf32, #tpu.memory_space<vmem>>, vector<16xf32>,
            %broadcast_in_dim3A_377 = arith.constant 35 : i32
            %broadcast_in_dim3A_378 = vector.broadcast %broadcast_in_dim3A_377 : i32 to vector<16xi32>
            %gather3A_379 = tpu.vector_load_idx %arg4[%broadcast_in_dim3A_378, %add3A_134] : memref<64x512xf32, #tpu.memory_space<vmem>>[vector<16xi32>, vector<16xi32>], vector<16xf32>,
            %swap3A_380 = arith.constant 35 : i32
            %swap3A_381 = arith.index_cast %swap3A_380 : i32 to index
            %swap3A_382 = arith.index_cast %multiple_of3A_131 : i32 to index
            %swap3A_383 = tpu.vector_load %arg5[%swap3A_381, %swap3A_382] {strides = array<i32>} : memref<64x256xf32, #tpu.memory_space<vmem>>, vector<16xf32>,
            tpu.vector_store %arg5[%swap3A_381, %swap3A_382], %gather3A_379 {strides = array<i32>} : memref<64x256xf32, #tpu.memory_space<vmem>>, vector<16xf32>,
            %broadcast_in_dim3A_384 = arith.constant 36 : i32
            %broadcast_in_dim3A_385 = vector.broadcast %broadcast_in_dim3A_384 : i32 to vector<16xi32>
            %gather3A_386 = tpu.vector_load_idx %arg4[%broadcast_in_dim3A_385, %add3A_134] : memref<64x512xf32, #tpu.memory_space<vmem>>[vector<16xi32>, vector<16xi32>], vector<16xf32>,
            %swap3A_387 = arith.constant 36 : i32
            %swap3A_388 = arith.index_cast %swap3A_387 : i32 to index
            %swap3A_389 = arith.index_cast %multiple_of3A_131 : i32 to index
            %swap3A_390 = tpu.vector_load %arg5[%swap3A_388, %swap3A_389] {strides = array<i32>} : memref<64x256xf32, #tpu.memory_space<vmem>>, vector<16xf32>,
            tpu.vector_store %arg5[%swap3A_388, %swap3A_389], %gather3A_386 {strides = array<i32>} : memref<64x256xf32, #tpu.memory_space<vmem>>, vector<16xf32>,
            %broadcast_in_dim3A_391 = arith.constant 37 : i32
            %broadcast_in_dim3A_392 = vector.broadcast %broadcast_in_dim3A_391 : i32 to vector<16xi32>
            %gather3A_393 = tpu.vector_load_idx %arg4[%broadcast_in_dim3A_392, %add3A_134] : memref<64x512xf32, #tpu.memory_space<vmem>>[vector<16xi32>, vector<16xi32>], vector<16xf32>,
            %swap3A_394 = arith.constant 37 : i32
            %swap3A_395 = arith.index_cast %swap3A_394 : i32 to index
            %swap3A_396 = arith.index_cast %multiple_of3A_131 : i32 to index
            %swap3A_397 = tpu.vector_load %arg5[%swap3A_395, %swap3A_396] {strides = array<i32>} : memref<64x256xf32, #tpu.memory_space<vmem>>, vector<16xf32>,
            tpu.vector_store %arg5[%swap3A_395, %swap3A_396], %gather3A_393 {strides = array<i32>} : memref<64x256xf32, #tpu.memory_space<vmem>>, vector<16xf32>,
            %broadcast_in_dim3A_398 = arith.constant 38 : i32
            %broadcast_in_dim3A_399 = vector.broadcast %broadcast_in_dim3A_398 : i32 to vector<16xi32>
            %gather3A_400 = tpu.vector_load_idx %arg4[%broadcast_in_dim3A_399, %add3A_134] : memref<64x512xf32, #tpu.memory_space<vmem>>[vector<16xi32>, vector<16xi32>], vector<16xf32>,
            %swap3A_401 = arith.constant 38 : i32
            %swap3A_402 = arith.index_cast %swap3A_401 : i32 to index
            %swap3A_403 = arith.index_cast %multiple_of3A_131 : i32 to index
            %swap3A_404 = tpu.vector_load %arg5[%swap3A_402, %swap3A_403] {strides = array<i32>} : memref<64x256xf32, #tpu.memory_space<vmem>>, vector<16xf32>,
            tpu.vector_store %arg5[%swap3A_402, %swap3A_403], %gather3A_400 {strides = array<i32>} : memref<64x256xf32, #tpu.memory_space<vmem>>, vector<16xf32>,
            %broadcast_in_dim3A_405 = arith.constant 39 : i32
            %broadcast_in_dim3A_406 = vector.broadcast %broadcast_in_dim3A_405 : i32 to vector<16xi32>
            %gather3A_407 = tpu.vector_load_idx %arg4[%broadcast_in_dim3A_406, %add3A_134] : memref<64x512xf32, #tpu.memory_space<vmem>>[vector<16xi32>, vector<16xi32>], vector<16xf32>,
            %swap3A_408 = arith.constant 39 : i32
            %swap3A_409 = arith.index_cast %swap3A_408 : i32 to index
            %swap3A_410 = arith.index_cast %multiple_of3A_131 : i32 to index
            %swap3A_411 = tpu.vector_load %arg5[%swap3A_409, %swap3A_410] {strides = array<i32>} : memref<64x256xf32, #tpu.memory_space<vmem>>, vector<16xf32>,
            tpu.vector_store %arg5[%swap3A_409, %swap3A_410], %gather3A_407 {strides = array<i32>} : memref<64x256xf32, #tpu.memory_space<vmem>>, vector<16xf32>,
            %broadcast_in_dim3A_412 = arith.constant 40 : i32
            %broadcast_in_dim3A_413 = vector.broadcast %broadcast_in_dim3A_412 : i32 to vector<16xi32>
            %gather3A_414 = tpu.vector_load_idx %arg4[%broadcast_in_dim3A_413, %add3A_134] : memref<64x512xf32, #tpu.memory_space<vmem>>[vector<16xi32>, vector<16xi32>], vector<16xf32>,
            %swap3A_415 = arith.constant 40 : i32
            %swap3A_416 = arith.index_cast %swap3A_415 : i32 to index
            %swap3A_417 = arith.index_cast %multiple_of3A_131 : i32 to index
            %swap3A_418 = tpu.vector_load %arg5[%swap3A_416, %swap3A_417] {strides = array<i32>} : memref<64x256xf32, #tpu.memory_space<vmem>>, vector<16xf32>,
            tpu.vector_store %arg5[%swap3A_416, %swap3A_417], %gather3A_414 {strides = array<i32>} : memref<64x256xf32, #tpu.memory_space<vmem>>, vector<16xf32>,
            %broadcast_in_dim3A_419 = arith.constant 41 : i32
            %broadcast_in_dim3A_420 = vector.broadcast %broadcast_in_dim3A_419 : i32 to vector<16xi32>
            %gather3A_421 = tpu.vector_load_idx %arg4[%broadcast_in_dim3A_420, %add3A_134] : memref<64x512xf32, #tpu.memory_space<vmem>>[vector<16xi32>, vector<16xi32>], vector<16xf32>,
            %swap3A_422 = arith.constant 41 : i32
            %swap3A_423 = arith.index_cast %swap3A_422 : i32 to index
            %swap3A_424 = arith.index_cast %multiple_of3A_131 : i32 to index
            %swap3A_425 = tpu.vector_load %arg5[%swap3A_423, %swap3A_424] {strides = array<i32>} : memref<64x256xf32, #tpu.memory_space<vmem>>, vector<16xf32>,
            tpu.vector_store %arg5[%swap3A_423, %swap3A_424], %gather3A_421 {strides = array<i32>} : memref<64x256xf32, #tpu.memory_space<vmem>>, vector<16xf32>,
            %broadcast_in_dim3A_426 = arith.constant 42 : i32
            %broadcast_in_dim3A_427 = vector.broadcast %broadcast_in_dim3A_426 : i32 to vector<16xi32>
            %gather3A_428 = tpu.vector_load_idx %arg4[%broadcast_in_dim3A_427, %add3A_134] : memref<64x512xf32, #tpu.memory_space<vmem>>[vector<16xi32>, vector<16xi32>], vector<16xf32>,
            %swap3A_429 = arith.constant 42 : i32
            %swap3A_430 = arith.index_cast %swap3A_429 : i32 to index
            %swap3A_431 = arith.index_cast %multiple_of3A_131 : i32 to index
            %swap3A_432 = tpu.vector_load %arg5[%swap3A_430, %swap3A_431] {strides = array<i32>} : memref<64x256xf32, #tpu.memory_space<vmem>>, vector<16xf32>,
            tpu.vector_store %arg5[%swap3A_430, %swap3A_431], %gather3A_428 {strides = array<i32>} : memref<64x256xf32, #tpu.memory_space<vmem>>, vector<16xf32>,
            %broadcast_in_dim3A_433 = arith.constant 43 : i32
            %broadcast_in_dim3A_434 = vector.broadcast %broadcast_in_dim3A_433 : i32 to vector<16xi32>
            %gather3A_435 = tpu.vector_load_idx %arg4[%broadcast_in_dim3A_434, %add3A_134] : memref<64x512xf32, #tpu.memory_space<vmem>>[vector<16xi32>, vector<16xi32>], vector<16xf32>,
            %swap3A_436 = arith.constant 43 : i32
            %swap3A_437 = arith.index_cast %swap3A_436 : i32 to index
            %swap3A_438 = arith.index_cast %multiple_of3A_131 : i32 to index
            %swap3A_439 = tpu.vector_load %arg5[%swap3A_437, %swap3A_438] {strides = array<i32>} : memref<64x256xf32, #tpu.memory_space<vmem>>, vector<16xf32>,
            tpu.vector_store %arg5[%swap3A_437, %swap3A_438], %gather3A_435 {strides = array<i32>} : memref<64x256xf32, #tpu.memory_space<vmem>>, vector<16xf32>,
            %broadcast_in_dim3A_440 = arith.constant 44 : i32
            %broadcast_in_dim3A_441 = vector.broadcast %broadcast_in_dim3A_440 : i32 to vector<16xi32>
            %gather3A_442 = tpu.vector_load_idx %arg4[%broadcast_in_dim3A_441, %add3A_134] : memref<64x512xf32, #tpu.memory_space<vmem>>[vector<16xi32>, vector<16xi32>], vector<16xf32>,
            %swap3A_443 = arith.constant 44 : i32
            %swap3A_444 = arith.index_cast %swap3A_443 : i32 to index
            %swap3A_445 = arith.index_cast %multiple_of3A_131 : i32 to index
            %swap3A_446 = tpu.vector_load %arg5[%swap3A_444, %swap3A_445] {strides = array<i32>} : memref<64x256xf32, #tpu.memory_space<vmem>>, vector<16xf32>,
            tpu.vector_store %arg5[%swap3A_444, %swap3A_445], %gather3A_442 {strides = array<i32>} : memref<64x256xf32, #tpu.memory_space<vmem>>, vector<16xf32>,
            %broadcast_in_dim3A_447 = arith.constant 45 : i32
            %broadcast_in_dim3A_448 = vector.broadcast %broadcast_in_dim3A_447 : i32 to vector<16xi32>
            %gather3A_449 = tpu.vector_load_idx %arg4[%broadcast_in_dim3A_448, %add3A_134] : memref<64x512xf32, #tpu.memory_space<vmem>>[vector<16xi32>, vector<16xi32>], vector<16xf32>,
            %swap3A_450 = arith.constant 45 : i32
            %swap3A_451 = arith.index_cast %swap3A_450 : i32 to index
            %swap3A_452 = arith.index_cast %multiple_of3A_131 : i32 to index
            %swap3A_453 = tpu.vector_load %arg5[%swap3A_451, %swap3A_452] {strides = array<i32>} : memref<64x256xf32, #tpu.memory_space<vmem>>, vector<16xf32>,
            tpu.vector_store %arg5[%swap3A_451, %swap3A_452], %gather3A_449 {strides = array<i32>} : memref<64x256xf32, #tpu.memory_space<vmem>>, vector<16xf32>,
            %broadcast_in_dim3A_454 = arith.constant 46 : i32
            %broadcast_in_dim3A_455 = vector.broadcast %broadcast_in_dim3A_454 : i32 to vector<16xi32>
            %gather3A_456 = tpu.vector_load_idx %arg4[%broadcast_in_dim3A_455, %add3A_134] : memref<64x512xf32, #tpu.memory_space<vmem>>[vector<16xi32>, vector<16xi32>], vector<16xf32>,
            %swap3A_457 = arith.constant 46 : i32
            %swap3A_458 = arith.index_cast %swap3A_457 : i32 to index
            %swap3A_459 = arith.index_cast %multiple_of3A_131 : i32 to index
            %swap3A_460 = tpu.vector_load %arg5[%swap3A_458, %swap3A_459] {strides = array<i32>} : memref<64x256xf32, #tpu.memory_space<vmem>>, vector<16xf32>,
            tpu.vector_store %arg5[%swap3A_458, %swap3A_459], %gather3A_456 {strides = array<i32>} : memref<64x256xf32, #tpu.memory_space<vmem>>, vector<16xf32>,
            %broadcast_in_dim3A_461 = arith.constant 47 : i32
            %broadcast_in_dim3A_462 = vector.broadcast %broadcast_in_dim3A_461 : i32 to vector<16xi32>
            %gather3A_463 = tpu.vector_load_idx %arg4[%broadcast_in_dim3A_462, %add3A_134] : memref<64x512xf32, #tpu.memory_space<vmem>>[vector<16xi32>, vector<16xi32>], vector<16xf32>,
            %swap3A_464 = arith.constant 47 : i32
            %swap3A_465 = arith.index_cast %swap3A_464 : i32 to index
            %swap3A_466 = arith.index_cast %multiple_of3A_131 : i32 to index
            %swap3A_467 = tpu.vector_load %arg5[%swap3A_465, %swap3A_466] {strides = array<i32>} : memref<64x256xf32, #tpu.memory_space<vmem>>, vector<16xf32>,
            tpu.vector_store %arg5[%swap3A_465, %swap3A_466], %gather3A_463 {strides = array<i32>} : memref<64x256xf32, #tpu.memory_space<vmem>>, vector<16xf32>,
            %broadcast_in_dim3A_468 = arith.constant 48 : i32
            %broadcast_in_dim3A_469 = vector.broadcast %broadcast_in_dim3A_468 : i32 to vector<16xi32>
            %gather3A_470 = tpu.vector_load_idx %arg4[%broadcast_in_dim3A_469, %add3A_134] : memref<64x512xf32, #tpu.memory_space<vmem>>[vector<16xi32>, vector<16xi32>], vector<16xf32>,
            %swap3A_471 = arith.constant 48 : i32
            %swap3A_472 = arith.index_cast %swap3A_471 : i32 to index
            %swap3A_473 = arith.index_cast %multiple_of3A_131 : i32 to index
            %swap3A_474 = tpu.vector_load %arg5[%swap3A_472, %swap3A_473] {strides = array<i32>} : memref<64x256xf32, #tpu.memory_space<vmem>>, vector<16xf32>,
            tpu.vector_store %arg5[%swap3A_472, %swap3A_473], %gather3A_470 {strides = array<i32>} : memref<64x256xf32, #tpu.memory_space<vmem>>, vector<16xf32>,
            %broadcast_in_dim3A_475 = arith.constant 49 : i32
            %broadcast_in_dim3A_476 = vector.broadcast %broadcast_in_dim3A_475 : i32 to vector<16xi32>
            %gather3A_477 = tpu.vector_load_idx %arg4[%broadcast_in_dim3A_476, %add3A_134] : memref<64x512xf32, #tpu.memory_space<vmem>>[vector<16xi32>, vector<16xi32>], vector<16xf32>,
            %swap3A_478 = arith.constant 49 : i32
            %swap3A_479 = arith.index_cast %swap3A_478 : i32 to index
            %swap3A_480 = arith.index_cast %multiple_of3A_131 : i32 to index
            %swap3A_481 = tpu.vector_load %arg5[%swap3A_479, %swap3A_480] {strides = array<i32>} : memref<64x256xf32, #tpu.memory_space<vmem>>, vector<16xf32>,
            tpu.vector_store %arg5[%swap3A_479, %swap3A_480], %gather3A_477 {strides = array<i32>} : memref<64x256xf32, #tpu.memory_space<vmem>>, vector<16xf32>,
            %broadcast_in_dim3A_482 = arith.constant 50 : i32
            %broadcast_in_dim3A_483 = vector.broadcast %broadcast_in_dim3A_482 : i32 to vector<16xi32>
            %gather3A_484 = tpu.vector_load_idx %arg4[%broadcast_in_dim3A_483, %add3A_134] : memref<64x512xf32, #tpu.memory_space<vmem>>[vector<16xi32>, vector<16xi32>], vector<16xf32>,
            %swap3A_485 = arith.constant 50 : i32
            %swap3A_486 = arith.index_cast %swap3A_485 : i32 to index
            %swap3A_487 = arith.index_cast %multiple_of3A_131 : i32 to index
            %swap3A_488 = tpu.vector_load %arg5[%swap3A_486, %swap3A_487] {strides = array<i32>} : memref<64x256xf32, #tpu.memory_space<vmem>>, vector<16xf32>,
            tpu.vector_store %arg5[%swap3A_486, %swap3A_487], %gather3A_484 {strides = array<i32>} : memref<64x256xf32, #tpu.memory_space<vmem>>, vector<16xf32>,
            %broadcast_in_dim3A_489 = arith.constant 51 : i32
            %broadcast_in_dim3A_490 = vector.broadcast %broadcast_in_dim3A_489 : i32 to vector<16xi32>
            %gather3A_491 = tpu.vector_load_idx %arg4[%broadcast_in_dim3A_490, %add3A_134] : memref<64x512xf32, #tpu.memory_space<vmem>>[vector<16xi32>, vector<16xi32>], vector<16xf32>,
            %swap3A_492 = arith.constant 51 : i32
            %swap3A_493 = arith.index_cast %swap3A_492 : i32 to index
            %swap3A_494 = arith.index_cast %multiple_of3A_131 : i32 to index
            %swap3A_495 = tpu.vector_load %arg5[%swap3A_493, %swap3A_494] {strides = array<i32>} : memref<64x256xf32, #tpu.memory_space<vmem>>, vector<16xf32>,
            tpu.vector_store %arg5[%swap3A_493, %swap3A_494], %gather3A_491 {strides = array<i32>} : memref<64x256xf32, #tpu.memory_space<vmem>>, vector<16xf32>,
            %broadcast_in_dim3A_496 = arith.constant 52 : i32
            %broadcast_in_dim3A_497 = vector.broadcast %broadcast_in_dim3A_496 : i32 to vector<16xi32>
            %gather3A_498 = tpu.vector_load_idx %arg4[%broadcast_in_dim3A_497, %add3A_134] : memref<64x512xf32, #tpu.memory_space<vmem>>[vector<16xi32>, vector<16xi32>], vector<16xf32>,
            %swap3A_499 = arith.constant 52 : i32
            %swap3A_500 = arith.index_cast %swap3A_499 : i32 to index
            %swap3A_501 = arith.index_cast %multiple_of3A_131 : i32 to index
            %swap3A_502 = tpu.vector_load %arg5[%swap3A_500, %swap3A_501] {strides = array<i32>} : memref<64x256xf32, #tpu.memory_space<vmem>>, vector<16xf32>,
            tpu.vector_store %arg5[%swap3A_500, %swap3A_501], %gather3A_498 {strides = array<i32>} : memref<64x256xf32, #tpu.memory_space<vmem>>, vector<16xf32>,
            %broadcast_in_dim3A_503 = arith.constant 53 : i32
            %broadcast_in_dim3A_504 = vector.broadcast %broadcast_in_dim3A_503 : i32 to vector<16xi32>
            %gather3A_505 = tpu.vector_load_idx %arg4[%broadcast_in_dim3A_504, %add3A_134] : memref<64x512xf32, #tpu.memory_space<vmem>>[vector<16xi32>, vector<16xi32>], vector<16xf32>,
            %swap3A_506 = arith.constant 53 : i32
            %swap3A_507 = arith.index_cast %swap3A_506 : i32 to index
            %swap3A_508 = arith.index_cast %multiple_of3A_131 : i32 to index
            %swap3A_509 = tpu.vector_load %arg5[%swap3A_507, %swap3A_508] {strides = array<i32>} : memref<64x256xf32, #tpu.memory_space<vmem>>, vector<16xf32>,
            tpu.vector_store %arg5[%swap3A_507, %swap3A_508], %gather3A_505 {strides = array<i32>} : memref<64x256xf32, #tpu.memory_space<vmem>>, vector<16xf32>,
            %broadcast_in_dim3A_510 = arith.constant 54 : i32
            %broadcast_in_dim3A_511 = vector.broadcast %broadcast_in_dim3A_510 : i32 to vector<16xi32>
            %gather3A_512 = tpu.vector_load_idx %arg4[%broadcast_in_dim3A_511, %add3A_134] : memref<64x512xf32, #tpu.memory_space<vmem>>[vector<16xi32>, vector<16xi32>], vector<16xf32>,
            %swap3A_513 = arith.constant 54 : i32
            %swap3A_514 = arith.index_cast %swap3A_513 : i32 to index
            %swap3A_515 = arith.index_cast %multiple_of3A_131 : i32 to index
            %swap3A_516 = tpu.vector_load %arg5[%swap3A_514, %swap3A_515] {strides = array<i32>} : memref<64x256xf32, #tpu.memory_space<vmem>>, vector<16xf32>,
            tpu.vector_store %arg5[%swap3A_514, %swap3A_515], %gather3A_512 {strides = array<i32>} : memref<64x256xf32, #tpu.memory_space<vmem>>, vector<16xf32>,
            %broadcast_in_dim3A_517 = arith.constant 55 : i32
            %broadcast_in_dim3A_518 = vector.broadcast %broadcast_in_dim3A_517 : i32 to vector<16xi32>
            %gather3A_519 = tpu.vector_load_idx %arg4[%broadcast_in_dim3A_518, %add3A_134] : memref<64x512xf32, #tpu.memory_space<vmem>>[vector<16xi32>, vector<16xi32>], vector<16xf32>,
            %swap3A_520 = arith.constant 55 : i32
            %swap3A_521 = arith.index_cast %swap3A_520 : i32 to index
            %swap3A_522 = arith.index_cast %multiple_of3A_131 : i32 to index
            %swap3A_523 = tpu.vector_load %arg5[%swap3A_521, %swap3A_522] {strides = array<i32>} : memref<64x256xf32, #tpu.memory_space<vmem>>, vector<16xf32>,
            tpu.vector_store %arg5[%swap3A_521, %swap3A_522], %gather3A_519 {strides = array<i32>} : memref<64x256xf32, #tpu.memory_space<vmem>>, vector<16xf32>,
            %broadcast_in_dim3A_524 = arith.constant 56 : i32
            %broadcast_in_dim3A_525 = vector.broadcast %broadcast_in_dim3A_524 : i32 to vector<16xi32>
            %gather3A_526 = tpu.vector_load_idx %arg4[%broadcast_in_dim3A_525, %add3A_134] : memref<64x512xf32, #tpu.memory_space<vmem>>[vector<16xi32>, vector<16xi32>], vector<16xf32>,
            %swap3A_527 = arith.constant 56 : i32
            %swap3A_528 = arith.index_cast %swap3A_527 : i32 to index
            %swap3A_529 = arith.index_cast %multiple_of3A_131 : i32 to index
            %swap3A_530 = tpu.vector_load %arg5[%swap3A_528, %swap3A_529] {strides = array<i32>} : memref<64x256xf32, #tpu.memory_space<vmem>>, vector<16xf32>,
            tpu.vector_store %arg5[%swap3A_528, %swap3A_529], %gather3A_526 {strides = array<i32>} : memref<64x256xf32, #tpu.memory_space<vmem>>, vector<16xf32>,
            %broadcast_in_dim3A_531 = arith.constant 57 : i32
            %broadcast_in_dim3A_532 = vector.broadcast %broadcast_in_dim3A_531 : i32 to vector<16xi32>
            %gather3A_533 = tpu.vector_load_idx %arg4[%broadcast_in_dim3A_532, %add3A_134] : memref<64x512xf32, #tpu.memory_space<vmem>>[vector<16xi32>, vector<16xi32>], vector<16xf32>,
            %swap3A_534 = arith.constant 57 : i32
            %swap3A_535 = arith.index_cast %swap3A_534 : i32 to index
            %swap3A_536 = arith.index_cast %multiple_of3A_131 : i32 to index
            %swap3A_537 = tpu.vector_load %arg5[%swap3A_535, %swap3A_536] {strides = array<i32>} : memref<64x256xf32, #tpu.memory_space<vmem>>, vector<16xf32>,
            tpu.vector_store %arg5[%swap3A_535, %swap3A_536], %gather3A_533 {strides = array<i32>} : memref<64x256xf32, #tpu.memory_space<vmem>>, vector<16xf32>,
            %broadcast_in_dim3A_538 = arith.constant 58 : i32
            %broadcast_in_dim3A_539 = vector.broadcast %broadcast_in_dim3A_538 : i32 to vector<16xi32>
            %gather3A_540 = tpu.vector_load_idx %arg4[%broadcast_in_dim3A_539, %add3A_134] : memref<64x512xf32, #tpu.memory_space<vmem>>[vector<16xi32>, vector<16xi32>], vector<16xf32>,
            %swap3A_541 = arith.constant 58 : i32
            %swap3A_542 = arith.index_cast %swap3A_541 : i32 to index
            %swap3A_543 = arith.index_cast %multiple_of3A_131 : i32 to index
            %swap3A_544 = tpu.vector_load %arg5[%swap3A_542, %swap3A_543] {strides = array<i32>} : memref<64x256xf32, #tpu.memory_space<vmem>>, vector<16xf32>,
            tpu.vector_store %arg5[%swap3A_542, %swap3A_543], %gather3A_540 {strides = array<i32>} : memref<64x256xf32, #tpu.memory_space<vmem>>, vector<16xf32>,
            %broadcast_in_dim3A_545 = arith.constant 59 : i32
            %broadcast_in_dim3A_546 = vector.broadcast %broadcast_in_dim3A_545 : i32 to vector<16xi32>
            %gather3A_547 = tpu.vector_load_idx %arg4[%broadcast_in_dim3A_546, %add3A_134] : memref<64x512xf32, #tpu.memory_space<vmem>>[vector<16xi32>, vector<16xi32>], vector<16xf32>,
            %swap3A_548 = arith.constant 59 : i32
            %swap3A_549 = arith.index_cast %swap3A_548 : i32 to index
            %swap3A_550 = arith.index_cast %multiple_of3A_131 : i32 to index
            %swap3A_551 = tpu.vector_load %arg5[%swap3A_549, %swap3A_550] {strides = array<i32>} : memref<64x256xf32, #tpu.memory_space<vmem>>, vector<16xf32>,
            tpu.vector_store %arg5[%swap3A_549, %swap3A_550], %gather3A_547 {strides = array<i32>} : memref<64x256xf32, #tpu.memory_space<vmem>>, vector<16xf32>,
            %broadcast_in_dim3A_552 = arith.constant 60 : i32
            %broadcast_in_dim3A_553 = vector.broadcast %broadcast_in_dim3A_552 : i32 to vector<16xi32>
            %gather3A_554 = tpu.vector_load_idx %arg4[%broadcast_in_dim3A_553, %add3A_134] : memref<64x512xf32, #tpu.memory_space<vmem>>[vector<16xi32>, vector<16xi32>], vector<16xf32>,
            %swap3A_555 = arith.constant 60 : i32
            %swap3A_556 = arith.index_cast %swap3A_555 : i32 to index
            %swap3A_557 = arith.index_cast %multiple_of3A_131 : i32 to index
            %swap3A_558 = tpu.vector_load %arg5[%swap3A_556, %swap3A_557] {strides = array<i32>} : memref<64x256xf32, #tpu.memory_space<vmem>>, vector<16xf32>,
            tpu.vector_store %arg5[%swap3A_556, %swap3A_557], %gather3A_554 {strides = array<i32>} : memref<64x256xf32, #tpu.memory_space<vmem>>, vector<16xf32>,
            %broadcast_in_dim3A_559 = arith.constant 61 : i32
            %broadcast_in_dim3A_560 = vector.broadcast %broadcast_in_dim3A_559 : i32 to vector<16xi32>
            %gather3A_561 = tpu.vector_load_idx %arg4[%broadcast_in_dim3A_560, %add3A_134] : memref<64x512xf32, #tpu.memory_space<vmem>>[vector<16xi32>, vector<16xi32>], vector<16xf32>,
            %swap3A_562 = arith.constant 61 : i32
            %swap3A_563 = arith.index_cast %swap3A_562 : i32 to index
            %swap3A_564 = arith.index_cast %multiple_of3A_131 : i32 to index
            %swap3A_565 = tpu.vector_load %arg5[%swap3A_563, %swap3A_564] {strides = array<i32>} : memref<64x256xf32, #tpu.memory_space<vmem>>, vector<16xf32>,
            tpu.vector_store %arg5[%swap3A_563, %swap3A_564], %gather3A_561 {strides = array<i32>} : memref<64x256xf32, #tpu.memory_space<vmem>>, vector<16xf32>,
            %broadcast_in_dim3A_566 = arith.constant 62 : i32
            %broadcast_in_dim3A_567 = vector.broadcast %broadcast_in_dim3A_566 : i32 to vector<16xi32>
            %gather3A_568 = tpu.vector_load_idx %arg4[%broadcast_in_dim3A_567, %add3A_134] : memref<64x512xf32, #tpu.memory_space<vmem>>[vector<16xi32>, vector<16xi32>], vector<16xf32>,
            %swap3A_569 = arith.constant 62 : i32
            %swap3A_570 = arith.index_cast %swap3A_569 : i32 to index
            %swap3A_571 = arith.index_cast %multiple_of3A_131 : i32 to index
            %swap3A_572 = tpu.vector_load %arg5[%swap3A_570, %swap3A_571] {strides = array<i32>} : memref<64x256xf32, #tpu.memory_space<vmem>>, vector<16xf32>,
            tpu.vector_store %arg5[%swap3A_570, %swap3A_571], %gather3A_568 {strides = array<i32>} : memref<64x256xf32, #tpu.memory_space<vmem>>, vector<16xf32>,
            %broadcast_in_dim3A_573 = arith.constant 63 : i32
            %broadcast_in_dim3A_574 = vector.broadcast %broadcast_in_dim3A_573 : i32 to vector<16xi32>
            %gather3A_575 = tpu.vector_load_idx %arg4[%broadcast_in_dim3A_574, %add3A_134] : memref<64x512xf32, #tpu.memory_space<vmem>>[vector<16xi32>, vector<16xi32>], vector<16xf32>,
            %swap3A_576 = arith.constant 63 : i32
            %swap3A_577 = arith.index_cast %swap3A_576 : i32 to index
            %swap3A_578 = arith.index_cast %multiple_of3A_131 : i32 to index
            %swap3A_579 = tpu.vector_load %arg5[%swap3A_577, %swap3A_578] {strides = array<i32>} : memref<64x256xf32, #tpu.memory_space<vmem>>, vector<16xf32>,
            tpu.vector_store %arg5[%swap3A_577, %swap3A_578], %gather3A_575 {strides = array<i32>} : memref<64x256xf32, #tpu.memory_space<vmem>>, vector<16xf32>,
            %scan3A_580 = arith.constant 0 : i32
            scf.yield %scan3A_580 : i32
          }
          %scan3A_120 = arith.constant 16 : i32
          %add3A_121 = arith.addi %mul3A_2, %while3A_89 : i32
          %dma_start3A = arith.constant 0 : i32
          %dma_start3A_122 = tpu.memref_slice %arg3[%add3A_121, %dma_start3A, %multiple_of3A] : memref<2048x64x2048xf32, #tpu.memory_space<hbm>> -> memref<1x64x256xf32, #tpu.memory_space<hbm>>
          %dma_start3A_123 = tpu.memref_squeeze %dma_start3A_122 : memref<1x64x256xf32, #tpu.memory_space<hbm>> -> memref<64x256xf32, #tpu.memory_space<hbm>>
          %dma_start3A_124 = arith.constant 0 : i32
          %dma_start3A_125 = tpu.memref_slice %arg3[%add3A_121, %dma_start3A_124, %multiple_of3A] : memref<2048x64x2048xf32, #tpu.memory_space<hbm>> -> memref<1x64x256xf32, #tpu.memory_space<hbm>>
          %dma_start3A_126 = tpu.memref_squeeze %dma_start3A_125 : memref<1x64x256xf32, #tpu.memory_space<hbm>> -> memref<64x256xf32, #tpu.memory_space<hbm>>
          tpu.enqueue_dma source(%arg5 : memref<64x256xf32, #tpu.memory_space<vmem>>) target(%dma_start3A_126 : memref<64x256xf32, #tpu.memory_space<hbm>>) target_semaphore(%arg9 : memref<!tpu.dma_semaphore, #tpu.memory_space<semaphore_mem>>)
        } else {
        }
        %rem3A_98 = arith.constant 2 : i32
        %rem3A_99 = arith.remsi %sub3A_91, %rem3A_98 : i32
        %eq3A_100 = arith.constant 1 : i32
        %eq3A_101 = arith.cmpi eq, %rem3A_99, %eq3A_100 : i32
        %convert_element_type3A_102 = arith.extui %eq3A_101 : i1 to i32
        %cond3A_103 = arith.constant 0 : i32
        %cond3A_104 = arith.cmpi ne, %convert_element_type3A_102, %cond3A_103 : i32
        scf.if %cond3A_104 {
          %ge3A_106 = arith.constant 2 : i32
          %ge3A_107 = arith.cmpi sge, %sub3A_91, %ge3A_106 : i32
          %convert_element_type3A_108 = arith.extui %ge3A_107 : i1 to i32
          %cond3A_109 = arith.constant 0 : i32
          %cond3A_110 = arith.cmpi ne, %convert_element_type3A_108, %cond3A_109 : i32
          scf.if %cond3A_110 {
            %dma_wait3A = arith.constant 0 : i32
            %dma_wait3A_127 = tpu.memref_slice %arg3[%mul3A_2, %dma_wait3A, %multiple_of3A] : memref<2048x64x2048xf32, #tpu.memory_space<hbm>> -> memref<1x64x256xf32, #tpu.memory_space<hbm>>
            %dma_wait3A_128 = tpu.memref_squeeze %dma_wait3A_127 : memref<1x64x256xf32, #tpu.memory_space<hbm>> -> memref<64x256xf32, #tpu.memory_space<hbm>>
            %dma_wait3A_129 = arith.constant 0 : i32
            %dma_wait3A_130 = tpu.memref_slice %arg3[%mul3A_2, %dma_wait3A_129, %multiple_of3A] : memref<2048x64x2048xf32, #tpu.memory_space<hbm>> -> memref<1x64x256xf32, #tpu.memory_space<hbm>>
            %dma_wait3A_131 = tpu.memref_squeeze %dma_wait3A_130 : memref<1x64x256xf32, #tpu.memory_space<hbm>> -> memref<64x256xf32, #tpu.memory_space<hbm>>
            tpu.wait_dma2 semaphore(%arg10 : memref<!tpu.dma_semaphore, #tpu.memory_space<semaphore_mem>>) src(%arg6 : memref<64x256xf32, #tpu.memory_space<vmem>>) dst(%dma_wait3A_131 : memref<64x256xf32, #tpu.memory_space<hbm>>)
          } else {
          }
          %add3A_111 = arith.constant 63 : i32
          %add3A_112 = arith.addi %rem3A_30, %add3A_111 : i32
          %sub3A_113 = arith.subi %add3A_112, %while3A_89 : i32
          %scan3A_114 = arith.constant 0 : i32
          %scan3A_115 = arith.constant 0 : i32
          %scan3A_116 = arith.constant 16 : i32
          %scan3A_117 = arith.addi %scan3A_115, %scan3A_116 : i32
          %scan3A_118 = arith.constant 1 : i32
          %scan3A_119 = scf.for %scan3A_127 = %scan3A_115 to %scan3A_117 step %scan3A_118 iter_args(%scan3A_128 = %scan3A_114) -> (i32)  : i32 {
            %mul3A_129 = arith.constant 16 : i32
            %mul3A_130 = arith.muli %scan3A_127, %mul3A_129 : i32
            %multiple_of3A_131 = tpu.assume_multiple %mul3A_130, 16 : i32
            %add3A_132 = arith.addi %sub3A_113, %multiple_of3A_131 : i32
            %add3A_133 = vector.broadcast %add3A_132 : i32 to vector<16xi32>
            %add3A_134 = arith.addi %add3A_133, %iota3A : vector<16xi32>
            %broadcast_in_dim3A = arith.constant 0 : i32
            %broadcast_in_dim3A_135 = vector.broadcast %broadcast_in_dim3A : i32 to vector<16xi32>
            %gather3A = tpu.vector_load_idx %arg4[%broadcast_in_dim3A_135, %add3A_134] : memref<64x512xf32, #tpu.memory_space<vmem>>[vector<16xi32>, vector<16xi32>], vector<16xf32>,
            %swap3A = arith.constant 0 : i32
            %swap3A_136 = arith.index_cast %swap3A : i32 to index
            %swap3A_137 = arith.index_cast %multiple_of3A_131 : i32 to index
            %swap3A_138 = tpu.vector_load %arg6[%swap3A_136, %swap3A_137] {strides = array<i32>} : memref<64x256xf32, #tpu.memory_space<vmem>>, vector<16xf32>,
            tpu.vector_store %arg6[%swap3A_136, %swap3A_137], %gather3A {strides = array<i32>} : memref<64x256xf32, #tpu.memory_space<vmem>>, vector<16xf32>,
            %broadcast_in_dim3A_139 = arith.constant 1 : i32
            %broadcast_in_dim3A_140 = vector.broadcast %broadcast_in_dim3A_139 : i32 to vector<16xi32>
            %gather3A_141 = tpu.vector_load_idx %arg4[%broadcast_in_dim3A_140, %add3A_134] : memref<64x512xf32, #tpu.memory_space<vmem>>[vector<16xi32>, vector<16xi32>], vector<16xf32>,
            %swap3A_142 = arith.constant 1 : i32
            %swap3A_143 = arith.index_cast %swap3A_142 : i32 to index
            %swap3A_144 = arith.index_cast %multiple_of3A_131 : i32 to index
            %swap3A_145 = tpu.vector_load %arg6[%swap3A_143, %swap3A_144] {strides = array<i32>} : memref<64x256xf32, #tpu.memory_space<vmem>>, vector<16xf32>,
            tpu.vector_store %arg6[%swap3A_143, %swap3A_144], %gather3A_141 {strides = array<i32>} : memref<64x256xf32, #tpu.memory_space<vmem>>, vector<16xf32>,
            %broadcast_in_dim3A_146 = arith.constant 2 : i32
            %broadcast_in_dim3A_147 = vector.broadcast %broadcast_in_dim3A_146 : i32 to vector<16xi32>
            %gather3A_148 = tpu.vector_load_idx %arg4[%broadcast_in_dim3A_147, %add3A_134] : memref<64x512xf32, #tpu.memory_space<vmem>>[vector<16xi32>, vector<16xi32>], vector<16xf32>,
            %swap3A_149 = arith.constant 2 : i32
            %swap3A_150 = arith.index_cast %swap3A_149 : i32 to index
            %swap3A_151 = arith.index_cast %multiple_of3A_131 : i32 to index
            %swap3A_152 = tpu.vector_load %arg6[%swap3A_150, %swap3A_151] {strides = array<i32>} : memref<64x256xf32, #tpu.memory_space<vmem>>, vector<16xf32>,
            tpu.vector_store %arg6[%swap3A_150, %swap3A_151], %gather3A_148 {strides = array<i32>} : memref<64x256xf32, #tpu.memory_space<vmem>>, vector<16xf32>,
            %broadcast_in_dim3A_153 = arith.constant 3 : i32
            %broadcast_in_dim3A_154 = vector.broadcast %broadcast_in_dim3A_153 : i32 to vector<16xi32>
            %gather3A_155 = tpu.vector_load_idx %arg4[%broadcast_in_dim3A_154, %add3A_134] : memref<64x512xf32, #tpu.memory_space<vmem>>[vector<16xi32>, vector<16xi32>], vector<16xf32>,
            %swap3A_156 = arith.constant 3 : i32
            %swap3A_157 = arith.index_cast %swap3A_156 : i32 to index
            %swap3A_158 = arith.index_cast %multiple_of3A_131 : i32 to index
            %swap3A_159 = tpu.vector_load %arg6[%swap3A_157, %swap3A_158] {strides = array<i32>} : memref<64x256xf32, #tpu.memory_space<vmem>>, vector<16xf32>,
            tpu.vector_store %arg6[%swap3A_157, %swap3A_158], %gather3A_155 {strides = array<i32>} : memref<64x256xf32, #tpu.memory_space<vmem>>, vector<16xf32>,
            %broadcast_in_dim3A_160 = arith.constant 4 : i32
            %broadcast_in_dim3A_161 = vector.broadcast %broadcast_in_dim3A_160 : i32 to vector<16xi32>
            %gather3A_162 = tpu.vector_load_idx %arg4[%broadcast_in_dim3A_161, %add3A_134] : memref<64x512xf32, #tpu.memory_space<vmem>>[vector<16xi32>, vector<16xi32>], vector<16xf32>,
            %swap3A_163 = arith.constant 4 : i32
            %swap3A_164 = arith.index_cast %swap3A_163 : i32 to index
            %swap3A_165 = arith.index_cast %multiple_of3A_131 : i32 to index
            %swap3A_166 = tpu.vector_load %arg6[%swap3A_164, %swap3A_165] {strides = array<i32>} : memref<64x256xf32, #tpu.memory_space<vmem>>, vector<16xf32>,
            tpu.vector_store %arg6[%swap3A_164, %swap3A_165], %gather3A_162 {strides = array<i32>} : memref<64x256xf32, #tpu.memory_space<vmem>>, vector<16xf32>,
            %broadcast_in_dim3A_167 = arith.constant 5 : i32
            %broadcast_in_dim3A_168 = vector.broadcast %broadcast_in_dim3A_167 : i32 to vector<16xi32>
            %gather3A_169 = tpu.vector_load_idx %arg4[%broadcast_in_dim3A_168, %add3A_134] : memref<64x512xf32, #tpu.memory_space<vmem>>[vector<16xi32>, vector<16xi32>], vector<16xf32>,
            %swap3A_170 = arith.constant 5 : i32
            %swap3A_171 = arith.index_cast %swap3A_170 : i32 to index
            %swap3A_172 = arith.index_cast %multiple_of3A_131 : i32 to index
            %swap3A_173 = tpu.vector_load %arg6[%swap3A_171, %swap3A_172] {strides = array<i32>} : memref<64x256xf32, #tpu.memory_space<vmem>>, vector<16xf32>,
            tpu.vector_store %arg6[%swap3A_171, %swap3A_172], %gather3A_169 {strides = array<i32>} : memref<64x256xf32, #tpu.memory_space<vmem>>, vector<16xf32>,
            %broadcast_in_dim3A_174 = arith.constant 6 : i32
            %broadcast_in_dim3A_175 = vector.broadcast %broadcast_in_dim3A_174 : i32 to vector<16xi32>
            %gather3A_176 = tpu.vector_load_idx %arg4[%broadcast_in_dim3A_175, %add3A_134] : memref<64x512xf32, #tpu.memory_space<vmem>>[vector<16xi32>, vector<16xi32>], vector<16xf32>,
            %swap3A_177 = arith.constant 6 : i32
            %swap3A_178 = arith.index_cast %swap3A_177 : i32 to index
            %swap3A_179 = arith.index_cast %multiple_of3A_131 : i32 to index
            %swap3A_180 = tpu.vector_load %arg6[%swap3A_178, %swap3A_179] {strides = array<i32>} : memref<64x256xf32, #tpu.memory_space<vmem>>, vector<16xf32>,
            tpu.vector_store %arg6[%swap3A_178, %swap3A_179], %gather3A_176 {strides = array<i32>} : memref<64x256xf32, #tpu.memory_space<vmem>>, vector<16xf32>,
            %broadcast_in_dim3A_181 = arith.constant 7 : i32
            %broadcast_in_dim3A_182 = vector.broadcast %broadcast_in_dim3A_181 : i32 to vector<16xi32>
            %gather3A_183 = tpu.vector_load_idx %arg4[%broadcast_in_dim3A_182, %add3A_134] : memref<64x512xf32, #tpu.memory_space<vmem>>[vector<16xi32>, vector<16xi32>], vector<16xf32>,
            %swap3A_184 = arith.constant 7 : i32
            %swap3A_185 = arith.index_cast %swap3A_184 : i32 to index
            %swap3A_186 = arith.index_cast %multiple_of3A_131 : i32 to index
            %swap3A_187 = tpu.vector_load %arg6[%swap3A_185, %swap3A_186] {strides = array<i32>} : memref<64x256xf32, #tpu.memory_space<vmem>>, vector<16xf32>,
            tpu.vector_store %arg6[%swap3A_185, %swap3A_186], %gather3A_183 {strides = array<i32>} : memref<64x256xf32, #tpu.memory_space<vmem>>, vector<16xf32>,
            %broadcast_in_dim3A_188 = arith.constant 8 : i32
            %broadcast_in_dim3A_189 = vector.broadcast %broadcast_in_dim3A_188 : i32 to vector<16xi32>
            %gather3A_190 = tpu.vector_load_idx %arg4[%broadcast_in_dim3A_189, %add3A_134] : memref<64x512xf32, #tpu.memory_space<vmem>>[vector<16xi32>, vector<16xi32>], vector<16xf32>,
            %swap3A_191 = arith.constant 8 : i32
            %swap3A_192 = arith.index_cast %swap3A_191 : i32 to index
            %swap3A_193 = arith.index_cast %multiple_of3A_131 : i32 to index
            %swap3A_194 = tpu.vector_load %arg6[%swap3A_192, %swap3A_193] {strides = array<i32>} : memref<64x256xf32, #tpu.memory_space<vmem>>, vector<16xf32>,
            tpu.vector_store %arg6[%swap3A_192, %swap3A_193], %gather3A_190 {strides = array<i32>} : memref<64x256xf32, #tpu.memory_space<vmem>>, vector<16xf32>,
            %broadcast_in_dim3A_195 = arith.constant 9 : i32
            %broadcast_in_dim3A_196 = vector.broadcast %broadcast_in_dim3A_195 : i32 to vector<16xi32>
            %gather3A_197 = tpu.vector_load_idx %arg4[%broadcast_in_dim3A_196, %add3A_134] : memref<64x512xf32, #tpu.memory_space<vmem>>[vector<16xi32>, vector<16xi32>], vector<16xf32>,
            %swap3A_198 = arith.constant 9 : i32
            %swap3A_199 = arith.index_cast %swap3A_198 : i32 to index
            %swap3A_200 = arith.index_cast %multiple_of3A_131 : i32 to index
            %swap3A_201 = tpu.vector_load %arg6[%swap3A_199, %swap3A_200] {strides = array<i32>} : memref<64x256xf32, #tpu.memory_space<vmem>>, vector<16xf32>,
            tpu.vector_store %arg6[%swap3A_199, %swap3A_200], %gather3A_197 {strides = array<i32>} : memref<64x256xf32, #tpu.memory_space<vmem>>, vector<16xf32>,
            %broadcast_in_dim3A_202 = arith.constant 10 : i32
            %broadcast_in_dim3A_203 = vector.broadcast %broadcast_in_dim3A_202 : i32 to vector<16xi32>
            %gather3A_204 = tpu.vector_load_idx %arg4[%broadcast_in_dim3A_203, %add3A_134] : memref<64x512xf32, #tpu.memory_space<vmem>>[vector<16xi32>, vector<16xi32>], vector<16xf32>,
            %swap3A_205 = arith.constant 10 : i32
            %swap3A_206 = arith.index_cast %swap3A_205 : i32 to index
            %swap3A_207 = arith.index_cast %multiple_of3A_131 : i32 to index
            %swap3A_208 = tpu.vector_load %arg6[%swap3A_206, %swap3A_207] {strides = array<i32>} : memref<64x256xf32, #tpu.memory_space<vmem>>, vector<16xf32>,
            tpu.vector_store %arg6[%swap3A_206, %swap3A_207], %gather3A_204 {strides = array<i32>} : memref<64x256xf32, #tpu.memory_space<vmem>>, vector<16xf32>,
            %broadcast_in_dim3A_209 = arith.constant 11 : i32
            %broadcast_in_dim3A_210 = vector.broadcast %broadcast_in_dim3A_209 : i32 to vector<16xi32>
            %gather3A_211 = tpu.vector_load_idx %arg4[%broadcast_in_dim3A_210, %add3A_134] : memref<64x512xf32, #tpu.memory_space<vmem>>[vector<16xi32>, vector<16xi32>], vector<16xf32>,
            %swap3A_212 = arith.constant 11 : i32
            %swap3A_213 = arith.index_cast %swap3A_212 : i32 to index
            %swap3A_214 = arith.index_cast %multiple_of3A_131 : i32 to index
            %swap3A_215 = tpu.vector_load %arg6[%swap3A_213, %swap3A_214] {strides = array<i32>} : memref<64x256xf32, #tpu.memory_space<vmem>>, vector<16xf32>,
            tpu.vector_store %arg6[%swap3A_213, %swap3A_214], %gather3A_211 {strides = array<i32>} : memref<64x256xf32, #tpu.memory_space<vmem>>, vector<16xf32>,
            %broadcast_in_dim3A_216 = arith.constant 12 : i32
            %broadcast_in_dim3A_217 = vector.broadcast %broadcast_in_dim3A_216 : i32 to vector<16xi32>
            %gather3A_218 = tpu.vector_load_idx %arg4[%broadcast_in_dim3A_217, %add3A_134] : memref<64x512xf32, #tpu.memory_space<vmem>>[vector<16xi32>, vector<16xi32>], vector<16xf32>,
            %swap3A_219 = arith.constant 12 : i32
            %swap3A_220 = arith.index_cast %swap3A_219 : i32 to index
            %swap3A_221 = arith.index_cast %multiple_of3A_131 : i32 to index
            %swap3A_222 = tpu.vector_load %arg6[%swap3A_220, %swap3A_221] {strides = array<i32>} : memref<64x256xf32, #tpu.memory_space<vmem>>, vector<16xf32>,
            tpu.vector_store %arg6[%swap3A_220, %swap3A_221], %gather3A_218 {strides = array<i32>} : memref<64x256xf32, #tpu.memory_space<vmem>>, vector<16xf32>,
            %broadcast_in_dim3A_223 = arith.constant 13 : i32
            %broadcast_in_dim3A_224 = vector.broadcast %broadcast_in_dim3A_223 : i32 to vector<16xi32>
            %gather3A_225 = tpu.vector_load_idx %arg4[%broadcast_in_dim3A_224, %add3A_134] : memref<64x512xf32, #tpu.memory_space<vmem>>[vector<16xi32>, vector<16xi32>], vector<16xf32>,
            %swap3A_226 = arith.constant 13 : i32
            %swap3A_227 = arith.index_cast %swap3A_226 : i32 to index
            %swap3A_228 = arith.index_cast %multiple_of3A_131 : i32 to index
            %swap3A_229 = tpu.vector_load %arg6[%swap3A_227, %swap3A_228] {strides = array<i32>} : memref<64x256xf32, #tpu.memory_space<vmem>>, vector<16xf32>,
            tpu.vector_store %arg6[%swap3A_227, %swap3A_228], %gather3A_225 {strides = array<i32>} : memref<64x256xf32, #tpu.memory_space<vmem>>, vector<16xf32>,
            %broadcast_in_dim3A_230 = arith.constant 14 : i32
            %broadcast_in_dim3A_231 = vector.broadcast %broadcast_in_dim3A_230 : i32 to vector<16xi32>
            %gather3A_232 = tpu.vector_load_idx %arg4[%broadcast_in_dim3A_231, %add3A_134] : memref<64x512xf32, #tpu.memory_space<vmem>>[vector<16xi32>, vector<16xi32>], vector<16xf32>,
            %swap3A_233 = arith.constant 14 : i32
            %swap3A_234 = arith.index_cast %swap3A_233 : i32 to index
            %swap3A_235 = arith.index_cast %multiple_of3A_131 : i32 to index
            %swap3A_236 = tpu.vector_load %arg6[%swap3A_234, %swap3A_235] {strides = array<i32>} : memref<64x256xf32, #tpu.memory_space<vmem>>, vector<16xf32>,
            tpu.vector_store %arg6[%swap3A_234, %swap3A_235], %gather3A_232 {strides = array<i32>} : memref<64x256xf32, #tpu.memory_space<vmem>>, vector<16xf32>,
            %broadcast_in_dim3A_237 = arith.constant 15 : i32
            %broadcast_in_dim3A_238 = vector.broadcast %broadcast_in_dim3A_237 : i32 to vector<16xi32>
            %gather3A_239 = tpu.vector_load_idx %arg4[%broadcast_in_dim3A_238, %add3A_134] : memref<64x512xf32, #tpu.memory_space<vmem>>[vector<16xi32>, vector<16xi32>], vector<16xf32>,
            %swap3A_240 = arith.constant 15 : i32
            %swap3A_241 = arith.index_cast %swap3A_240 : i32 to index
            %swap3A_242 = arith.index_cast %multiple_of3A_131 : i32 to index
            %swap3A_243 = tpu.vector_load %arg6[%swap3A_241, %swap3A_242] {strides = array<i32>} : memref<64x256xf32, #tpu.memory_space<vmem>>, vector<16xf32>,
            tpu.vector_store %arg6[%swap3A_241, %swap3A_242], %gather3A_239 {strides = array<i32>} : memref<64x256xf32, #tpu.memory_space<vmem>>, vector<16xf32>,
            %broadcast_in_dim3A_244 = arith.constant 16 : i32
            %broadcast_in_dim3A_245 = vector.broadcast %broadcast_in_dim3A_244 : i32 to vector<16xi32>
            %gather3A_246 = tpu.vector_load_idx %arg4[%broadcast_in_dim3A_245, %add3A_134] : memref<64x512xf32, #tpu.memory_space<vmem>>[vector<16xi32>, vector<16xi32>], vector<16xf32>,
            %swap3A_247 = arith.constant 16 : i32
            %swap3A_248 = arith.index_cast %swap3A_247 : i32 to index
            %swap3A_249 = arith.index_cast %multiple_of3A_131 : i32 to index
            %swap3A_250 = tpu.vector_load %arg6[%swap3A_248, %swap3A_249] {strides = array<i32>} : memref<64x256xf32, #tpu.memory_space<vmem>>, vector<16xf32>,
            tpu.vector_store %arg6[%swap3A_248, %swap3A_249], %gather3A_246 {strides = array<i32>} : memref<64x256xf32, #tpu.memory_space<vmem>>, vector<16xf32>,
            %broadcast_in_dim3A_251 = arith.constant 17 : i32
            %broadcast_in_dim3A_252 = vector.broadcast %broadcast_in_dim3A_251 : i32 to vector<16xi32>
            %gather3A_253 = tpu.vector_load_idx %arg4[%broadcast_in_dim3A_252, %add3A_134] : memref<64x512xf32, #tpu.memory_space<vmem>>[vector<16xi32>, vector<16xi32>], vector<16xf32>,
            %swap3A_254 = arith.constant 17 : i32
            %swap3A_255 = arith.index_cast %swap3A_254 : i32 to index
            %swap3A_256 = arith.index_cast %multiple_of3A_131 : i32 to index
            %swap3A_257 = tpu.vector_load %arg6[%swap3A_255, %swap3A_256] {strides = array<i32>} : memref<64x256xf32, #tpu.memory_space<vmem>>, vector<16xf32>,
            tpu.vector_store %arg6[%swap3A_255, %swap3A_256], %gather3A_253 {strides = array<i32>} : memref<64x256xf32, #tpu.memory_space<vmem>>, vector<16xf32>,
            %broadcast_in_dim3A_258 = arith.constant 18 : i32
            %broadcast_in_dim3A_259 = vector.broadcast %broadcast_in_dim3A_258 : i32 to vector<16xi32>
            %gather3A_260 = tpu.vector_load_idx %arg4[%broadcast_in_dim3A_259, %add3A_134] : memref<64x512xf32, #tpu.memory_space<vmem>>[vector<16xi32>, vector<16xi32>], vector<16xf32>,
            %swap3A_261 = arith.constant 18 : i32
            %swap3A_262 = arith.index_cast %swap3A_261 : i32 to index
            %swap3A_263 = arith.index_cast %multiple_of3A_131 : i32 to index
            %swap3A_264 = tpu.vector_load %arg6[%swap3A_262, %swap3A_263] {strides = array<i32>} : memref<64x256xf32, #tpu.memory_space<vmem>>, vector<16xf32>,
            tpu.vector_store %arg6[%swap3A_262, %swap3A_263], %gather3A_260 {strides = array<i32>} : memref<64x256xf32, #tpu.memory_space<vmem>>, vector<16xf32>,
            %broadcast_in_dim3A_265 = arith.constant 19 : i32
            %broadcast_in_dim3A_266 = vector.broadcast %broadcast_in_dim3A_265 : i32 to vector<16xi32>
            %gather3A_267 = tpu.vector_load_idx %arg4[%broadcast_in_dim3A_266, %add3A_134] : memref<64x512xf32, #tpu.memory_space<vmem>>[vector<16xi32>, vector<16xi32>], vector<16xf32>,
            %swap3A_268 = arith.constant 19 : i32
            %swap3A_269 = arith.index_cast %swap3A_268 : i32 to index
            %swap3A_270 = arith.index_cast %multiple_of3A_131 : i32 to index
            %swap3A_271 = tpu.vector_load %arg6[%swap3A_269, %swap3A_270] {strides = array<i32>} : memref<64x256xf32, #tpu.memory_space<vmem>>, vector<16xf32>,
            tpu.vector_store %arg6[%swap3A_269, %swap3A_270], %gather3A_267 {strides = array<i32>} : memref<64x256xf32, #tpu.memory_space<vmem>>, vector<16xf32>,
            %broadcast_in_dim3A_272 = arith.constant 20 : i32
            %broadcast_in_dim3A_273 = vector.broadcast %broadcast_in_dim3A_272 : i32 to vector<16xi32>
            %gather3A_274 = tpu.vector_load_idx %arg4[%broadcast_in_dim3A_273, %add3A_134] : memref<64x512xf32, #tpu.memory_space<vmem>>[vector<16xi32>, vector<16xi32>], vector<16xf32>,
            %swap3A_275 = arith.constant 20 : i32
            %swap3A_276 = arith.index_cast %swap3A_275 : i32 to index
            %swap3A_277 = arith.index_cast %multiple_of3A_131 : i32 to index
            %swap3A_278 = tpu.vector_load %arg6[%swap3A_276, %swap3A_277] {strides = array<i32>} : memref<64x256xf32, #tpu.memory_space<vmem>>, vector<16xf32>,
            tpu.vector_store %arg6[%swap3A_276, %swap3A_277], %gather3A_274 {strides = array<i32>} : memref<64x256xf32, #tpu.memory_space<vmem>>, vector<16xf32>,
            %broadcast_in_dim3A_279 = arith.constant 21 : i32
            %broadcast_in_dim3A_280 = vector.broadcast %broadcast_in_dim3A_279 : i32 to vector<16xi32>
            %gather3A_281 = tpu.vector_load_idx %arg4[%broadcast_in_dim3A_280, %add3A_134] : memref<64x512xf32, #tpu.memory_space<vmem>>[vector<16xi32>, vector<16xi32>], vector<16xf32>,
            %swap3A_282 = arith.constant 21 : i32
            %swap3A_283 = arith.index_cast %swap3A_282 : i32 to index
            %swap3A_284 = arith.index_cast %multiple_of3A_131 : i32 to index
            %swap3A_285 = tpu.vector_load %arg6[%swap3A_283, %swap3A_284] {strides = array<i32>} : memref<64x256xf32, #tpu.memory_space<vmem>>, vector<16xf32>,
            tpu.vector_store %arg6[%swap3A_283, %swap3A_284], %gather3A_281 {strides = array<i32>} : memref<64x256xf32, #tpu.memory_space<vmem>>, vector<16xf32>,
            %broadcast_in_dim3A_286 = arith.constant 22 : i32
            %broadcast_in_dim3A_287 = vector.broadcast %broadcast_in_dim3A_286 : i32 to vector<16xi32>
            %gather3A_288 = tpu.vector_load_idx %arg4[%broadcast_in_dim3A_287, %add3A_134] : memref<64x512xf32, #tpu.memory_space<vmem>>[vector<16xi32>, vector<16xi32>], vector<16xf32>,
            %swap3A_289 = arith.constant 22 : i32
            %swap3A_290 = arith.index_cast %swap3A_289 : i32 to index
            %swap3A_291 = arith.index_cast %multiple_of3A_131 : i32 to index
            %swap3A_292 = tpu.vector_load %arg6[%swap3A_290, %swap3A_291] {strides = array<i32>} : memref<64x256xf32, #tpu.memory_space<vmem>>, vector<16xf32>,
            tpu.vector_store %arg6[%swap3A_290, %swap3A_291], %gather3A_288 {strides = array<i32>} : memref<64x256xf32, #tpu.memory_space<vmem>>, vector<16xf32>,
            %broadcast_in_dim3A_293 = arith.constant 23 : i32
            %broadcast_in_dim3A_294 = vector.broadcast %broadcast_in_dim3A_293 : i32 to vector<16xi32>
            %gather3A_295 = tpu.vector_load_idx %arg4[%broadcast_in_dim3A_294, %add3A_134] : memref<64x512xf32, #tpu.memory_space<vmem>>[vector<16xi32>, vector<16xi32>], vector<16xf32>,
            %swap3A_296 = arith.constant 23 : i32
            %swap3A_297 = arith.index_cast %swap3A_296 : i32 to index
            %swap3A_298 = arith.index_cast %multiple_of3A_131 : i32 to index
            %swap3A_299 = tpu.vector_load %arg6[%swap3A_297, %swap3A_298] {strides = array<i32>} : memref<64x256xf32, #tpu.memory_space<vmem>>, vector<16xf32>,
            tpu.vector_store %arg6[%swap3A_297, %swap3A_298], %gather3A_295 {strides = array<i32>} : memref<64x256xf32, #tpu.memory_space<vmem>>, vector<16xf32>,
            %broadcast_in_dim3A_300 = arith.constant 24 : i32
            %broadcast_in_dim3A_301 = vector.broadcast %broadcast_in_dim3A_300 : i32 to vector<16xi32>
            %gather3A_302 = tpu.vector_load_idx %arg4[%broadcast_in_dim3A_301, %add3A_134] : memref<64x512xf32, #tpu.memory_space<vmem>>[vector<16xi32>, vector<16xi32>], vector<16xf32>,
            %swap3A_303 = arith.constant 24 : i32
            %swap3A_304 = arith.index_cast %swap3A_303 : i32 to index
            %swap3A_305 = arith.index_cast %multiple_of3A_131 : i32 to index
            %swap3A_306 = tpu.vector_load %arg6[%swap3A_304, %swap3A_305] {strides = array<i32>} : memref<64x256xf32, #tpu.memory_space<vmem>>, vector<16xf32>,
            tpu.vector_store %arg6[%swap3A_304, %swap3A_305], %gather3A_302 {strides = array<i32>} : memref<64x256xf32, #tpu.memory_space<vmem>>, vector<16xf32>,
            %broadcast_in_dim3A_307 = arith.constant 25 : i32
            %broadcast_in_dim3A_308 = vector.broadcast %broadcast_in_dim3A_307 : i32 to vector<16xi32>
            %gather3A_309 = tpu.vector_load_idx %arg4[%broadcast_in_dim3A_308, %add3A_134] : memref<64x512xf32, #tpu.memory_space<vmem>>[vector<16xi32>, vector<16xi32>], vector<16xf32>,
            %swap3A_310 = arith.constant 25 : i32
            %swap3A_311 = arith.index_cast %swap3A_310 : i32 to index
            %swap3A_312 = arith.index_cast %multiple_of3A_131 : i32 to index
            %swap3A_313 = tpu.vector_load %arg6[%swap3A_311, %swap3A_312] {strides = array<i32>} : memref<64x256xf32, #tpu.memory_space<vmem>>, vector<16xf32>,
            tpu.vector_store %arg6[%swap3A_311, %swap3A_312], %gather3A_309 {strides = array<i32>} : memref<64x256xf32, #tpu.memory_space<vmem>>, vector<16xf32>,
            %broadcast_in_dim3A_314 = arith.constant 26 : i32
            %broadcast_in_dim3A_315 = vector.broadcast %broadcast_in_dim3A_314 : i32 to vector<16xi32>
            %gather3A_316 = tpu.vector_load_idx %arg4[%broadcast_in_dim3A_315, %add3A_134] : memref<64x512xf32, #tpu.memory_space<vmem>>[vector<16xi32>, vector<16xi32>], vector<16xf32>,
            %swap3A_317 = arith.constant 26 : i32
            %swap3A_318 = arith.index_cast %swap3A_317 : i32 to index
            %swap3A_319 = arith.index_cast %multiple_of3A_131 : i32 to index
            %swap3A_320 = tpu.vector_load %arg6[%swap3A_318, %swap3A_319] {strides = array<i32>} : memref<64x256xf32, #tpu.memory_space<vmem>>, vector<16xf32>,
            tpu.vector_store %arg6[%swap3A_318, %swap3A_319], %gather3A_316 {strides = array<i32>} : memref<64x256xf32, #tpu.memory_space<vmem>>, vector<16xf32>,
            %broadcast_in_dim3A_321 = arith.constant 27 : i32
            %broadcast_in_dim3A_322 = vector.broadcast %broadcast_in_dim3A_321 : i32 to vector<16xi32>
            %gather3A_323 = tpu.vector_load_idx %arg4[%broadcast_in_dim3A_322, %add3A_134] : memref<64x512xf32, #tpu.memory_space<vmem>>[vector<16xi32>, vector<16xi32>], vector<16xf32>,
            %swap3A_324 = arith.constant 27 : i32
            %swap3A_325 = arith.index_cast %swap3A_324 : i32 to index
            %swap3A_326 = arith.index_cast %multiple_of3A_131 : i32 to index
            %swap3A_327 = tpu.vector_load %arg6[%swap3A_325, %swap3A_326] {strides = array<i32>} : memref<64x256xf32, #tpu.memory_space<vmem>>, vector<16xf32>,
            tpu.vector_store %arg6[%swap3A_325, %swap3A_326], %gather3A_323 {strides = array<i32>} : memref<64x256xf32, #tpu.memory_space<vmem>>, vector<16xf32>,
            %broadcast_in_dim3A_328 = arith.constant 28 : i32
            %broadcast_in_dim3A_329 = vector.broadcast %broadcast_in_dim3A_328 : i32 to vector<16xi32>
            %gather3A_330 = tpu.vector_load_idx %arg4[%broadcast_in_dim3A_329, %add3A_134] : memref<64x512xf32, #tpu.memory_space<vmem>>[vector<16xi32>, vector<16xi32>], vector<16xf32>,
            %swap3A_331 = arith.constant 28 : i32
            %swap3A_332 = arith.index_cast %swap3A_331 : i32 to index
            %swap3A_333 = arith.index_cast %multiple_of3A_131 : i32 to index
            %swap3A_334 = tpu.vector_load %arg6[%swap3A_332, %swap3A_333] {strides = array<i32>} : memref<64x256xf32, #tpu.memory_space<vmem>>, vector<16xf32>,
            tpu.vector_store %arg6[%swap3A_332, %swap3A_333], %gather3A_330 {strides = array<i32>} : memref<64x256xf32, #tpu.memory_space<vmem>>, vector<16xf32>,
            %broadcast_in_dim3A_335 = arith.constant 29 : i32
            %broadcast_in_dim3A_336 = vector.broadcast %broadcast_in_dim3A_335 : i32 to vector<16xi32>
            %gather3A_337 = tpu.vector_load_idx %arg4[%broadcast_in_dim3A_336, %add3A_134] : memref<64x512xf32, #tpu.memory_space<vmem>>[vector<16xi32>, vector<16xi32>], vector<16xf32>,
            %swap3A_338 = arith.constant 29 : i32
            %swap3A_339 = arith.index_cast %swap3A_338 : i32 to index
            %swap3A_340 = arith.index_cast %multiple_of3A_131 : i32 to index
            %swap3A_341 = tpu.vector_load %arg6[%swap3A_339, %swap3A_340] {strides = array<i32>} : memref<64x256xf32, #tpu.memory_space<vmem>>, vector<16xf32>,
            tpu.vector_store %arg6[%swap3A_339, %swap3A_340], %gather3A_337 {strides = array<i32>} : memref<64x256xf32, #tpu.memory_space<vmem>>, vector<16xf32>,
            %broadcast_in_dim3A_342 = arith.constant 30 : i32
            %broadcast_in_dim3A_343 = vector.broadcast %broadcast_in_dim3A_342 : i32 to vector<16xi32>
            %gather3A_344 = tpu.vector_load_idx %arg4[%broadcast_in_dim3A_343, %add3A_134] : memref<64x512xf32, #tpu.memory_space<vmem>>[vector<16xi32>, vector<16xi32>], vector<16xf32>,
            %swap3A_345 = arith.constant 30 : i32
            %swap3A_346 = arith.index_cast %swap3A_345 : i32 to index
            %swap3A_347 = arith.index_cast %multiple_of3A_131 : i32 to index
            %swap3A_348 = tpu.vector_load %arg6[%swap3A_346, %swap3A_347] {strides = array<i32>} : memref<64x256xf32, #tpu.memory_space<vmem>>, vector<16xf32>,
            tpu.vector_store %arg6[%swap3A_346, %swap3A_347], %gather3A_344 {strides = array<i32>} : memref<64x256xf32, #tpu.memory_space<vmem>>, vector<16xf32>,
            %broadcast_in_dim3A_349 = arith.constant 31 : i32
            %broadcast_in_dim3A_350 = vector.broadcast %broadcast_in_dim3A_349 : i32 to vector<16xi32>
            %gather3A_351 = tpu.vector_load_idx %arg4[%broadcast_in_dim3A_350, %add3A_134] : memref<64x512xf32, #tpu.memory_space<vmem>>[vector<16xi32>, vector<16xi32>], vector<16xf32>,
            %swap3A_352 = arith.constant 31 : i32
            %swap3A_353 = arith.index_cast %swap3A_352 : i32 to index
            %swap3A_354 = arith.index_cast %multiple_of3A_131 : i32 to index
            %swap3A_355 = tpu.vector_load %arg6[%swap3A_353, %swap3A_354] {strides = array<i32>} : memref<64x256xf32, #tpu.memory_space<vmem>>, vector<16xf32>,
            tpu.vector_store %arg6[%swap3A_353, %swap3A_354], %gather3A_351 {strides = array<i32>} : memref<64x256xf32, #tpu.memory_space<vmem>>, vector<16xf32>,
            %broadcast_in_dim3A_356 = arith.constant 32 : i32
            %broadcast_in_dim3A_357 = vector.broadcast %broadcast_in_dim3A_356 : i32 to vector<16xi32>
            %gather3A_358 = tpu.vector_load_idx %arg4[%broadcast_in_dim3A_357, %add3A_134] : memref<64x512xf32, #tpu.memory_space<vmem>>[vector<16xi32>, vector<16xi32>], vector<16xf32>,
            %swap3A_359 = arith.constant 32 : i32
            %swap3A_360 = arith.index_cast %swap3A_359 : i32 to index
            %swap3A_361 = arith.index_cast %multiple_of3A_131 : i32 to index
            %swap3A_362 = tpu.vector_load %arg6[%swap3A_360, %swap3A_361] {strides = array<i32>} : memref<64x256xf32, #tpu.memory_space<vmem>>, vector<16xf32>,
            tpu.vector_store %arg6[%swap3A_360, %swap3A_361], %gather3A_358 {strides = array<i32>} : memref<64x256xf32, #tpu.memory_space<vmem>>, vector<16xf32>,
            %broadcast_in_dim3A_363 = arith.constant 33 : i32
            %broadcast_in_dim3A_364 = vector.broadcast %broadcast_in_dim3A_363 : i32 to vector<16xi32>
            %gather3A_365 = tpu.vector_load_idx %arg4[%broadcast_in_dim3A_364, %add3A_134] : memref<64x512xf32, #tpu.memory_space<vmem>>[vector<16xi32>, vector<16xi32>], vector<16xf32>,
            %swap3A_366 = arith.constant 33 : i32
            %swap3A_367 = arith.index_cast %swap3A_366 : i32 to index
            %swap3A_368 = arith.index_cast %multiple_of3A_131 : i32 to index
            %swap3A_369 = tpu.vector_load %arg6[%swap3A_367, %swap3A_368] {strides = array<i32>} : memref<64x256xf32, #tpu.memory_space<vmem>>, vector<16xf32>,
            tpu.vector_store %arg6[%swap3A_367, %swap3A_368], %gather3A_365 {strides = array<i32>} : memref<64x256xf32, #tpu.memory_space<vmem>>, vector<16xf32>,
            %broadcast_in_dim3A_370 = arith.constant 34 : i32
            %broadcast_in_dim3A_371 = vector.broadcast %broadcast_in_dim3A_370 : i32 to vector<16xi32>
            %gather3A_372 = tpu.vector_load_idx %arg4[%broadcast_in_dim3A_371, %add3A_134] : memref<64x512xf32, #tpu.memory_space<vmem>>[vector<16xi32>, vector<16xi32>], vector<16xf32>,
            %swap3A_373 = arith.constant 34 : i32
            %swap3A_374 = arith.index_cast %swap3A_373 : i32 to index
            %swap3A_375 = arith.index_cast %multiple_of3A_131 : i32 to index
            %swap3A_376 = tpu.vector_load %arg6[%swap3A_374, %swap3A_375] {strides = array<i32>} : memref<64x256xf32, #tpu.memory_space<vmem>>, vector<16xf32>,
            tpu.vector_store %arg6[%swap3A_374, %swap3A_375], %gather3A_372 {strides = array<i32>} : memref<64x256xf32, #tpu.memory_space<vmem>>, vector<16xf32>,
            %broadcast_in_dim3A_377 = arith.constant 35 : i32
            %broadcast_in_dim3A_378 = vector.broadcast %broadcast_in_dim3A_377 : i32 to vector<16xi32>
            %gather3A_379 = tpu.vector_load_idx %arg4[%broadcast_in_dim3A_378, %add3A_134] : memref<64x512xf32, #tpu.memory_space<vmem>>[vector<16xi32>, vector<16xi32>], vector<16xf32>,
            %swap3A_380 = arith.constant 35 : i32
            %swap3A_381 = arith.index_cast %swap3A_380 : i32 to index
            %swap3A_382 = arith.index_cast %multiple_of3A_131 : i32 to index
            %swap3A_383 = tpu.vector_load %arg6[%swap3A_381, %swap3A_382] {strides = array<i32>} : memref<64x256xf32, #tpu.memory_space<vmem>>, vector<16xf32>,
            tpu.vector_store %arg6[%swap3A_381, %swap3A_382], %gather3A_379 {strides = array<i32>} : memref<64x256xf32, #tpu.memory_space<vmem>>, vector<16xf32>,
            %broadcast_in_dim3A_384 = arith.constant 36 : i32
            %broadcast_in_dim3A_385 = vector.broadcast %broadcast_in_dim3A_384 : i32 to vector<16xi32>
            %gather3A_386 = tpu.vector_load_idx %arg4[%broadcast_in_dim3A_385, %add3A_134] : memref<64x512xf32, #tpu.memory_space<vmem>>[vector<16xi32>, vector<16xi32>], vector<16xf32>,
            %swap3A_387 = arith.constant 36 : i32
            %swap3A_388 = arith.index_cast %swap3A_387 : i32 to index
            %swap3A_389 = arith.index_cast %multiple_of3A_131 : i32 to index
            %swap3A_390 = tpu.vector_load %arg6[%swap3A_388, %swap3A_389] {strides = array<i32>} : memref<64x256xf32, #tpu.memory_space<vmem>>, vector<16xf32>,
            tpu.vector_store %arg6[%swap3A_388, %swap3A_389], %gather3A_386 {strides = array<i32>} : memref<64x256xf32, #tpu.memory_space<vmem>>, vector<16xf32>,
            %broadcast_in_dim3A_391 = arith.constant 37 : i32
            %broadcast_in_dim3A_392 = vector.broadcast %broadcast_in_dim3A_391 : i32 to vector<16xi32>
            %gather3A_393 = tpu.vector_load_idx %arg4[%broadcast_in_dim3A_392, %add3A_134] : memref<64x512xf32, #tpu.memory_space<vmem>>[vector<16xi32>, vector<16xi32>], vector<16xf32>,
            %swap3A_394 = arith.constant 37 : i32
            %swap3A_395 = arith.index_cast %swap3A_394 : i32 to index
            %swap3A_396 = arith.index_cast %multiple_of3A_131 : i32 to index
            %swap3A_397 = tpu.vector_load %arg6[%swap3A_395, %swap3A_396] {strides = array<i32>} : memref<64x256xf32, #tpu.memory_space<vmem>>, vector<16xf32>,
            tpu.vector_store %arg6[%swap3A_395, %swap3A_396], %gather3A_393 {strides = array<i32>} : memref<64x256xf32, #tpu.memory_space<vmem>>, vector<16xf32>,
            %broadcast_in_dim3A_398 = arith.constant 38 : i32
            %broadcast_in_dim3A_399 = vector.broadcast %broadcast_in_dim3A_398 : i32 to vector<16xi32>
            %gather3A_400 = tpu.vector_load_idx %arg4[%broadcast_in_dim3A_399, %add3A_134] : memref<64x512xf32, #tpu.memory_space<vmem>>[vector<16xi32>, vector<16xi32>], vector<16xf32>,
            %swap3A_401 = arith.constant 38 : i32
            %swap3A_402 = arith.index_cast %swap3A_401 : i32 to index
            %swap3A_403 = arith.index_cast %multiple_of3A_131 : i32 to index
            %swap3A_404 = tpu.vector_load %arg6[%swap3A_402, %swap3A_403] {strides = array<i32>} : memref<64x256xf32, #tpu.memory_space<vmem>>, vector<16xf32>,
            tpu.vector_store %arg6[%swap3A_402, %swap3A_403], %gather3A_400 {strides = array<i32>} : memref<64x256xf32, #tpu.memory_space<vmem>>, vector<16xf32>,
            %broadcast_in_dim3A_405 = arith.constant 39 : i32
            %broadcast_in_dim3A_406 = vector.broadcast %broadcast_in_dim3A_405 : i32 to vector<16xi32>
            %gather3A_407 = tpu.vector_load_idx %arg4[%broadcast_in_dim3A_406, %add3A_134] : memref<64x512xf32, #tpu.memory_space<vmem>>[vector<16xi32>, vector<16xi32>], vector<16xf32>,
            %swap3A_408 = arith.constant 39 : i32
            %swap3A_409 = arith.index_cast %swap3A_408 : i32 to index
            %swap3A_410 = arith.index_cast %multiple_of3A_131 : i32 to index
            %swap3A_411 = tpu.vector_load %arg6[%swap3A_409, %swap3A_410] {strides = array<i32>} : memref<64x256xf32, #tpu.memory_space<vmem>>, vector<16xf32>,
            tpu.vector_store %arg6[%swap3A_409, %swap3A_410], %gather3A_407 {strides = array<i32>} : memref<64x256xf32, #tpu.memory_space<vmem>>, vector<16xf32>,
            %broadcast_in_dim3A_412 = arith.constant 40 : i32
            %broadcast_in_dim3A_413 = vector.broadcast %broadcast_in_dim3A_412 : i32 to vector<16xi32>
            %gather3A_414 = tpu.vector_load_idx %arg4[%broadcast_in_dim3A_413, %add3A_134] : memref<64x512xf32, #tpu.memory_space<vmem>>[vector<16xi32>, vector<16xi32>], vector<16xf32>,
            %swap3A_415 = arith.constant 40 : i32
            %swap3A_416 = arith.index_cast %swap3A_415 : i32 to index
            %swap3A_417 = arith.index_cast %multiple_of3A_131 : i32 to index
            %swap3A_418 = tpu.vector_load %arg6[%swap3A_416, %swap3A_417] {strides = array<i32>} : memref<64x256xf32, #tpu.memory_space<vmem>>, vector<16xf32>,
            tpu.vector_store %arg6[%swap3A_416, %swap3A_417], %gather3A_414 {strides = array<i32>} : memref<64x256xf32, #tpu.memory_space<vmem>>, vector<16xf32>,
            %broadcast_in_dim3A_419 = arith.constant 41 : i32
            %broadcast_in_dim3A_420 = vector.broadcast %broadcast_in_dim3A_419 : i32 to vector<16xi32>
            %gather3A_421 = tpu.vector_load_idx %arg4[%broadcast_in_dim3A_420, %add3A_134] : memref<64x512xf32, #tpu.memory_space<vmem>>[vector<16xi32>, vector<16xi32>], vector<16xf32>,
            %swap3A_422 = arith.constant 41 : i32
            %swap3A_423 = arith.index_cast %swap3A_422 : i32 to index
            %swap3A_424 = arith.index_cast %multiple_of3A_131 : i32 to index
            %swap3A_425 = tpu.vector_load %arg6[%swap3A_423, %swap3A_424] {strides = array<i32>} : memref<64x256xf32, #tpu.memory_space<vmem>>, vector<16xf32>,
            tpu.vector_store %arg6[%swap3A_423, %swap3A_424], %gather3A_421 {strides = array<i32>} : memref<64x256xf32, #tpu.memory_space<vmem>>, vector<16xf32>,
            %broadcast_in_dim3A_426 = arith.constant 42 : i32
            %broadcast_in_dim3A_427 = vector.broadcast %broadcast_in_dim3A_426 : i32 to vector<16xi32>
            %gather3A_428 = tpu.vector_load_idx %arg4[%broadcast_in_dim3A_427, %add3A_134] : memref<64x512xf32, #tpu.memory_space<vmem>>[vector<16xi32>, vector<16xi32>], vector<16xf32>,
            %swap3A_429 = arith.constant 42 : i32
            %swap3A_430 = arith.index_cast %swap3A_429 : i32 to index
            %swap3A_431 = arith.index_cast %multiple_of3A_131 : i32 to index
            %swap3A_432 = tpu.vector_load %arg6[%swap3A_430, %swap3A_431] {strides = array<i32>} : memref<64x256xf32, #tpu.memory_space<vmem>>, vector<16xf32>,
            tpu.vector_store %arg6[%swap3A_430, %swap3A_431], %gather3A_428 {strides = array<i32>} : memref<64x256xf32, #tpu.memory_space<vmem>>, vector<16xf32>,
            %broadcast_in_dim3A_433 = arith.constant 43 : i32
            %broadcast_in_dim3A_434 = vector.broadcast %broadcast_in_dim3A_433 : i32 to vector<16xi32>
            %gather3A_435 = tpu.vector_load_idx %arg4[%broadcast_in_dim3A_434, %add3A_134] : memref<64x512xf32, #tpu.memory_space<vmem>>[vector<16xi32>, vector<16xi32>], vector<16xf32>,
            %swap3A_436 = arith.constant 43 : i32
            %swap3A_437 = arith.index_cast %swap3A_436 : i32 to index
            %swap3A_438 = arith.index_cast %multiple_of3A_131 : i32 to index
            %swap3A_439 = tpu.vector_load %arg6[%swap3A_437, %swap3A_438] {strides = array<i32>} : memref<64x256xf32, #tpu.memory_space<vmem>>, vector<16xf32>,
            tpu.vector_store %arg6[%swap3A_437, %swap3A_438], %gather3A_435 {strides = array<i32>} : memref<64x256xf32, #tpu.memory_space<vmem>>, vector<16xf32>,
            %broadcast_in_dim3A_440 = arith.constant 44 : i32
            %broadcast_in_dim3A_441 = vector.broadcast %broadcast_in_dim3A_440 : i32 to vector<16xi32>
            %gather3A_442 = tpu.vector_load_idx %arg4[%broadcast_in_dim3A_441, %add3A_134] : memref<64x512xf32, #tpu.memory_space<vmem>>[vector<16xi32>, vector<16xi32>], vector<16xf32>,
            %swap3A_443 = arith.constant 44 : i32
            %swap3A_444 = arith.index_cast %swap3A_443 : i32 to index
            %swap3A_445 = arith.index_cast %multiple_of3A_131 : i32 to index
            %swap3A_446 = tpu.vector_load %arg6[%swap3A_444, %swap3A_445] {strides = array<i32>} : memref<64x256xf32, #tpu.memory_space<vmem>>, vector<16xf32>,
            tpu.vector_store %arg6[%swap3A_444, %swap3A_445], %gather3A_442 {strides = array<i32>} : memref<64x256xf32, #tpu.memory_space<vmem>>, vector<16xf32>,
            %broadcast_in_dim3A_447 = arith.constant 45 : i32
            %broadcast_in_dim3A_448 = vector.broadcast %broadcast_in_dim3A_447 : i32 to vector<16xi32>
            %gather3A_449 = tpu.vector_load_idx %arg4[%broadcast_in_dim3A_448, %add3A_134] : memref<64x512xf32, #tpu.memory_space<vmem>>[vector<16xi32>, vector<16xi32>], vector<16xf32>,
            %swap3A_450 = arith.constant 45 : i32
            %swap3A_451 = arith.index_cast %swap3A_450 : i32 to index
            %swap3A_452 = arith.index_cast %multiple_of3A_131 : i32 to index
            %swap3A_453 = tpu.vector_load %arg6[%swap3A_451, %swap3A_452] {strides = array<i32>} : memref<64x256xf32, #tpu.memory_space<vmem>>, vector<16xf32>,
            tpu.vector_store %arg6[%swap3A_451, %swap3A_452], %gather3A_449 {strides = array<i32>} : memref<64x256xf32, #tpu.memory_space<vmem>>, vector<16xf32>,
            %broadcast_in_dim3A_454 = arith.constant 46 : i32
            %broadcast_in_dim3A_455 = vector.broadcast %broadcast_in_dim3A_454 : i32 to vector<16xi32>
            %gather3A_456 = tpu.vector_load_idx %arg4[%broadcast_in_dim3A_455, %add3A_134] : memref<64x512xf32, #tpu.memory_space<vmem>>[vector<16xi32>, vector<16xi32>], vector<16xf32>,
            %swap3A_457 = arith.constant 46 : i32
            %swap3A_458 = arith.index_cast %swap3A_457 : i32 to index
            %swap3A_459 = arith.index_cast %multiple_of3A_131 : i32 to index
            %swap3A_460 = tpu.vector_load %arg6[%swap3A_458, %swap3A_459] {strides = array<i32>} : memref<64x256xf32, #tpu.memory_space<vmem>>, vector<16xf32>,
            tpu.vector_store %arg6[%swap3A_458, %swap3A_459], %gather3A_456 {strides = array<i32>} : memref<64x256xf32, #tpu.memory_space<vmem>>, vector<16xf32>,
            %broadcast_in_dim3A_461 = arith.constant 47 : i32
            %broadcast_in_dim3A_462 = vector.broadcast %broadcast_in_dim3A_461 : i32 to vector<16xi32>
            %gather3A_463 = tpu.vector_load_idx %arg4[%broadcast_in_dim3A_462, %add3A_134] : memref<64x512xf32, #tpu.memory_space<vmem>>[vector<16xi32>, vector<16xi32>], vector<16xf32>,
            %swap3A_464 = arith.constant 47 : i32
            %swap3A_465 = arith.index_cast %swap3A_464 : i32 to index
            %swap3A_466 = arith.index_cast %multiple_of3A_131 : i32 to index
            %swap3A_467 = tpu.vector_load %arg6[%swap3A_465, %swap3A_466] {strides = array<i32>} : memref<64x256xf32, #tpu.memory_space<vmem>>, vector<16xf32>,
            tpu.vector_store %arg6[%swap3A_465, %swap3A_466], %gather3A_463 {strides = array<i32>} : memref<64x256xf32, #tpu.memory_space<vmem>>, vector<16xf32>,
            %broadcast_in_dim3A_468 = arith.constant 48 : i32
            %broadcast_in_dim3A_469 = vector.broadcast %broadcast_in_dim3A_468 : i32 to vector<16xi32>
            %gather3A_470 = tpu.vector_load_idx %arg4[%broadcast_in_dim3A_469, %add3A_134] : memref<64x512xf32, #tpu.memory_space<vmem>>[vector<16xi32>, vector<16xi32>], vector<16xf32>,
            %swap3A_471 = arith.constant 48 : i32
            %swap3A_472 = arith.index_cast %swap3A_471 : i32 to index
            %swap3A_473 = arith.index_cast %multiple_of3A_131 : i32 to index
            %swap3A_474 = tpu.vector_load %arg6[%swap3A_472, %swap3A_473] {strides = array<i32>} : memref<64x256xf32, #tpu.memory_space<vmem>>, vector<16xf32>,
            tpu.vector_store %arg6[%swap3A_472, %swap3A_473], %gather3A_470 {strides = array<i32>} : memref<64x256xf32, #tpu.memory_space<vmem>>, vector<16xf32>,
            %broadcast_in_dim3A_475 = arith.constant 49 : i32
            %broadcast_in_dim3A_476 = vector.broadcast %broadcast_in_dim3A_475 : i32 to vector<16xi32>
            %gather3A_477 = tpu.vector_load_idx %arg4[%broadcast_in_dim3A_476, %add3A_134] : memref<64x512xf32, #tpu.memory_space<vmem>>[vector<16xi32>, vector<16xi32>], vector<16xf32>,
            %swap3A_478 = arith.constant 49 : i32
            %swap3A_479 = arith.index_cast %swap3A_478 : i32 to index
            %swap3A_480 = arith.index_cast %multiple_of3A_131 : i32 to index
            %swap3A_481 = tpu.vector_load %arg6[%swap3A_479, %swap3A_480] {strides = array<i32>} : memref<64x256xf32, #tpu.memory_space<vmem>>, vector<16xf32>,
            tpu.vector_store %arg6[%swap3A_479, %swap3A_480], %gather3A_477 {strides = array<i32>} : memref<64x256xf32, #tpu.memory_space<vmem>>, vector<16xf32>,
            %broadcast_in_dim3A_482 = arith.constant 50 : i32
            %broadcast_in_dim3A_483 = vector.broadcast %broadcast_in_dim3A_482 : i32 to vector<16xi32>
            %gather3A_484 = tpu.vector_load_idx %arg4[%broadcast_in_dim3A_483, %add3A_134] : memref<64x512xf32, #tpu.memory_space<vmem>>[vector<16xi32>, vector<16xi32>], vector<16xf32>,
            %swap3A_485 = arith.constant 50 : i32
            %swap3A_486 = arith.index_cast %swap3A_485 : i32 to index
            %swap3A_487 = arith.index_cast %multiple_of3A_131 : i32 to index
            %swap3A_488 = tpu.vector_load %arg6[%swap3A_486, %swap3A_487] {strides = array<i32>} : memref<64x256xf32, #tpu.memory_space<vmem>>, vector<16xf32>,
            tpu.vector_store %arg6[%swap3A_486, %swap3A_487], %gather3A_484 {strides = array<i32>} : memref<64x256xf32, #tpu.memory_space<vmem>>, vector<16xf32>,
            %broadcast_in_dim3A_489 = arith.constant 51 : i32
            %broadcast_in_dim3A_490 = vector.broadcast %broadcast_in_dim3A_489 : i32 to vector<16xi32>
            %gather3A_491 = tpu.vector_load_idx %arg4[%broadcast_in_dim3A_490, %add3A_134] : memref<64x512xf32, #tpu.memory_space<vmem>>[vector<16xi32>, vector<16xi32>], vector<16xf32>,
            %swap3A_492 = arith.constant 51 : i32
            %swap3A_493 = arith.index_cast %swap3A_492 : i32 to index
            %swap3A_494 = arith.index_cast %multiple_of3A_131 : i32 to index
            %swap3A_495 = tpu.vector_load %arg6[%swap3A_493, %swap3A_494] {strides = array<i32>} : memref<64x256xf32, #tpu.memory_space<vmem>>, vector<16xf32>,
            tpu.vector_store %arg6[%swap3A_493, %swap3A_494], %gather3A_491 {strides = array<i32>} : memref<64x256xf32, #tpu.memory_space<vmem>>, vector<16xf32>,
            %broadcast_in_dim3A_496 = arith.constant 52 : i32
            %broadcast_in_dim3A_497 = vector.broadcast %broadcast_in_dim3A_496 : i32 to vector<16xi32>
            %gather3A_498 = tpu.vector_load_idx %arg4[%broadcast_in_dim3A_497, %add3A_134] : memref<64x512xf32, #tpu.memory_space<vmem>>[vector<16xi32>, vector<16xi32>], vector<16xf32>,
            %swap3A_499 = arith.constant 52 : i32
            %swap3A_500 = arith.index_cast %swap3A_499 : i32 to index
            %swap3A_501 = arith.index_cast %multiple_of3A_131 : i32 to index
            %swap3A_502 = tpu.vector_load %arg6[%swap3A_500, %swap3A_501] {strides = array<i32>} : memref<64x256xf32, #tpu.memory_space<vmem>>, vector<16xf32>,
            tpu.vector_store %arg6[%swap3A_500, %swap3A_501], %gather3A_498 {strides = array<i32>} : memref<64x256xf32, #tpu.memory_space<vmem>>, vector<16xf32>,
            %broadcast_in_dim3A_503 = arith.constant 53 : i32
            %broadcast_in_dim3A_504 = vector.broadcast %broadcast_in_dim3A_503 : i32 to vector<16xi32>
            %gather3A_505 = tpu.vector_load_idx %arg4[%broadcast_in_dim3A_504, %add3A_134] : memref<64x512xf32, #tpu.memory_space<vmem>>[vector<16xi32>, vector<16xi32>], vector<16xf32>,
            %swap3A_506 = arith.constant 53 : i32
            %swap3A_507 = arith.index_cast %swap3A_506 : i32 to index
            %swap3A_508 = arith.index_cast %multiple_of3A_131 : i32 to index
            %swap3A_509 = tpu.vector_load %arg6[%swap3A_507, %swap3A_508] {strides = array<i32>} : memref<64x256xf32, #tpu.memory_space<vmem>>, vector<16xf32>,
            tpu.vector_store %arg6[%swap3A_507, %swap3A_508], %gather3A_505 {strides = array<i32>} : memref<64x256xf32, #tpu.memory_space<vmem>>, vector<16xf32>,
            %broadcast_in_dim3A_510 = arith.constant 54 : i32
            %broadcast_in_dim3A_511 = vector.broadcast %broadcast_in_dim3A_510 : i32 to vector<16xi32>
            %gather3A_512 = tpu.vector_load_idx %arg4[%broadcast_in_dim3A_511, %add3A_134] : memref<64x512xf32, #tpu.memory_space<vmem>>[vector<16xi32>, vector<16xi32>], vector<16xf32>,
            %swap3A_513 = arith.constant 54 : i32
            %swap3A_514 = arith.index_cast %swap3A_513 : i32 to index
            %swap3A_515 = arith.index_cast %multiple_of3A_131 : i32 to index
            %swap3A_516 = tpu.vector_load %arg6[%swap3A_514, %swap3A_515] {strides = array<i32>} : memref<64x256xf32, #tpu.memory_space<vmem>>, vector<16xf32>,
            tpu.vector_store %arg6[%swap3A_514, %swap3A_515], %gather3A_512 {strides = array<i32>} : memref<64x256xf32, #tpu.memory_space<vmem>>, vector<16xf32>,
            %broadcast_in_dim3A_517 = arith.constant 55 : i32
            %broadcast_in_dim3A_518 = vector.broadcast %broadcast_in_dim3A_517 : i32 to vector<16xi32>
            %gather3A_519 = tpu.vector_load_idx %arg4[%broadcast_in_dim3A_518, %add3A_134] : memref<64x512xf32, #tpu.memory_space<vmem>>[vector<16xi32>, vector<16xi32>], vector<16xf32>,
            %swap3A_520 = arith.constant 55 : i32
            %swap3A_521 = arith.index_cast %swap3A_520 : i32 to index
            %swap3A_522 = arith.index_cast %multiple_of3A_131 : i32 to index
            %swap3A_523 = tpu.vector_load %arg6[%swap3A_521, %swap3A_522] {strides = array<i32>} : memref<64x256xf32, #tpu.memory_space<vmem>>, vector<16xf32>,
            tpu.vector_store %arg6[%swap3A_521, %swap3A_522], %gather3A_519 {strides = array<i32>} : memref<64x256xf32, #tpu.memory_space<vmem>>, vector<16xf32>,
            %broadcast_in_dim3A_524 = arith.constant 56 : i32
            %broadcast_in_dim3A_525 = vector.broadcast %broadcast_in_dim3A_524 : i32 to vector<16xi32>
            %gather3A_526 = tpu.vector_load_idx %arg4[%broadcast_in_dim3A_525, %add3A_134] : memref<64x512xf32, #tpu.memory_space<vmem>>[vector<16xi32>, vector<16xi32>], vector<16xf32>,
            %swap3A_527 = arith.constant 56 : i32
            %swap3A_528 = arith.index_cast %swap3A_527 : i32 to index
            %swap3A_529 = arith.index_cast %multiple_of3A_131 : i32 to index
            %swap3A_530 = tpu.vector_load %arg6[%swap3A_528, %swap3A_529] {strides = array<i32>} : memref<64x256xf32, #tpu.memory_space<vmem>>, vector<16xf32>,
            tpu.vector_store %arg6[%swap3A_528, %swap3A_529], %gather3A_526 {strides = array<i32>} : memref<64x256xf32, #tpu.memory_space<vmem>>, vector<16xf32>,
            %broadcast_in_dim3A_531 = arith.constant 57 : i32
            %broadcast_in_dim3A_532 = vector.broadcast %broadcast_in_dim3A_531 : i32 to vector<16xi32>
            %gather3A_533 = tpu.vector_load_idx %arg4[%broadcast_in_dim3A_532, %add3A_134] : memref<64x512xf32, #tpu.memory_space<vmem>>[vector<16xi32>, vector<16xi32>], vector<16xf32>,
            %swap3A_534 = arith.constant 57 : i32
            %swap3A_535 = arith.index_cast %swap3A_534 : i32 to index
            %swap3A_536 = arith.index_cast %multiple_of3A_131 : i32 to index
            %swap3A_537 = tpu.vector_load %arg6[%swap3A_535, %swap3A_536] {strides = array<i32>} : memref<64x256xf32, #tpu.memory_space<vmem>>, vector<16xf32>,
            tpu.vector_store %arg6[%swap3A_535, %swap3A_536], %gather3A_533 {strides = array<i32>} : memref<64x256xf32, #tpu.memory_space<vmem>>, vector<16xf32>,
            %broadcast_in_dim3A_538 = arith.constant 58 : i32
            %broadcast_in_dim3A_539 = vector.broadcast %broadcast_in_dim3A_538 : i32 to vector<16xi32>
            %gather3A_540 = tpu.vector_load_idx %arg4[%broadcast_in_dim3A_539, %add3A_134] : memref<64x512xf32, #tpu.memory_space<vmem>>[vector<16xi32>, vector<16xi32>], vector<16xf32>,
            %swap3A_541 = arith.constant 58 : i32
            %swap3A_542 = arith.index_cast %swap3A_541 : i32 to index
            %swap3A_543 = arith.index_cast %multiple_of3A_131 : i32 to index
            %swap3A_544 = tpu.vector_load %arg6[%swap3A_542, %swap3A_543] {strides = array<i32>} : memref<64x256xf32, #tpu.memory_space<vmem>>, vector<16xf32>,
            tpu.vector_store %arg6[%swap3A_542, %swap3A_543], %gather3A_540 {strides = array<i32>} : memref<64x256xf32, #tpu.memory_space<vmem>>, vector<16xf32>,
            %broadcast_in_dim3A_545 = arith.constant 59 : i32
            %broadcast_in_dim3A_546 = vector.broadcast %broadcast_in_dim3A_545 : i32 to vector<16xi32>
            %gather3A_547 = tpu.vector_load_idx %arg4[%broadcast_in_dim3A_546, %add3A_134] : memref<64x512xf32, #tpu.memory_space<vmem>>[vector<16xi32>, vector<16xi32>], vector<16xf32>,
            %swap3A_548 = arith.constant 59 : i32
            %swap3A_549 = arith.index_cast %swap3A_548 : i32 to index
            %swap3A_550 = arith.index_cast %multiple_of3A_131 : i32 to index
            %swap3A_551 = tpu.vector_load %arg6[%swap3A_549, %swap3A_550] {strides = array<i32>} : memref<64x256xf32, #tpu.memory_space<vmem>>, vector<16xf32>,
            tpu.vector_store %arg6[%swap3A_549, %swap3A_550], %gather3A_547 {strides = array<i32>} : memref<64x256xf32, #tpu.memory_space<vmem>>, vector<16xf32>,
            %broadcast_in_dim3A_552 = arith.constant 60 : i32
            %broadcast_in_dim3A_553 = vector.broadcast %broadcast_in_dim3A_552 : i32 to vector<16xi32>
            %gather3A_554 = tpu.vector_load_idx %arg4[%broadcast_in_dim3A_553, %add3A_134] : memref<64x512xf32, #tpu.memory_space<vmem>>[vector<16xi32>, vector<16xi32>], vector<16xf32>,
            %swap3A_555 = arith.constant 60 : i32
            %swap3A_556 = arith.index_cast %swap3A_555 : i32 to index
            %swap3A_557 = arith.index_cast %multiple_of3A_131 : i32 to index
            %swap3A_558 = tpu.vector_load %arg6[%swap3A_556, %swap3A_557] {strides = array<i32>} : memref<64x256xf32, #tpu.memory_space<vmem>>, vector<16xf32>,
            tpu.vector_store %arg6[%swap3A_556, %swap3A_557], %gather3A_554 {strides = array<i32>} : memref<64x256xf32, #tpu.memory_space<vmem>>, vector<16xf32>,
            %broadcast_in_dim3A_559 = arith.constant 61 : i32
            %broadcast_in_dim3A_560 = vector.broadcast %broadcast_in_dim3A_559 : i32 to vector<16xi32>
            %gather3A_561 = tpu.vector_load_idx %arg4[%broadcast_in_dim3A_560, %add3A_134] : memref<64x512xf32, #tpu.memory_space<vmem>>[vector<16xi32>, vector<16xi32>], vector<16xf32>,
            %swap3A_562 = arith.constant 61 : i32
            %swap3A_563 = arith.index_cast %swap3A_562 : i32 to index
            %swap3A_564 = arith.index_cast %multiple_of3A_131 : i32 to index
            %swap3A_565 = tpu.vector_load %arg6[%swap3A_563, %swap3A_564] {strides = array<i32>} : memref<64x256xf32, #tpu.memory_space<vmem>>, vector<16xf32>,
            tpu.vector_store %arg6[%swap3A_563, %swap3A_564], %gather3A_561 {strides = array<i32>} : memref<64x256xf32, #tpu.memory_space<vmem>>, vector<16xf32>,
            %broadcast_in_dim3A_566 = arith.constant 62 : i32
            %broadcast_in_dim3A_567 = vector.broadcast %broadcast_in_dim3A_566 : i32 to vector<16xi32>
            %gather3A_568 = tpu.vector_load_idx %arg4[%broadcast_in_dim3A_567, %add3A_134] : memref<64x512xf32, #tpu.memory_space<vmem>>[vector<16xi32>, vector<16xi32>], vector<16xf32>,
            %swap3A_569 = arith.constant 62 : i32
            %swap3A_570 = arith.index_cast %swap3A_569 : i32 to index
            %swap3A_571 = arith.index_cast %multiple_of3A_131 : i32 to index
            %swap3A_572 = tpu.vector_load %arg6[%swap3A_570, %swap3A_571] {strides = array<i32>} : memref<64x256xf32, #tpu.memory_space<vmem>>, vector<16xf32>,
            tpu.vector_store %arg6[%swap3A_570, %swap3A_571], %gather3A_568 {strides = array<i32>} : memref<64x256xf32, #tpu.memory_space<vmem>>, vector<16xf32>,
            %broadcast_in_dim3A_573 = arith.constant 63 : i32
            %broadcast_in_dim3A_574 = vector.broadcast %broadcast_in_dim3A_573 : i32 to vector<16xi32>
            %gather3A_575 = tpu.vector_load_idx %arg4[%broadcast_in_dim3A_574, %add3A_134] : memref<64x512xf32, #tpu.memory_space<vmem>>[vector<16xi32>, vector<16xi32>], vector<16xf32>,
            %swap3A_576 = arith.constant 63 : i32
            %swap3A_577 = arith.index_cast %swap3A_576 : i32 to index
            %swap3A_578 = arith.index_cast %multiple_of3A_131 : i32 to index
            %swap3A_579 = tpu.vector_load %arg6[%swap3A_577, %swap3A_578] {strides = array<i32>} : memref<64x256xf32, #tpu.memory_space<vmem>>, vector<16xf32>,
            tpu.vector_store %arg6[%swap3A_577, %swap3A_578], %gather3A_575 {strides = array<i32>} : memref<64x256xf32, #tpu.memory_space<vmem>>, vector<16xf32>,
            %scan3A_580 = arith.constant 0 : i32
            scf.yield %scan3A_580 : i32
          }
          %scan3A_120 = arith.constant 16 : i32
          %add3A_121 = arith.addi %mul3A_2, %while3A_89 : i32
          %dma_start3A = arith.constant 0 : i32
          %dma_start3A_122 = tpu.memref_slice %arg3[%add3A_121, %dma_start3A, %multiple_of3A] : memref<2048x64x2048xf32, #tpu.memory_space<hbm>> -> memref<1x64x256xf32, #tpu.memory_space<hbm>>
          %dma_start3A_123 = tpu.memref_squeeze %dma_start3A_122 : memref<1x64x256xf32, #tpu.memory_space<hbm>> -> memref<64x256xf32, #tpu.memory_space<hbm>>
          %dma_start3A_124 = arith.constant 0 : i32
          %dma_start3A_125 = tpu.memref_slice %arg3[%add3A_121, %dma_start3A_124, %multiple_of3A] : memref<2048x64x2048xf32, #tpu.memory_space<hbm>> -> memref<1x64x256xf32, #tpu.memory_space<hbm>>
          %dma_start3A_126 = tpu.memref_squeeze %dma_start3A_125 : memref<1x64x256xf32, #tpu.memory_space<hbm>> -> memref<64x256xf32, #tpu.memory_space<hbm>>
          tpu.enqueue_dma source(%arg6 : memref<64x256xf32, #tpu.memory_space<vmem>>) target(%dma_start3A_126 : memref<64x256xf32, #tpu.memory_space<hbm>>) target_semaphore(%arg10 : memref<!tpu.dma_semaphore, #tpu.memory_space<semaphore_mem>>)
        } else {
        }
        %while3A_105 = arith.constant 0 : i32
        scf.yield %while3A_105 : i32
      }
      %while3A_51 = arith.constant 1 : i32
      %while3A_52 = scf.for %while3A_89 = %while3A_48 to %while3A_44 step %while3A_51 iter_args(%while3A_90 = %while3A_50) -> (i32)  : i32 {
        %sub3A_91 = arith.subi %while3A_89, %min3A : i32
        %rem3A_92 = arith.constant 2 : i32
        %rem3A_93 = arith.remsi %sub3A_91, %rem3A_92 : i32
        %eq3A = arith.constant 0 : i32
        %eq3A_94 = arith.cmpi eq, %rem3A_93, %eq3A : i32
        %convert_element_type3A_95 = arith.extui %eq3A_94 : i1 to i32
        %cond3A_96 = arith.constant 0 : i32
        %cond3A_97 = arith.cmpi ne, %convert_element_type3A_95, %cond3A_96 : i32
        scf.if %cond3A_97 {
          %ge3A_106 = arith.constant 2 : i32
          %ge3A_107 = arith.cmpi sge, %sub3A_91, %ge3A_106 : i32
          %convert_element_type3A_108 = arith.extui %ge3A_107 : i1 to i32
          %cond3A_109 = arith.constant 0 : i32
          %cond3A_110 = arith.cmpi ne, %convert_element_type3A_108, %cond3A_109 : i32
          scf.if %cond3A_110 {
            %dma_wait3A = arith.constant 0 : i32
            %dma_wait3A_127 = tpu.memref_slice %arg3[%mul3A_2, %dma_wait3A, %multiple_of3A] : memref<2048x64x2048xf32, #tpu.memory_space<hbm>> -> memref<1x64x256xf32, #tpu.memory_space<hbm>>
            %dma_wait3A_128 = tpu.memref_squeeze %dma_wait3A_127 : memref<1x64x256xf32, #tpu.memory_space<hbm>> -> memref<64x256xf32, #tpu.memory_space<hbm>>
            %dma_wait3A_129 = arith.constant 0 : i32
            %dma_wait3A_130 = tpu.memref_slice %arg3[%mul3A_2, %dma_wait3A_129, %multiple_of3A] : memref<2048x64x2048xf32, #tpu.memory_space<hbm>> -> memref<1x64x256xf32, #tpu.memory_space<hbm>>
            %dma_wait3A_131 = tpu.memref_squeeze %dma_wait3A_130 : memref<1x64x256xf32, #tpu.memory_space<hbm>> -> memref<64x256xf32, #tpu.memory_space<hbm>>
            tpu.wait_dma2 semaphore(%arg9 : memref<!tpu.dma_semaphore, #tpu.memory_space<semaphore_mem>>) src(%arg5 : memref<64x256xf32, #tpu.memory_space<vmem>>) dst(%dma_wait3A_131 : memref<64x256xf32, #tpu.memory_space<hbm>>)
          } else {
          }
          %add3A_111 = arith.constant 63 : i32
          %add3A_112 = arith.addi %rem3A_30, %add3A_111 : i32
          %sub3A_113 = arith.subi %add3A_112, %while3A_89 : i32
          %scan3A_114 = arith.constant 0 : i32
          %scan3A_115 = arith.constant 0 : i32
          %scan3A_116 = arith.constant 16 : i32
          %scan3A_117 = arith.addi %scan3A_115, %scan3A_116 : i32
          %scan3A_118 = arith.constant 1 : i32
          %scan3A_119 = scf.for %scan3A_127 = %scan3A_115 to %scan3A_117 step %scan3A_118 iter_args(%scan3A_128 = %scan3A_114) -> (i32)  : i32 {
            %mul3A_129 = arith.constant 16 : i32
            %mul3A_130 = arith.muli %scan3A_127, %mul3A_129 : i32
            %multiple_of3A_131 = tpu.assume_multiple %mul3A_130, 16 : i32
            %add3A_132 = arith.addi %sub3A_113, %multiple_of3A_131 : i32
            %add3A_133 = vector.broadcast %add3A_132 : i32 to vector<16xi32>
            %add3A_134 = arith.addi %add3A_133, %iota3A : vector<16xi32>
            %broadcast_in_dim3A = arith.constant 0 : i32
            %broadcast_in_dim3A_135 = vector.broadcast %broadcast_in_dim3A : i32 to vector<16xi32>
            %gather3A = tpu.vector_load_idx %arg4[%broadcast_in_dim3A_135, %add3A_134] : memref<64x512xf32, #tpu.memory_space<vmem>>[vector<16xi32>, vector<16xi32>], vector<16xf32>,
            %swap3A = arith.constant 0 : i32
            %swap3A_136 = arith.index_cast %swap3A : i32 to index
            %swap3A_137 = arith.index_cast %multiple_of3A_131 : i32 to index
            %swap3A_138 = tpu.vector_load %arg5[%swap3A_136, %swap3A_137] {strides = array<i32>} : memref<64x256xf32, #tpu.memory_space<vmem>>, vector<16xf32>,
            tpu.vector_store %arg5[%swap3A_136, %swap3A_137], %gather3A {strides = array<i32>} : memref<64x256xf32, #tpu.memory_space<vmem>>, vector<16xf32>,
            %broadcast_in_dim3A_139 = arith.constant 1 : i32
            %broadcast_in_dim3A_140 = vector.broadcast %broadcast_in_dim3A_139 : i32 to vector<16xi32>
            %gather3A_141 = tpu.vector_load_idx %arg4[%broadcast_in_dim3A_140, %add3A_134] : memref<64x512xf32, #tpu.memory_space<vmem>>[vector<16xi32>, vector<16xi32>], vector<16xf32>,
            %swap3A_142 = arith.constant 1 : i32
            %swap3A_143 = arith.index_cast %swap3A_142 : i32 to index
            %swap3A_144 = arith.index_cast %multiple_of3A_131 : i32 to index
            %swap3A_145 = tpu.vector_load %arg5[%swap3A_143, %swap3A_144] {strides = array<i32>} : memref<64x256xf32, #tpu.memory_space<vmem>>, vector<16xf32>,
            tpu.vector_store %arg5[%swap3A_143, %swap3A_144], %gather3A_141 {strides = array<i32>} : memref<64x256xf32, #tpu.memory_space<vmem>>, vector<16xf32>,
            %broadcast_in_dim3A_146 = arith.constant 2 : i32
            %broadcast_in_dim3A_147 = vector.broadcast %broadcast_in_dim3A_146 : i32 to vector<16xi32>
            %gather3A_148 = tpu.vector_load_idx %arg4[%broadcast_in_dim3A_147, %add3A_134] : memref<64x512xf32, #tpu.memory_space<vmem>>[vector<16xi32>, vector<16xi32>], vector<16xf32>,
            %swap3A_149 = arith.constant 2 : i32
            %swap3A_150 = arith.index_cast %swap3A_149 : i32 to index
            %swap3A_151 = arith.index_cast %multiple_of3A_131 : i32 to index
            %swap3A_152 = tpu.vector_load %arg5[%swap3A_150, %swap3A_151] {strides = array<i32>} : memref<64x256xf32, #tpu.memory_space<vmem>>, vector<16xf32>,
            tpu.vector_store %arg5[%swap3A_150, %swap3A_151], %gather3A_148 {strides = array<i32>} : memref<64x256xf32, #tpu.memory_space<vmem>>, vector<16xf32>,
            %broadcast_in_dim3A_153 = arith.constant 3 : i32
            %broadcast_in_dim3A_154 = vector.broadcast %broadcast_in_dim3A_153 : i32 to vector<16xi32>
            %gather3A_155 = tpu.vector_load_idx %arg4[%broadcast_in_dim3A_154, %add3A_134] : memref<64x512xf32, #tpu.memory_space<vmem>>[vector<16xi32>, vector<16xi32>], vector<16xf32>,
            %swap3A_156 = arith.constant 3 : i32
            %swap3A_157 = arith.index_cast %swap3A_156 : i32 to index
            %swap3A_158 = arith.index_cast %multiple_of3A_131 : i32 to index
            %swap3A_159 = tpu.vector_load %arg5[%swap3A_157, %swap3A_158] {strides = array<i32>} : memref<64x256xf32, #tpu.memory_space<vmem>>, vector<16xf32>,
            tpu.vector_store %arg5[%swap3A_157, %swap3A_158], %gather3A_155 {strides = array<i32>} : memref<64x256xf32, #tpu.memory_space<vmem>>, vector<16xf32>,
            %broadcast_in_dim3A_160 = arith.constant 4 : i32
            %broadcast_in_dim3A_161 = vector.broadcast %broadcast_in_dim3A_160 : i32 to vector<16xi32>
            %gather3A_162 = tpu.vector_load_idx %arg4[%broadcast_in_dim3A_161, %add3A_134] : memref<64x512xf32, #tpu.memory_space<vmem>>[vector<16xi32>, vector<16xi32>], vector<16xf32>,
            %swap3A_163 = arith.constant 4 : i32
            %swap3A_164 = arith.index_cast %swap3A_163 : i32 to index
            %swap3A_165 = arith.index_cast %multiple_of3A_131 : i32 to index
            %swap3A_166 = tpu.vector_load %arg5[%swap3A_164, %swap3A_165] {strides = array<i32>} : memref<64x256xf32, #tpu.memory_space<vmem>>, vector<16xf32>,
            tpu.vector_store %arg5[%swap3A_164, %swap3A_165], %gather3A_162 {strides = array<i32>} : memref<64x256xf32, #tpu.memory_space<vmem>>, vector<16xf32>,
            %broadcast_in_dim3A_167 = arith.constant 5 : i32
            %broadcast_in_dim3A_168 = vector.broadcast %broadcast_in_dim3A_167 : i32 to vector<16xi32>
            %gather3A_169 = tpu.vector_load_idx %arg4[%broadcast_in_dim3A_168, %add3A_134] : memref<64x512xf32, #tpu.memory_space<vmem>>[vector<16xi32>, vector<16xi32>], vector<16xf32>,
            %swap3A_170 = arith.constant 5 : i32
            %swap3A_171 = arith.index_cast %swap3A_170 : i32 to index
            %swap3A_172 = arith.index_cast %multiple_of3A_131 : i32 to index
            %swap3A_173 = tpu.vector_load %arg5[%swap3A_171, %swap3A_172] {strides = array<i32>} : memref<64x256xf32, #tpu.memory_space<vmem>>, vector<16xf32>,
            tpu.vector_store %arg5[%swap3A_171, %swap3A_172], %gather3A_169 {strides = array<i32>} : memref<64x256xf32, #tpu.memory_space<vmem>>, vector<16xf32>,
            %broadcast_in_dim3A_174 = arith.constant 6 : i32
            %broadcast_in_dim3A_175 = vector.broadcast %broadcast_in_dim3A_174 : i32 to vector<16xi32>
            %gather3A_176 = tpu.vector_load_idx %arg4[%broadcast_in_dim3A_175, %add3A_134] : memref<64x512xf32, #tpu.memory_space<vmem>>[vector<16xi32>, vector<16xi32>], vector<16xf32>,
            %swap3A_177 = arith.constant 6 : i32
            %swap3A_178 = arith.index_cast %swap3A_177 : i32 to index
            %swap3A_179 = arith.index_cast %multiple_of3A_131 : i32 to index
            %swap3A_180 = tpu.vector_load %arg5[%swap3A_178, %swap3A_179] {strides = array<i32>} : memref<64x256xf32, #tpu.memory_space<vmem>>, vector<16xf32>,
            tpu.vector_store %arg5[%swap3A_178, %swap3A_179], %gather3A_176 {strides = array<i32>} : memref<64x256xf32, #tpu.memory_space<vmem>>, vector<16xf32>,
            %broadcast_in_dim3A_181 = arith.constant 7 : i32
            %broadcast_in_dim3A_182 = vector.broadcast %broadcast_in_dim3A_181 : i32 to vector<16xi32>
            %gather3A_183 = tpu.vector_load_idx %arg4[%broadcast_in_dim3A_182, %add3A_134] : memref<64x512xf32, #tpu.memory_space<vmem>>[vector<16xi32>, vector<16xi32>], vector<16xf32>,
            %swap3A_184 = arith.constant 7 : i32
            %swap3A_185 = arith.index_cast %swap3A_184 : i32 to index
            %swap3A_186 = arith.index_cast %multiple_of3A_131 : i32 to index
            %swap3A_187 = tpu.vector_load %arg5[%swap3A_185, %swap3A_186] {strides = array<i32>} : memref<64x256xf32, #tpu.memory_space<vmem>>, vector<16xf32>,
            tpu.vector_store %arg5[%swap3A_185, %swap3A_186], %gather3A_183 {strides = array<i32>} : memref<64x256xf32, #tpu.memory_space<vmem>>, vector<16xf32>,
            %broadcast_in_dim3A_188 = arith.constant 8 : i32
            %broadcast_in_dim3A_189 = vector.broadcast %broadcast_in_dim3A_188 : i32 to vector<16xi32>
            %gather3A_190 = tpu.vector_load_idx %arg4[%broadcast_in_dim3A_189, %add3A_134] : memref<64x512xf32, #tpu.memory_space<vmem>>[vector<16xi32>, vector<16xi32>], vector<16xf32>,
            %swap3A_191 = arith.constant 8 : i32
            %swap3A_192 = arith.index_cast %swap3A_191 : i32 to index
            %swap3A_193 = arith.index_cast %multiple_of3A_131 : i32 to index
            %swap3A_194 = tpu.vector_load %arg5[%swap3A_192, %swap3A_193] {strides = array<i32>} : memref<64x256xf32, #tpu.memory_space<vmem>>, vector<16xf32>,
            tpu.vector_store %arg5[%swap3A_192, %swap3A_193], %gather3A_190 {strides = array<i32>} : memref<64x256xf32, #tpu.memory_space<vmem>>, vector<16xf32>,
            %broadcast_in_dim3A_195 = arith.constant 9 : i32
            %broadcast_in_dim3A_196 = vector.broadcast %broadcast_in_dim3A_195 : i32 to vector<16xi32>
            %gather3A_197 = tpu.vector_load_idx %arg4[%broadcast_in_dim3A_196, %add3A_134] : memref<64x512xf32, #tpu.memory_space<vmem>>[vector<16xi32>, vector<16xi32>], vector<16xf32>,
            %swap3A_198 = arith.constant 9 : i32
            %swap3A_199 = arith.index_cast %swap3A_198 : i32 to index
            %swap3A_200 = arith.index_cast %multiple_of3A_131 : i32 to index
            %swap3A_201 = tpu.vector_load %arg5[%swap3A_199, %swap3A_200] {strides = array<i32>} : memref<64x256xf32, #tpu.memory_space<vmem>>, vector<16xf32>,
            tpu.vector_store %arg5[%swap3A_199, %swap3A_200], %gather3A_197 {strides = array<i32>} : memref<64x256xf32, #tpu.memory_space<vmem>>, vector<16xf32>,
            %broadcast_in_dim3A_202 = arith.constant 10 : i32
            %broadcast_in_dim3A_203 = vector.broadcast %broadcast_in_dim3A_202 : i32 to vector<16xi32>
            %gather3A_204 = tpu.vector_load_idx %arg4[%broadcast_in_dim3A_203, %add3A_134] : memref<64x512xf32, #tpu.memory_space<vmem>>[vector<16xi32>, vector<16xi32>], vector<16xf32>,
            %swap3A_205 = arith.constant 10 : i32
            %swap3A_206 = arith.index_cast %swap3A_205 : i32 to index
            %swap3A_207 = arith.index_cast %multiple_of3A_131 : i32 to index
            %swap3A_208 = tpu.vector_load %arg5[%swap3A_206, %swap3A_207] {strides = array<i32>} : memref<64x256xf32, #tpu.memory_space<vmem>>, vector<16xf32>,
            tpu.vector_store %arg5[%swap3A_206, %swap3A_207], %gather3A_204 {strides = array<i32>} : memref<64x256xf32, #tpu.memory_space<vmem>>, vector<16xf32>,
            %broadcast_in_dim3A_209 = arith.constant 11 : i32
            %broadcast_in_dim3A_210 = vector.broadcast %broadcast_in_dim3A_209 : i32 to vector<16xi32>
            %gather3A_211 = tpu.vector_load_idx %arg4[%broadcast_in_dim3A_210, %add3A_134] : memref<64x512xf32, #tpu.memory_space<vmem>>[vector<16xi32>, vector<16xi32>], vector<16xf32>,
            %swap3A_212 = arith.constant 11 : i32
            %swap3A_213 = arith.index_cast %swap3A_212 : i32 to index
            %swap3A_214 = arith.index_cast %multiple_of3A_131 : i32 to index
            %swap3A_215 = tpu.vector_load %arg5[%swap3A_213, %swap3A_214] {strides = array<i32>} : memref<64x256xf32, #tpu.memory_space<vmem>>, vector<16xf32>,
            tpu.vector_store %arg5[%swap3A_213, %swap3A_214], %gather3A_211 {strides = array<i32>} : memref<64x256xf32, #tpu.memory_space<vmem>>, vector<16xf32>,
            %broadcast_in_dim3A_216 = arith.constant 12 : i32
            %broadcast_in_dim3A_217 = vector.broadcast %broadcast_in_dim3A_216 : i32 to vector<16xi32>
            %gather3A_218 = tpu.vector_load_idx %arg4[%broadcast_in_dim3A_217, %add3A_134] : memref<64x512xf32, #tpu.memory_space<vmem>>[vector<16xi32>, vector<16xi32>], vector<16xf32>,
            %swap3A_219 = arith.constant 12 : i32
            %swap3A_220 = arith.index_cast %swap3A_219 : i32 to index
            %swap3A_221 = arith.index_cast %multiple_of3A_131 : i32 to index
            %swap3A_222 = tpu.vector_load %arg5[%swap3A_220, %swap3A_221] {strides = array<i32>} : memref<64x256xf32, #tpu.memory_space<vmem>>, vector<16xf32>,
            tpu.vector_store %arg5[%swap3A_220, %swap3A_221], %gather3A_218 {strides = array<i32>} : memref<64x256xf32, #tpu.memory_space<vmem>>, vector<16xf32>,
            %broadcast_in_dim3A_223 = arith.constant 13 : i32
            %broadcast_in_dim3A_224 = vector.broadcast %broadcast_in_dim3A_223 : i32 to vector<16xi32>
            %gather3A_225 = tpu.vector_load_idx %arg4[%broadcast_in_dim3A_224, %add3A_134] : memref<64x512xf32, #tpu.memory_space<vmem>>[vector<16xi32>, vector<16xi32>], vector<16xf32>,
            %swap3A_226 = arith.constant 13 : i32
            %swap3A_227 = arith.index_cast %swap3A_226 : i32 to index
            %swap3A_228 = arith.index_cast %multiple_of3A_131 : i32 to index
            %swap3A_229 = tpu.vector_load %arg5[%swap3A_227, %swap3A_228] {strides = array<i32>} : memref<64x256xf32, #tpu.memory_space<vmem>>, vector<16xf32>,
            tpu.vector_store %arg5[%swap3A_227, %swap3A_228], %gather3A_225 {strides = array<i32>} : memref<64x256xf32, #tpu.memory_space<vmem>>, vector<16xf32>,
            %broadcast_in_dim3A_230 = arith.constant 14 : i32
            %broadcast_in_dim3A_231 = vector.broadcast %broadcast_in_dim3A_230 : i32 to vector<16xi32>
            %gather3A_232 = tpu.vector_load_idx %arg4[%broadcast_in_dim3A_231, %add3A_134] : memref<64x512xf32, #tpu.memory_space<vmem>>[vector<16xi32>, vector<16xi32>], vector<16xf32>,
            %swap3A_233 = arith.constant 14 : i32
            %swap3A_234 = arith.index_cast %swap3A_233 : i32 to index
            %swap3A_235 = arith.index_cast %multiple_of3A_131 : i32 to index
            %swap3A_236 = tpu.vector_load %arg5[%swap3A_234, %swap3A_235] {strides = array<i32>} : memref<64x256xf32, #tpu.memory_space<vmem>>, vector<16xf32>,
            tpu.vector_store %arg5[%swap3A_234, %swap3A_235], %gather3A_232 {strides = array<i32>} : memref<64x256xf32, #tpu.memory_space<vmem>>, vector<16xf32>,
            %broadcast_in_dim3A_237 = arith.constant 15 : i32
            %broadcast_in_dim3A_238 = vector.broadcast %broadcast_in_dim3A_237 : i32 to vector<16xi32>
            %gather3A_239 = tpu.vector_load_idx %arg4[%broadcast_in_dim3A_238, %add3A_134] : memref<64x512xf32, #tpu.memory_space<vmem>>[vector<16xi32>, vector<16xi32>], vector<16xf32>,
            %swap3A_240 = arith.constant 15 : i32
            %swap3A_241 = arith.index_cast %swap3A_240 : i32 to index
            %swap3A_242 = arith.index_cast %multiple_of3A_131 : i32 to index
            %swap3A_243 = tpu.vector_load %arg5[%swap3A_241, %swap3A_242] {strides = array<i32>} : memref<64x256xf32, #tpu.memory_space<vmem>>, vector<16xf32>,
            tpu.vector_store %arg5[%swap3A_241, %swap3A_242], %gather3A_239 {strides = array<i32>} : memref<64x256xf32, #tpu.memory_space<vmem>>, vector<16xf32>,
            %broadcast_in_dim3A_244 = arith.constant 16 : i32
            %broadcast_in_dim3A_245 = vector.broadcast %broadcast_in_dim3A_244 : i32 to vector<16xi32>
            %gather3A_246 = tpu.vector_load_idx %arg4[%broadcast_in_dim3A_245, %add3A_134] : memref<64x512xf32, #tpu.memory_space<vmem>>[vector<16xi32>, vector<16xi32>], vector<16xf32>,
            %swap3A_247 = arith.constant 16 : i32
            %swap3A_248 = arith.index_cast %swap3A_247 : i32 to index
            %swap3A_249 = arith.index_cast %multiple_of3A_131 : i32 to index
            %swap3A_250 = tpu.vector_load %arg5[%swap3A_248, %swap3A_249] {strides = array<i32>} : memref<64x256xf32, #tpu.memory_space<vmem>>, vector<16xf32>,
            tpu.vector_store %arg5[%swap3A_248, %swap3A_249], %gather3A_246 {strides = array<i32>} : memref<64x256xf32, #tpu.memory_space<vmem>>, vector<16xf32>,
            %broadcast_in_dim3A_251 = arith.constant 17 : i32
            %broadcast_in_dim3A_252 = vector.broadcast %broadcast_in_dim3A_251 : i32 to vector<16xi32>
            %gather3A_253 = tpu.vector_load_idx %arg4[%broadcast_in_dim3A_252, %add3A_134] : memref<64x512xf32, #tpu.memory_space<vmem>>[vector<16xi32>, vector<16xi32>], vector<16xf32>,
            %swap3A_254 = arith.constant 17 : i32
            %swap3A_255 = arith.index_cast %swap3A_254 : i32 to index
            %swap3A_256 = arith.index_cast %multiple_of3A_131 : i32 to index
            %swap3A_257 = tpu.vector_load %arg5[%swap3A_255, %swap3A_256] {strides = array<i32>} : memref<64x256xf32, #tpu.memory_space<vmem>>, vector<16xf32>,
            tpu.vector_store %arg5[%swap3A_255, %swap3A_256], %gather3A_253 {strides = array<i32>} : memref<64x256xf32, #tpu.memory_space<vmem>>, vector<16xf32>,
            %broadcast_in_dim3A_258 = arith.constant 18 : i32
            %broadcast_in_dim3A_259 = vector.broadcast %broadcast_in_dim3A_258 : i32 to vector<16xi32>
            %gather3A_260 = tpu.vector_load_idx %arg4[%broadcast_in_dim3A_259, %add3A_134] : memref<64x512xf32, #tpu.memory_space<vmem>>[vector<16xi32>, vector<16xi32>], vector<16xf32>,
            %swap3A_261 = arith.constant 18 : i32
            %swap3A_262 = arith.index_cast %swap3A_261 : i32 to index
            %swap3A_263 = arith.index_cast %multiple_of3A_131 : i32 to index
            %swap3A_264 = tpu.vector_load %arg5[%swap3A_262, %swap3A_263] {strides = array<i32>} : memref<64x256xf32, #tpu.memory_space<vmem>>, vector<16xf32>,
            tpu.vector_store %arg5[%swap3A_262, %swap3A_263], %gather3A_260 {strides = array<i32>} : memref<64x256xf32, #tpu.memory_space<vmem>>, vector<16xf32>,
            %broadcast_in_dim3A_265 = arith.constant 19 : i32
            %broadcast_in_dim3A_266 = vector.broadcast %broadcast_in_dim3A_265 : i32 to vector<16xi32>
            %gather3A_267 = tpu.vector_load_idx %arg4[%broadcast_in_dim3A_266, %add3A_134] : memref<64x512xf32, #tpu.memory_space<vmem>>[vector<16xi32>, vector<16xi32>], vector<16xf32>,
            %swap3A_268 = arith.constant 19 : i32
            %swap3A_269 = arith.index_cast %swap3A_268 : i32 to index
            %swap3A_270 = arith.index_cast %multiple_of3A_131 : i32 to index
            %swap3A_271 = tpu.vector_load %arg5[%swap3A_269, %swap3A_270] {strides = array<i32>} : memref<64x256xf32, #tpu.memory_space<vmem>>, vector<16xf32>,
            tpu.vector_store %arg5[%swap3A_269, %swap3A_270], %gather3A_267 {strides = array<i32>} : memref<64x256xf32, #tpu.memory_space<vmem>>, vector<16xf32>,
            %broadcast_in_dim3A_272 = arith.constant 20 : i32
            %broadcast_in_dim3A_273 = vector.broadcast %broadcast_in_dim3A_272 : i32 to vector<16xi32>
            %gather3A_274 = tpu.vector_load_idx %arg4[%broadcast_in_dim3A_273, %add3A_134] : memref<64x512xf32, #tpu.memory_space<vmem>>[vector<16xi32>, vector<16xi32>], vector<16xf32>,
            %swap3A_275 = arith.constant 20 : i32
            %swap3A_276 = arith.index_cast %swap3A_275 : i32 to index
            %swap3A_277 = arith.index_cast %multiple_of3A_131 : i32 to index
            %swap3A_278 = tpu.vector_load %arg5[%swap3A_276, %swap3A_277] {strides = array<i32>} : memref<64x256xf32, #tpu.memory_space<vmem>>, vector<16xf32>,
            tpu.vector_store %arg5[%swap3A_276, %swap3A_277], %gather3A_274 {strides = array<i32>} : memref<64x256xf32, #tpu.memory_space<vmem>>, vector<16xf32>,
            %broadcast_in_dim3A_279 = arith.constant 21 : i32
            %broadcast_in_dim3A_280 = vector.broadcast %broadcast_in_dim3A_279 : i32 to vector<16xi32>
            %gather3A_281 = tpu.vector_load_idx %arg4[%broadcast_in_dim3A_280, %add3A_134] : memref<64x512xf32, #tpu.memory_space<vmem>>[vector<16xi32>, vector<16xi32>], vector<16xf32>,
            %swap3A_282 = arith.constant 21 : i32
            %swap3A_283 = arith.index_cast %swap3A_282 : i32 to index
            %swap3A_284 = arith.index_cast %multiple_of3A_131 : i32 to index
            %swap3A_285 = tpu.vector_load %arg5[%swap3A_283, %swap3A_284] {strides = array<i32>} : memref<64x256xf32, #tpu.memory_space<vmem>>, vector<16xf32>,
            tpu.vector_store %arg5[%swap3A_283, %swap3A_284], %gather3A_281 {strides = array<i32>} : memref<64x256xf32, #tpu.memory_space<vmem>>, vector<16xf32>,
            %broadcast_in_dim3A_286 = arith.constant 22 : i32
            %broadcast_in_dim3A_287 = vector.broadcast %broadcast_in_dim3A_286 : i32 to vector<16xi32>
            %gather3A_288 = tpu.vector_load_idx %arg4[%broadcast_in_dim3A_287, %add3A_134] : memref<64x512xf32, #tpu.memory_space<vmem>>[vector<16xi32>, vector<16xi32>], vector<16xf32>,
            %swap3A_289 = arith.constant 22 : i32
            %swap3A_290 = arith.index_cast %swap3A_289 : i32 to index
            %swap3A_291 = arith.index_cast %multiple_of3A_131 : i32 to index
            %swap3A_292 = tpu.vector_load %arg5[%swap3A_290, %swap3A_291] {strides = array<i32>} : memref<64x256xf32, #tpu.memory_space<vmem>>, vector<16xf32>,
            tpu.vector_store %arg5[%swap3A_290, %swap3A_291], %gather3A_288 {strides = array<i32>} : memref<64x256xf32, #tpu.memory_space<vmem>>, vector<16xf32>,
            %broadcast_in_dim3A_293 = arith.constant 23 : i32
            %broadcast_in_dim3A_294 = vector.broadcast %broadcast_in_dim3A_293 : i32 to vector<16xi32>
            %gather3A_295 = tpu.vector_load_idx %arg4[%broadcast_in_dim3A_294, %add3A_134] : memref<64x512xf32, #tpu.memory_space<vmem>>[vector<16xi32>, vector<16xi32>], vector<16xf32>,
            %swap3A_296 = arith.constant 23 : i32
            %swap3A_297 = arith.index_cast %swap3A_296 : i32 to index
            %swap3A_298 = arith.index_cast %multiple_of3A_131 : i32 to index
            %swap3A_299 = tpu.vector_load %arg5[%swap3A_297, %swap3A_298] {strides = array<i32>} : memref<64x256xf32, #tpu.memory_space<vmem>>, vector<16xf32>,
            tpu.vector_store %arg5[%swap3A_297, %swap3A_298], %gather3A_295 {strides = array<i32>} : memref<64x256xf32, #tpu.memory_space<vmem>>, vector<16xf32>,
            %broadcast_in_dim3A_300 = arith.constant 24 : i32
            %broadcast_in_dim3A_301 = vector.broadcast %broadcast_in_dim3A_300 : i32 to vector<16xi32>
            %gather3A_302 = tpu.vector_load_idx %arg4[%broadcast_in_dim3A_301, %add3A_134] : memref<64x512xf32, #tpu.memory_space<vmem>>[vector<16xi32>, vector<16xi32>], vector<16xf32>,
            %swap3A_303 = arith.constant 24 : i32
            %swap3A_304 = arith.index_cast %swap3A_303 : i32 to index
            %swap3A_305 = arith.index_cast %multiple_of3A_131 : i32 to index
            %swap3A_306 = tpu.vector_load %arg5[%swap3A_304, %swap3A_305] {strides = array<i32>} : memref<64x256xf32, #tpu.memory_space<vmem>>, vector<16xf32>,
            tpu.vector_store %arg5[%swap3A_304, %swap3A_305], %gather3A_302 {strides = array<i32>} : memref<64x256xf32, #tpu.memory_space<vmem>>, vector<16xf32>,
            %broadcast_in_dim3A_307 = arith.constant 25 : i32
            %broadcast_in_dim3A_308 = vector.broadcast %broadcast_in_dim3A_307 : i32 to vector<16xi32>
            %gather3A_309 = tpu.vector_load_idx %arg4[%broadcast_in_dim3A_308, %add3A_134] : memref<64x512xf32, #tpu.memory_space<vmem>>[vector<16xi32>, vector<16xi32>], vector<16xf32>,
            %swap3A_310 = arith.constant 25 : i32
            %swap3A_311 = arith.index_cast %swap3A_310 : i32 to index
            %swap3A_312 = arith.index_cast %multiple_of3A_131 : i32 to index
            %swap3A_313 = tpu.vector_load %arg5[%swap3A_311, %swap3A_312] {strides = array<i32>} : memref<64x256xf32, #tpu.memory_space<vmem>>, vector<16xf32>,
            tpu.vector_store %arg5[%swap3A_311, %swap3A_312], %gather3A_309 {strides = array<i32>} : memref<64x256xf32, #tpu.memory_space<vmem>>, vector<16xf32>,
            %broadcast_in_dim3A_314 = arith.constant 26 : i32
            %broadcast_in_dim3A_315 = vector.broadcast %broadcast_in_dim3A_314 : i32 to vector<16xi32>
            %gather3A_316 = tpu.vector_load_idx %arg4[%broadcast_in_dim3A_315, %add3A_134] : memref<64x512xf32, #tpu.memory_space<vmem>>[vector<16xi32>, vector<16xi32>], vector<16xf32>,
            %swap3A_317 = arith.constant 26 : i32
            %swap3A_318 = arith.index_cast %swap3A_317 : i32 to index
            %swap3A_319 = arith.index_cast %multiple_of3A_131 : i32 to index
            %swap3A_320 = tpu.vector_load %arg5[%swap3A_318, %swap3A_319] {strides = array<i32>} : memref<64x256xf32, #tpu.memory_space<vmem>>, vector<16xf32>,
            tpu.vector_store %arg5[%swap3A_318, %swap3A_319], %gather3A_316 {strides = array<i32>} : memref<64x256xf32, #tpu.memory_space<vmem>>, vector<16xf32>,
            %broadcast_in_dim3A_321 = arith.constant 27 : i32
            %broadcast_in_dim3A_322 = vector.broadcast %broadcast_in_dim3A_321 : i32 to vector<16xi32>
            %gather3A_323 = tpu.vector_load_idx %arg4[%broadcast_in_dim3A_322, %add3A_134] : memref<64x512xf32, #tpu.memory_space<vmem>>[vector<16xi32>, vector<16xi32>], vector<16xf32>,
            %swap3A_324 = arith.constant 27 : i32
            %swap3A_325 = arith.index_cast %swap3A_324 : i32 to index
            %swap3A_326 = arith.index_cast %multiple_of3A_131 : i32 to index
            %swap3A_327 = tpu.vector_load %arg5[%swap3A_325, %swap3A_326] {strides = array<i32>} : memref<64x256xf32, #tpu.memory_space<vmem>>, vector<16xf32>,
            tpu.vector_store %arg5[%swap3A_325, %swap3A_326], %gather3A_323 {strides = array<i32>} : memref<64x256xf32, #tpu.memory_space<vmem>>, vector<16xf32>,
            %broadcast_in_dim3A_328 = arith.constant 28 : i32
            %broadcast_in_dim3A_329 = vector.broadcast %broadcast_in_dim3A_328 : i32 to vector<16xi32>
            %gather3A_330 = tpu.vector_load_idx %arg4[%broadcast_in_dim3A_329, %add3A_134] : memref<64x512xf32, #tpu.memory_space<vmem>>[vector<16xi32>, vector<16xi32>], vector<16xf32>,
            %swap3A_331 = arith.constant 28 : i32
            %swap3A_332 = arith.index_cast %swap3A_331 : i32 to index
            %swap3A_333 = arith.index_cast %multiple_of3A_131 : i32 to index
            %swap3A_334 = tpu.vector_load %arg5[%swap3A_332, %swap3A_333] {strides = array<i32>} : memref<64x256xf32, #tpu.memory_space<vmem>>, vector<16xf32>,
            tpu.vector_store %arg5[%swap3A_332, %swap3A_333], %gather3A_330 {strides = array<i32>} : memref<64x256xf32, #tpu.memory_space<vmem>>, vector<16xf32>,
            %broadcast_in_dim3A_335 = arith.constant 29 : i32
            %broadcast_in_dim3A_336 = vector.broadcast %broadcast_in_dim3A_335 : i32 to vector<16xi32>
            %gather3A_337 = tpu.vector_load_idx %arg4[%broadcast_in_dim3A_336, %add3A_134] : memref<64x512xf32, #tpu.memory_space<vmem>>[vector<16xi32>, vector<16xi32>], vector<16xf32>,
            %swap3A_338 = arith.constant 29 : i32
            %swap3A_339 = arith.index_cast %swap3A_338 : i32 to index
            %swap3A_340 = arith.index_cast %multiple_of3A_131 : i32 to index
            %swap3A_341 = tpu.vector_load %arg5[%swap3A_339, %swap3A_340] {strides = array<i32>} : memref<64x256xf32, #tpu.memory_space<vmem>>, vector<16xf32>,
            tpu.vector_store %arg5[%swap3A_339, %swap3A_340], %gather3A_337 {strides = array<i32>} : memref<64x256xf32, #tpu.memory_space<vmem>>, vector<16xf32>,
            %broadcast_in_dim3A_342 = arith.constant 30 : i32
            %broadcast_in_dim3A_343 = vector.broadcast %broadcast_in_dim3A_342 : i32 to vector<16xi32>
            %gather3A_344 = tpu.vector_load_idx %arg4[%broadcast_in_dim3A_343, %add3A_134] : memref<64x512xf32, #tpu.memory_space<vmem>>[vector<16xi32>, vector<16xi32>], vector<16xf32>,
            %swap3A_345 = arith.constant 30 : i32
            %swap3A_346 = arith.index_cast %swap3A_345 : i32 to index
            %swap3A_347 = arith.index_cast %multiple_of3A_131 : i32 to index
            %swap3A_348 = tpu.vector_load %arg5[%swap3A_346, %swap3A_347] {strides = array<i32>} : memref<64x256xf32, #tpu.memory_space<vmem>>, vector<16xf32>,
            tpu.vector_store %arg5[%swap3A_346, %swap3A_347], %gather3A_344 {strides = array<i32>} : memref<64x256xf32, #tpu.memory_space<vmem>>, vector<16xf32>,
            %broadcast_in_dim3A_349 = arith.constant 31 : i32
            %broadcast_in_dim3A_350 = vector.broadcast %broadcast_in_dim3A_349 : i32 to vector<16xi32>
            %gather3A_351 = tpu.vector_load_idx %arg4[%broadcast_in_dim3A_350, %add3A_134] : memref<64x512xf32, #tpu.memory_space<vmem>>[vector<16xi32>, vector<16xi32>], vector<16xf32>,
            %swap3A_352 = arith.constant 31 : i32
            %swap3A_353 = arith.index_cast %swap3A_352 : i32 to index
            %swap3A_354 = arith.index_cast %multiple_of3A_131 : i32 to index
            %swap3A_355 = tpu.vector_load %arg5[%swap3A_353, %swap3A_354] {strides = array<i32>} : memref<64x256xf32, #tpu.memory_space<vmem>>, vector<16xf32>,
            tpu.vector_store %arg5[%swap3A_353, %swap3A_354], %gather3A_351 {strides = array<i32>} : memref<64x256xf32, #tpu.memory_space<vmem>>, vector<16xf32>,
            %broadcast_in_dim3A_356 = arith.constant 32 : i32
            %broadcast_in_dim3A_357 = vector.broadcast %broadcast_in_dim3A_356 : i32 to vector<16xi32>
            %gather3A_358 = tpu.vector_load_idx %arg4[%broadcast_in_dim3A_357, %add3A_134] : memref<64x512xf32, #tpu.memory_space<vmem>>[vector<16xi32>, vector<16xi32>], vector<16xf32>,
            %swap3A_359 = arith.constant 32 : i32
            %swap3A_360 = arith.index_cast %swap3A_359 : i32 to index
            %swap3A_361 = arith.index_cast %multiple_of3A_131 : i32 to index
            %swap3A_362 = tpu.vector_load %arg5[%swap3A_360, %swap3A_361] {strides = array<i32>} : memref<64x256xf32, #tpu.memory_space<vmem>>, vector<16xf32>,
            tpu.vector_store %arg5[%swap3A_360, %swap3A_361], %gather3A_358 {strides = array<i32>} : memref<64x256xf32, #tpu.memory_space<vmem>>, vector<16xf32>,
            %broadcast_in_dim3A_363 = arith.constant 33 : i32
            %broadcast_in_dim3A_364 = vector.broadcast %broadcast_in_dim3A_363 : i32 to vector<16xi32>
            %gather3A_365 = tpu.vector_load_idx %arg4[%broadcast_in_dim3A_364, %add3A_134] : memref<64x512xf32, #tpu.memory_space<vmem>>[vector<16xi32>, vector<16xi32>], vector<16xf32>,
            %swap3A_366 = arith.constant 33 : i32
            %swap3A_367 = arith.index_cast %swap3A_366 : i32 to index
            %swap3A_368 = arith.index_cast %multiple_of3A_131 : i32 to index
            %swap3A_369 = tpu.vector_load %arg5[%swap3A_367, %swap3A_368] {strides = array<i32>} : memref<64x256xf32, #tpu.memory_space<vmem>>, vector<16xf32>,
            tpu.vector_store %arg5[%swap3A_367, %swap3A_368], %gather3A_365 {strides = array<i32>} : memref<64x256xf32, #tpu.memory_space<vmem>>, vector<16xf32>,
            %broadcast_in_dim3A_370 = arith.constant 34 : i32
            %broadcast_in_dim3A_371 = vector.broadcast %broadcast_in_dim3A_370 : i32 to vector<16xi32>
            %gather3A_372 = tpu.vector_load_idx %arg4[%broadcast_in_dim3A_371, %add3A_134] : memref<64x512xf32, #tpu.memory_space<vmem>>[vector<16xi32>, vector<16xi32>], vector<16xf32>,
            %swap3A_373 = arith.constant 34 : i32
            %swap3A_374 = arith.index_cast %swap3A_373 : i32 to index
            %swap3A_375 = arith.index_cast %multiple_of3A_131 : i32 to index
            %swap3A_376 = tpu.vector_load %arg5[%swap3A_374, %swap3A_375] {strides = array<i32>} : memref<64x256xf32, #tpu.memory_space<vmem>>, vector<16xf32>,
            tpu.vector_store %arg5[%swap3A_374, %swap3A_375], %gather3A_372 {strides = array<i32>} : memref<64x256xf32, #tpu.memory_space<vmem>>, vector<16xf32>,
            %broadcast_in_dim3A_377 = arith.constant 35 : i32
            %broadcast_in_dim3A_378 = vector.broadcast %broadcast_in_dim3A_377 : i32 to vector<16xi32>
            %gather3A_379 = tpu.vector_load_idx %arg4[%broadcast_in_dim3A_378, %add3A_134] : memref<64x512xf32, #tpu.memory_space<vmem>>[vector<16xi32>, vector<16xi32>], vector<16xf32>,
            %swap3A_380 = arith.constant 35 : i32
            %swap3A_381 = arith.index_cast %swap3A_380 : i32 to index
            %swap3A_382 = arith.index_cast %multiple_of3A_131 : i32 to index
            %swap3A_383 = tpu.vector_load %arg5[%swap3A_381, %swap3A_382] {strides = array<i32>} : memref<64x256xf32, #tpu.memory_space<vmem>>, vector<16xf32>,
            tpu.vector_store %arg5[%swap3A_381, %swap3A_382], %gather3A_379 {strides = array<i32>} : memref<64x256xf32, #tpu.memory_space<vmem>>, vector<16xf32>,
            %broadcast_in_dim3A_384 = arith.constant 36 : i32
            %broadcast_in_dim3A_385 = vector.broadcast %broadcast_in_dim3A_384 : i32 to vector<16xi32>
            %gather3A_386 = tpu.vector_load_idx %arg4[%broadcast_in_dim3A_385, %add3A_134] : memref<64x512xf32, #tpu.memory_space<vmem>>[vector<16xi32>, vector<16xi32>], vector<16xf32>,
            %swap3A_387 = arith.constant 36 : i32
            %swap3A_388 = arith.index_cast %swap3A_387 : i32 to index
            %swap3A_389 = arith.index_cast %multiple_of3A_131 : i32 to index
            %swap3A_390 = tpu.vector_load %arg5[%swap3A_388, %swap3A_389] {strides = array<i32>} : memref<64x256xf32, #tpu.memory_space<vmem>>, vector<16xf32>,
            tpu.vector_store %arg5[%swap3A_388, %swap3A_389], %gather3A_386 {strides = array<i32>} : memref<64x256xf32, #tpu.memory_space<vmem>>, vector<16xf32>,
            %broadcast_in_dim3A_391 = arith.constant 37 : i32
            %broadcast_in_dim3A_392 = vector.broadcast %broadcast_in_dim3A_391 : i32 to vector<16xi32>
            %gather3A_393 = tpu.vector_load_idx %arg4[%broadcast_in_dim3A_392, %add3A_134] : memref<64x512xf32, #tpu.memory_space<vmem>>[vector<16xi32>, vector<16xi32>], vector<16xf32>,
            %swap3A_394 = arith.constant 37 : i32
            %swap3A_395 = arith.index_cast %swap3A_394 : i32 to index
            %swap3A_396 = arith.index_cast %multiple_of3A_131 : i32 to index
            %swap3A_397 = tpu.vector_load %arg5[%swap3A_395, %swap3A_396] {strides = array<i32>} : memref<64x256xf32, #tpu.memory_space<vmem>>, vector<16xf32>,
            tpu.vector_store %arg5[%swap3A_395, %swap3A_396], %gather3A_393 {strides = array<i32>} : memref<64x256xf32, #tpu.memory_space<vmem>>, vector<16xf32>,
            %broadcast_in_dim3A_398 = arith.constant 38 : i32
            %broadcast_in_dim3A_399 = vector.broadcast %broadcast_in_dim3A_398 : i32 to vector<16xi32>
            %gather3A_400 = tpu.vector_load_idx %arg4[%broadcast_in_dim3A_399, %add3A_134] : memref<64x512xf32, #tpu.memory_space<vmem>>[vector<16xi32>, vector<16xi32>], vector<16xf32>,
            %swap3A_401 = arith.constant 38 : i32
            %swap3A_402 = arith.index_cast %swap3A_401 : i32 to index
            %swap3A_403 = arith.index_cast %multiple_of3A_131 : i32 to index
            %swap3A_404 = tpu.vector_load %arg5[%swap3A_402, %swap3A_403] {strides = array<i32>} : memref<64x256xf32, #tpu.memory_space<vmem>>, vector<16xf32>,
            tpu.vector_store %arg5[%swap3A_402, %swap3A_403], %gather3A_400 {strides = array<i32>} : memref<64x256xf32, #tpu.memory_space<vmem>>, vector<16xf32>,
            %broadcast_in_dim3A_405 = arith.constant 39 : i32
            %broadcast_in_dim3A_406 = vector.broadcast %broadcast_in_dim3A_405 : i32 to vector<16xi32>
            %gather3A_407 = tpu.vector_load_idx %arg4[%broadcast_in_dim3A_406, %add3A_134] : memref<64x512xf32, #tpu.memory_space<vmem>>[vector<16xi32>, vector<16xi32>], vector<16xf32>,
            %swap3A_408 = arith.constant 39 : i32
            %swap3A_409 = arith.index_cast %swap3A_408 : i32 to index
            %swap3A_410 = arith.index_cast %multiple_of3A_131 : i32 to index
            %swap3A_411 = tpu.vector_load %arg5[%swap3A_409, %swap3A_410] {strides = array<i32>} : memref<64x256xf32, #tpu.memory_space<vmem>>, vector<16xf32>,
            tpu.vector_store %arg5[%swap3A_409, %swap3A_410], %gather3A_407 {strides = array<i32>} : memref<64x256xf32, #tpu.memory_space<vmem>>, vector<16xf32>,
            %broadcast_in_dim3A_412 = arith.constant 40 : i32
            %broadcast_in_dim3A_413 = vector.broadcast %broadcast_in_dim3A_412 : i32 to vector<16xi32>
            %gather3A_414 = tpu.vector_load_idx %arg4[%broadcast_in_dim3A_413, %add3A_134] : memref<64x512xf32, #tpu.memory_space<vmem>>[vector<16xi32>, vector<16xi32>], vector<16xf32>,
            %swap3A_415 = arith.constant 40 : i32
            %swap3A_416 = arith.index_cast %swap3A_415 : i32 to index
            %swap3A_417 = arith.index_cast %multiple_of3A_131 : i32 to index
            %swap3A_418 = tpu.vector_load %arg5[%swap3A_416, %swap3A_417] {strides = array<i32>} : memref<64x256xf32, #tpu.memory_space<vmem>>, vector<16xf32>,
            tpu.vector_store %arg5[%swap3A_416, %swap3A_417], %gather3A_414 {strides = array<i32>} : memref<64x256xf32, #tpu.memory_space<vmem>>, vector<16xf32>,
            %broadcast_in_dim3A_419 = arith.constant 41 : i32
            %broadcast_in_dim3A_420 = vector.broadcast %broadcast_in_dim3A_419 : i32 to vector<16xi32>
            %gather3A_421 = tpu.vector_load_idx %arg4[%broadcast_in_dim3A_420, %add3A_134] : memref<64x512xf32, #tpu.memory_space<vmem>>[vector<16xi32>, vector<16xi32>], vector<16xf32>,
            %swap3A_422 = arith.constant 41 : i32
            %swap3A_423 = arith.index_cast %swap3A_422 : i32 to index
            %swap3A_424 = arith.index_cast %multiple_of3A_131 : i32 to index
            %swap3A_425 = tpu.vector_load %arg5[%swap3A_423, %swap3A_424] {strides = array<i32>} : memref<64x256xf32, #tpu.memory_space<vmem>>, vector<16xf32>,
            tpu.vector_store %arg5[%swap3A_423, %swap3A_424], %gather3A_421 {strides = array<i32>} : memref<64x256xf32, #tpu.memory_space<vmem>>, vector<16xf32>,
            %broadcast_in_dim3A_426 = arith.constant 42 : i32
            %broadcast_in_dim3A_427 = vector.broadcast %broadcast_in_dim3A_426 : i32 to vector<16xi32>
            %gather3A_428 = tpu.vector_load_idx %arg4[%broadcast_in_dim3A_427, %add3A_134] : memref<64x512xf32, #tpu.memory_space<vmem>>[vector<16xi32>, vector<16xi32>], vector<16xf32>,
            %swap3A_429 = arith.constant 42 : i32
            %swap3A_430 = arith.index_cast %swap3A_429 : i32 to index
            %swap3A_431 = arith.index_cast %multiple_of3A_131 : i32 to index
            %swap3A_432 = tpu.vector_load %arg5[%swap3A_430, %swap3A_431] {strides = array<i32>} : memref<64x256xf32, #tpu.memory_space<vmem>>, vector<16xf32>,
            tpu.vector_store %arg5[%swap3A_430, %swap3A_431], %gather3A_428 {strides = array<i32>} : memref<64x256xf32, #tpu.memory_space<vmem>>, vector<16xf32>,
            %broadcast_in_dim3A_433 = arith.constant 43 : i32
            %broadcast_in_dim3A_434 = vector.broadcast %broadcast_in_dim3A_433 : i32 to vector<16xi32>
            %gather3A_435 = tpu.vector_load_idx %arg4[%broadcast_in_dim3A_434, %add3A_134] : memref<64x512xf32, #tpu.memory_space<vmem>>[vector<16xi32>, vector<16xi32>], vector<16xf32>,
            %swap3A_436 = arith.constant 43 : i32
            %swap3A_437 = arith.index_cast %swap3A_436 : i32 to index
            %swap3A_438 = arith.index_cast %multiple_of3A_131 : i32 to index
            %swap3A_439 = tpu.vector_load %arg5[%swap3A_437, %swap3A_438] {strides = array<i32>} : memref<64x256xf32, #tpu.memory_space<vmem>>, vector<16xf32>,
            tpu.vector_store %arg5[%swap3A_437, %swap3A_438], %gather3A_435 {strides = array<i32>} : memref<64x256xf32, #tpu.memory_space<vmem>>, vector<16xf32>,
            %broadcast_in_dim3A_440 = arith.constant 44 : i32
            %broadcast_in_dim3A_441 = vector.broadcast %broadcast_in_dim3A_440 : i32 to vector<16xi32>
            %gather3A_442 = tpu.vector_load_idx %arg4[%broadcast_in_dim3A_441, %add3A_134] : memref<64x512xf32, #tpu.memory_space<vmem>>[vector<16xi32>, vector<16xi32>], vector<16xf32>,
            %swap3A_443 = arith.constant 44 : i32
            %swap3A_444 = arith.index_cast %swap3A_443 : i32 to index
            %swap3A_445 = arith.index_cast %multiple_of3A_131 : i32 to index
            %swap3A_446 = tpu.vector_load %arg5[%swap3A_444, %swap3A_445] {strides = array<i32>} : memref<64x256xf32, #tpu.memory_space<vmem>>, vector<16xf32>,
            tpu.vector_store %arg5[%swap3A_444, %swap3A_445], %gather3A_442 {strides = array<i32>} : memref<64x256xf32, #tpu.memory_space<vmem>>, vector<16xf32>,
            %broadcast_in_dim3A_447 = arith.constant 45 : i32
            %broadcast_in_dim3A_448 = vector.broadcast %broadcast_in_dim3A_447 : i32 to vector<16xi32>
            %gather3A_449 = tpu.vector_load_idx %arg4[%broadcast_in_dim3A_448, %add3A_134] : memref<64x512xf32, #tpu.memory_space<vmem>>[vector<16xi32>, vector<16xi32>], vector<16xf32>,
            %swap3A_450 = arith.constant 45 : i32
            %swap3A_451 = arith.index_cast %swap3A_450 : i32 to index
            %swap3A_452 = arith.index_cast %multiple_of3A_131 : i32 to index
            %swap3A_453 = tpu.vector_load %arg5[%swap3A_451, %swap3A_452] {strides = array<i32>} : memref<64x256xf32, #tpu.memory_space<vmem>>, vector<16xf32>,
            tpu.vector_store %arg5[%swap3A_451, %swap3A_452], %gather3A_449 {strides = array<i32>} : memref<64x256xf32, #tpu.memory_space<vmem>>, vector<16xf32>,
            %broadcast_in_dim3A_454 = arith.constant 46 : i32
            %broadcast_in_dim3A_455 = vector.broadcast %broadcast_in_dim3A_454 : i32 to vector<16xi32>
            %gather3A_456 = tpu.vector_load_idx %arg4[%broadcast_in_dim3A_455, %add3A_134] : memref<64x512xf32, #tpu.memory_space<vmem>>[vector<16xi32>, vector<16xi32>], vector<16xf32>,
            %swap3A_457 = arith.constant 46 : i32
            %swap3A_458 = arith.index_cast %swap3A_457 : i32 to index
            %swap3A_459 = arith.index_cast %multiple_of3A_131 : i32 to index
            %swap3A_460 = tpu.vector_load %arg5[%swap3A_458, %swap3A_459] {strides = array<i32>} : memref<64x256xf32, #tpu.memory_space<vmem>>, vector<16xf32>,
            tpu.vector_store %arg5[%swap3A_458, %swap3A_459], %gather3A_456 {strides = array<i32>} : memref<64x256xf32, #tpu.memory_space<vmem>>, vector<16xf32>,
            %broadcast_in_dim3A_461 = arith.constant 47 : i32
            %broadcast_in_dim3A_462 = vector.broadcast %broadcast_in_dim3A_461 : i32 to vector<16xi32>
            %gather3A_463 = tpu.vector_load_idx %arg4[%broadcast_in_dim3A_462, %add3A_134] : memref<64x512xf32, #tpu.memory_space<vmem>>[vector<16xi32>, vector<16xi32>], vector<16xf32>,
            %swap3A_464 = arith.constant 47 : i32
            %swap3A_465 = arith.index_cast %swap3A_464 : i32 to index
            %swap3A_466 = arith.index_cast %multiple_of3A_131 : i32 to index
            %swap3A_467 = tpu.vector_load %arg5[%swap3A_465, %swap3A_466] {strides = array<i32>} : memref<64x256xf32, #tpu.memory_space<vmem>>, vector<16xf32>,
            tpu.vector_store %arg5[%swap3A_465, %swap3A_466], %gather3A_463 {strides = array<i32>} : memref<64x256xf32, #tpu.memory_space<vmem>>, vector<16xf32>,
            %broadcast_in_dim3A_468 = arith.constant 48 : i32
            %broadcast_in_dim3A_469 = vector.broadcast %broadcast_in_dim3A_468 : i32 to vector<16xi32>
            %gather3A_470 = tpu.vector_load_idx %arg4[%broadcast_in_dim3A_469, %add3A_134] : memref<64x512xf32, #tpu.memory_space<vmem>>[vector<16xi32>, vector<16xi32>], vector<16xf32>,
            %swap3A_471 = arith.constant 48 : i32
            %swap3A_472 = arith.index_cast %swap3A_471 : i32 to index
            %swap3A_473 = arith.index_cast %multiple_of3A_131 : i32 to index
            %swap3A_474 = tpu.vector_load %arg5[%swap3A_472, %swap3A_473] {strides = array<i32>} : memref<64x256xf32, #tpu.memory_space<vmem>>, vector<16xf32>,
            tpu.vector_store %arg5[%swap3A_472, %swap3A_473], %gather3A_470 {strides = array<i32>} : memref<64x256xf32, #tpu.memory_space<vmem>>, vector<16xf32>,
            %broadcast_in_dim3A_475 = arith.constant 49 : i32
            %broadcast_in_dim3A_476 = vector.broadcast %broadcast_in_dim3A_475 : i32 to vector<16xi32>
            %gather3A_477 = tpu.vector_load_idx %arg4[%broadcast_in_dim3A_476, %add3A_134] : memref<64x512xf32, #tpu.memory_space<vmem>>[vector<16xi32>, vector<16xi32>], vector<16xf32>,
            %swap3A_478 = arith.constant 49 : i32
            %swap3A_479 = arith.index_cast %swap3A_478 : i32 to index
            %swap3A_480 = arith.index_cast %multiple_of3A_131 : i32 to index
            %swap3A_481 = tpu.vector_load %arg5[%swap3A_479, %swap3A_480] {strides = array<i32>} : memref<64x256xf32, #tpu.memory_space<vmem>>, vector<16xf32>,
            tpu.vector_store %arg5[%swap3A_479, %swap3A_480], %gather3A_477 {strides = array<i32>} : memref<64x256xf32, #tpu.memory_space<vmem>>, vector<16xf32>,
            %broadcast_in_dim3A_482 = arith.constant 50 : i32
            %broadcast_in_dim3A_483 = vector.broadcast %broadcast_in_dim3A_482 : i32 to vector<16xi32>
            %gather3A_484 = tpu.vector_load_idx %arg4[%broadcast_in_dim3A_483, %add3A_134] : memref<64x512xf32, #tpu.memory_space<vmem>>[vector<16xi32>, vector<16xi32>], vector<16xf32>,
            %swap3A_485 = arith.constant 50 : i32
            %swap3A_486 = arith.index_cast %swap3A_485 : i32 to index
            %swap3A_487 = arith.index_cast %multiple_of3A_131 : i32 to index
            %swap3A_488 = tpu.vector_load %arg5[%swap3A_486, %swap3A_487] {strides = array<i32>} : memref<64x256xf32, #tpu.memory_space<vmem>>, vector<16xf32>,
            tpu.vector_store %arg5[%swap3A_486, %swap3A_487], %gather3A_484 {strides = array<i32>} : memref<64x256xf32, #tpu.memory_space<vmem>>, vector<16xf32>,
            %broadcast_in_dim3A_489 = arith.constant 51 : i32
            %broadcast_in_dim3A_490 = vector.broadcast %broadcast_in_dim3A_489 : i32 to vector<16xi32>
            %gather3A_491 = tpu.vector_load_idx %arg4[%broadcast_in_dim3A_490, %add3A_134] : memref<64x512xf32, #tpu.memory_space<vmem>>[vector<16xi32>, vector<16xi32>], vector<16xf32>,
            %swap3A_492 = arith.constant 51 : i32
            %swap3A_493 = arith.index_cast %swap3A_492 : i32 to index
            %swap3A_494 = arith.index_cast %multiple_of3A_131 : i32 to index
            %swap3A_495 = tpu.vector_load %arg5[%swap3A_493, %swap3A_494] {strides = array<i32>} : memref<64x256xf32, #tpu.memory_space<vmem>>, vector<16xf32>,
            tpu.vector_store %arg5[%swap3A_493, %swap3A_494], %gather3A_491 {strides = array<i32>} : memref<64x256xf32, #tpu.memory_space<vmem>>, vector<16xf32>,
            %broadcast_in_dim3A_496 = arith.constant 52 : i32
            %broadcast_in_dim3A_497 = vector.broadcast %broadcast_in_dim3A_496 : i32 to vector<16xi32>
            %gather3A_498 = tpu.vector_load_idx %arg4[%broadcast_in_dim3A_497, %add3A_134] : memref<64x512xf32, #tpu.memory_space<vmem>>[vector<16xi32>, vector<16xi32>], vector<16xf32>,
            %swap3A_499 = arith.constant 52 : i32
            %swap3A_500 = arith.index_cast %swap3A_499 : i32 to index
            %swap3A_501 = arith.index_cast %multiple_of3A_131 : i32 to index
            %swap3A_502 = tpu.vector_load %arg5[%swap3A_500, %swap3A_501] {strides = array<i32>} : memref<64x256xf32, #tpu.memory_space<vmem>>, vector<16xf32>,
            tpu.vector_store %arg5[%swap3A_500, %swap3A_501], %gather3A_498 {strides = array<i32>} : memref<64x256xf32, #tpu.memory_space<vmem>>, vector<16xf32>,
            %broadcast_in_dim3A_503 = arith.constant 53 : i32
            %broadcast_in_dim3A_504 = vector.broadcast %broadcast_in_dim3A_503 : i32 to vector<16xi32>
            %gather3A_505 = tpu.vector_load_idx %arg4[%broadcast_in_dim3A_504, %add3A_134] : memref<64x512xf32, #tpu.memory_space<vmem>>[vector<16xi32>, vector<16xi32>], vector<16xf32>,
            %swap3A_506 = arith.constant 53 : i32
            %swap3A_507 = arith.index_cast %swap3A_506 : i32 to index
            %swap3A_508 = arith.index_cast %multiple_of3A_131 : i32 to index
            %swap3A_509 = tpu.vector_load %arg5[%swap3A_507, %swap3A_508] {strides = array<i32>} : memref<64x256xf32, #tpu.memory_space<vmem>>, vector<16xf32>,
            tpu.vector_store %arg5[%swap3A_507, %swap3A_508], %gather3A_505 {strides = array<i32>} : memref<64x256xf32, #tpu.memory_space<vmem>>, vector<16xf32>,
            %broadcast_in_dim3A_510 = arith.constant 54 : i32
            %broadcast_in_dim3A_511 = vector.broadcast %broadcast_in_dim3A_510 : i32 to vector<16xi32>
            %gather3A_512 = tpu.vector_load_idx %arg4[%broadcast_in_dim3A_511, %add3A_134] : memref<64x512xf32, #tpu.memory_space<vmem>>[vector<16xi32>, vector<16xi32>], vector<16xf32>,
            %swap3A_513 = arith.constant 54 : i32
            %swap3A_514 = arith.index_cast %swap3A_513 : i32 to index
            %swap3A_515 = arith.index_cast %multiple_of3A_131 : i32 to index
            %swap3A_516 = tpu.vector_load %arg5[%swap3A_514, %swap3A_515] {strides = array<i32>} : memref<64x256xf32, #tpu.memory_space<vmem>>, vector<16xf32>,
            tpu.vector_store %arg5[%swap3A_514, %swap3A_515], %gather3A_512 {strides = array<i32>} : memref<64x256xf32, #tpu.memory_space<vmem>>, vector<16xf32>,
            %broadcast_in_dim3A_517 = arith.constant 55 : i32
            %broadcast_in_dim3A_518 = vector.broadcast %broadcast_in_dim3A_517 : i32 to vector<16xi32>
            %gather3A_519 = tpu.vector_load_idx %arg4[%broadcast_in_dim3A_518, %add3A_134] : memref<64x512xf32, #tpu.memory_space<vmem>>[vector<16xi32>, vector<16xi32>], vector<16xf32>,
            %swap3A_520 = arith.constant 55 : i32
            %swap3A_521 = arith.index_cast %swap3A_520 : i32 to index
            %swap3A_522 = arith.index_cast %multiple_of3A_131 : i32 to index
            %swap3A_523 = tpu.vector_load %arg5[%swap3A_521, %swap3A_522] {strides = array<i32>} : memref<64x256xf32, #tpu.memory_space<vmem>>, vector<16xf32>,
            tpu.vector_store %arg5[%swap3A_521, %swap3A_522], %gather3A_519 {strides = array<i32>} : memref<64x256xf32, #tpu.memory_space<vmem>>, vector<16xf32>,
            %broadcast_in_dim3A_524 = arith.constant 56 : i32
            %broadcast_in_dim3A_525 = vector.broadcast %broadcast_in_dim3A_524 : i32 to vector<16xi32>
            %gather3A_526 = tpu.vector_load_idx %arg4[%broadcast_in_dim3A_525, %add3A_134] : memref<64x512xf32, #tpu.memory_space<vmem>>[vector<16xi32>, vector<16xi32>], vector<16xf32>,
            %swap3A_527 = arith.constant 56 : i32
            %swap3A_528 = arith.index_cast %swap3A_527 : i32 to index
            %swap3A_529 = arith.index_cast %multiple_of3A_131 : i32 to index
            %swap3A_530 = tpu.vector_load %arg5[%swap3A_528, %swap3A_529] {strides = array<i32>} : memref<64x256xf32, #tpu.memory_space<vmem>>, vector<16xf32>,
            tpu.vector_store %arg5[%swap3A_528, %swap3A_529], %gather3A_526 {strides = array<i32>} : memref<64x256xf32, #tpu.memory_space<vmem>>, vector<16xf32>,
            %broadcast_in_dim3A_531 = arith.constant 57 : i32
            %broadcast_in_dim3A_532 = vector.broadcast %broadcast_in_dim3A_531 : i32 to vector<16xi32>
            %gather3A_533 = tpu.vector_load_idx %arg4[%broadcast_in_dim3A_532, %add3A_134] : memref<64x512xf32, #tpu.memory_space<vmem>>[vector<16xi32>, vector<16xi32>], vector<16xf32>,
            %swap3A_534 = arith.constant 57 : i32
            %swap3A_535 = arith.index_cast %swap3A_534 : i32 to index
            %swap3A_536 = arith.index_cast %multiple_of3A_131 : i32 to index
            %swap3A_537 = tpu.vector_load %arg5[%swap3A_535, %swap3A_536] {strides = array<i32>} : memref<64x256xf32, #tpu.memory_space<vmem>>, vector<16xf32>,
            tpu.vector_store %arg5[%swap3A_535, %swap3A_536], %gather3A_533 {strides = array<i32>} : memref<64x256xf32, #tpu.memory_space<vmem>>, vector<16xf32>,
            %broadcast_in_dim3A_538 = arith.constant 58 : i32
            %broadcast_in_dim3A_539 = vector.broadcast %broadcast_in_dim3A_538 : i32 to vector<16xi32>
            %gather3A_540 = tpu.vector_load_idx %arg4[%broadcast_in_dim3A_539, %add3A_134] : memref<64x512xf32, #tpu.memory_space<vmem>>[vector<16xi32>, vector<16xi32>], vector<16xf32>,
            %swap3A_541 = arith.constant 58 : i32
            %swap3A_542 = arith.index_cast %swap3A_541 : i32 to index
            %swap3A_543 = arith.index_cast %multiple_of3A_131 : i32 to index
            %swap3A_544 = tpu.vector_load %arg5[%swap3A_542, %swap3A_543] {strides = array<i32>} : memref<64x256xf32, #tpu.memory_space<vmem>>, vector<16xf32>,
            tpu.vector_store %arg5[%swap3A_542, %swap3A_543], %gather3A_540 {strides = array<i32>} : memref<64x256xf32, #tpu.memory_space<vmem>>, vector<16xf32>,
            %broadcast_in_dim3A_545 = arith.constant 59 : i32
            %broadcast_in_dim3A_546 = vector.broadcast %broadcast_in_dim3A_545 : i32 to vector<16xi32>
            %gather3A_547 = tpu.vector_load_idx %arg4[%broadcast_in_dim3A_546, %add3A_134] : memref<64x512xf32, #tpu.memory_space<vmem>>[vector<16xi32>, vector<16xi32>], vector<16xf32>,
            %swap3A_548 = arith.constant 59 : i32
            %swap3A_549 = arith.index_cast %swap3A_548 : i32 to index
            %swap3A_550 = arith.index_cast %multiple_of3A_131 : i32 to index
            %swap3A_551 = tpu.vector_load %arg5[%swap3A_549, %swap3A_550] {strides = array<i32>} : memref<64x256xf32, #tpu.memory_space<vmem>>, vector<16xf32>,
            tpu.vector_store %arg5[%swap3A_549, %swap3A_550], %gather3A_547 {strides = array<i32>} : memref<64x256xf32, #tpu.memory_space<vmem>>, vector<16xf32>,
            %broadcast_in_dim3A_552 = arith.constant 60 : i32
            %broadcast_in_dim3A_553 = vector.broadcast %broadcast_in_dim3A_552 : i32 to vector<16xi32>
            %gather3A_554 = tpu.vector_load_idx %arg4[%broadcast_in_dim3A_553, %add3A_134] : memref<64x512xf32, #tpu.memory_space<vmem>>[vector<16xi32>, vector<16xi32>], vector<16xf32>,
            %swap3A_555 = arith.constant 60 : i32
            %swap3A_556 = arith.index_cast %swap3A_555 : i32 to index
            %swap3A_557 = arith.index_cast %multiple_of3A_131 : i32 to index
            %swap3A_558 = tpu.vector_load %arg5[%swap3A_556, %swap3A_557] {strides = array<i32>} : memref<64x256xf32, #tpu.memory_space<vmem>>, vector<16xf32>,
            tpu.vector_store %arg5[%swap3A_556, %swap3A_557], %gather3A_554 {strides = array<i32>} : memref<64x256xf32, #tpu.memory_space<vmem>>, vector<16xf32>,
            %broadcast_in_dim3A_559 = arith.constant 61 : i32
            %broadcast_in_dim3A_560 = vector.broadcast %broadcast_in_dim3A_559 : i32 to vector<16xi32>
            %gather3A_561 = tpu.vector_load_idx %arg4[%broadcast_in_dim3A_560, %add3A_134] : memref<64x512xf32, #tpu.memory_space<vmem>>[vector<16xi32>, vector<16xi32>], vector<16xf32>,
            %swap3A_562 = arith.constant 61 : i32
            %swap3A_563 = arith.index_cast %swap3A_562 : i32 to index
            %swap3A_564 = arith.index_cast %multiple_of3A_131 : i32 to index
            %swap3A_565 = tpu.vector_load %arg5[%swap3A_563, %swap3A_564] {strides = array<i32>} : memref<64x256xf32, #tpu.memory_space<vmem>>, vector<16xf32>,
            tpu.vector_store %arg5[%swap3A_563, %swap3A_564], %gather3A_561 {strides = array<i32>} : memref<64x256xf32, #tpu.memory_space<vmem>>, vector<16xf32>,
            %broadcast_in_dim3A_566 = arith.constant 62 : i32
            %broadcast_in_dim3A_567 = vector.broadcast %broadcast_in_dim3A_566 : i32 to vector<16xi32>
            %gather3A_568 = tpu.vector_load_idx %arg4[%broadcast_in_dim3A_567, %add3A_134] : memref<64x512xf32, #tpu.memory_space<vmem>>[vector<16xi32>, vector<16xi32>], vector<16xf32>,
            %swap3A_569 = arith.constant 62 : i32
            %swap3A_570 = arith.index_cast %swap3A_569 : i32 to index
            %swap3A_571 = arith.index_cast %multiple_of3A_131 : i32 to index
            %swap3A_572 = tpu.vector_load %arg5[%swap3A_570, %swap3A_571] {strides = array<i32>} : memref<64x256xf32, #tpu.memory_space<vmem>>, vector<16xf32>,
            tpu.vector_store %arg5[%swap3A_570, %swap3A_571], %gather3A_568 {strides = array<i32>} : memref<64x256xf32, #tpu.memory_space<vmem>>, vector<16xf32>,
            %broadcast_in_dim3A_573 = arith.constant 63 : i32
            %broadcast_in_dim3A_574 = vector.broadcast %broadcast_in_dim3A_573 : i32 to vector<16xi32>
            %gather3A_575 = tpu.vector_load_idx %arg4[%broadcast_in_dim3A_574, %add3A_134] : memref<64x512xf32, #tpu.memory_space<vmem>>[vector<16xi32>, vector<16xi32>], vector<16xf32>,
            %swap3A_576 = arith.constant 63 : i32
            %swap3A_577 = arith.index_cast %swap3A_576 : i32 to index
            %swap3A_578 = arith.index_cast %multiple_of3A_131 : i32 to index
            %swap3A_579 = tpu.vector_load %arg5[%swap3A_577, %swap3A_578] {strides = array<i32>} : memref<64x256xf32, #tpu.memory_space<vmem>>, vector<16xf32>,
            tpu.vector_store %arg5[%swap3A_577, %swap3A_578], %gather3A_575 {strides = array<i32>} : memref<64x256xf32, #tpu.memory_space<vmem>>, vector<16xf32>,
            %scan3A_580 = arith.constant 0 : i32
            scf.yield %scan3A_580 : i32
          }
          %scan3A_120 = arith.constant 16 : i32
          %add3A_121 = arith.addi %mul3A_2, %while3A_89 : i32
          %dma_start3A = arith.constant 0 : i32
          %dma_start3A_122 = tpu.memref_slice %arg3[%add3A_121, %dma_start3A, %multiple_of3A] : memref<2048x64x2048xf32, #tpu.memory_space<hbm>> -> memref<1x64x256xf32, #tpu.memory_space<hbm>>
          %dma_start3A_123 = tpu.memref_squeeze %dma_start3A_122 : memref<1x64x256xf32, #tpu.memory_space<hbm>> -> memref<64x256xf32, #tpu.memory_space<hbm>>
          %dma_start3A_124 = arith.constant 0 : i32
          %dma_start3A_125 = tpu.memref_slice %arg3[%add3A_121, %dma_start3A_124, %multiple_of3A] : memref<2048x64x2048xf32, #tpu.memory_space<hbm>> -> memref<1x64x256xf32, #tpu.memory_space<hbm>>
          %dma_start3A_126 = tpu.memref_squeeze %dma_start3A_125 : memref<1x64x256xf32, #tpu.memory_space<hbm>> -> memref<64x256xf32, #tpu.memory_space<hbm>>
          tpu.enqueue_dma source(%arg5 : memref<64x256xf32, #tpu.memory_space<vmem>>) target(%dma_start3A_126 : memref<64x256xf32, #tpu.memory_space<hbm>>) target_semaphore(%arg9 : memref<!tpu.dma_semaphore, #tpu.memory_space<semaphore_mem>>)
        } else {
        }
        %rem3A_98 = arith.constant 2 : i32
        %rem3A_99 = arith.remsi %sub3A_91, %rem3A_98 : i32
        %eq3A_100 = arith.constant 1 : i32
        %eq3A_101 = arith.cmpi eq, %rem3A_99, %eq3A_100 : i32
        %convert_element_type3A_102 = arith.extui %eq3A_101 : i1 to i32
        %cond3A_103 = arith.constant 0 : i32
        %cond3A_104 = arith.cmpi ne, %convert_element_type3A_102, %cond3A_103 : i32
        scf.if %cond3A_104 {
          %ge3A_106 = arith.constant 2 : i32
          %ge3A_107 = arith.cmpi sge, %sub3A_91, %ge3A_106 : i32
          %convert_element_type3A_108 = arith.extui %ge3A_107 : i1 to i32
          %cond3A_109 = arith.constant 0 : i32
          %cond3A_110 = arith.cmpi ne, %convert_element_type3A_108, %cond3A_109 : i32
          scf.if %cond3A_110 {
            %dma_wait3A = arith.constant 0 : i32
            %dma_wait3A_127 = tpu.memref_slice %arg3[%mul3A_2, %dma_wait3A, %multiple_of3A] : memref<2048x64x2048xf32, #tpu.memory_space<hbm>> -> memref<1x64x256xf32, #tpu.memory_space<hbm>>
            %dma_wait3A_128 = tpu.memref_squeeze %dma_wait3A_127 : memref<1x64x256xf32, #tpu.memory_space<hbm>> -> memref<64x256xf32, #tpu.memory_space<hbm>>
            %dma_wait3A_129 = arith.constant 0 : i32
            %dma_wait3A_130 = tpu.memref_slice %arg3[%mul3A_2, %dma_wait3A_129, %multiple_of3A] : memref<2048x64x2048xf32, #tpu.memory_space<hbm>> -> memref<1x64x256xf32, #tpu.memory_space<hbm>>
            %dma_wait3A_131 = tpu.memref_squeeze %dma_wait3A_130 : memref<1x64x256xf32, #tpu.memory_space<hbm>> -> memref<64x256xf32, #tpu.memory_space<hbm>>
            tpu.wait_dma2 semaphore(%arg10 : memref<!tpu.dma_semaphore, #tpu.memory_space<semaphore_mem>>) src(%arg6 : memref<64x256xf32, #tpu.memory_space<vmem>>) dst(%dma_wait3A_131 : memref<64x256xf32, #tpu.memory_space<hbm>>)
          } else {
          }
          %add3A_111 = arith.constant 63 : i32
          %add3A_112 = arith.addi %rem3A_30, %add3A_111 : i32
          %sub3A_113 = arith.subi %add3A_112, %while3A_89 : i32
          %scan3A_114 = arith.constant 0 : i32
          %scan3A_115 = arith.constant 0 : i32
          %scan3A_116 = arith.constant 16 : i32
          %scan3A_117 = arith.addi %scan3A_115, %scan3A_116 : i32
          %scan3A_118 = arith.constant 1 : i32
          %scan3A_119 = scf.for %scan3A_127 = %scan3A_115 to %scan3A_117 step %scan3A_118 iter_args(%scan3A_128 = %scan3A_114) -> (i32)  : i32 {
            %mul3A_129 = arith.constant 16 : i32
            %mul3A_130 = arith.muli %scan3A_127, %mul3A_129 : i32
            %multiple_of3A_131 = tpu.assume_multiple %mul3A_130, 16 : i32
            %add3A_132 = arith.addi %sub3A_113, %multiple_of3A_131 : i32
            %add3A_133 = vector.broadcast %add3A_132 : i32 to vector<16xi32>
            %add3A_134 = arith.addi %add3A_133, %iota3A : vector<16xi32>
            %broadcast_in_dim3A = arith.constant 0 : i32
            %broadcast_in_dim3A_135 = vector.broadcast %broadcast_in_dim3A : i32 to vector<16xi32>
            %gather3A = tpu.vector_load_idx %arg4[%broadcast_in_dim3A_135, %add3A_134] : memref<64x512xf32, #tpu.memory_space<vmem>>[vector<16xi32>, vector<16xi32>], vector<16xf32>,
            %swap3A = arith.constant 0 : i32
            %swap3A_136 = arith.index_cast %swap3A : i32 to index
            %swap3A_137 = arith.index_cast %multiple_of3A_131 : i32 to index
            %swap3A_138 = tpu.vector_load %arg6[%swap3A_136, %swap3A_137] {strides = array<i32>} : memref<64x256xf32, #tpu.memory_space<vmem>>, vector<16xf32>,
            tpu.vector_store %arg6[%swap3A_136, %swap3A_137], %gather3A {strides = array<i32>} : memref<64x256xf32, #tpu.memory_space<vmem>>, vector<16xf32>,
            %broadcast_in_dim3A_139 = arith.constant 1 : i32
            %broadcast_in_dim3A_140 = vector.broadcast %broadcast_in_dim3A_139 : i32 to vector<16xi32>
            %gather3A_141 = tpu.vector_load_idx %arg4[%broadcast_in_dim3A_140, %add3A_134] : memref<64x512xf32, #tpu.memory_space<vmem>>[vector<16xi32>, vector<16xi32>], vector<16xf32>,
            %swap3A_142 = arith.constant 1 : i32
            %swap3A_143 = arith.index_cast %swap3A_142 : i32 to index
            %swap3A_144 = arith.index_cast %multiple_of3A_131 : i32 to index
            %swap3A_145 = tpu.vector_load %arg6[%swap3A_143, %swap3A_144] {strides = array<i32>} : memref<64x256xf32, #tpu.memory_space<vmem>>, vector<16xf32>,
            tpu.vector_store %arg6[%swap3A_143, %swap3A_144], %gather3A_141 {strides = array<i32>} : memref<64x256xf32, #tpu.memory_space<vmem>>, vector<16xf32>,
            %broadcast_in_dim3A_146 = arith.constant 2 : i32
            %broadcast_in_dim3A_147 = vector.broadcast %broadcast_in_dim3A_146 : i32 to vector<16xi32>
            %gather3A_148 = tpu.vector_load_idx %arg4[%broadcast_in_dim3A_147, %add3A_134] : memref<64x512xf32, #tpu.memory_space<vmem>>[vector<16xi32>, vector<16xi32>], vector<16xf32>,
            %swap3A_149 = arith.constant 2 : i32
            %swap3A_150 = arith.index_cast %swap3A_149 : i32 to index
            %swap3A_151 = arith.index_cast %multiple_of3A_131 : i32 to index
            %swap3A_152 = tpu.vector_load %arg6[%swap3A_150, %swap3A_151] {strides = array<i32>} : memref<64x256xf32, #tpu.memory_space<vmem>>, vector<16xf32>,
            tpu.vector_store %arg6[%swap3A_150, %swap3A_151], %gather3A_148 {strides = array<i32>} : memref<64x256xf32, #tpu.memory_space<vmem>>, vector<16xf32>,
            %broadcast_in_dim3A_153 = arith.constant 3 : i32
            %broadcast_in_dim3A_154 = vector.broadcast %broadcast_in_dim3A_153 : i32 to vector<16xi32>
            %gather3A_155 = tpu.vector_load_idx %arg4[%broadcast_in_dim3A_154, %add3A_134] : memref<64x512xf32, #tpu.memory_space<vmem>>[vector<16xi32>, vector<16xi32>], vector<16xf32>,
            %swap3A_156 = arith.constant 3 : i32
            %swap3A_157 = arith.index_cast %swap3A_156 : i32 to index
            %swap3A_158 = arith.index_cast %multiple_of3A_131 : i32 to index
            %swap3A_159 = tpu.vector_load %arg6[%swap3A_157, %swap3A_158] {strides = array<i32>} : memref<64x256xf32, #tpu.memory_space<vmem>>, vector<16xf32>,
            tpu.vector_store %arg6[%swap3A_157, %swap3A_158], %gather3A_155 {strides = array<i32>} : memref<64x256xf32, #tpu.memory_space<vmem>>, vector<16xf32>,
            %broadcast_in_dim3A_160 = arith.constant 4 : i32
            %broadcast_in_dim3A_161 = vector.broadcast %broadcast_in_dim3A_160 : i32 to vector<16xi32>
            %gather3A_162 = tpu.vector_load_idx %arg4[%broadcast_in_dim3A_161, %add3A_134] : memref<64x512xf32, #tpu.memory_space<vmem>>[vector<16xi32>, vector<16xi32>], vector<16xf32>,
            %swap3A_163 = arith.constant 4 : i32
            %swap3A_164 = arith.index_cast %swap3A_163 : i32 to index
            %swap3A_165 = arith.index_cast %multiple_of3A_131 : i32 to index
            %swap3A_166 = tpu.vector_load %arg6[%swap3A_164, %swap3A_165] {strides = array<i32>} : memref<64x256xf32, #tpu.memory_space<vmem>>, vector<16xf32>,
            tpu.vector_store %arg6[%swap3A_164, %swap3A_165], %gather3A_162 {strides = array<i32>} : memref<64x256xf32, #tpu.memory_space<vmem>>, vector<16xf32>,
            %broadcast_in_dim3A_167 = arith.constant 5 : i32
            %broadcast_in_dim3A_168 = vector.broadcast %broadcast_in_dim3A_167 : i32 to vector<16xi32>
            %gather3A_169 = tpu.vector_load_idx %arg4[%broadcast_in_dim3A_168, %add3A_134] : memref<64x512xf32, #tpu.memory_space<vmem>>[vector<16xi32>, vector<16xi32>], vector<16xf32>,
            %swap3A_170 = arith.constant 5 : i32
            %swap3A_171 = arith.index_cast %swap3A_170 : i32 to index
            %swap3A_172 = arith.index_cast %multiple_of3A_131 : i32 to index
            %swap3A_173 = tpu.vector_load %arg6[%swap3A_171, %swap3A_172] {strides = array<i32>} : memref<64x256xf32, #tpu.memory_space<vmem>>, vector<16xf32>,
            tpu.vector_store %arg6[%swap3A_171, %swap3A_172], %gather3A_169 {strides = array<i32>} : memref<64x256xf32, #tpu.memory_space<vmem>>, vector<16xf32>,
            %broadcast_in_dim3A_174 = arith.constant 6 : i32
            %broadcast_in_dim3A_175 = vector.broadcast %broadcast_in_dim3A_174 : i32 to vector<16xi32>
            %gather3A_176 = tpu.vector_load_idx %arg4[%broadcast_in_dim3A_175, %add3A_134] : memref<64x512xf32, #tpu.memory_space<vmem>>[vector<16xi32>, vector<16xi32>], vector<16xf32>,
            %swap3A_177 = arith.constant 6 : i32
            %swap3A_178 = arith.index_cast %swap3A_177 : i32 to index
            %swap3A_179 = arith.index_cast %multiple_of3A_131 : i32 to index
            %swap3A_180 = tpu.vector_load %arg6[%swap3A_178, %swap3A_179] {strides = array<i32>} : memref<64x256xf32, #tpu.memory_space<vmem>>, vector<16xf32>,
            tpu.vector_store %arg6[%swap3A_178, %swap3A_179], %gather3A_176 {strides = array<i32>} : memref<64x256xf32, #tpu.memory_space<vmem>>, vector<16xf32>,
            %broadcast_in_dim3A_181 = arith.constant 7 : i32
            %broadcast_in_dim3A_182 = vector.broadcast %broadcast_in_dim3A_181 : i32 to vector<16xi32>
            %gather3A_183 = tpu.vector_load_idx %arg4[%broadcast_in_dim3A_182, %add3A_134] : memref<64x512xf32, #tpu.memory_space<vmem>>[vector<16xi32>, vector<16xi32>], vector<16xf32>,
            %swap3A_184 = arith.constant 7 : i32
            %swap3A_185 = arith.index_cast %swap3A_184 : i32 to index
            %swap3A_186 = arith.index_cast %multiple_of3A_131 : i32 to index
            %swap3A_187 = tpu.vector_load %arg6[%swap3A_185, %swap3A_186] {strides = array<i32>} : memref<64x256xf32, #tpu.memory_space<vmem>>, vector<16xf32>,
            tpu.vector_store %arg6[%swap3A_185, %swap3A_186], %gather3A_183 {strides = array<i32>} : memref<64x256xf32, #tpu.memory_space<vmem>>, vector<16xf32>,
            %broadcast_in_dim3A_188 = arith.constant 8 : i32
            %broadcast_in_dim3A_189 = vector.broadcast %broadcast_in_dim3A_188 : i32 to vector<16xi32>
            %gather3A_190 = tpu.vector_load_idx %arg4[%broadcast_in_dim3A_189, %add3A_134] : memref<64x512xf32, #tpu.memory_space<vmem>>[vector<16xi32>, vector<16xi32>], vector<16xf32>,
            %swap3A_191 = arith.constant 8 : i32
            %swap3A_192 = arith.index_cast %swap3A_191 : i32 to index
            %swap3A_193 = arith.index_cast %multiple_of3A_131 : i32 to index
            %swap3A_194 = tpu.vector_load %arg6[%swap3A_192, %swap3A_193] {strides = array<i32>} : memref<64x256xf32, #tpu.memory_space<vmem>>, vector<16xf32>,
            tpu.vector_store %arg6[%swap3A_192, %swap3A_193], %gather3A_190 {strides = array<i32>} : memref<64x256xf32, #tpu.memory_space<vmem>>, vector<16xf32>,
            %broadcast_in_dim3A_195 = arith.constant 9 : i32
            %broadcast_in_dim3A_196 = vector.broadcast %broadcast_in_dim3A_195 : i32 to vector<16xi32>
            %gather3A_197 = tpu.vector_load_idx %arg4[%broadcast_in_dim3A_196, %add3A_134] : memref<64x512xf32, #tpu.memory_space<vmem>>[vector<16xi32>, vector<16xi32>], vector<16xf32>,
            %swap3A_198 = arith.constant 9 : i32
            %swap3A_199 = arith.index_cast %swap3A_198 : i32 to index
            %swap3A_200 = arith.index_cast %multiple_of3A_131 : i32 to index
            %swap3A_201 = tpu.vector_load %arg6[%swap3A_199, %swap3A_200] {strides = array<i32>} : memref<64x256xf32, #tpu.memory_space<vmem>>, vector<16xf32>,
            tpu.vector_store %arg6[%swap3A_199, %swap3A_200], %gather3A_197 {strides = array<i32>} : memref<64x256xf32, #tpu.memory_space<vmem>>, vector<16xf32>,
            %broadcast_in_dim3A_202 = arith.constant 10 : i32
            %broadcast_in_dim3A_203 = vector.broadcast %broadcast_in_dim3A_202 : i32 to vector<16xi32>
            %gather3A_204 = tpu.vector_load_idx %arg4[%broadcast_in_dim3A_203, %add3A_134] : memref<64x512xf32, #tpu.memory_space<vmem>>[vector<16xi32>, vector<16xi32>], vector<16xf32>,
            %swap3A_205 = arith.constant 10 : i32
            %swap3A_206 = arith.index_cast %swap3A_205 : i32 to index
            %swap3A_207 = arith.index_cast %multiple_of3A_131 : i32 to index
            %swap3A_208 = tpu.vector_load %arg6[%swap3A_206, %swap3A_207] {strides = array<i32>} : memref<64x256xf32, #tpu.memory_space<vmem>>, vector<16xf32>,
            tpu.vector_store %arg6[%swap3A_206, %swap3A_207], %gather3A_204 {strides = array<i32>} : memref<64x256xf32, #tpu.memory_space<vmem>>, vector<16xf32>,
            %broadcast_in_dim3A_209 = arith.constant 11 : i32
            %broadcast_in_dim3A_210 = vector.broadcast %broadcast_in_dim3A_209 : i32 to vector<16xi32>
            %gather3A_211 = tpu.vector_load_idx %arg4[%broadcast_in_dim3A_210, %add3A_134] : memref<64x512xf32, #tpu.memory_space<vmem>>[vector<16xi32>, vector<16xi32>], vector<16xf32>,
            %swap3A_212 = arith.constant 11 : i32
            %swap3A_213 = arith.index_cast %swap3A_212 : i32 to index
            %swap3A_214 = arith.index_cast %multiple_of3A_131 : i32 to index
            %swap3A_215 = tpu.vector_load %arg6[%swap3A_213, %swap3A_214] {strides = array<i32>} : memref<64x256xf32, #tpu.memory_space<vmem>>, vector<16xf32>,
            tpu.vector_store %arg6[%swap3A_213, %swap3A_214], %gather3A_211 {strides = array<i32>} : memref<64x256xf32, #tpu.memory_space<vmem>>, vector<16xf32>,
            %broadcast_in_dim3A_216 = arith.constant 12 : i32
            %broadcast_in_dim3A_217 = vector.broadcast %broadcast_in_dim3A_216 : i32 to vector<16xi32>
            %gather3A_218 = tpu.vector_load_idx %arg4[%broadcast_in_dim3A_217, %add3A_134] : memref<64x512xf32, #tpu.memory_space<vmem>>[vector<16xi32>, vector<16xi32>], vector<16xf32>,
            %swap3A_219 = arith.constant 12 : i32
            %swap3A_220 = arith.index_cast %swap3A_219 : i32 to index
            %swap3A_221 = arith.index_cast %multiple_of3A_131 : i32 to index
            %swap3A_222 = tpu.vector_load %arg6[%swap3A_220, %swap3A_221] {strides = array<i32>} : memref<64x256xf32, #tpu.memory_space<vmem>>, vector<16xf32>,
            tpu.vector_store %arg6[%swap3A_220, %swap3A_221], %gather3A_218 {strides = array<i32>} : memref<64x256xf32, #tpu.memory_space<vmem>>, vector<16xf32>,
            %broadcast_in_dim3A_223 = arith.constant 13 : i32
            %broadcast_in_dim3A_224 = vector.broadcast %broadcast_in_dim3A_223 : i32 to vector<16xi32>
            %gather3A_225 = tpu.vector_load_idx %arg4[%broadcast_in_dim3A_224, %add3A_134] : memref<64x512xf32, #tpu.memory_space<vmem>>[vector<16xi32>, vector<16xi32>], vector<16xf32>,
            %swap3A_226 = arith.constant 13 : i32
            %swap3A_227 = arith.index_cast %swap3A_226 : i32 to index
            %swap3A_228 = arith.index_cast %multiple_of3A_131 : i32 to index
            %swap3A_229 = tpu.vector_load %arg6[%swap3A_227, %swap3A_228] {strides = array<i32>} : memref<64x256xf32, #tpu.memory_space<vmem>>, vector<16xf32>,
            tpu.vector_store %arg6[%swap3A_227, %swap3A_228], %gather3A_225 {strides = array<i32>} : memref<64x256xf32, #tpu.memory_space<vmem>>, vector<16xf32>,
            %broadcast_in_dim3A_230 = arith.constant 14 : i32
            %broadcast_in_dim3A_231 = vector.broadcast %broadcast_in_dim3A_230 : i32 to vector<16xi32>
            %gather3A_232 = tpu.vector_load_idx %arg4[%broadcast_in_dim3A_231, %add3A_134] : memref<64x512xf32, #tpu.memory_space<vmem>>[vector<16xi32>, vector<16xi32>], vector<16xf32>,
            %swap3A_233 = arith.constant 14 : i32
            %swap3A_234 = arith.index_cast %swap3A_233 : i32 to index
            %swap3A_235 = arith.index_cast %multiple_of3A_131 : i32 to index
            %swap3A_236 = tpu.vector_load %arg6[%swap3A_234, %swap3A_235] {strides = array<i32>} : memref<64x256xf32, #tpu.memory_space<vmem>>, vector<16xf32>,
            tpu.vector_store %arg6[%swap3A_234, %swap3A_235], %gather3A_232 {strides = array<i32>} : memref<64x256xf32, #tpu.memory_space<vmem>>, vector<16xf32>,
            %broadcast_in_dim3A_237 = arith.constant 15 : i32
            %broadcast_in_dim3A_238 = vector.broadcast %broadcast_in_dim3A_237 : i32 to vector<16xi32>
            %gather3A_239 = tpu.vector_load_idx %arg4[%broadcast_in_dim3A_238, %add3A_134] : memref<64x512xf32, #tpu.memory_space<vmem>>[vector<16xi32>, vector<16xi32>], vector<16xf32>,
            %swap3A_240 = arith.constant 15 : i32
            %swap3A_241 = arith.index_cast %swap3A_240 : i32 to index
            %swap3A_242 = arith.index_cast %multiple_of3A_131 : i32 to index
            %swap3A_243 = tpu.vector_load %arg6[%swap3A_241, %swap3A_242] {strides = array<i32>} : memref<64x256xf32, #tpu.memory_space<vmem>>, vector<16xf32>,
            tpu.vector_store %arg6[%swap3A_241, %swap3A_242], %gather3A_239 {strides = array<i32>} : memref<64x256xf32, #tpu.memory_space<vmem>>, vector<16xf32>,
            %broadcast_in_dim3A_244 = arith.constant 16 : i32
            %broadcast_in_dim3A_245 = vector.broadcast %broadcast_in_dim3A_244 : i32 to vector<16xi32>
            %gather3A_246 = tpu.vector_load_idx %arg4[%broadcast_in_dim3A_245, %add3A_134] : memref<64x512xf32, #tpu.memory_space<vmem>>[vector<16xi32>, vector<16xi32>], vector<16xf32>,
            %swap3A_247 = arith.constant 16 : i32
            %swap3A_248 = arith.index_cast %swap3A_247 : i32 to index
            %swap3A_249 = arith.index_cast %multiple_of3A_131 : i32 to index
            %swap3A_250 = tpu.vector_load %arg6[%swap3A_248, %swap3A_249] {strides = array<i32>} : memref<64x256xf32, #tpu.memory_space<vmem>>, vector<16xf32>,
            tpu.vector_store %arg6[%swap3A_248, %swap3A_249], %gather3A_246 {strides = array<i32>} : memref<64x256xf32, #tpu.memory_space<vmem>>, vector<16xf32>,
            %broadcast_in_dim3A_251 = arith.constant 17 : i32
            %broadcast_in_dim3A_252 = vector.broadcast %broadcast_in_dim3A_251 : i32 to vector<16xi32>
            %gather3A_253 = tpu.vector_load_idx %arg4[%broadcast_in_dim3A_252, %add3A_134] : memref<64x512xf32, #tpu.memory_space<vmem>>[vector<16xi32>, vector<16xi32>], vector<16xf32>,
            %swap3A_254 = arith.constant 17 : i32
            %swap3A_255 = arith.index_cast %swap3A_254 : i32 to index
            %swap3A_256 = arith.index_cast %multiple_of3A_131 : i32 to index
            %swap3A_257 = tpu.vector_load %arg6[%swap3A_255, %swap3A_256] {strides = array<i32>} : memref<64x256xf32, #tpu.memory_space<vmem>>, vector<16xf32>,
            tpu.vector_store %arg6[%swap3A_255, %swap3A_256], %gather3A_253 {strides = array<i32>} : memref<64x256xf32, #tpu.memory_space<vmem>>, vector<16xf32>,
            %broadcast_in_dim3A_258 = arith.constant 18 : i32
            %broadcast_in_dim3A_259 = vector.broadcast %broadcast_in_dim3A_258 : i32 to vector<16xi32>
            %gather3A_260 = tpu.vector_load_idx %arg4[%broadcast_in_dim3A_259, %add3A_134] : memref<64x512xf32, #tpu.memory_space<vmem>>[vector<16xi32>, vector<16xi32>], vector<16xf32>,
            %swap3A_261 = arith.constant 18 : i32
            %swap3A_262 = arith.index_cast %swap3A_261 : i32 to index
            %swap3A_263 = arith.index_cast %multiple_of3A_131 : i32 to index
            %swap3A_264 = tpu.vector_load %arg6[%swap3A_262, %swap3A_263] {strides = array<i32>} : memref<64x256xf32, #tpu.memory_space<vmem>>, vector<16xf32>,
            tpu.vector_store %arg6[%swap3A_262, %swap3A_263], %gather3A_260 {strides = array<i32>} : memref<64x256xf32, #tpu.memory_space<vmem>>, vector<16xf32>,
            %broadcast_in_dim3A_265 = arith.constant 19 : i32
            %broadcast_in_dim3A_266 = vector.broadcast %broadcast_in_dim3A_265 : i32 to vector<16xi32>
            %gather3A_267 = tpu.vector_load_idx %arg4[%broadcast_in_dim3A_266, %add3A_134] : memref<64x512xf32, #tpu.memory_space<vmem>>[vector<16xi32>, vector<16xi32>], vector<16xf32>,
            %swap3A_268 = arith.constant 19 : i32
            %swap3A_269 = arith.index_cast %swap3A_268 : i32 to index
            %swap3A_270 = arith.index_cast %multiple_of3A_131 : i32 to index
            %swap3A_271 = tpu.vector_load %arg6[%swap3A_269, %swap3A_270] {strides = array<i32>} : memref<64x256xf32, #tpu.memory_space<vmem>>, vector<16xf32>,
            tpu.vector_store %arg6[%swap3A_269, %swap3A_270], %gather3A_267 {strides = array<i32>} : memref<64x256xf32, #tpu.memory_space<vmem>>, vector<16xf32>,
            %broadcast_in_dim3A_272 = arith.constant 20 : i32
            %broadcast_in_dim3A_273 = vector.broadcast %broadcast_in_dim3A_272 : i32 to vector<16xi32>
            %gather3A_274 = tpu.vector_load_idx %arg4[%broadcast_in_dim3A_273, %add3A_134] : memref<64x512xf32, #tpu.memory_space<vmem>>[vector<16xi32>, vector<16xi32>], vector<16xf32>,
            %swap3A_275 = arith.constant 20 : i32
            %swap3A_276 = arith.index_cast %swap3A_275 : i32 to index
            %swap3A_277 = arith.index_cast %multiple_of3A_131 : i32 to index
            %swap3A_278 = tpu.vector_load %arg6[%swap3A_276, %swap3A_277] {strides = array<i32>} : memref<64x256xf32, #tpu.memory_space<vmem>>, vector<16xf32>,
            tpu.vector_store %arg6[%swap3A_276, %swap3A_277], %gather3A_274 {strides = array<i32>} : memref<64x256xf32, #tpu.memory_space<vmem>>, vector<16xf32>,
            %broadcast_in_dim3A_279 = arith.constant 21 : i32
            %broadcast_in_dim3A_280 = vector.broadcast %broadcast_in_dim3A_279 : i32 to vector<16xi32>
            %gather3A_281 = tpu.vector_load_idx %arg4[%broadcast_in_dim3A_280, %add3A_134] : memref<64x512xf32, #tpu.memory_space<vmem>>[vector<16xi32>, vector<16xi32>], vector<16xf32>,
            %swap3A_282 = arith.constant 21 : i32
            %swap3A_283 = arith.index_cast %swap3A_282 : i32 to index
            %swap3A_284 = arith.index_cast %multiple_of3A_131 : i32 to index
            %swap3A_285 = tpu.vector_load %arg6[%swap3A_283, %swap3A_284] {strides = array<i32>} : memref<64x256xf32, #tpu.memory_space<vmem>>, vector<16xf32>,
            tpu.vector_store %arg6[%swap3A_283, %swap3A_284], %gather3A_281 {strides = array<i32>} : memref<64x256xf32, #tpu.memory_space<vmem>>, vector<16xf32>,
            %broadcast_in_dim3A_286 = arith.constant 22 : i32
            %broadcast_in_dim3A_287 = vector.broadcast %broadcast_in_dim3A_286 : i32 to vector<16xi32>
            %gather3A_288 = tpu.vector_load_idx %arg4[%broadcast_in_dim3A_287, %add3A_134] : memref<64x512xf32, #tpu.memory_space<vmem>>[vector<16xi32>, vector<16xi32>], vector<16xf32>,
            %swap3A_289 = arith.constant 22 : i32
            %swap3A_290 = arith.index_cast %swap3A_289 : i32 to index
            %swap3A_291 = arith.index_cast %multiple_of3A_131 : i32 to index
            %swap3A_292 = tpu.vector_load %arg6[%swap3A_290, %swap3A_291] {strides = array<i32>} : memref<64x256xf32, #tpu.memory_space<vmem>>, vector<16xf32>,
            tpu.vector_store %arg6[%swap3A_290, %swap3A_291], %gather3A_288 {strides = array<i32>} : memref<64x256xf32, #tpu.memory_space<vmem>>, vector<16xf32>,
            %broadcast_in_dim3A_293 = arith.constant 23 : i32
            %broadcast_in_dim3A_294 = vector.broadcast %broadcast_in_dim3A_293 : i32 to vector<16xi32>
            %gather3A_295 = tpu.vector_load_idx %arg4[%broadcast_in_dim3A_294, %add3A_134] : memref<64x512xf32, #tpu.memory_space<vmem>>[vector<16xi32>, vector<16xi32>], vector<16xf32>,
            %swap3A_296 = arith.constant 23 : i32
            %swap3A_297 = arith.index_cast %swap3A_296 : i32 to index
            %swap3A_298 = arith.index_cast %multiple_of3A_131 : i32 to index
            %swap3A_299 = tpu.vector_load %arg6[%swap3A_297, %swap3A_298] {strides = array<i32>} : memref<64x256xf32, #tpu.memory_space<vmem>>, vector<16xf32>,
            tpu.vector_store %arg6[%swap3A_297, %swap3A_298], %gather3A_295 {strides = array<i32>} : memref<64x256xf32, #tpu.memory_space<vmem>>, vector<16xf32>,
            %broadcast_in_dim3A_300 = arith.constant 24 : i32
            %broadcast_in_dim3A_301 = vector.broadcast %broadcast_in_dim3A_300 : i32 to vector<16xi32>
            %gather3A_302 = tpu.vector_load_idx %arg4[%broadcast_in_dim3A_301, %add3A_134] : memref<64x512xf32, #tpu.memory_space<vmem>>[vector<16xi32>, vector<16xi32>], vector<16xf32>,
            %swap3A_303 = arith.constant 24 : i32
            %swap3A_304 = arith.index_cast %swap3A_303 : i32 to index
            %swap3A_305 = arith.index_cast %multiple_of3A_131 : i32 to index
            %swap3A_306 = tpu.vector_load %arg6[%swap3A_304, %swap3A_305] {strides = array<i32>} : memref<64x256xf32, #tpu.memory_space<vmem>>, vector<16xf32>,
            tpu.vector_store %arg6[%swap3A_304, %swap3A_305], %gather3A_302 {strides = array<i32>} : memref<64x256xf32, #tpu.memory_space<vmem>>, vector<16xf32>,
            %broadcast_in_dim3A_307 = arith.constant 25 : i32
            %broadcast_in_dim3A_308 = vector.broadcast %broadcast_in_dim3A_307 : i32 to vector<16xi32>
            %gather3A_309 = tpu.vector_load_idx %arg4[%broadcast_in_dim3A_308, %add3A_134] : memref<64x512xf32, #tpu.memory_space<vmem>>[vector<16xi32>, vector<16xi32>], vector<16xf32>,
            %swap3A_310 = arith.constant 25 : i32
            %swap3A_311 = arith.index_cast %swap3A_310 : i32 to index
            %swap3A_312 = arith.index_cast %multiple_of3A_131 : i32 to index
            %swap3A_313 = tpu.vector_load %arg6[%swap3A_311, %swap3A_312] {strides = array<i32>} : memref<64x256xf32, #tpu.memory_space<vmem>>, vector<16xf32>,
            tpu.vector_store %arg6[%swap3A_311, %swap3A_312], %gather3A_309 {strides = array<i32>} : memref<64x256xf32, #tpu.memory_space<vmem>>, vector<16xf32>,
            %broadcast_in_dim3A_314 = arith.constant 26 : i32
            %broadcast_in_dim3A_315 = vector.broadcast %broadcast_in_dim3A_314 : i32 to vector<16xi32>
            %gather3A_316 = tpu.vector_load_idx %arg4[%broadcast_in_dim3A_315, %add3A_134] : memref<64x512xf32, #tpu.memory_space<vmem>>[vector<16xi32>, vector<16xi32>], vector<16xf32>,
            %swap3A_317 = arith.constant 26 : i32
            %swap3A_318 = arith.index_cast %swap3A_317 : i32 to index
            %swap3A_319 = arith.index_cast %multiple_of3A_131 : i32 to index
            %swap3A_320 = tpu.vector_load %arg6[%swap3A_318, %swap3A_319] {strides = array<i32>} : memref<64x256xf32, #tpu.memory_space<vmem>>, vector<16xf32>,
            tpu.vector_store %arg6[%swap3A_318, %swap3A_319], %gather3A_316 {strides = array<i32>} : memref<64x256xf32, #tpu.memory_space<vmem>>, vector<16xf32>,
            %broadcast_in_dim3A_321 = arith.constant 27 : i32
            %broadcast_in_dim3A_322 = vector.broadcast %broadcast_in_dim3A_321 : i32 to vector<16xi32>
            %gather3A_323 = tpu.vector_load_idx %arg4[%broadcast_in_dim3A_322, %add3A_134] : memref<64x512xf32, #tpu.memory_space<vmem>>[vector<16xi32>, vector<16xi32>], vector<16xf32>,
            %swap3A_324 = arith.constant 27 : i32
            %swap3A_325 = arith.index_cast %swap3A_324 : i32 to index
            %swap3A_326 = arith.index_cast %multiple_of3A_131 : i32 to index
            %swap3A_327 = tpu.vector_load %arg6[%swap3A_325, %swap3A_326] {strides = array<i32>} : memref<64x256xf32, #tpu.memory_space<vmem>>, vector<16xf32>,
            tpu.vector_store %arg6[%swap3A_325, %swap3A_326], %gather3A_323 {strides = array<i32>} : memref<64x256xf32, #tpu.memory_space<vmem>>, vector<16xf32>,
            %broadcast_in_dim3A_328 = arith.constant 28 : i32
            %broadcast_in_dim3A_329 = vector.broadcast %broadcast_in_dim3A_328 : i32 to vector<16xi32>
            %gather3A_330 = tpu.vector_load_idx %arg4[%broadcast_in_dim3A_329, %add3A_134] : memref<64x512xf32, #tpu.memory_space<vmem>>[vector<16xi32>, vector<16xi32>], vector<16xf32>,
            %swap3A_331 = arith.constant 28 : i32
            %swap3A_332 = arith.index_cast %swap3A_331 : i32 to index
            %swap3A_333 = arith.index_cast %multiple_of3A_131 : i32 to index
            %swap3A_334 = tpu.vector_load %arg6[%swap3A_332, %swap3A_333] {strides = array<i32>} : memref<64x256xf32, #tpu.memory_space<vmem>>, vector<16xf32>,
            tpu.vector_store %arg6[%swap3A_332, %swap3A_333], %gather3A_330 {strides = array<i32>} : memref<64x256xf32, #tpu.memory_space<vmem>>, vector<16xf32>,
            %broadcast_in_dim3A_335 = arith.constant 29 : i32
            %broadcast_in_dim3A_336 = vector.broadcast %broadcast_in_dim3A_335 : i32 to vector<16xi32>
            %gather3A_337 = tpu.vector_load_idx %arg4[%broadcast_in_dim3A_336, %add3A_134] : memref<64x512xf32, #tpu.memory_space<vmem>>[vector<16xi32>, vector<16xi32>], vector<16xf32>,
            %swap3A_338 = arith.constant 29 : i32
            %swap3A_339 = arith.index_cast %swap3A_338 : i32 to index
            %swap3A_340 = arith.index_cast %multiple_of3A_131 : i32 to index
            %swap3A_341 = tpu.vector_load %arg6[%swap3A_339, %swap3A_340] {strides = array<i32>} : memref<64x256xf32, #tpu.memory_space<vmem>>, vector<16xf32>,
            tpu.vector_store %arg6[%swap3A_339, %swap3A_340], %gather3A_337 {strides = array<i32>} : memref<64x256xf32, #tpu.memory_space<vmem>>, vector<16xf32>,
            %broadcast_in_dim3A_342 = arith.constant 30 : i32
            %broadcast_in_dim3A_343 = vector.broadcast %broadcast_in_dim3A_342 : i32 to vector<16xi32>
            %gather3A_344 = tpu.vector_load_idx %arg4[%broadcast_in_dim3A_343, %add3A_134] : memref<64x512xf32, #tpu.memory_space<vmem>>[vector<16xi32>, vector<16xi32>], vector<16xf32>,
            %swap3A_345 = arith.constant 30 : i32
            %swap3A_346 = arith.index_cast %swap3A_345 : i32 to index
            %swap3A_347 = arith.index_cast %multiple_of3A_131 : i32 to index
            %swap3A_348 = tpu.vector_load %arg6[%swap3A_346, %swap3A_347] {strides = array<i32>} : memref<64x256xf32, #tpu.memory_space<vmem>>, vector<16xf32>,
            tpu.vector_store %arg6[%swap3A_346, %swap3A_347], %gather3A_344 {strides = array<i32>} : memref<64x256xf32, #tpu.memory_space<vmem>>, vector<16xf32>,
            %broadcast_in_dim3A_349 = arith.constant 31 : i32
            %broadcast_in_dim3A_350 = vector.broadcast %broadcast_in_dim3A_349 : i32 to vector<16xi32>
            %gather3A_351 = tpu.vector_load_idx %arg4[%broadcast_in_dim3A_350, %add3A_134] : memref<64x512xf32, #tpu.memory_space<vmem>>[vector<16xi32>, vector<16xi32>], vector<16xf32>,
            %swap3A_352 = arith.constant 31 : i32
            %swap3A_353 = arith.index_cast %swap3A_352 : i32 to index
            %swap3A_354 = arith.index_cast %multiple_of3A_131 : i32 to index
            %swap3A_355 = tpu.vector_load %arg6[%swap3A_353, %swap3A_354] {strides = array<i32>} : memref<64x256xf32, #tpu.memory_space<vmem>>, vector<16xf32>,
            tpu.vector_store %arg6[%swap3A_353, %swap3A_354], %gather3A_351 {strides = array<i32>} : memref<64x256xf32, #tpu.memory_space<vmem>>, vector<16xf32>,
            %broadcast_in_dim3A_356 = arith.constant 32 : i32
            %broadcast_in_dim3A_357 = vector.broadcast %broadcast_in_dim3A_356 : i32 to vector<16xi32>
            %gather3A_358 = tpu.vector_load_idx %arg4[%broadcast_in_dim3A_357, %add3A_134] : memref<64x512xf32, #tpu.memory_space<vmem>>[vector<16xi32>, vector<16xi32>], vector<16xf32>,
            %swap3A_359 = arith.constant 32 : i32
            %swap3A_360 = arith.index_cast %swap3A_359 : i32 to index
            %swap3A_361 = arith.index_cast %multiple_of3A_131 : i32 to index
            %swap3A_362 = tpu.vector_load %arg6[%swap3A_360, %swap3A_361] {strides = array<i32>} : memref<64x256xf32, #tpu.memory_space<vmem>>, vector<16xf32>,
            tpu.vector_store %arg6[%swap3A_360, %swap3A_361], %gather3A_358 {strides = array<i32>} : memref<64x256xf32, #tpu.memory_space<vmem>>, vector<16xf32>,
            %broadcast_in_dim3A_363 = arith.constant 33 : i32
            %broadcast_in_dim3A_364 = vector.broadcast %broadcast_in_dim3A_363 : i32 to vector<16xi32>
            %gather3A_365 = tpu.vector_load_idx %arg4[%broadcast_in_dim3A_364, %add3A_134] : memref<64x512xf32, #tpu.memory_space<vmem>>[vector<16xi32>, vector<16xi32>], vector<16xf32>,
            %swap3A_366 = arith.constant 33 : i32
            %swap3A_367 = arith.index_cast %swap3A_366 : i32 to index
            %swap3A_368 = arith.index_cast %multiple_of3A_131 : i32 to index
            %swap3A_369 = tpu.vector_load %arg6[%swap3A_367, %swap3A_368] {strides = array<i32>} : memref<64x256xf32, #tpu.memory_space<vmem>>, vector<16xf32>,
            tpu.vector_store %arg6[%swap3A_367, %swap3A_368], %gather3A_365 {strides = array<i32>} : memref<64x256xf32, #tpu.memory_space<vmem>>, vector<16xf32>,
            %broadcast_in_dim3A_370 = arith.constant 34 : i32
            %broadcast_in_dim3A_371 = vector.broadcast %broadcast_in_dim3A_370 : i32 to vector<16xi32>
            %gather3A_372 = tpu.vector_load_idx %arg4[%broadcast_in_dim3A_371, %add3A_134] : memref<64x512xf32, #tpu.memory_space<vmem>>[vector<16xi32>, vector<16xi32>], vector<16xf32>,
            %swap3A_373 = arith.constant 34 : i32
            %swap3A_374 = arith.index_cast %swap3A_373 : i32 to index
            %swap3A_375 = arith.index_cast %multiple_of3A_131 : i32 to index
            %swap3A_376 = tpu.vector_load %arg6[%swap3A_374, %swap3A_375] {strides = array<i32>} : memref<64x256xf32, #tpu.memory_space<vmem>>, vector<16xf32>,
            tpu.vector_store %arg6[%swap3A_374, %swap3A_375], %gather3A_372 {strides = array<i32>} : memref<64x256xf32, #tpu.memory_space<vmem>>, vector<16xf32>,
            %broadcast_in_dim3A_377 = arith.constant 35 : i32
            %broadcast_in_dim3A_378 = vector.broadcast %broadcast_in_dim3A_377 : i32 to vector<16xi32>
            %gather3A_379 = tpu.vector_load_idx %arg4[%broadcast_in_dim3A_378, %add3A_134] : memref<64x512xf32, #tpu.memory_space<vmem>>[vector<16xi32>, vector<16xi32>], vector<16xf32>,
            %swap3A_380 = arith.constant 35 : i32
            %swap3A_381 = arith.index_cast %swap3A_380 : i32 to index
            %swap3A_382 = arith.index_cast %multiple_of3A_131 : i32 to index
            %swap3A_383 = tpu.vector_load %arg6[%swap3A_381, %swap3A_382] {strides = array<i32>} : memref<64x256xf32, #tpu.memory_space<vmem>>, vector<16xf32>,
            tpu.vector_store %arg6[%swap3A_381, %swap3A_382], %gather3A_379 {strides = array<i32>} : memref<64x256xf32, #tpu.memory_space<vmem>>, vector<16xf32>,
            %broadcast_in_dim3A_384 = arith.constant 36 : i32
            %broadcast_in_dim3A_385 = vector.broadcast %broadcast_in_dim3A_384 : i32 to vector<16xi32>
            %gather3A_386 = tpu.vector_load_idx %arg4[%broadcast_in_dim3A_385, %add3A_134] : memref<64x512xf32, #tpu.memory_space<vmem>>[vector<16xi32>, vector<16xi32>], vector<16xf32>,
            %swap3A_387 = arith.constant 36 : i32
            %swap3A_388 = arith.index_cast %swap3A_387 : i32 to index
            %swap3A_389 = arith.index_cast %multiple_of3A_131 : i32 to index
            %swap3A_390 = tpu.vector_load %arg6[%swap3A_388, %swap3A_389] {strides = array<i32>} : memref<64x256xf32, #tpu.memory_space<vmem>>, vector<16xf32>,
            tpu.vector_store %arg6[%swap3A_388, %swap3A_389], %gather3A_386 {strides = array<i32>} : memref<64x256xf32, #tpu.memory_space<vmem>>, vector<16xf32>,
            %broadcast_in_dim3A_391 = arith.constant 37 : i32
            %broadcast_in_dim3A_392 = vector.broadcast %broadcast_in_dim3A_391 : i32 to vector<16xi32>
            %gather3A_393 = tpu.vector_load_idx %arg4[%broadcast_in_dim3A_392, %add3A_134] : memref<64x512xf32, #tpu.memory_space<vmem>>[vector<16xi32>, vector<16xi32>], vector<16xf32>,
            %swap3A_394 = arith.constant 37 : i32
            %swap3A_395 = arith.index_cast %swap3A_394 : i32 to index
            %swap3A_396 = arith.index_cast %multiple_of3A_131 : i32 to index
            %swap3A_397 = tpu.vector_load %arg6[%swap3A_395, %swap3A_396] {strides = array<i32>} : memref<64x256xf32, #tpu.memory_space<vmem>>, vector<16xf32>,
            tpu.vector_store %arg6[%swap3A_395, %swap3A_396], %gather3A_393 {strides = array<i32>} : memref<64x256xf32, #tpu.memory_space<vmem>>, vector<16xf32>,
            %broadcast_in_dim3A_398 = arith.constant 38 : i32
            %broadcast_in_dim3A_399 = vector.broadcast %broadcast_in_dim3A_398 : i32 to vector<16xi32>
            %gather3A_400 = tpu.vector_load_idx %arg4[%broadcast_in_dim3A_399, %add3A_134] : memref<64x512xf32, #tpu.memory_space<vmem>>[vector<16xi32>, vector<16xi32>], vector<16xf32>,
            %swap3A_401 = arith.constant 38 : i32
            %swap3A_402 = arith.index_cast %swap3A_401 : i32 to index
            %swap3A_403 = arith.index_cast %multiple_of3A_131 : i32 to index
            %swap3A_404 = tpu.vector_load %arg6[%swap3A_402, %swap3A_403] {strides = array<i32>} : memref<64x256xf32, #tpu.memory_space<vmem>>, vector<16xf32>,
            tpu.vector_store %arg6[%swap3A_402, %swap3A_403], %gather3A_400 {strides = array<i32>} : memref<64x256xf32, #tpu.memory_space<vmem>>, vector<16xf32>,
            %broadcast_in_dim3A_405 = arith.constant 39 : i32
            %broadcast_in_dim3A_406 = vector.broadcast %broadcast_in_dim3A_405 : i32 to vector<16xi32>
            %gather3A_407 = tpu.vector_load_idx %arg4[%broadcast_in_dim3A_406, %add3A_134] : memref<64x512xf32, #tpu.memory_space<vmem>>[vector<16xi32>, vector<16xi32>], vector<16xf32>,
            %swap3A_408 = arith.constant 39 : i32
            %swap3A_409 = arith.index_cast %swap3A_408 : i32 to index
            %swap3A_410 = arith.index_cast %multiple_of3A_131 : i32 to index
            %swap3A_411 = tpu.vector_load %arg6[%swap3A_409, %swap3A_410] {strides = array<i32>} : memref<64x256xf32, #tpu.memory_space<vmem>>, vector<16xf32>,
            tpu.vector_store %arg6[%swap3A_409, %swap3A_410], %gather3A_407 {strides = array<i32>} : memref<64x256xf32, #tpu.memory_space<vmem>>, vector<16xf32>,
            %broadcast_in_dim3A_412 = arith.constant 40 : i32
            %broadcast_in_dim3A_413 = vector.broadcast %broadcast_in_dim3A_412 : i32 to vector<16xi32>
            %gather3A_414 = tpu.vector_load_idx %arg4[%broadcast_in_dim3A_413, %add3A_134] : memref<64x512xf32, #tpu.memory_space<vmem>>[vector<16xi32>, vector<16xi32>], vector<16xf32>,
            %swap3A_415 = arith.constant 40 : i32
            %swap3A_416 = arith.index_cast %swap3A_415 : i32 to index
            %swap3A_417 = arith.index_cast %multiple_of3A_131 : i32 to index
            %swap3A_418 = tpu.vector_load %arg6[%swap3A_416, %swap3A_417] {strides = array<i32>} : memref<64x256xf32, #tpu.memory_space<vmem>>, vector<16xf32>,
            tpu.vector_store %arg6[%swap3A_416, %swap3A_417], %gather3A_414 {strides = array<i32>} : memref<64x256xf32, #tpu.memory_space<vmem>>, vector<16xf32>,
            %broadcast_in_dim3A_419 = arith.constant 41 : i32
            %broadcast_in_dim3A_420 = vector.broadcast %broadcast_in_dim3A_419 : i32 to vector<16xi32>
            %gather3A_421 = tpu.vector_load_idx %arg4[%broadcast_in_dim3A_420, %add3A_134] : memref<64x512xf32, #tpu.memory_space<vmem>>[vector<16xi32>, vector<16xi32>], vector<16xf32>,
            %swap3A_422 = arith.constant 41 : i32
            %swap3A_423 = arith.index_cast %swap3A_422 : i32 to index
            %swap3A_424 = arith.index_cast %multiple_of3A_131 : i32 to index
            %swap3A_425 = tpu.vector_load %arg6[%swap3A_423, %swap3A_424] {strides = array<i32>} : memref<64x256xf32, #tpu.memory_space<vmem>>, vector<16xf32>,
            tpu.vector_store %arg6[%swap3A_423, %swap3A_424], %gather3A_421 {strides = array<i32>} : memref<64x256xf32, #tpu.memory_space<vmem>>, vector<16xf32>,
            %broadcast_in_dim3A_426 = arith.constant 42 : i32
            %broadcast_in_dim3A_427 = vector.broadcast %broadcast_in_dim3A_426 : i32 to vector<16xi32>
            %gather3A_428 = tpu.vector_load_idx %arg4[%broadcast_in_dim3A_427, %add3A_134] : memref<64x512xf32, #tpu.memory_space<vmem>>[vector<16xi32>, vector<16xi32>], vector<16xf32>,
            %swap3A_429 = arith.constant 42 : i32
            %swap3A_430 = arith.index_cast %swap3A_429 : i32 to index
            %swap3A_431 = arith.index_cast %multiple_of3A_131 : i32 to index
            %swap3A_432 = tpu.vector_load %arg6[%swap3A_430, %swap3A_431] {strides = array<i32>} : memref<64x256xf32, #tpu.memory_space<vmem>>, vector<16xf32>,
            tpu.vector_store %arg6[%swap3A_430, %swap3A_431], %gather3A_428 {strides = array<i32>} : memref<64x256xf32, #tpu.memory_space<vmem>>, vector<16xf32>,
            %broadcast_in_dim3A_433 = arith.constant 43 : i32
            %broadcast_in_dim3A_434 = vector.broadcast %broadcast_in_dim3A_433 : i32 to vector<16xi32>
            %gather3A_435 = tpu.vector_load_idx %arg4[%broadcast_in_dim3A_434, %add3A_134] : memref<64x512xf32, #tpu.memory_space<vmem>>[vector<16xi32>, vector<16xi32>], vector<16xf32>,
            %swap3A_436 = arith.constant 43 : i32
            %swap3A_437 = arith.index_cast %swap3A_436 : i32 to index
            %swap3A_438 = arith.index_cast %multiple_of3A_131 : i32 to index
            %swap3A_439 = tpu.vector_load %arg6[%swap3A_437, %swap3A_438] {strides = array<i32>} : memref<64x256xf32, #tpu.memory_space<vmem>>, vector<16xf32>,
            tpu.vector_store %arg6[%swap3A_437, %swap3A_438], %gather3A_435 {strides = array<i32>} : memref<64x256xf32, #tpu.memory_space<vmem>>, vector<16xf32>,
            %broadcast_in_dim3A_440 = arith.constant 44 : i32
            %broadcast_in_dim3A_441 = vector.broadcast %broadcast_in_dim3A_440 : i32 to vector<16xi32>
            %gather3A_442 = tpu.vector_load_idx %arg4[%broadcast_in_dim3A_441, %add3A_134] : memref<64x512xf32, #tpu.memory_space<vmem>>[vector<16xi32>, vector<16xi32>], vector<16xf32>,
            %swap3A_443 = arith.constant 44 : i32
            %swap3A_444 = arith.index_cast %swap3A_443 : i32 to index
            %swap3A_445 = arith.index_cast %multiple_of3A_131 : i32 to index
            %swap3A_446 = tpu.vector_load %arg6[%swap3A_444, %swap3A_445] {strides = array<i32>} : memref<64x256xf32, #tpu.memory_space<vmem>>, vector<16xf32>,
            tpu.vector_store %arg6[%swap3A_444, %swap3A_445], %gather3A_442 {strides = array<i32>} : memref<64x256xf32, #tpu.memory_space<vmem>>, vector<16xf32>,
            %broadcast_in_dim3A_447 = arith.constant 45 : i32
            %broadcast_in_dim3A_448 = vector.broadcast %broadcast_in_dim3A_447 : i32 to vector<16xi32>
            %gather3A_449 = tpu.vector_load_idx %arg4[%broadcast_in_dim3A_448, %add3A_134] : memref<64x512xf32, #tpu.memory_space<vmem>>[vector<16xi32>, vector<16xi32>], vector<16xf32>,
            %swap3A_450 = arith.constant 45 : i32
            %swap3A_451 = arith.index_cast %swap3A_450 : i32 to index
            %swap3A_452 = arith.index_cast %multiple_of3A_131 : i32 to index
            %swap3A_453 = tpu.vector_load %arg6[%swap3A_451, %swap3A_452] {strides = array<i32>} : memref<64x256xf32, #tpu.memory_space<vmem>>, vector<16xf32>,
            tpu.vector_store %arg6[%swap3A_451, %swap3A_452], %gather3A_449 {strides = array<i32>} : memref<64x256xf32, #tpu.memory_space<vmem>>, vector<16xf32>,
            %broadcast_in_dim3A_454 = arith.constant 46 : i32
            %broadcast_in_dim3A_455 = vector.broadcast %broadcast_in_dim3A_454 : i32 to vector<16xi32>
            %gather3A_456 = tpu.vector_load_idx %arg4[%broadcast_in_dim3A_455, %add3A_134] : memref<64x512xf32, #tpu.memory_space<vmem>>[vector<16xi32>, vector<16xi32>], vector<16xf32>,
            %swap3A_457 = arith.constant 46 : i32
            %swap3A_458 = arith.index_cast %swap3A_457 : i32 to index
            %swap3A_459 = arith.index_cast %multiple_of3A_131 : i32 to index
            %swap3A_460 = tpu.vector_load %arg6[%swap3A_458, %swap3A_459] {strides = array<i32>} : memref<64x256xf32, #tpu.memory_space<vmem>>, vector<16xf32>,
            tpu.vector_store %arg6[%swap3A_458, %swap3A_459], %gather3A_456 {strides = array<i32>} : memref<64x256xf32, #tpu.memory_space<vmem>>, vector<16xf32>,
            %broadcast_in_dim3A_461 = arith.constant 47 : i32
            %broadcast_in_dim3A_462 = vector.broadcast %broadcast_in_dim3A_461 : i32 to vector<16xi32>
            %gather3A_463 = tpu.vector_load_idx %arg4[%broadcast_in_dim3A_462, %add3A_134] : memref<64x512xf32, #tpu.memory_space<vmem>>[vector<16xi32>, vector<16xi32>], vector<16xf32>,
            %swap3A_464 = arith.constant 47 : i32
            %swap3A_465 = arith.index_cast %swap3A_464 : i32 to index
            %swap3A_466 = arith.index_cast %multiple_of3A_131 : i32 to index
            %swap3A_467 = tpu.vector_load %arg6[%swap3A_465, %swap3A_466] {strides = array<i32>} : memref<64x256xf32, #tpu.memory_space<vmem>>, vector<16xf32>,
            tpu.vector_store %arg6[%swap3A_465, %swap3A_466], %gather3A_463 {strides = array<i32>} : memref<64x256xf32, #tpu.memory_space<vmem>>, vector<16xf32>,
            %broadcast_in_dim3A_468 = arith.constant 48 : i32
            %broadcast_in_dim3A_469 = vector.broadcast %broadcast_in_dim3A_468 : i32 to vector<16xi32>
            %gather3A_470 = tpu.vector_load_idx %arg4[%broadcast_in_dim3A_469, %add3A_134] : memref<64x512xf32, #tpu.memory_space<vmem>>[vector<16xi32>, vector<16xi32>], vector<16xf32>,
            %swap3A_471 = arith.constant 48 : i32
            %swap3A_472 = arith.index_cast %swap3A_471 : i32 to index
            %swap3A_473 = arith.index_cast %multiple_of3A_131 : i32 to index
            %swap3A_474 = tpu.vector_load %arg6[%swap3A_472, %swap3A_473] {strides = array<i32>} : memref<64x256xf32, #tpu.memory_space<vmem>>, vector<16xf32>,
            tpu.vector_store %arg6[%swap3A_472, %swap3A_473], %gather3A_470 {strides = array<i32>} : memref<64x256xf32, #tpu.memory_space<vmem>>, vector<16xf32>,
            %broadcast_in_dim3A_475 = arith.constant 49 : i32
            %broadcast_in_dim3A_476 = vector.broadcast %broadcast_in_dim3A_475 : i32 to vector<16xi32>
            %gather3A_477 = tpu.vector_load_idx %arg4[%broadcast_in_dim3A_476, %add3A_134] : memref<64x512xf32, #tpu.memory_space<vmem>>[vector<16xi32>, vector<16xi32>], vector<16xf32>,
            %swap3A_478 = arith.constant 49 : i32
            %swap3A_479 = arith.index_cast %swap3A_478 : i32 to index
            %swap3A_480 = arith.index_cast %multiple_of3A_131 : i32 to index
            %swap3A_481 = tpu.vector_load %arg6[%swap3A_479, %swap3A_480] {strides = array<i32>} : memref<64x256xf32, #tpu.memory_space<vmem>>, vector<16xf32>,
            tpu.vector_store %arg6[%swap3A_479, %swap3A_480], %gather3A_477 {strides = array<i32>} : memref<64x256xf32, #tpu.memory_space<vmem>>, vector<16xf32>,
            %broadcast_in_dim3A_482 = arith.constant 50 : i32
            %broadcast_in_dim3A_483 = vector.broadcast %broadcast_in_dim3A_482 : i32 to vector<16xi32>
            %gather3A_484 = tpu.vector_load_idx %arg4[%broadcast_in_dim3A_483, %add3A_134] : memref<64x512xf32, #tpu.memory_space<vmem>>[vector<16xi32>, vector<16xi32>], vector<16xf32>,
            %swap3A_485 = arith.constant 50 : i32
            %swap3A_486 = arith.index_cast %swap3A_485 : i32 to index
            %swap3A_487 = arith.index_cast %multiple_of3A_131 : i32 to index
            %swap3A_488 = tpu.vector_load %arg6[%swap3A_486, %swap3A_487] {strides = array<i32>} : memref<64x256xf32, #tpu.memory_space<vmem>>, vector<16xf32>,
            tpu.vector_store %arg6[%swap3A_486, %swap3A_487], %gather3A_484 {strides = array<i32>} : memref<64x256xf32, #tpu.memory_space<vmem>>, vector<16xf32>,
            %broadcast_in_dim3A_489 = arith.constant 51 : i32
            %broadcast_in_dim3A_490 = vector.broadcast %broadcast_in_dim3A_489 : i32 to vector<16xi32>
            %gather3A_491 = tpu.vector_load_idx %arg4[%broadcast_in_dim3A_490, %add3A_134] : memref<64x512xf32, #tpu.memory_space<vmem>>[vector<16xi32>, vector<16xi32>], vector<16xf32>,
            %swap3A_492 = arith.constant 51 : i32
            %swap3A_493 = arith.index_cast %swap3A_492 : i32 to index
            %swap3A_494 = arith.index_cast %multiple_of3A_131 : i32 to index
            %swap3A_495 = tpu.vector_load %arg6[%swap3A_493, %swap3A_494] {strides = array<i32>} : memref<64x256xf32, #tpu.memory_space<vmem>>, vector<16xf32>,
            tpu.vector_store %arg6[%swap3A_493, %swap3A_494], %gather3A_491 {strides = array<i32>} : memref<64x256xf32, #tpu.memory_space<vmem>>, vector<16xf32>,
            %broadcast_in_dim3A_496 = arith.constant 52 : i32
            %broadcast_in_dim3A_497 = vector.broadcast %broadcast_in_dim3A_496 : i32 to vector<16xi32>
            %gather3A_498 = tpu.vector_load_idx %arg4[%broadcast_in_dim3A_497, %add3A_134] : memref<64x512xf32, #tpu.memory_space<vmem>>[vector<16xi32>, vector<16xi32>], vector<16xf32>,
            %swap3A_499 = arith.constant 52 : i32
            %swap3A_500 = arith.index_cast %swap3A_499 : i32 to index
            %swap3A_501 = arith.index_cast %multiple_of3A_131 : i32 to index
            %swap3A_502 = tpu.vector_load %arg6[%swap3A_500, %swap3A_501] {strides = array<i32>} : memref<64x256xf32, #tpu.memory_space<vmem>>, vector<16xf32>,
            tpu.vector_store %arg6[%swap3A_500, %swap3A_501], %gather3A_498 {strides = array<i32>} : memref<64x256xf32, #tpu.memory_space<vmem>>, vector<16xf32>,
            %broadcast_in_dim3A_503 = arith.constant 53 : i32
            %broadcast_in_dim3A_504 = vector.broadcast %broadcast_in_dim3A_503 : i32 to vector<16xi32>
            %gather3A_505 = tpu.vector_load_idx %arg4[%broadcast_in_dim3A_504, %add3A_134] : memref<64x512xf32, #tpu.memory_space<vmem>>[vector<16xi32>, vector<16xi32>], vector<16xf32>,
            %swap3A_506 = arith.constant 53 : i32
            %swap3A_507 = arith.index_cast %swap3A_506 : i32 to index
            %swap3A_508 = arith.index_cast %multiple_of3A_131 : i32 to index
            %swap3A_509 = tpu.vector_load %arg6[%swap3A_507, %swap3A_508] {strides = array<i32>} : memref<64x256xf32, #tpu.memory_space<vmem>>, vector<16xf32>,
            tpu.vector_store %arg6[%swap3A_507, %swap3A_508], %gather3A_505 {strides = array<i32>} : memref<64x256xf32, #tpu.memory_space<vmem>>, vector<16xf32>,
            %broadcast_in_dim3A_510 = arith.constant 54 : i32
            %broadcast_in_dim3A_511 = vector.broadcast %broadcast_in_dim3A_510 : i32 to vector<16xi32>
            %gather3A_512 = tpu.vector_load_idx %arg4[%broadcast_in_dim3A_511, %add3A_134] : memref<64x512xf32, #tpu.memory_space<vmem>>[vector<16xi32>, vector<16xi32>], vector<16xf32>,
            %swap3A_513 = arith.constant 54 : i32
            %swap3A_514 = arith.index_cast %swap3A_513 : i32 to index
            %swap3A_515 = arith.index_cast %multiple_of3A_131 : i32 to index
            %swap3A_516 = tpu.vector_load %arg6[%swap3A_514, %swap3A_515] {strides = array<i32>} : memref<64x256xf32, #tpu.memory_space<vmem>>, vector<16xf32>,
            tpu.vector_store %arg6[%swap3A_514, %swap3A_515], %gather3A_512 {strides = array<i32>} : memref<64x256xf32, #tpu.memory_space<vmem>>, vector<16xf32>,
            %broadcast_in_dim3A_517 = arith.constant 55 : i32
            %broadcast_in_dim3A_518 = vector.broadcast %broadcast_in_dim3A_517 : i32 to vector<16xi32>
            %gather3A_519 = tpu.vector_load_idx %arg4[%broadcast_in_dim3A_518, %add3A_134] : memref<64x512xf32, #tpu.memory_space<vmem>>[vector<16xi32>, vector<16xi32>], vector<16xf32>,
            %swap3A_520 = arith.constant 55 : i32
            %swap3A_521 = arith.index_cast %swap3A_520 : i32 to index
            %swap3A_522 = arith.index_cast %multiple_of3A_131 : i32 to index
            %swap3A_523 = tpu.vector_load %arg6[%swap3A_521, %swap3A_522] {strides = array<i32>} : memref<64x256xf32, #tpu.memory_space<vmem>>, vector<16xf32>,
            tpu.vector_store %arg6[%swap3A_521, %swap3A_522], %gather3A_519 {strides = array<i32>} : memref<64x256xf32, #tpu.memory_space<vmem>>, vector<16xf32>,
            %broadcast_in_dim3A_524 = arith.constant 56 : i32
            %broadcast_in_dim3A_525 = vector.broadcast %broadcast_in_dim3A_524 : i32 to vector<16xi32>
            %gather3A_526 = tpu.vector_load_idx %arg4[%broadcast_in_dim3A_525, %add3A_134] : memref<64x512xf32, #tpu.memory_space<vmem>>[vector<16xi32>, vector<16xi32>], vector<16xf32>,
            %swap3A_527 = arith.constant 56 : i32
            %swap3A_528 = arith.index_cast %swap3A_527 : i32 to index
            %swap3A_529 = arith.index_cast %multiple_of3A_131 : i32 to index
            %swap3A_530 = tpu.vector_load %arg6[%swap3A_528, %swap3A_529] {strides = array<i32>} : memref<64x256xf32, #tpu.memory_space<vmem>>, vector<16xf32>,
            tpu.vector_store %arg6[%swap3A_528, %swap3A_529], %gather3A_526 {strides = array<i32>} : memref<64x256xf32, #tpu.memory_space<vmem>>, vector<16xf32>,
            %broadcast_in_dim3A_531 = arith.constant 57 : i32
            %broadcast_in_dim3A_532 = vector.broadcast %broadcast_in_dim3A_531 : i32 to vector<16xi32>
            %gather3A_533 = tpu.vector_load_idx %arg4[%broadcast_in_dim3A_532, %add3A_134] : memref<64x512xf32, #tpu.memory_space<vmem>>[vector<16xi32>, vector<16xi32>], vector<16xf32>,
            %swap3A_534 = arith.constant 57 : i32
            %swap3A_535 = arith.index_cast %swap3A_534 : i32 to index
            %swap3A_536 = arith.index_cast %multiple_of3A_131 : i32 to index
            %swap3A_537 = tpu.vector_load %arg6[%swap3A_535, %swap3A_536] {strides = array<i32>} : memref<64x256xf32, #tpu.memory_space<vmem>>, vector<16xf32>,
            tpu.vector_store %arg6[%swap3A_535, %swap3A_536], %gather3A_533 {strides = array<i32>} : memref<64x256xf32, #tpu.memory_space<vmem>>, vector<16xf32>,
            %broadcast_in_dim3A_538 = arith.constant 58 : i32
            %broadcast_in_dim3A_539 = vector.broadcast %broadcast_in_dim3A_538 : i32 to vector<16xi32>
            %gather3A_540 = tpu.vector_load_idx %arg4[%broadcast_in_dim3A_539, %add3A_134] : memref<64x512xf32, #tpu.memory_space<vmem>>[vector<16xi32>, vector<16xi32>], vector<16xf32>,
            %swap3A_541 = arith.constant 58 : i32
            %swap3A_542 = arith.index_cast %swap3A_541 : i32 to index
            %swap3A_543 = arith.index_cast %multiple_of3A_131 : i32 to index
            %swap3A_544 = tpu.vector_load %arg6[%swap3A_542, %swap3A_543] {strides = array<i32>} : memref<64x256xf32, #tpu.memory_space<vmem>>, vector<16xf32>,
            tpu.vector_store %arg6[%swap3A_542, %swap3A_543], %gather3A_540 {strides = array<i32>} : memref<64x256xf32, #tpu.memory_space<vmem>>, vector<16xf32>,
            %broadcast_in_dim3A_545 = arith.constant 59 : i32
            %broadcast_in_dim3A_546 = vector.broadcast %broadcast_in_dim3A_545 : i32 to vector<16xi32>
            %gather3A_547 = tpu.vector_load_idx %arg4[%broadcast_in_dim3A_546, %add3A_134] : memref<64x512xf32, #tpu.memory_space<vmem>>[vector<16xi32>, vector<16xi32>], vector<16xf32>,
            %swap3A_548 = arith.constant 59 : i32
            %swap3A_549 = arith.index_cast %swap3A_548 : i32 to index
            %swap3A_550 = arith.index_cast %multiple_of3A_131 : i32 to index
            %swap3A_551 = tpu.vector_load %arg6[%swap3A_549, %swap3A_550] {strides = array<i32>} : memref<64x256xf32, #tpu.memory_space<vmem>>, vector<16xf32>,
            tpu.vector_store %arg6[%swap3A_549, %swap3A_550], %gather3A_547 {strides = array<i32>} : memref<64x256xf32, #tpu.memory_space<vmem>>, vector<16xf32>,
            %broadcast_in_dim3A_552 = arith.constant 60 : i32
            %broadcast_in_dim3A_553 = vector.broadcast %broadcast_in_dim3A_552 : i32 to vector<16xi32>
            %gather3A_554 = tpu.vector_load_idx %arg4[%broadcast_in_dim3A_553, %add3A_134] : memref<64x512xf32, #tpu.memory_space<vmem>>[vector<16xi32>, vector<16xi32>], vector<16xf32>,
            %swap3A_555 = arith.constant 60 : i32
            %swap3A_556 = arith.index_cast %swap3A_555 : i32 to index
            %swap3A_557 = arith.index_cast %multiple_of3A_131 : i32 to index
            %swap3A_558 = tpu.vector_load %arg6[%swap3A_556, %swap3A_557] {strides = array<i32>} : memref<64x256xf32, #tpu.memory_space<vmem>>, vector<16xf32>,
            tpu.vector_store %arg6[%swap3A_556, %swap3A_557], %gather3A_554 {strides = array<i32>} : memref<64x256xf32, #tpu.memory_space<vmem>>, vector<16xf32>,
            %broadcast_in_dim3A_559 = arith.constant 61 : i32
            %broadcast_in_dim3A_560 = vector.broadcast %broadcast_in_dim3A_559 : i32 to vector<16xi32>
            %gather3A_561 = tpu.vector_load_idx %arg4[%broadcast_in_dim3A_560, %add3A_134] : memref<64x512xf32, #tpu.memory_space<vmem>>[vector<16xi32>, vector<16xi32>], vector<16xf32>,
            %swap3A_562 = arith.constant 61 : i32
            %swap3A_563 = arith.index_cast %swap3A_562 : i32 to index
            %swap3A_564 = arith.index_cast %multiple_of3A_131 : i32 to index
            %swap3A_565 = tpu.vector_load %arg6[%swap3A_563, %swap3A_564] {strides = array<i32>} : memref<64x256xf32, #tpu.memory_space<vmem>>, vector<16xf32>,
            tpu.vector_store %arg6[%swap3A_563, %swap3A_564], %gather3A_561 {strides = array<i32>} : memref<64x256xf32, #tpu.memory_space<vmem>>, vector<16xf32>,
            %broadcast_in_dim3A_566 = arith.constant 62 : i32
            %broadcast_in_dim3A_567 = vector.broadcast %broadcast_in_dim3A_566 : i32 to vector<16xi32>
            %gather3A_568 = tpu.vector_load_idx %arg4[%broadcast_in_dim3A_567, %add3A_134] : memref<64x512xf32, #tpu.memory_space<vmem>>[vector<16xi32>, vector<16xi32>], vector<16xf32>,
            %swap3A_569 = arith.constant 62 : i32
            %swap3A_570 = arith.index_cast %swap3A_569 : i32 to index
            %swap3A_571 = arith.index_cast %multiple_of3A_131 : i32 to index
            %swap3A_572 = tpu.vector_load %arg6[%swap3A_570, %swap3A_571] {strides = array<i32>} : memref<64x256xf32, #tpu.memory_space<vmem>>, vector<16xf32>,
            tpu.vector_store %arg6[%swap3A_570, %swap3A_571], %gather3A_568 {strides = array<i32>} : memref<64x256xf32, #tpu.memory_space<vmem>>, vector<16xf32>,
            %broadcast_in_dim3A_573 = arith.constant 63 : i32
            %broadcast_in_dim3A_574 = vector.broadcast %broadcast_in_dim3A_573 : i32 to vector<16xi32>
            %gather3A_575 = tpu.vector_load_idx %arg4[%broadcast_in_dim3A_574, %add3A_134] : memref<64x512xf32, #tpu.memory_space<vmem>>[vector<16xi32>, vector<16xi32>], vector<16xf32>,
            %swap3A_576 = arith.constant 63 : i32
            %swap3A_577 = arith.index_cast %swap3A_576 : i32 to index
            %swap3A_578 = arith.index_cast %multiple_of3A_131 : i32 to index
            %swap3A_579 = tpu.vector_load %arg6[%swap3A_577, %swap3A_578] {strides = array<i32>} : memref<64x256xf32, #tpu.memory_space<vmem>>, vector<16xf32>,
            tpu.vector_store %arg6[%swap3A_577, %swap3A_578], %gather3A_575 {strides = array<i32>} : memref<64x256xf32, #tpu.memory_space<vmem>>, vector<16xf32>,
            %scan3A_580 = arith.constant 0 : i32
            scf.yield %scan3A_580 : i32
          }
          %scan3A_120 = arith.constant 16 : i32
          %add3A_121 = arith.addi %mul3A_2, %while3A_89 : i32
          %dma_start3A = arith.constant 0 : i32
          %dma_start3A_122 = tpu.memref_slice %arg3[%add3A_121, %dma_start3A, %multiple_of3A] : memref<2048x64x2048xf32, #tpu.memory_space<hbm>> -> memref<1x64x256xf32, #tpu.memory_space<hbm>>
          %dma_start3A_123 = tpu.memref_squeeze %dma_start3A_122 : memref<1x64x256xf32, #tpu.memory_space<hbm>> -> memref<64x256xf32, #tpu.memory_space<hbm>>
          %dma_start3A_124 = arith.constant 0 : i32
          %dma_start3A_125 = tpu.memref_slice %arg3[%add3A_121, %dma_start3A_124, %multiple_of3A] : memref<2048x64x2048xf32, #tpu.memory_space<hbm>> -> memref<1x64x256xf32, #tpu.memory_space<hbm>>
          %dma_start3A_126 = tpu.memref_squeeze %dma_start3A_125 : memref<1x64x256xf32, #tpu.memory_space<hbm>> -> memref<64x256xf32, #tpu.memory_space<hbm>>
          tpu.enqueue_dma source(%arg6 : memref<64x256xf32, #tpu.memory_space<vmem>>) target(%dma_start3A_126 : memref<64x256xf32, #tpu.memory_space<hbm>>) target_semaphore(%arg10 : memref<!tpu.dma_semaphore, #tpu.memory_space<semaphore_mem>>)
        } else {
        }
        %while3A_105 = arith.constant 0 : i32
        scf.yield %while3A_105 : i32
      }
      %while3A_53 = arith.constant 0 : i32
      %while3A_54 = arith.constant 0 : i32
      %while3A_55 = arith.subi %min3A, %while3A_53 : i32
      %while3A_56 = arith.addi %while3A_53, %while3A_55 : i32
      %while3A_57 = arith.constant 1 : i32
      %while3A_58 = arith.divsi %while3A_55, %while3A_57 : i32
      %while3A_59 = arith.muli %while3A_58, %while3A_57 : i32
      %while3A_60 = arith.addi %while3A_53, %while3A_59 : i32
      %while3A_61 = arith.constant 1 : i32
      %while3A_62 = scf.for %while3A_89 = %while3A_53 to %while3A_60 step %while3A_61 iter_args(%while3A_90 = %while3A_54) -> (i32)  : i32 {
        %add3A_91 = arith.addi %mul3A_2, %while3A_89 : i32
        %dma_start3A = arith.constant 0 : i32
        %dma_start3A_92 = tpu.memref_slice %arg3[%add3A_91, %dma_start3A, %multiple_of3A] : memref<2048x64x2048xf32, #tpu.memory_space<hbm>> -> memref<1x64x256xf32, #tpu.memory_space<hbm>>
        %dma_start3A_93 = tpu.memref_squeeze %dma_start3A_92 : memref<1x64x256xf32, #tpu.memory_space<hbm>> -> memref<64x256xf32, #tpu.memory_space<hbm>>
        %dma_start3A_94 = arith.constant 0 : i32
        %dma_start3A_95 = tpu.memref_slice %arg3[%add3A_91, %dma_start3A_94, %multiple_of3A] : memref<2048x64x2048xf32, #tpu.memory_space<hbm>> -> memref<1x64x256xf32, #tpu.memory_space<hbm>>
        %dma_start3A_96 = tpu.memref_squeeze %dma_start3A_95 : memref<1x64x256xf32, #tpu.memory_space<hbm>> -> memref<64x256xf32, #tpu.memory_space<hbm>>
        tpu.enqueue_dma source(%arg7 : memref<64x256xf32, #tpu.memory_space<vmem>>) target(%dma_start3A_96 : memref<64x256xf32, #tpu.memory_space<hbm>>) target_semaphore(%arg11 : memref<!tpu.dma_semaphore, #tpu.memory_space<semaphore_mem>>)
        %while3A_97 = arith.constant 0 : i32
        scf.yield %while3A_97 : i32
      }
      %while3A_63 = arith.constant 1 : i32
      %while3A_64 = scf.for %while3A_89 = %while3A_60 to %while3A_56 step %while3A_63 iter_args(%while3A_90 = %while3A_62) -> (i32)  : i32 {
        %add3A_91 = arith.addi %mul3A_2, %while3A_89 : i32
        %dma_start3A = arith.constant 0 : i32
        %dma_start3A_92 = tpu.memref_slice %arg3[%add3A_91, %dma_start3A, %multiple_of3A] : memref<2048x64x2048xf32, #tpu.memory_space<hbm>> -> memref<1x64x256xf32, #tpu.memory_space<hbm>>
        %dma_start3A_93 = tpu.memref_squeeze %dma_start3A_92 : memref<1x64x256xf32, #tpu.memory_space<hbm>> -> memref<64x256xf32, #tpu.memory_space<hbm>>
        %dma_start3A_94 = arith.constant 0 : i32
        %dma_start3A_95 = tpu.memref_slice %arg3[%add3A_91, %dma_start3A_94, %multiple_of3A] : memref<2048x64x2048xf32, #tpu.memory_space<hbm>> -> memref<1x64x256xf32, #tpu.memory_space<hbm>>
        %dma_start3A_96 = tpu.memref_squeeze %dma_start3A_95 : memref<1x64x256xf32, #tpu.memory_space<hbm>> -> memref<64x256xf32, #tpu.memory_space<hbm>>
        tpu.enqueue_dma source(%arg7 : memref<64x256xf32, #tpu.memory_space<vmem>>) target(%dma_start3A_96 : memref<64x256xf32, #tpu.memory_space<hbm>>) target_semaphore(%arg11 : memref<!tpu.dma_semaphore, #tpu.memory_space<semaphore_mem>>)
        %while3A_97 = arith.constant 0 : i32
        scf.yield %while3A_97 : i32
      }
      %while3A_65 = arith.constant 64 : i32
      %while3A_66 = arith.constant 0 : i32
      %while3A_67 = arith.subi %while3A_65, %min3A_41 : i32
      %while3A_68 = arith.addi %min3A_41, %while3A_67 : i32
      %while3A_69 = arith.constant 1 : i32
      %while3A_70 = arith.divsi %while3A_67, %while3A_69 : i32
      %while3A_71 = arith.muli %while3A_70, %while3A_69 : i32
      %while3A_72 = arith.addi %min3A_41, %while3A_71 : i32
      %while3A_73 = arith.constant 1 : i32
      %while3A_74 = scf.for %while3A_89 = %min3A_41 to %while3A_72 step %while3A_73 iter_args(%while3A_90 = %while3A_66) -> (i32)  : i32 {
        %add3A_91 = arith.addi %mul3A_2, %while3A_89 : i32
        %dma_start3A = arith.constant 0 : i32
        %dma_start3A_92 = tpu.memref_slice %arg3[%add3A_91, %dma_start3A, %multiple_of3A] : memref<2048x64x2048xf32, #tpu.memory_space<hbm>> -> memref<1x64x256xf32, #tpu.memory_space<hbm>>
        %dma_start3A_93 = tpu.memref_squeeze %dma_start3A_92 : memref<1x64x256xf32, #tpu.memory_space<hbm>> -> memref<64x256xf32, #tpu.memory_space<hbm>>
        %dma_start3A_94 = arith.constant 0 : i32
        %dma_start3A_95 = tpu.memref_slice %arg3[%add3A_91, %dma_start3A_94, %multiple_of3A] : memref<2048x64x2048xf32, #tpu.memory_space<hbm>> -> memref<1x64x256xf32, #tpu.memory_space<hbm>>
        %dma_start3A_96 = tpu.memref_squeeze %dma_start3A_95 : memref<1x64x256xf32, #tpu.memory_space<hbm>> -> memref<64x256xf32, #tpu.memory_space<hbm>>
        tpu.enqueue_dma source(%arg8 : memref<64x256xf32, #tpu.memory_space<vmem>>) target(%dma_start3A_96 : memref<64x256xf32, #tpu.memory_space<hbm>>) target_semaphore(%arg11 : memref<!tpu.dma_semaphore, #tpu.memory_space<semaphore_mem>>)
        %while3A_97 = arith.constant 0 : i32
        scf.yield %while3A_97 : i32
      }
      %while3A_75 = arith.constant 1 : i32
      %while3A_76 = scf.for %while3A_89 = %while3A_72 to %while3A_68 step %while3A_75 iter_args(%while3A_90 = %while3A_74) -> (i32)  : i32 {
        %add3A_91 = arith.addi %mul3A_2, %while3A_89 : i32
        %dma_start3A = arith.constant 0 : i32
        %dma_start3A_92 = tpu.memref_slice %arg3[%add3A_91, %dma_start3A, %multiple_of3A] : memref<2048x64x2048xf32, #tpu.memory_space<hbm>> -> memref<1x64x256xf32, #tpu.memory_space<hbm>>
        %dma_start3A_93 = tpu.memref_squeeze %dma_start3A_92 : memref<1x64x256xf32, #tpu.memory_space<hbm>> -> memref<64x256xf32, #tpu.memory_space<hbm>>
        %dma_start3A_94 = arith.constant 0 : i32
        %dma_start3A_95 = tpu.memref_slice %arg3[%add3A_91, %dma_start3A_94, %multiple_of3A] : memref<2048x64x2048xf32, #tpu.memory_space<hbm>> -> memref<1x64x256xf32, #tpu.memory_space<hbm>>
        %dma_start3A_96 = tpu.memref_squeeze %dma_start3A_95 : memref<1x64x256xf32, #tpu.memory_space<hbm>> -> memref<64x256xf32, #tpu.memory_space<hbm>>
        tpu.enqueue_dma source(%arg8 : memref<64x256xf32, #tpu.memory_space<vmem>>) target(%dma_start3A_96 : memref<64x256xf32, #tpu.memory_space<hbm>>) target_semaphore(%arg11 : memref<!tpu.dma_semaphore, #tpu.memory_space<semaphore_mem>>)
        %while3A_97 = arith.constant 0 : i32
        scf.yield %while3A_97 : i32
      }
      %sub3A_77 = arith.subi %min3A_41, %min3A : i32
      %ge3A = arith.constant 1 : i32
      %ge3A_78 = arith.cmpi sge, %sub3A_77, %ge3A : i32
      %convert_element_type3A = arith.extui %ge3A_78 : i1 to i32
      %cond3A = arith.constant 0 : i32
      %cond3A_79 = arith.cmpi ne, %convert_element_type3A, %cond3A : i32
      scf.if %cond3A_79 {
        %dma_wait3A = arith.constant 0 : i32
        %dma_wait3A_89 = tpu.memref_slice %arg3[%mul3A_2, %dma_wait3A, %multiple_of3A] : memref<2048x64x2048xf32, #tpu.memory_space<hbm>> -> memref<1x64x256xf32, #tpu.memory_space<hbm>>
        %dma_wait3A_90 = tpu.memref_squeeze %dma_wait3A_89 : memref<1x64x256xf32, #tpu.memory_space<hbm>> -> memref<64x256xf32, #tpu.memory_space<hbm>>
        %dma_wait3A_91 = arith.constant 0 : i32
        %dma_wait3A_92 = tpu.memref_slice %arg3[%mul3A_2, %dma_wait3A_91, %multiple_of3A] : memref<2048x64x2048xf32, #tpu.memory_space<hbm>> -> memref<1x64x256xf32, #tpu.memory_space<hbm>>
        %dma_wait3A_93 = tpu.memref_squeeze %dma_wait3A_92 : memref<1x64x256xf32, #tpu.memory_space<hbm>> -> memref<64x256xf32, #tpu.memory_space<hbm>>
        tpu.wait_dma2 semaphore(%arg9 : memref<!tpu.dma_semaphore, #tpu.memory_space<semaphore_mem>>) src(%arg5 : memref<64x256xf32, #tpu.memory_space<vmem>>) dst(%dma_wait3A_93 : memref<64x256xf32, #tpu.memory_space<hbm>>)
      } else {
      }
      %ge3A_80 = arith.constant 2 : i32
      %ge3A_81 = arith.cmpi sge, %sub3A_77, %ge3A_80 : i32
      %convert_element_type3A_82 = arith.extui %ge3A_81 : i1 to i32
      %cond3A_83 = arith.constant 0 : i32
      %cond3A_84 = arith.cmpi ne, %convert_element_type3A_82, %cond3A_83 : i32
      scf.if %cond3A_84 {
        %dma_wait3A = arith.constant 0 : i32
        %dma_wait3A_89 = tpu.memref_slice %arg3[%mul3A_2, %dma_wait3A, %multiple_of3A] : memref<2048x64x2048xf32, #tpu.memory_space<hbm>> -> memref<1x64x256xf32, #tpu.memory_space<hbm>>
        %dma_wait3A_90 = tpu.memref_squeeze %dma_wait3A_89 : memref<1x64x256xf32, #tpu.memory_space<hbm>> -> memref<64x256xf32, #tpu.memory_space<hbm>>
        %dma_wait3A_91 = arith.constant 0 : i32
        %dma_wait3A_92 = tpu.memref_slice %arg3[%mul3A_2, %dma_wait3A_91, %multiple_of3A] : memref<2048x64x2048xf32, #tpu.memory_space<hbm>> -> memref<1x64x256xf32, #tpu.memory_space<hbm>>
        %dma_wait3A_93 = tpu.memref_squeeze %dma_wait3A_92 : memref<1x64x256xf32, #tpu.memory_space<hbm>> -> memref<64x256xf32, #tpu.memory_space<hbm>>
        tpu.wait_dma2 semaphore(%arg10 : memref<!tpu.dma_semaphore, #tpu.memory_space<semaphore_mem>>) src(%arg6 : memref<64x256xf32, #tpu.memory_space<vmem>>) dst(%dma_wait3A_93 : memref<64x256xf32, #tpu.memory_space<hbm>>)
      } else {
      }
      %add3A_85 = arith.addi %scan3A_21, %min3A : i32
      %sub3A_86 = arith.constant 64 : i32
      %sub3A_87 = arith.subi %sub3A_86, %min3A_41 : i32
      %add3A_88 = arith.addi %add3A_85, %sub3A_87 : i32
      scf.yield %add3A_88 : i32
    }
    %scan3A_8 = arith.constant 8 : i32
    %while3A = arith.constant 0 : i32
    %while3A_9 = arith.constant 0 : i32
    %while3A_10 = arith.subi %scan3A_7, %while3A : i32
    %while3A_11 = arith.addi %while3A, %while3A_10 : i32
    %while3A_12 = arith.constant 1 : i32
    %while3A_13 = arith.divsi %while3A_10, %while3A_12 : i32
    %while3A_14 = arith.muli %while3A_13, %while3A_12 : i32
    %while3A_15 = arith.addi %while3A, %while3A_14 : i32
    %while3A_16 = arith.constant 1 : i32
    %while3A_17 = scf.for %while3A_20 = %while3A to %while3A_15 step %while3A_16 iter_args(%while3A_21 = %while3A_9) -> (i32)  : i32 {
      %dma_wait3A = arith.constant 0 : i32
      %dma_wait3A_22 = arith.constant 0 : i32
      %dma_wait3A_23 = tpu.memref_slice %arg3[%mul3A_2, %dma_wait3A, %dma_wait3A_22] : memref<2048x64x2048xf32, #tpu.memory_space<hbm>> -> memref<1x64x256xf32, #tpu.memory_space<hbm>>
      %dma_wait3A_24 = tpu.memref_squeeze %dma_wait3A_23 : memref<1x64x256xf32, #tpu.memory_space<hbm>> -> memref<64x256xf32, #tpu.memory_space<hbm>>
      %dma_wait3A_25 = arith.constant 0 : i32
      %dma_wait3A_26 = arith.constant 0 : i32
      %dma_wait3A_27 = tpu.memref_slice %arg3[%mul3A_2, %dma_wait3A_25, %dma_wait3A_26] : memref<2048x64x2048xf32, #tpu.memory_space<hbm>> -> memref<1x64x256xf32, #tpu.memory_space<hbm>>
      %dma_wait3A_28 = tpu.memref_squeeze %dma_wait3A_27 : memref<1x64x256xf32, #tpu.memory_space<hbm>> -> memref<64x256xf32, #tpu.memory_space<hbm>>
      tpu.wait_dma2 semaphore(%arg11 : memref<!tpu.dma_semaphore, #tpu.memory_space<semaphore_mem>>) src(%arg7 : memref<64x256xf32, #tpu.memory_space<vmem>>) dst(%dma_wait3A_28 : memref<64x256xf32, #tpu.memory_space<hbm>>)
      %while3A_29 = arith.constant 0 : i32
      scf.yield %while3A_29 : i32
    }
    %while3A_18 = arith.constant 1 : i32
    %while3A_19 = scf.for %while3A_20 = %while3A_15 to %while3A_11 step %while3A_18 iter_args(%while3A_21 = %while3A_17) -> (i32)  : i32 {
      %dma_wait3A = arith.constant 0 : i32
      %dma_wait3A_22 = arith.constant 0 : i32
      %dma_wait3A_23 = tpu.memref_slice %arg3[%mul3A_2, %dma_wait3A, %dma_wait3A_22] : memref<2048x64x2048xf32, #tpu.memory_space<hbm>> -> memref<1x64x256xf32, #tpu.memory_space<hbm>>
      %dma_wait3A_24 = tpu.memref_squeeze %dma_wait3A_23 : memref<1x64x256xf32, #tpu.memory_space<hbm>> -> memref<64x256xf32, #tpu.memory_space<hbm>>
      %dma_wait3A_25 = arith.constant 0 : i32
      %dma_wait3A_26 = arith.constant 0 : i32
      %dma_wait3A_27 = tpu.memref_slice %arg3[%mul3A_2, %dma_wait3A_25, %dma_wait3A_26] : memref<2048x64x2048xf32, #tpu.memory_space<hbm>> -> memref<1x64x256xf32, #tpu.memory_space<hbm>>
      %dma_wait3A_28 = tpu.memref_squeeze %dma_wait3A_27 : memref<1x64x256xf32, #tpu.memory_space<hbm>> -> memref<64x256xf32, #tpu.memory_space<hbm>>
      tpu.wait_dma2 semaphore(%arg11 : memref<!tpu.dma_semaphore, #tpu.memory_space<semaphore_mem>>) src(%arg7 : memref<64x256xf32, #tpu.memory_space<vmem>>) dst(%dma_wait3A_28 : memref<64x256xf32, #tpu.memory_space<hbm>>)
      %while3A_29 = arith.constant 0 : i32
      scf.yield %while3A_29 : i32
    }
    return
  }
}

</mosaic_0001>

<sc_bundles>
// kernel: kernel.4.cloned.1.call-start
scs
__scs_entry_jumppad:
0x0: {  	(pc) =	sbr.rel $0x88, $3  }
0x1: {  	(tag) =	ssettag $0x0;
	lr =	simm.s32 $0x1  }
0x2: {  	[smem:$0x3FA0] =	sst lr;
	_ =	strace $0xD0000000  }
0x3: {  	_ = 	snop  }
0x4: {  	_ = 	snop  }
0x5: {  	_ = 	snop  }
0x6: {  	_ = 	snop  }
0x7: {  	_ = 	snop  }
__scs_overlays_trampoline_lowered:
0x8: {  	[smem:$0x3FAF] =	sst s0  }
0x9: {  	[smem:$0x3FB0] =	sst s1  }
0xa: {  	[smem:$0x3FB1] =	sst s2  }
0xb: {  	[smem:$0x3FB2] =	sst s3  }
0xc: {  	[smem:$0x3FB3] =	sst s4  }
0xd: {  	[smem:$0x3FB4] =	sst s5  }
0xe: {  	[smem:$0x3FB5] =	sst s6  }
0xf: {  	[smem:$0x3FB6] =	sst s7  }
0x10: {  	[smem:$0x3FB7] =	sst s8  }
0x11: {  	[smem:$0x3FB8] =	sst s9;
	s0 =	simm.s32 @!p0 $0x0  }
0x12: {  	s1 =	sld [smem:$0x3F9E];
	s0 =	simm.s32 @p0 $0x1  }
0x13: {  	[smem:$0x3FB9] =	sst s0;
	s0 =	simm.s32 @!p1 $0x0  }
0x14: {  	s2 =	sld [smem:$0x3F9D];
	s0 =	simm.s32 @p1 $0x1  }
0x15: {  	[smem:$0x3FBA] =	sst s0;
	s0 =	simm.s32 @!p2 $0x0  }
0x16: {  	s3 =	sld [smem:$0x3FDB];
	s0 =	simm.s32 @p2 $0x1  }
0x17: {  	s4 =	simm.s32 $0x1BF5;
	[smem:$0x3FBC] =	sst s0  }
0x18: {  	s0 =	sld [smem:$0x3F9F];
	_ =	swait.ge [sflag:s4], $0x0  }
0x19: {  	s7 =	sld [smem:$0x3FA0]  }
0x1a: {  	s8 =	sadd.s32 $0xFFFFE003, lr  }
0x1b: {  	s9 =	sadd.s32 $0xFFFFFEF7, lr;
	s5 =	simm.s32 $0xFFFFFFFF;
	p2 =	slt.u32 s8, $0xFFFFF086  }
0x1c: {  	p1 =	slt.u32 s9, $0xF7A;
	s5 =	simm.s32 @!p2 $0x0  }
0x1d: {  	s5 =	simm.s32 @p1 $0x1;
	p0 =	seq.s32 s7, s2  }
0x1e: {  	s7 =	smul.u32 @!p0 $0xF7A, s2;
	p2 =	seq.s32 @!p0 s5, $0x0  }
0x1f: {  	s9 =	smul.u32 $0xF7A, s1;
	s8 =	simm.s32 @!p0 $0x1BF5;
	p2 =	por !p2, p0  }
0x20: {  	[sflag:s8] =	ssyncset.s32 @!p0 $0xFFFFF086;
	s6 =	sadd.s32 @!p0 s3, s7;
	s7 =	simm.s32 @!p0 $0x108  }
0x21: {  	s3 =	sadd.s32 s3, s9;
	s6 =	sadd.s32 @!p0 $0x88, s6;
	s7 =	simm.s32 @p2 $0x1082  }
0x22: {  	[simem:s7], [sflag:s8] =	dma.local @!p0 [hbm:s6], $0xF7A  }
0x23: {  	s9 =	sor.u32 $0xD0000000, s2;
	s6 =	simm.s32 $0x108;
	_ =	swait.ge @!p0 [sflag:s8], $0x0  }
0x24: {  	s3 =	sadd.s32 $0x88, s3;
	s6 =	simm.s32 @!p1 $0x1082;
	[sflag:s4] =	ssyncset.s32 $0xFFFFF086  }
0x25: {  	[simem:s6], [sflag:s4] =	dma.local [hbm:s3], $0xF7A  }
0x26: {  	[smem:$0x3FA0] =	sst s1;
	(tag) =	ssettag s2;
	_ =	strace s9  }
0x27: {  	s1 =	sld [smem:$0x3FB0]  }
0x28: {  	s2 =	sld [smem:$0x3FB1]  }
0x29: {  	s4 =	sld [smem:$0x3FB3]  }
0x2a: {  	p0 =	seq.s32 s5, $0x0;
	s5 =	sld [smem:$0x3FB4]  }
0x2b: {  	s6 =	sld [smem:$0x3FB5]  }
0x2c: {  	s7 =	sld [smem:$0x3FB6]  }
0x2d: {  	s3 =	simm.s32 $0x108;
	s8 =	sld [smem:$0x3FB7]  }
0x2e: {  	s3 =	simm.s32 @!p0 $0x1082;
	s9 =	sld [smem:$0x3FB8]  }
0x2f: {  	lr =	sadd.s32 s0, s3;
	s0 =	sld [smem:$0x3FAF]  }
0x30: {  	s3 =	sld [smem:$0x3FB2]  }
0x31: {  	[smem:$0x3FBB] =	sst s10  }
0x32: {  	s10 =	sld [smem:$0x3FB9];
	_ =	sdelay $0x3  }
0x33: {  	p0 =	seq.s32 s10, $0x1;
	s10 =	sld [smem:$0x3FBB];
	_ =	sdelay $0x3  }
0x34: {  	[smem:$0x3FBB] =	sst s10  }
0x35: {  	s10 =	sld [smem:$0x3FBA];
	_ =	sdelay $0x3  }
0x36: {  	p1 =	seq.s32 s10, $0x1;
	s10 =	sld [smem:$0x3FBB];
	_ =	sdelay $0x3  }
0x37: {  	[smem:$0x3FBB] =	sst s10  }
0x38: {  	s10 =	sld [smem:$0x3FBC]  }
0x39: {  	_ = 	snop;
	(pc) =	sbr.ind lr, $3  }
0x3a: {  	_ = 	snop  }
0x3b: {  	_ = 	snop  }
0x3c: {  	p2 =	seq.s32 s10, $0x1;
	s10 =	sld [smem:$0x3FBB]  }
0x3d: {  	_ =	shalt  }
0x3e: {  	_ =	shalt  }
0x3f: {  	_ =	shalt  }
0x40: {  	_ =	shalt  }
0x41: {  	_ =	shalt  }
0x42: {  	_ =	shalt  }
0x43: {  	_ =	shalt  }
0x44: {  	_ =	shalt  }
0x45: {  	_ =	shalt  }
0x46: {  	_ =	shalt  }
0x47: {  	_ =	shalt  }
0x48: {  	_ =	shalt  }
0x49: {  	_ =	shalt  }
0x4a: {  	_ =	shalt  }
0x4b: {  	_ =	shalt  }
0x4c: {  	_ =	shalt  }
0x4d: {  	_ =	shalt  }
0x4e: {  	_ =	shalt  }
0x4f: {  	_ =	shalt  }
0x50: {  	_ =	shalt  }
0x51: {  	_ =	shalt  }
0x52: {  	_ =	shalt  }
0x53: {  	_ =	shalt  }
0x54: {  	_ =	shalt  }
0x55: {  	_ =	shalt  }
0x56: {  	_ =	shalt  }
0x57: {  	_ =	shalt  }
0x58: {  	_ =	shalt  }
0x59: {  	_ =	shalt  }
0x5a: {  	_ =	shalt  }
0x5b: {  	_ =	shalt  }
0x5c: {  	_ =	shalt  }
0x5d: {  	_ =	shalt  }
0x5e: {  	_ =	shalt  }
0x5f: {  	_ =	shalt  }
0x60: {  	_ =	shalt  }
0x61: {  	_ =	shalt  }
0x62: {  	_ =	shalt  }
0x63: {  	_ =	shalt  }
0x64: {  	_ =	shalt  }
0x65: {  	_ =	shalt  }
0x66: {  	_ =	shalt  }
0x67: {  	_ =	shalt  }
0x68: {  	_ =	shalt  }
0x69: {  	_ =	shalt  }
0x6a: {  	_ =	shalt  }
0x6b: {  	_ =	shalt  }
0x6c: {  	_ =	shalt  }
0x6d: {  	_ =	shalt  }
0x6e: {  	_ =	shalt  }
0x6f: {  	_ =	shalt  }
0x70: {  	_ =	shalt  }
0x71: {  	_ =	shalt  }
0x72: {  	_ =	shalt  }
0x73: {  	_ =	shalt  }
0x74: {  	_ =	shalt  }
0x75: {  	_ =	shalt  }
0x76: {  	_ =	shalt  }
0x77: {  	_ =	shalt  }
0x78: {  	_ =	shalt  }
0x79: {  	_ =	shalt  }
0x7a: {  	_ =	shalt  }
0x7b: {  	_ =	shalt  }
0x7c: {  	_ =	shalt  }
0x7d: {  	_ =	shalt  }
0x7e: {  	_ =	shalt  }
0x7f: {  	_ =	shalt  }
0x80: {  	_ =	shalt  }
0x81: {  	_ =	shalt  }
0x82: {  	_ =	shalt  }
0x83: {  	_ =	shalt  }
0x84: {  	_ =	shalt  }
0x85: {  	_ =	shalt  }
0x86: {  	_ =	shalt  }
0x87: {  	_ =	shalt  }
.Lfunc_end0:
.L_simem_size_0:
called_computation_lowered:
.L_overlay_start_0:
0x88: {  	s2 =	sld [smem:$0x3FD9]  }
0x89: {  	s3 =	sld [smem:$0x3FFE];
	_ =	sdelay $0x1  }
0x8a: {  	s1 =	srdreg.scid  }
0x8b: {  	s0 =	sand.u32 $0x1, s1  }
0x8c: {  	s17 =	sshll.u32 s0, $0xA;
	s2 =	sadd.s32 s3, s2  }
0x8d: {  	s2 =	sadd.s32 s2, s17  }
0x8e: {  	[smem:$0x3FC7] =	sst s2  }
0x8f: {  	_ = 	snop  }
0x90: {  	s2 =	sld [smem:$0x3FD0];
	(tm) =	ssettm $0x1  }
0x91: {  	s18 =	sld [smem:$0x3FFB];
	_ =	sdelay $0x3  }
0x92: {  	_ =	strace s18  }
0x93: {  	s3 =	sld [smem:$0x3FFC];
	_ =	sdelay $0x3  }
0x94: {  	_ =	strace s3  }
0x95: {  	s3 =	sld [smem:$0x3FFD];
	_ =	sdelay $0x3  }
0x96: {  	_ =	strace s3  }
0x97: {  	_ =	strace $0x8FFFFFFF  }
0x98: {  	s19 =	sld [smem:$0x3FDB];
	_ =	sdelay $0x1  }
0x99: {  	s4 =	simm.s32 $_scs_section_size  }
0x9a: {  	s5 =	simm.s32 $_size__tile_overlayer_lowered;
	s6 =	simm.s32 $_tile_overlayer_lowered  }
0x9b: {  	s22 =	simm.s32 $0x1BFF;
	s21 =	sshll.u32 s6, $0x1;
	s3 =	sadd.s32 s4, s19  }
0x9c: {  	s7 =	simm.s32 $0x0;
	s20 =	sshll.u32 s5, $0x1;
	s5 =	sadd.s32 s21, s3  }
0x9d: {  	[timem:s7], [sflag:s22] =	dma.local [hbm:s5], s20  }
0x9e: {  	_ =	swait.ge [sflag:s22], s20  }
0x9f: {  	s4 =	ssub.s32 $0x0, s20;
	[sflag:s22] =	ssyncset.done $0x0  }
0xa0: {  	[sflag:s22] =	ssyncadd.s32 s4;
	_ =	sdelay $0x1  }
0xa1: {  	s23 =	simm.s32 $0x1B8B  }
0xa2: {  	_ =	swait.ge [sflag:s23], $0x1  }
0xa3: {  	[sflag:s23] =	ssyncset.done $0x0  }
0xa4: {  	s25 =	simm.s32 $0x1B8E;
	s24 =	sld [smem:$0x3FFE];
	[sflag:s23] =	ssyncadd.s32 $0xFFFFFFFF  }
0xa5: {  	s26 =	simm.s32 $execute0_lowered;
	[smem:$0x3FD2] =	sst s25  }
0xa6: {  	s5 =	sshll.u32 s26, $0x1;
	_ =	strace $0x80000046;
	[dreg:$0x1] =	wrdreg $0xFFFFFFFF  }
0xa7: {  	s28 =	simm.s32 $_size_execute0_lowered;
	s3 =	sadd.s32 s3, s5;
	[dreg:$0x0] =	wrdreg $0x0  }
0xa8: {  	s5 =	sshll.u32 s28, $0x1;
	[dreg:$0x2] =	wrdreg s3  }
0xa9: {  	[dreg:$0x3] =	wrdreg s5  }
0xaa: {  	[dreg:$0x4] =	wrdreg $0xC0  }
0xab: {  	_ =	task [dreg:s7], $0x5FFFF  }
0xac: {  	[dreg:$0x1] =	wrdreg $0xFFFFFFFF  }
0xad: {  	[dreg:$0x0] =	wrdreg $0x60  }
0xae: {  	[dreg:$0x2] =	wrdreg s2  }
0xaf: {  	[dreg:$0x3] =	wrdreg s24  }
0xb0: {  	[dreg:$0x4] =	wrdreg $0x9  }
0xb1: {  	_ =	task.clear_ibuf [dreg:s7], $0x5FFFF;
	_ =	strace $0x90000046  }
0xb2: {  	s29 =	simm.s32 $0x9;
	_ =	strace $0x80000048  }
0xb3: {  	_ =	swait.ge [sflag:s29], $0x1  }
0xb4: {  	[sflag:s29] =	ssyncadd.s32 $0xFFFFFFFF  }
0xb5: {  	_ =	strace $0x90000048  }
0xb6: {  	_ =	sfence  }
0xb7: {  	s30 =	sld [smem:$0x0];
	_ =	sdelay $0x2  }
0xb8: {  	s31 =	sshll.u32 s1, $0xD;
	s1 =	sshrl.u32 s1, $0x2  }
0xb9: {  	s3 =	sand.u32 $0x4000, s31;
	s1 =	sadd.s32 s1, s30  }
0xba: {  	s0 =	sor.u32 s3, s0;
	s1 =	sshll.u32 s1, $0x11  }
0xbb: {  	s0 =	sor.u32 s1, s0  }
0xbc: {  	s0 =	sadd.s32 $0x8F2B, s0  }
0xbd: {  	[sflag:s0] =	ssyncadd.remote.s32 $0x1  }
0xbe: {  	_ =	sfence.sel $0xFFFF  }
0xbf: {  	[dreg:$0x0] =	wrdreg $0xFFFFFFFF;
	(pc) =	sbr.abs _section_cstart, $3  }
0xc0: {  	[dreg:$0x1] =	wrdreg $0xFFFFFFFF  }
0xc1: {  	_ =	task.clear_ibuf [dreg:s7], $0x2FFFF;
	_ =	strace $0x9FFFFFFF  }
0xc2: {  	(tm) =	ssettm $0x7FFFFFFF  }
0xc3: {  	_ =	shalt  }
tec
execute0_lowered:
.L_overlay_start_1:
0x0: {  	(tag) =	ssettag $0x1  }
0x1: {  	s2 =	rddreg [dreg:$0x0]  }
0x2: {  	s4 =	rddreg [dreg:$0x1];
	s3 =	srdreg.scid  }
0x3: {  	s0 =	rddreg [dreg:$0x2];
	s1 =	stileid.u32  }
0x4: {  	s5 =	sand.u32 $0x1, s3;
	s3 =	simm.s32 $0x0;
	s6 =	sshll.u32 s1, $0x2  }
0x5: {  	s28 =	sshrl.u32 s1, $0x1;
	s11 =	sadd.s32 $0x800, s4;
	s7 =	sshll.u32 s5, $0x1  }
0x6: {  	[smem:$0x7FF] =	sst s3;
	s5 =	ssub.s32 $0x2, s5;
	s6 =	sor.u32 s7, s6  }
0x7: {  	_ =	strace $0x80000047;
	s7 =	smul.u32 $0x8400, s28;
	s8 =	sor.u32 $0x1, s6  }
0x8: {  	s31 =	sshrl.u32 s5, $0x1;
	s9 =	sshll.u32 s6, $0x7;
	s10 =	sshll.u32 s8, $0x7  }
0x9: {  	s29 =	sand.u32 $0x300, s9;
	s9 =	ssub.s32 s5, s31;
	v1 =	vmov s8;
	s8 =	simm.s32 $0x80  }
0xa: {  	v0 =	vmov s6;
	s30 =	sand.u32 $0x380, s10;
	s4 =	sor.u32 s7, s29;
	s6 =	smax.u32 s9, $0x1  }
0xb: {  	v2 =	vlaneseq.u32;
	s9 =	simm.s32 $0x400;
	s7 =	sor.u32 s7, s30;
	s4 =	sshrl.u32 s4, $0x3  }
0xc: {  	v2 =	vmul.u32 $0xFFFFFFFF, v2;
	v0 =	vor.u32 $0x5000, v0;
	v1 =	vor.u32 $0x5000, v1;
	s10 =	simm.s32 $0xA000;
	s7 =	sshrl.u32 s7, $0x3;
	s4 =	sadd.s32 s11, s4  }
0xd: {  	v0 =	vbroadcast v0, $0x0;
	v1 =	vbroadcast v1, $0x0;
	s5 =	sadd.s32 s11, s7;
	s7 =	simm.s32 $0x1;
	s11 =	simm.s32 $0x0  }
.LBB2_1:
0xe: {  	s12 =	simm.s32 $0x7FF  }
0xf: {  	v3 =	vadd.s32 s12, v2  }
0x10: {  	vm0 =	vgt.s32 v3, $0xFFFFFF60  }
0x11: {  	v3 =	vnsel vm0, $0xFFFFFF60, v3  }
0x12: {  	vm0 =	vlt.s32 v3, $0x9F  }
0x13: {  	v3 =	vnsel vm0, $0x9F, v3  }
0x14: {  	s30 =	simm.s32 $0x7EF;
	v3 =	vshll.u32 v3, $0x7  }
0x15: {  	v4 =	vadd.s32 s30, v2;
	v3 =	vadd.s32 v0, v3  }
0x16: {  	[tilespmem:s3], [sflag:$0x1] =	stream.linear.gather [hbm4b:s2+s3], $0xA000, $0x38;
	vm14 =	vgt.s32 v4, $0xFFFFFF60;
	[tilespmem:$0xB080] =	vst v63  }
0x17: {  	_ =	swait.ge [sflag:s7], $0xA000;
	v4 =	vnsel vm14, $0xFFFFFF60, v4  }
0x18: {  	[sflag:s7] =	ssyncset.done $0x0;
	vm0 =	vlt.s32 v4, $0x9F  }
0x19: {  	[sflag:s7] =	ssyncadd.s32 $0xFFFF6000;
	v4 =	vnsel vm0, $0x9F, v4  }
0x1a: {  	s31 =	simm.s32 $0x7DF;
	v4 =	vshll.u32 v4, $0x7;
	v3 =	vld.idx.msk [tilespmem:v3+s3+$0x0], $0xffff  }
0x1b: {  	v5 =	vadd.s32 s31, v2;
	v4 =	vadd.s32 v0, v4  }
0x1c: {  	vm15 =	vgt.s32 v5, $0xFFFFFF60  }
0x1d: {  	v5 =	vnsel vm15, $0xFFFFFF60, v5  }
0x1e: {  	vm0 =	vlt.s32 v5, $0x9F  }
0x1f: {  	v5 =	vnsel vm0, $0x9F, v5;
	[tilespmem:s10+$0x0] =	vst v3  }
0x20: {  	v5 =	vshll.u32 v5, $0x7;
	v3 =	vld.idx.msk [tilespmem:v4+s3+$0x0], $0xffff  }
0x21: {  	s14 =	simm.s32 $0x7CF;
	s13 =	simm.s32 $0x1040;
	s12 =	simm.s32 $0xA000;
	v4 =	vadd.s32 v0, v5  }
.LBB2_2:
0x22: {  	p0 =	sne.s32 s13, $0x10;
	v5 =	vadd.s32 s14, v2  }
0x23: {  	vm0 =	vgt.s32 v5, $0xFFFFFF60  }
.Ltmp0:
0x24: {  	s12 =	sadd.s32 $0x10, s12;
	v5 =	vnsel vm0, $0xFFFFFF60, v5;
	(pc) =	sbr.rel @p0 .LBB2_2-.Ltmp0, $4  }
0x25: {  	vm0 =	vlt.s32 v5, $0x9F;
	[tilespmem:s12+$0x0] =	vst v3  }
0x26: {  	v5 =	vnsel vm0, $0x9F, v5;
	v3 =	vld.idx.msk [tilespmem:v4+s3+$0x0], $0xffff  }
0x27: {  	v4 =	vshll.u32 v5, $0x7  }
0x28: {  	s14 =	sadd.s32 $0xFFFFF77F, s13;
	s13 =	sadd.s32 $0xFFFFFFF0, s13;
	v4 =	vadd.s32 v0, v4  }
0x29: {  	v5 =	vadd.s32 s14, v2  }
0x2a: {  	vm0 =	vgt.s32 v5, $0xFFFFFF60  }
0x2b: {  	v5 =	vnsel vm0, $0xFFFFFF60, v5  }
0x2c: {  	s12 =	sadd.s32 $0x10, s12;
	vm0 =	vlt.s32 v5, $0x9F  }
0x2d: {  	[tilespmem:s12+$0x0] =	vst v3;
	v3 =	vnsel vm0, $0x9F, v5  }
0x2e: {  	v4 =	vld.idx.msk [tilespmem:v4+s3+$0x0], $0xffff;
	v3 =	vshll.u32 v3, $0x7  }
0x2f: {  	v3 =	vadd.s32 v0, v3;
	_ =	sdelay $0x2  }
0x30: {  	s13 =	simm.s32 $0x7FF;
	s12 =	sadd.s32 $0x10, s12  }
0x31: {  	[tilespmem:s12+$0x0] =	vst v4;
	v4 =	vadd.s32 s13, v2  }
0x32: {  	vm13 =	vgt.s32 v4, $0xFFFFFF60;
	v3 =	vld.idx.msk [tilespmem:v3+s3+$0x0], $0xffff  }
0x33: {  	v4 =	vnsel vm13, $0xFFFFFF60, v4  }
0x34: {  	vm0 =	vlt.s32 v4, $0x9F  }
0x35: {  	v4 =	vnsel vm0, $0x9F, v4  }
0x36: {  	s30 =	simm.s32 $0x7EF;
	s12 =	sadd.s32 $0x10, s12;
	v4 =	vshll.u32 v4, $0x7  }
0x37: {  	[tilespmem:s12+$0x0] =	vst v3;
	s12 =	simm.s32 $0xA000;
	v3 =	vadd.s32 v1, v4;
	v4 =	vadd.s32 s30, v2  }
0x38: {  	[hbm4b:s4+s8] =	stream.strided.scatter [tilespmem:s12], [sflag:$0x1], $0x1080, s9, s8, $0x38;
	vm14 =	vgt.s32 v4, $0xFFFFFF60;
	[tilespmem:$0xB080] =	vst v63  }
0x39: {  	_ =	swait.ge [sflag:s7], $0x1080;
	v4 =	vnsel vm14, $0xFFFFFF60, v4  }
0x3a: {  	[sflag:s7] =	ssyncset.done $0x0;
	vm0 =	vlt.s32 v4, $0x9F  }
0x3b: {  	[sflag:s7] =	ssyncadd.s32 $0xFFFFEF80;
	v4 =	vnsel vm0, $0x9F, v4  }
0x3c: {  	s31 =	simm.s32 $0x7DF;
	v3 =	vld.idx.msk [tilespmem:v3+s3+$0x0], $0xffff;
	v4 =	vshll.u32 v4, $0x7  }
0x3d: {  	v5 =	vadd.s32 s31, v2;
	v4 =	vadd.s32 v1, v4  }
0x3e: {  	vm15 =	vgt.s32 v5, $0xFFFFFF60  }
0x3f: {  	v5 =	vnsel vm15, $0xFFFFFF60, v5  }
0x40: {  	vm0 =	vlt.s32 v5, $0x9F  }
0x41: {  	v5 =	vnsel vm0, $0x9F, v5;
	[tilespmem:s12+$0x0] =	vst v3  }
0x42: {  	v5 =	vshll.u32 v5, $0x7;
	v3 =	vld.idx.msk [tilespmem:v4+s3+$0x0], $0xffff  }
0x43: {  	s14 =	simm.s32 $0x7CF;
	s13 =	simm.s32 $0x1040;
	v4 =	vadd.s32 v1, v5  }
.LBB2_4:
0x44: {  	p0 =	sne.s32 s13, $0x10;
	v5 =	vadd.s32 s14, v2  }
0x45: {  	vm0 =	vgt.s32 v5, $0xFFFFFF60  }
.Ltmp1:
0x46: {  	s12 =	sadd.s32 $0x10, s12;
	v5 =	vnsel vm0, $0xFFFFFF60, v5;
	(pc) =	sbr.rel @p0 .LBB2_4-.Ltmp1, $4  }
0x47: {  	vm0 =	vlt.s32 v5, $0x9F;
	[tilespmem:s12+$0x0] =	vst v3  }
0x48: {  	v5 =	vnsel vm0, $0x9F, v5;
	v3 =	vld.idx.msk [tilespmem:v4+s3+$0x0], $0xffff  }
0x49: {  	v4 =	vshll.u32 v5, $0x7  }
0x4a: {  	s14 =	sadd.s32 $0xFFFFF77F, s13;
	s13 =	sadd.s32 $0xFFFFFFF0, s13;
	v4 =	vadd.s32 v1, v4  }
0x4b: {  	v5 =	vadd.s32 s14, v2  }
0x4c: {  	vm0 =	vgt.s32 v5, $0xFFFFFF60  }
0x4d: {  	v5 =	vnsel vm0, $0xFFFFFF60, v5  }
0x4e: {  	s12 =	sadd.s32 $0x10, s12;
	vm0 =	vlt.s32 v5, $0x9F  }
0x4f: {  	[tilespmem:s12+$0x0] =	vst v3;
	v3 =	vnsel vm0, $0x9F, v5  }
0x50: {  	v4 =	vld.idx.msk [tilespmem:v4+s3+$0x0], $0xffff;
	v3 =	vshll.u32 v3, $0x7  }
0x51: {  	v3 =	vadd.s32 v1, v3;
	_ =	sdelay $0x2  }
0x52: {  	s12 =	sadd.s32 $0x10, s12  }
0x53: {  	[tilespmem:s12+$0x0] =	vst v4  }
0x54: {  	v3 =	vld.idx.msk [tilespmem:v3+s3+$0x0], $0xffff;
	_ =	sdelay $0x2  }
0x55: {  	s11 =	sadd.s32 $0x1, s11  }
0x56: {  	p0 =	sne.s32 s11, s6;
	s12 =	sadd.s32 $0x10, s12  }
.Ltmp2:
0x57: {  	[tilespmem:s12+$0x0] =	vst v3;
	(pc) =	sbr.rel @p0 .LBB2_1-.Ltmp2, $4  }
0x58: {  	[hbm4b:s5+s8] =	stream.strided.scatter [tilespmem:s10], [sflag:$0x1], $0x1080, s9, s8, $0x38;
	[tilespmem:$0xB080] =	vst v63  }
0x59: {  	_ =	swait.ge [sflag:s7], $0x1080  }
0x5a: {  	[sflag:s7] =	ssyncset.done $0x0  }
0x5b: {  	[sflag:s7] =	ssyncadd.s32 $0xFFFFEF80  }
0x5c: {  	_ =	sfence.sel $0x180000  }
0x5d: {  	[bflag:$0x0] =	sbarrier.arrive $0xFFFF  }
0x5e: {  	p0 =	sne.s32 s1, $0x0;
	_ =	strace $0x90000047  }
0x5f: {  	s0 =	sadd.s32 @!p0 $0x100000, s0;
	[bflag:$0x2] =	sbarrier.arrive $0xFFFF  }
0x60: {  	[sflag:s0] =	ssyncadd.tile.s32 @!p0 $0x1;
	_ =	shalt  }
.Lfunc_end2:
_tile_overlayer_lowered:
.L_overlay_start_2:
0x61: {  	(tag) =	ssettag $0x2  }
0x62: {  	s0 =	rddreg [dreg:$0x0];
	s2 =	stileid.u32  }
0x63: {  	s1 =	rddreg [dreg:$0x1];
	p0 =	sne.s32 s2, $0x0  }
0x64: {  	s3 =	rddreg [dreg:$0x2];
	[bflag:$0x3] =	sbarrier.arrive $0xFFFF;
	s2 =	simm.s32 @!p0 $0x1C01  }
0x65: {  	[timem:s3], [sflag:s2] =	dma.local @!p0 [hbm:s0], s1  }
0x66: {  	s0 =	simm.s32 @!p0 $0x1  }
0x67: {  	_ =	swait.ge @!p0 [sflag:s0], s1  }
0x68: {  	s1 =	ssub.s32 @!p0 $0x0, s1;
	[sflag:s0] =	ssyncset.done @!p0 $0x0  }
0x69: {  	[sflag:s0] =	ssyncadd.s32 @!p0 s1  }
0x6a: {  	[bflag:$0x3] =	sbarrier.arrive $0xFFFF  }
0x6b: {  	_ =	shalt  }

// kernel: kernel.7.cloned.1.call-start
scs
__scs_entry_jumppad:
0x0: {  	(pc) =	sbr.rel $0x88, $3  }
0x1: {  	(tag) =	ssettag $0x0;
	lr =	simm.s32 $0x1  }
0x2: {  	[smem:$0x3FA0] =	sst lr;
	_ =	strace $0xD0000000  }
0x3: {  	_ = 	snop  }
0x4: {  	_ = 	snop  }
0x5: {  	_ = 	snop  }
0x6: {  	_ = 	snop  }
0x7: {  	_ = 	snop  }
__scs_overlays_trampoline_lowered:
0x8: {  	[smem:$0x3FAF] =	sst s0  }
0x9: {  	[smem:$0x3FB0] =	sst s1  }
0xa: {  	[smem:$0x3FB1] =	sst s2  }
0xb: {  	[smem:$0x3FB2] =	sst s3  }
0xc: {  	[smem:$0x3FB3] =	sst s4  }
0xd: {  	[smem:$0x3FB4] =	sst s5  }
0xe: {  	[smem:$0x3FB5] =	sst s6  }
0xf: {  	[smem:$0x3FB6] =	sst s7  }
0x10: {  	[smem:$0x3FB7] =	sst s8  }
0x11: {  	[smem:$0x3FB8] =	sst s9;
	s0 =	simm.s32 @!p0 $0x0  }
0x12: {  	s1 =	sld [smem:$0x3F9E];
	s0 =	simm.s32 @p0 $0x1  }
0x13: {  	[smem:$0x3FB9] =	sst s0;
	s0 =	simm.s32 @!p1 $0x0  }
0x14: {  	s2 =	sld [smem:$0x3F9D];
	s0 =	simm.s32 @p1 $0x1  }
0x15: {  	[smem:$0x3FBA] =	sst s0;
	s0 =	simm.s32 @!p2 $0x0  }
0x16: {  	s3 =	sld [smem:$0x3FDB];
	s0 =	simm.s32 @p2 $0x1  }
0x17: {  	s4 =	simm.s32 $0x1BF5;
	[smem:$0x3FBC] =	sst s0  }
0x18: {  	s0 =	sld [smem:$0x3F9F];
	_ =	swait.ge [sflag:s4], $0x0  }
0x19: {  	s7 =	sld [smem:$0x3FA0]  }
0x1a: {  	s8 =	sadd.s32 $0xFFFFE003, lr  }
0x1b: {  	s9 =	sadd.s32 $0xFFFFFEF7, lr;
	s5 =	simm.s32 $0xFFFFFFFF;
	p2 =	slt.u32 s8, $0xFFFFF086  }
0x1c: {  	p1 =	slt.u32 s9, $0xF7A;
	s5 =	simm.s32 @!p2 $0x0  }
0x1d: {  	s5 =	simm.s32 @p1 $0x1;
	p0 =	seq.s32 s7, s2  }
0x1e: {  	s7 =	smul.u32 @!p0 $0xF7A, s2;
	p2 =	seq.s32 @!p0 s5, $0x0  }
0x1f: {  	s9 =	smul.u32 $0xF7A, s1;
	s8 =	simm.s32 @!p0 $0x1BF5;
	p2 =	por !p2, p0  }
0x20: {  	[sflag:s8] =	ssyncset.s32 @!p0 $0xFFFFF086;
	s6 =	sadd.s32 @!p0 s3, s7;
	s7 =	simm.s32 @!p0 $0x108  }
0x21: {  	s3 =	sadd.s32 s3, s9;
	s6 =	sadd.s32 @!p0 $0x88, s6;
	s7 =	simm.s32 @p2 $0x1082  }
0x22: {  	[simem:s7], [sflag:s8] =	dma.local @!p0 [hbm:s6], $0xF7A  }
0x23: {  	s9 =	sor.u32 $0xD0000000, s2;
	s6 =	simm.s32 $0x108;
	_ =	swait.ge @!p0 [sflag:s8], $0x0  }
0x24: {  	s3 =	sadd.s32 $0x88, s3;
	s6 =	simm.s32 @!p1 $0x1082;
	[sflag:s4] =	ssyncset.s32 $0xFFFFF086  }
0x25: {  	[simem:s6], [sflag:s4] =	dma.local [hbm:s3], $0xF7A  }
0x26: {  	[smem:$0x3FA0] =	sst s1;
	(tag) =	ssettag s2;
	_ =	strace s9  }
0x27: {  	s1 =	sld [smem:$0x3FB0]  }
0x28: {  	s2 =	sld [smem:$0x3FB1]  }
0x29: {  	s4 =	sld [smem:$0x3FB3]  }
0x2a: {  	p0 =	seq.s32 s5, $0x0;
	s5 =	sld [smem:$0x3FB4]  }
0x2b: {  	s6 =	sld [smem:$0x3FB5]  }
0x2c: {  	s7 =	sld [smem:$0x3FB6]  }
0x2d: {  	s3 =	simm.s32 $0x108;
	s8 =	sld [smem:$0x3FB7]  }
0x2e: {  	s3 =	simm.s32 @!p0 $0x1082;
	s9 =	sld [smem:$0x3FB8]  }
0x2f: {  	lr =	sadd.s32 s0, s3;
	s0 =	sld [smem:$0x3FAF]  }
0x30: {  	s3 =	sld [smem:$0x3FB2]  }
0x31: {  	[smem:$0x3FBB] =	sst s10  }
0x32: {  	s10 =	sld [smem:$0x3FB9];
	_ =	sdelay $0x3  }
0x33: {  	p0 =	seq.s32 s10, $0x1;
	s10 =	sld [smem:$0x3FBB];
	_ =	sdelay $0x3  }
0x34: {  	[smem:$0x3FBB] =	sst s10  }
0x35: {  	s10 =	sld [smem:$0x3FBA];
	_ =	sdelay $0x3  }
0x36: {  	p1 =	seq.s32 s10, $0x1;
	s10 =	sld [smem:$0x3FBB];
	_ =	sdelay $0x3  }
0x37: {  	[smem:$0x3FBB] =	sst s10  }
0x38: {  	s10 =	sld [smem:$0x3FBC]  }
0x39: {  	_ = 	snop;
	(pc) =	sbr.ind lr, $3  }
0x3a: {  	_ = 	snop  }
0x3b: {  	_ = 	snop  }
0x3c: {  	p2 =	seq.s32 s10, $0x1;
	s10 =	sld [smem:$0x3FBB]  }
0x3d: {  	_ =	shalt  }
0x3e: {  	_ =	shalt  }
0x3f: {  	_ =	shalt  }
0x40: {  	_ =	shalt  }
0x41: {  	_ =	shalt  }
0x42: {  	_ =	shalt  }
0x43: {  	_ =	shalt  }
0x44: {  	_ =	shalt  }
0x45: {  	_ =	shalt  }
0x46: {  	_ =	shalt  }
0x47: {  	_ =	shalt  }
0x48: {  	_ =	shalt  }
0x49: {  	_ =	shalt  }
0x4a: {  	_ =	shalt  }
0x4b: {  	_ =	shalt  }
0x4c: {  	_ =	shalt  }
0x4d: {  	_ =	shalt  }
0x4e: {  	_ =	shalt  }
0x4f: {  	_ =	shalt  }
0x50: {  	_ =	shalt  }
0x51: {  	_ =	shalt  }
0x52: {  	_ =	shalt  }
0x53: {  	_ =	shalt  }
0x54: {  	_ =	shalt  }
0x55: {  	_ =	shalt  }
0x56: {  	_ =	shalt  }
0x57: {  	_ =	shalt  }
0x58: {  	_ =	shalt  }
0x59: {  	_ =	shalt  }
0x5a: {  	_ =	shalt  }
0x5b: {  	_ =	shalt  }
0x5c: {  	_ =	shalt  }
0x5d: {  	_ =	shalt  }
0x5e: {  	_ =	shalt  }
0x5f: {  	_ =	shalt  }
0x60: {  	_ =	shalt  }
0x61: {  	_ =	shalt  }
0x62: {  	_ =	shalt  }
0x63: {  	_ =	shalt  }
0x64: {  	_ =	shalt  }
0x65: {  	_ =	shalt  }
0x66: {  	_ =	shalt  }
0x67: {  	_ =	shalt  }
0x68: {  	_ =	shalt  }
0x69: {  	_ =	shalt  }
0x6a: {  	_ =	shalt  }
0x6b: {  	_ =	shalt  }
0x6c: {  	_ =	shalt  }
0x6d: {  	_ =	shalt  }
0x6e: {  	_ =	shalt  }
0x6f: {  	_ =	shalt  }
0x70: {  	_ =	shalt  }
0x71: {  	_ =	shalt  }
0x72: {  	_ =	shalt  }
0x73: {  	_ =	shalt  }
0x74: {  	_ =	shalt  }
0x75: {  	_ =	shalt  }
0x76: {  	_ =	shalt  }
0x77: {  	_ =	shalt  }
0x78: {  	_ =	shalt  }
0x79: {  	_ =	shalt  }
0x7a: {  	_ =	shalt  }
0x7b: {  	_ =	shalt  }
0x7c: {  	_ =	shalt  }
0x7d: {  	_ =	shalt  }
0x7e: {  	_ =	shalt  }
0x7f: {  	_ =	shalt  }
0x80: {  	_ =	shalt  }
0x81: {  	_ =	shalt  }
0x82: {  	_ =	shalt  }
0x83: {  	_ =	shalt  }
0x84: {  	_ =	shalt  }
0x85: {  	_ =	shalt  }
0x86: {  	_ =	shalt  }
0x87: {  	_ =	shalt  }
.Lfunc_end0:
.L_simem_size_0:
called_computation.1_lowered:
.L_overlay_start_0:
0x88: {  	s2 =	sld [smem:$0x3FD9]  }
0x89: {  	s3 =	sld [smem:$0x3FFE];
	_ =	sdelay $0x1  }
0x8a: {  	s1 =	srdreg.scid  }
0x8b: {  	s0 =	sand.u32 $0x1, s1  }
0x8c: {  	s17 =	sshll.u32 s0, $0xA;
	s2 =	sadd.s32 s3, s2  }
0x8d: {  	s2 =	sadd.s32 s2, s17  }
0x8e: {  	[smem:$0x3FC7] =	sst s2  }
0x8f: {  	_ = 	snop  }
0x90: {  	s2 =	sld [smem:$0x3FD0];
	(tm) =	ssettm $0x1  }
0x91: {  	s18 =	sld [smem:$0x3FFB];
	_ =	sdelay $0x3  }
0x92: {  	_ =	strace s18  }
0x93: {  	s3 =	sld [smem:$0x3FFC];
	_ =	sdelay $0x3  }
0x94: {  	_ =	strace s3  }
0x95: {  	s3 =	sld [smem:$0x3FFD];
	_ =	sdelay $0x3  }
0x96: {  	_ =	strace s3  }
0x97: {  	_ =	strace $0x8FFFFFFF  }
0x98: {  	s19 =	sld [smem:$0x3FDB];
	_ =	sdelay $0x1  }
0x99: {  	s4 =	simm.s32 $_scs_section_size  }
0x9a: {  	s5 =	simm.s32 $_size__tile_overlayer_lowered;
	s6 =	simm.s32 $_tile_overlayer_lowered  }
0x9b: {  	s22 =	simm.s32 $0x1BFF;
	s21 =	sshll.u32 s6, $0x1;
	s3 =	sadd.s32 s4, s19  }
0x9c: {  	s7 =	simm.s32 $0x0;
	s20 =	sshll.u32 s5, $0x1;
	s5 =	sadd.s32 s21, s3  }
0x9d: {  	[timem:s7], [sflag:s22] =	dma.local [hbm:s5], s20  }
0x9e: {  	_ =	swait.ge [sflag:s22], s20  }
0x9f: {  	s4 =	ssub.s32 $0x0, s20;
	[sflag:s22] =	ssyncset.done $0x0  }
0xa0: {  	[sflag:s22] =	ssyncadd.s32 s4;
	_ =	sdelay $0x1  }
0xa1: {  	s23 =	simm.s32 $0x1B8B  }
0xa2: {  	_ =	swait.ge [sflag:s23], $0x1  }
0xa3: {  	[sflag:s23] =	ssyncset.done $0x0  }
0xa4: {  	s25 =	simm.s32 $0x1B8E;
	s24 =	sld [smem:$0x3FFE];
	[sflag:s23] =	ssyncadd.s32 $0xFFFFFFFF  }
0xa5: {  	s26 =	simm.s32 $execute0_lowered;
	[smem:$0x3FD2] =	sst s25  }
0xa6: {  	s5 =	sshll.u32 s26, $0x1;
	_ =	strace $0x80000049;
	[dreg:$0x1] =	wrdreg $0xFFFFFFFF  }
0xa7: {  	s28 =	simm.s32 $_size_execute0_lowered;
	s3 =	sadd.s32 s3, s5;
	[dreg:$0x0] =	wrdreg $0x0  }
0xa8: {  	s5 =	sshll.u32 s28, $0x1;
	[dreg:$0x2] =	wrdreg s3  }
0xa9: {  	[dreg:$0x3] =	wrdreg s5  }
0xaa: {  	[dreg:$0x4] =	wrdreg $0xC0  }
0xab: {  	_ =	task [dreg:s7], $0x5FFFF  }
0xac: {  	[dreg:$0x1] =	wrdreg $0xFFFFFFFF  }
0xad: {  	[dreg:$0x0] =	wrdreg $0x60  }
0xae: {  	[dreg:$0x2] =	wrdreg s24  }
0xaf: {  	[dreg:$0x3] =	wrdreg s2  }
0xb0: {  	[dreg:$0x4] =	wrdreg $0x9  }
0xb1: {  	_ =	task.clear_ibuf [dreg:s7], $0x5FFFF;
	_ =	strace $0x90000049  }
0xb2: {  	s29 =	simm.s32 $0x9;
	_ =	strace $0x8000004B  }
0xb3: {  	_ =	swait.ge [sflag:s29], $0x1  }
0xb4: {  	[sflag:s29] =	ssyncadd.s32 $0xFFFFFFFF  }
0xb5: {  	_ =	strace $0x9000004B  }
0xb6: {  	_ =	sfence  }
0xb7: {  	s30 =	sld [smem:$0x0];
	_ =	sdelay $0x2  }
0xb8: {  	s31 =	sshll.u32 s1, $0xD;
	s1 =	sshrl.u32 s1, $0x2  }
0xb9: {  	s3 =	sand.u32 $0x4000, s31;
	s1 =	sadd.s32 s1, s30  }
0xba: {  	s0 =	sor.u32 s3, s0;
	s1 =	sshll.u32 s1, $0x11  }
0xbb: {  	s0 =	sor.u32 s1, s0  }
0xbc: {  	s0 =	sadd.s32 $0x8F2B, s0  }
0xbd: {  	[sflag:s0] =	ssyncadd.remote.s32 $0x1  }
0xbe: {  	_ =	sfence.sel $0xFFFF  }
0xbf: {  	[dreg:$0x0] =	wrdreg $0xFFFFFFFF;
	(pc) =	sbr.abs _section_cstart, $3  }
0xc0: {  	[dreg:$0x1] =	wrdreg $0xFFFFFFFF  }
0xc1: {  	_ =	task.clear_ibuf [dreg:s7], $0x2FFFF;
	_ =	strace $0x9FFFFFFF  }
0xc2: {  	(tm) =	ssettm $0x7FFFFFFF  }
0xc3: {  	_ =	shalt  }
tec
execute0_lowered:
.L_overlay_start_1:
0x0: {  	(tag) =	ssettag $0x1  }
0x1: {  	s0 =	rddreg [dreg:$0x0]  }
0x2: {  	s1 =	rddreg [dreg:$0x1];
	s3 =	srdreg.scid;
	s2 =	simm.s32 $0x0  }
0x3: {  	s8 =	stileid.u32;
	s12 =	simm.s32 $0x800;
	s13 =	simm.s32 $0x8400  }
0x4: {  	s14 =	simm.s32 $0x14000;
	s15 =	simm.s32 $0x4;
	s16 =	simm.s32 $0x10000  }
0x5: {  	s17 =	simm.s32 $0x1000;
	s18 =	simm.s32 $0x4000;
	s19 =	simm.s32 $0xC000  }
0x6: {  	s20 =	simm.s32 $0x8000;
	s3 =	sand.u32 $0x1, s3;
	[smem:$0x7FF] =	sst s2  }
0x7: {  	s4 =	sadd.s32 $0x800, s0;
	s25 =	sshll.u32 s8, $0x7;
	s8 =	sshll.u32 s8, $0x18  }
0x8: {  	s0 =	sadd.s32 $0x1100, s0;
	s5 =	ssub.s32 $0x2, s3;
	_ =	strace $0x8000004A  }
0x9: {  	s7 =	sshll.u32 s3, $0x6;
	s3 =	sshll.u32 s3, $0x17;
	s6 =	sshrl.u32 s5, $0x1  }
0xa: {  	[dreg:$0x3] =	wrdreg s0;
	s26 =	sor.u32 s3, s8;
	s6 =	ssub.s32 s5, s6  }
.Ltmp0:
0xb: {  	s5 =	sor.u32 s7, s25;
	s0 =	sadd.s32 $0x33C0000, s26;
	(pc) =	sbr.rel .LBB2_1-.Ltmp0, $4  }
0xc: {  	s21 =	simm.s32 $0x3;
	s28 =	ssub.s32 $0x0, s5;
	[dreg:$0x7] =	wrdreg s0  }
0xd: {  	s30 =	sshrl.u32 s26, $0x3;
	s6 =	smax.u32 s6, $0x1;
	[dreg:$0x4] =	wrdreg s28  }
0xe: {  	s29 =	sxor.u32 $0x40, s7;
	s31 =	sadd.s32 s30, s1;
	[dreg:$0x5] =	wrdreg s6  }
0xf: {  	v0 =	vlaneseq.u32;
	s3 =	simm.s32 $0x0;
	s9 =	sadd.s32 $0xDE, s29;
	[dreg:$0x6] =	wrdreg s31  }
.LBB2_18:
0x10: {  	[sflag:s21] =	ssyncadd.s32 $0xFFFFC000  }
.LBB2_19:
0x11: {  	s3 =	sadd.s32 $0x1, s3;
	s0 =	rddreg [dreg:$0x5]  }
0x12: {  	p0 =	sne.s32 s3, s0  }
.Ltmp1:
0x13: {  	_ = 	snop;
	(pc) =	sbr.rel @!p0 .LBB2_20-.Ltmp1, $1  }
0x14: {  	_ =	sdelay $0x3  }
.LBB2_1:
0x15: {  	[dreg:$0x8] =	wrdreg s3  }
0x16: {  	[tilespmem:s14], [sflag:$0x4] =	stream.strided.gather [hbm4b:s4+s12], $0x4000, s13, s12, $0x38;
	[tilespmem:$0x18000] =	vst v63  }
0x17: {  	_ =	swait.ge [sflag:s15], $0x4000  }
0x18: {  	[sflag:s15] =	ssyncset.done $0x0  }
0x19: {  	s0 =	rddreg [dreg:$0x3];
	[sflag:s15] =	ssyncadd.s32 $0xFFFFC000  }
0x1a: {  	[tilespmem:s16], [sflag:$0x4] =	stream.strided.gather [hbm4b:s0+s12], $0x4000, s13, s12, $0x38;
	[tilespmem:$0x18000] =	vst v63  }
.Ltmp2:
0x1b: {  	_ = 	snop;
	(pc) =	sbr.rel .LBB2_2-.Ltmp2, $4  }
0x1c: {  	_ =	swait.ge [sflag:s15], $0x4000  }
0x1d: {  	s24 =	rddreg [dreg:$0x7]  }
0x1e: {  	s23 =	simm.s32 $0x0;
	[sflag:s15] =	ssyncset.done $0x0;
	s25 =	rddreg [dreg:$0x6]  }
0x1f: {  	s28 =	simm.s32 $0x0;
	s26 =	rddreg [dreg:$0x4];
	[sflag:s15] =	ssyncadd.s32 $0xFFFFC000  }
.LBB2_14:
0x20: {  	s0 =	ssub.s32 s31, s6  }
0x21: {  	p0 =	slt.s32 s0, $0x1  }
0x22: {  	s3 =	simm.s32 @!p0 $0x1  }
0x23: {  	_ =	swait.ge @!p0 [sflag:s3], $0x4000  }
0x24: {  	s28 =	sadd.s32 $0x1, s28;
	p1 =	seq.s32 @!p0 s0, $0x1;
	[sflag:s3] =	ssyncset.done @!p0 $0x0  }
0x25: {  	p1 =	por p1, p0;
	[sflag:s3] =	ssyncadd.s32 @!p0 $0xFFFFC000;
	p0 =	seq.s32 s28, $0x8  }
.Ltmp3:
0x26: {  	_ = 	snop;
	(pc) =	sbr.rel @p0 .LBB2_15-.Ltmp3, $4  }
0x27: {  	s0 =	simm.s32 @!p1 $0x2  }
0x28: {  	s31 =	sadd.s32 s6, s23;
	s26 =	sadd.s32 $0x100, s26;
	_ =	swait.ge @!p1 [sflag:s0], $0x4000  }
0x29: {  	s25 =	sadd.s32 $0x100, s25;
	s3 =	ssub.s32 s31, s29;
	[sflag:s0] =	ssyncset.done @!p1 $0x0  }
0x2a: {  	s24 =	sadd.s32 $0x800, s24;
	s23 =	sadd.s32 $0xFFFFFEA2, s3;
	[sflag:s0] =	ssyncadd.s32 @!p1 $0xFFFFC000  }
.LBB2_2:
0x2b: {  	s0 =	sshll.u32 s28, $0x8  }
0x2c: {  	s29 =	ssub.s32 s0, s5  }
0x2d: {  	s0 =	sadd.s32 $0x7C0, s29;
	p1 =	sgt.s32 s29, $0xFFFFFE62  }
0x2e: {  	p0 =	sgt.s32 s29, $0x9F;
	s3 =	smov.u32 s29;
	s29 =	simm.s32 @!p1 $0xFFFFFE62  }
0x2f: {  	s3 =	simm.s32 @!p0 $0x9F;
	p1 =	slt.s32 s29, $0xFFFFFEA2  }
0x30: {  	s3 =	smin.u32 s3, $0xDF;
	s29 =	simm.s32 @!p1 $0xFFFFFEA2  }
0x31: {  	s6 =	sadd.s32 $0xFFFFFF61, s3;
	s31 =	sadd.s32 $0x19E, s29  }
0x32: {  	s0 =	sand.u32 $0xFFFFF80, s0;
	p1 =	sle.u32 s31, s6  }
.Ltmp4:
0x33: {  	s0 =	sadd.s32 s4, s0;
	(pc) =	sbr.rel @p1 .LBB2_8-.Ltmp4, $4  }
0x34: {  	[tilespmem:s2], [sflag:$0x4] =	stream.strided.gather [hbm4b:s0+s17], $0x8000, s13, s17, $0x38;
	[tilespmem:$0x18000] =	vst v63  }
0x35: {  	_ =	swait.ge [sflag:s15], $0x8000  }
0x36: {  	[sflag:s15] =	ssyncset.done $0x0  }
0x37: {  	[sflag:s15] =	ssyncadd.s32 $0xFFFF8000  }
.Ltmp5:
0x38: {  	(pc) =	sbr.rel .LBB2_4-.Ltmp5, $4  }
0x39: {  	p1 =	sgt.s32 s26, $0x9F;
	s0 =	smov.u32 s26  }
0x3a: {  	s0 =	simm.s32 @!p1 $0x9F  }
0x3b: {  	s0 =	smin.u32 s0, $0xDF  }
0x3c: {  	s3 =	sshll.u32 s28, $0xB;
	s30 =	smov.u32 s6;
	s0 =	ssub.s32 s9, s0  }
.LBB2_23:
0x3d: {  	_ =	sdelay $0x1  }
0x3e: {  	v3 =	vadd.s32 s22, v0  }
0x3f: {  	[tilespmem:s7+$0xFB00] =	vst v2;
	v2 =	vshll.u32 v3, $0x3  }
0x40: {  	v4 =	vld.idx.msk [tilespmem:v1+s2+$0x0], $0xffff;
	v1 =	vand.u32 $0x7F, v3;
	v2 =	vand.u32 $0xFFFFFC00, v2  }
0x41: {  	v1 =	vor.u32 v1, v2;
	_ =	sdelay $0x3  }
0x42: {  	[tilespmem:s7+$0xFB80] =	vst v4  }
0x43: {  	v2 =	vld.idx.msk [tilespmem:v1+s2+$0x0], $0xffff  }
0x44: {  	v3 =	vor.u32 $0x80, v1  }
0x45: {  	s8 =	sadd.s32 $0x80, s8  }
0x46: {  	s22 =	sand.u32 $0x70, s10;
	s11 =	sand.u32 $0x400, s8  }
0x47: {  	s7 =	sor.u32 s22, s11  }
0x48: {  	[tilespmem:s7+$0xC000] =	vst v2  }
0x49: {  	v2 =	vld.idx.msk [tilespmem:v3+s2+$0x0], $0xffff  }
0x4a: {  	v3 =	vor.u32 $0x100, v1;
	_ =	sdelay $0x3  }
0x4b: {  	[tilespmem:s7+$0xC080] =	vst v2  }
0x4c: {  	v2 =	vld.idx.msk [tilespmem:v3+s2+$0x0], $0xffff  }
0x4d: {  	v3 =	vor.u32 $0x180, v1;
	_ =	sdelay $0x3  }
0x4e: {  	[tilespmem:s7+$0xC100] =	vst v2  }
0x4f: {  	v2 =	vld.idx.msk [tilespmem:v3+s2+$0x0], $0xffff  }
0x50: {  	v3 =	vor.u32 $0x200, v1;
	_ =	sdelay $0x3  }
0x51: {  	[tilespmem:s7+$0xC180] =	vst v2  }
0x52: {  	v2 =	vld.idx.msk [tilespmem:v3+s2+$0x0], $0xffff  }
0x53: {  	v3 =	vor.u32 $0x280, v1;
	_ =	sdelay $0x3  }
0x54: {  	[tilespmem:s7+$0xC200] =	vst v2  }
0x55: {  	v2 =	vld.idx.msk [tilespmem:v3+s2+$0x0], $0xffff  }
0x56: {  	v3 =	vor.u32 $0x300, v1;
	_ =	sdelay $0x3  }
0x57: {  	[tilespmem:s7+$0xC280] =	vst v2  }
0x58: {  	v2 =	vld.idx.msk [tilespmem:v3+s2+$0x0], $0xffff  }
0x59: {  	v3 =	vor.u32 $0x380, v1;
	_ =	sdelay $0x3  }
0x5a: {  	[tilespmem:s7+$0xC300] =	vst v2  }
0x5b: {  	v2 =	vld.idx.msk [tilespmem:v3+s2+$0x0], $0xffff  }
0x5c: {  	v3 =	vadd.s32 $0x1000, v1;
	_ =	sdelay $0x1  }
0x5d: {  	s8 =	sor.u32 s8, s10  }
0x5e: {  	s8 =	sor.u32 $0x380, s8  }
0x5f: {  	[tilespmem:s8+$0xC000] =	vst v2  }
0x60: {  	v2 =	vld.idx.msk [tilespmem:v3+s2+$0x0], $0xffff  }
0x61: {  	v3 =	vadd.s32 $0x1080, v1;
	_ =	sdelay $0x3  }
0x62: {  	[tilespmem:s7+$0xC800] =	vst v2  }
0x63: {  	v2 =	vld.idx.msk [tilespmem:v3+s2+$0x0], $0xffff  }
0x64: {  	v3 =	vadd.s32 $0x1100, v1;
	_ =	sdelay $0x3  }
0x65: {  	[tilespmem:s7+$0xC880] =	vst v2  }
0x66: {  	v2 =	vld.idx.msk [tilespmem:v3+s2+$0x0], $0xffff  }
0x67: {  	v3 =	vadd.s32 $0x1180, v1;
	_ =	sdelay $0x3  }
0x68: {  	[tilespmem:s7+$0xC900] =	vst v2  }
0x69: {  	v2 =	vld.idx.msk [tilespmem:v3+s2+$0x0], $0xffff  }
0x6a: {  	v3 =	vadd.s32 $0x1200, v1;
	_ =	sdelay $0x3  }
0x6b: {  	[tilespmem:s7+$0xC980] =	vst v2  }
0x6c: {  	v2 =	vld.idx.msk [tilespmem:v3+s2+$0x0], $0xffff  }
0x6d: {  	v3 =	vadd.s32 $0x1280, v1;
	_ =	sdelay $0x3  }
0x6e: {  	[tilespmem:s7+$0xCA00] =	vst v2  }
0x6f: {  	v2 =	vld.idx.msk [tilespmem:v3+s2+$0x0], $0xffff  }
0x70: {  	v3 =	vadd.s32 $0x1300, v1;
	_ =	sdelay $0x3  }
0x71: {  	[tilespmem:s7+$0xCA80] =	vst v2  }
0x72: {  	v2 =	vld.idx.msk [tilespmem:v3+s2+$0x0], $0xffff  }
0x73: {  	v3 =	vadd.s32 $0x1380, v1;
	_ =	sdelay $0x3  }
0x74: {  	[tilespmem:s7+$0xCB00] =	vst v2  }
0x75: {  	v2 =	vld.idx.msk [tilespmem:v3+s2+$0x0], $0xffff  }
0x76: {  	v3 =	vadd.s32 $0x2000, v1;
	_ =	sdelay $0x3  }
0x77: {  	[tilespmem:s7+$0xCB80] =	vst v2  }
0x78: {  	v2 =	vld.idx.msk [tilespmem:v3+s2+$0x0], $0xffff  }
0x79: {  	v3 =	vadd.s32 $0x2080, v1;
	_ =	sdelay $0x3  }
0x7a: {  	[tilespmem:s7+$0xD000] =	vst v2  }
0x7b: {  	v2 =	vld.idx.msk [tilespmem:v3+s2+$0x0], $0xffff  }
0x7c: {  	v3 =	vadd.s32 $0x2100, v1;
	_ =	sdelay $0x3  }
0x7d: {  	[tilespmem:s7+$0xD080] =	vst v2  }
0x7e: {  	v2 =	vld.idx.msk [tilespmem:v3+s2+$0x0], $0xffff  }
0x7f: {  	v3 =	vadd.s32 $0x2180, v1;
	_ =	sdelay $0x3  }
0x80: {  	[tilespmem:s7+$0xD100] =	vst v2  }
0x81: {  	v2 =	vld.idx.msk [tilespmem:v3+s2+$0x0], $0xffff  }
0x82: {  	v3 =	vadd.s32 $0x2200, v1;
	_ =	sdelay $0x3  }
0x83: {  	[tilespmem:s7+$0xD180] =	vst v2  }
0x84: {  	v2 =	vld.idx.msk [tilespmem:v3+s2+$0x0], $0xffff  }
0x85: {  	v3 =	vadd.s32 $0x2280, v1;
	_ =	sdelay $0x3  }
0x86: {  	[tilespmem:s7+$0xD200] =	vst v2  }
0x87: {  	v2 =	vld.idx.msk [tilespmem:v3+s2+$0x0], $0xffff  }
0x88: {  	v3 =	vadd.s32 $0x2300, v1;
	_ =	sdelay $0x3  }
0x89: {  	[tilespmem:s7+$0xD280] =	vst v2  }
0x8a: {  	v2 =	vld.idx.msk [tilespmem:v3+s2+$0x0], $0xffff  }
0x8b: {  	v3 =	vadd.s32 $0x2380, v1;
	_ =	sdelay $0x3  }
0x8c: {  	[tilespmem:s7+$0xD300] =	vst v2  }
0x8d: {  	v2 =	vld.idx.msk [tilespmem:v3+s2+$0x0], $0xffff  }
0x8e: {  	v3 =	vadd.s32 $0x3000, v1;
	_ =	sdelay $0x3  }
0x8f: {  	[tilespmem:s7+$0xD380] =	vst v2  }
0x90: {  	v2 =	vld.idx.msk [tilespmem:v3+s2+$0x0], $0xffff  }
0x91: {  	v3 =	vadd.s32 $0x3080, v1;
	_ =	sdelay $0x3  }
0x92: {  	[tilespmem:s7+$0xD800] =	vst v2  }
0x93: {  	v2 =	vld.idx.msk [tilespmem:v3+s2+$0x0], $0xffff  }
0x94: {  	v3 =	vadd.s32 $0x3100, v1;
	_ =	sdelay $0x3  }
0x95: {  	[tilespmem:s7+$0xD880] =	vst v2  }
0x96: {  	v2 =	vld.idx.msk [tilespmem:v3+s2+$0x0], $0xffff  }
0x97: {  	v3 =	vadd.s32 $0x3180, v1;
	_ =	sdelay $0x3  }
0x98: {  	[tilespmem:s7+$0xD900] =	vst v2  }
0x99: {  	v2 =	vld.idx.msk [tilespmem:v3+s2+$0x0], $0xffff  }
0x9a: {  	v3 =	vadd.s32 $0x3200, v1;
	_ =	sdelay $0x3  }
0x9b: {  	[tilespmem:s7+$0xD980] =	vst v2  }
0x9c: {  	v2 =	vld.idx.msk [tilespmem:v3+s2+$0x0], $0xffff  }
0x9d: {  	v3 =	vadd.s32 $0x3280, v1;
	_ =	sdelay $0x3  }
0x9e: {  	[tilespmem:s7+$0xDA00] =	vst v2  }
0x9f: {  	v2 =	vld.idx.msk [tilespmem:v3+s2+$0x0], $0xffff  }
0xa0: {  	v3 =	vadd.s32 $0x3300, v1;
	_ =	sdelay $0x3  }
0xa1: {  	[tilespmem:s7+$0xDA80] =	vst v2  }
0xa2: {  	v2 =	vld.idx.msk [tilespmem:v3+s2+$0x0], $0xffff  }
0xa3: {  	v3 =	vadd.s32 $0x3380, v1;
	_ =	sdelay $0x3  }
0xa4: {  	[tilespmem:s7+$0xDB00] =	vst v2  }
0xa5: {  	v2 =	vld.idx.msk [tilespmem:v3+s2+$0x0], $0xffff  }
0xa6: {  	v3 =	vadd.s32 $0x4000, v1;
	_ =	sdelay $0x3  }
0xa7: {  	[tilespmem:s7+$0xDB80] =	vst v2  }
0xa8: {  	v2 =	vld.idx.msk [tilespmem:v3+s2+$0x0], $0xffff  }
0xa9: {  	v3 =	vadd.s32 $0x4080, v1;
	_ =	sdelay $0x3  }
0xaa: {  	[tilespmem:s7+$0xE000] =	vst v2  }
0xab: {  	v2 =	vld.idx.msk [tilespmem:v3+s2+$0x0], $0xffff  }
0xac: {  	v3 =	vadd.s32 $0x4100, v1;
	_ =	sdelay $0x3  }
0xad: {  	[tilespmem:s7+$0xE080] =	vst v2  }
0xae: {  	v2 =	vld.idx.msk [tilespmem:v3+s2+$0x0], $0xffff  }
0xaf: {  	v3 =	vadd.s32 $0x4180, v1;
	_ =	sdelay $0x3  }
0xb0: {  	[tilespmem:s7+$0xE100] =	vst v2  }
0xb1: {  	v2 =	vld.idx.msk [tilespmem:v3+s2+$0x0], $0xffff  }
0xb2: {  	v3 =	vadd.s32 $0x4200, v1;
	_ =	sdelay $0x3  }
0xb3: {  	[tilespmem:s7+$0xE180] =	vst v2  }
0xb4: {  	v2 =	vld.idx.msk [tilespmem:v3+s2+$0x0], $0xffff  }
0xb5: {  	v3 =	vadd.s32 $0x4280, v1;
	_ =	sdelay $0x3  }
0xb6: {  	[tilespmem:s7+$0xE200] =	vst v2  }
0xb7: {  	v2 =	vld.idx.msk [tilespmem:v3+s2+$0x0], $0xffff  }
0xb8: {  	v3 =	vadd.s32 $0x4300, v1;
	_ =	sdelay $0x3  }
0xb9: {  	[tilespmem:s7+$0xE280] =	vst v2  }
0xba: {  	v2 =	vld.idx.msk [tilespmem:v3+s2+$0x0], $0xffff  }
0xbb: {  	v3 =	vadd.s32 $0x4380, v1;
	_ =	sdelay $0x3  }
0xbc: {  	[tilespmem:s7+$0xE300] =	vst v2  }
0xbd: {  	v2 =	vld.idx.msk [tilespmem:v3+s2+$0x0], $0xffff  }
0xbe: {  	v3 =	vadd.s32 $0x5000, v1;
	_ =	sdelay $0x3  }
0xbf: {  	[tilespmem:s7+$0xE380] =	vst v2  }
0xc0: {  	v2 =	vld.idx.msk [tilespmem:v3+s2+$0x0], $0xffff  }
0xc1: {  	v3 =	vadd.s32 $0x5080, v1;
	_ =	sdelay $0x3  }
0xc2: {  	[tilespmem:s7+$0xE800] =	vst v2  }
0xc3: {  	v2 =	vld.idx.msk [tilespmem:v3+s2+$0x0], $0xffff  }
0xc4: {  	v3 =	vadd.s32 $0x5100, v1;
	_ =	sdelay $0x3  }
0xc5: {  	[tilespmem:s7+$0xE880] =	vst v2  }
0xc6: {  	v2 =	vld.idx.msk [tilespmem:v3+s2+$0x0], $0xffff  }
0xc7: {  	v3 =	vadd.s32 $0x5180, v1;
	_ =	sdelay $0x3  }
0xc8: {  	[tilespmem:s7+$0xE900] =	vst v2  }
0xc9: {  	v2 =	vld.idx.msk [tilespmem:v3+s2+$0x0], $0xffff  }
0xca: {  	v3 =	vadd.s32 $0x5200, v1;
	_ =	sdelay $0x3  }
0xcb: {  	[tilespmem:s7+$0xE980] =	vst v2  }
0xcc: {  	v2 =	vld.idx.msk [tilespmem:v3+s2+$0x0], $0xffff  }
0xcd: {  	v3 =	vadd.s32 $0x5280, v1;
	_ =	sdelay $0x3  }
0xce: {  	[tilespmem:s7+$0xEA00] =	vst v2  }
0xcf: {  	v2 =	vld.idx.msk [tilespmem:v3+s2+$0x0], $0xffff  }
0xd0: {  	v3 =	vadd.s32 $0x5300, v1;
	_ =	sdelay $0x3  }
0xd1: {  	[tilespmem:s7+$0xEA80] =	vst v2  }
0xd2: {  	v2 =	vld.idx.msk [tilespmem:v3+s2+$0x0], $0xffff  }
0xd3: {  	v3 =	vadd.s32 $0x5380, v1;
	_ =	sdelay $0x3  }
0xd4: {  	[tilespmem:s7+$0xEB00] =	vst v2  }
0xd5: {  	v2 =	vld.idx.msk [tilespmem:v3+s2+$0x0], $0xffff  }
0xd6: {  	v3 =	vadd.s32 $0x6000, v1;
	_ =	sdelay $0x3  }
0xd7: {  	[tilespmem:s7+$0xEB80] =	vst v2  }
0xd8: {  	v2 =	vld.idx.msk [tilespmem:v3+s2+$0x0], $0xffff  }
0xd9: {  	v3 =	vadd.s32 $0x6080, v1;
	_ =	sdelay $0x3  }
0xda: {  	[tilespmem:s7+$0xF000] =	vst v2  }
0xdb: {  	v2 =	vld.idx.msk [tilespmem:v3+s2+$0x0], $0xffff  }
0xdc: {  	v3 =	vadd.s32 $0x6100, v1;
	_ =	sdelay $0x3  }
0xdd: {  	[tilespmem:s7+$0xF080] =	vst v2  }
0xde: {  	v2 =	vld.idx.msk [tilespmem:v3+s2+$0x0], $0xffff  }
0xdf: {  	v3 =	vadd.s32 $0x6180, v1;
	_ =	sdelay $0x3  }
0xe0: {  	[tilespmem:s7+$0xF100] =	vst v2  }
0xe1: {  	v2 =	vld.idx.msk [tilespmem:v3+s2+$0x0], $0xffff  }
0xe2: {  	v3 =	vadd.s32 $0x6200, v1;
	_ =	sdelay $0x3  }
0xe3: {  	[tilespmem:s7+$0xF180] =	vst v2  }
0xe4: {  	v2 =	vld.idx.msk [tilespmem:v3+s2+$0x0], $0xffff  }
0xe5: {  	v3 =	vadd.s32 $0x6280, v1;
	_ =	sdelay $0x3  }
0xe6: {  	[tilespmem:s7+$0xF200] =	vst v2  }
0xe7: {  	v2 =	vld.idx.msk [tilespmem:v3+s2+$0x0], $0xffff  }
0xe8: {  	v3 =	vadd.s32 $0x6300, v1;
	_ =	sdelay $0x3  }
0xe9: {  	[tilespmem:s7+$0xF280] =	vst v2  }
0xea: {  	v2 =	vld.idx.msk [tilespmem:v3+s2+$0x0], $0xffff  }
0xeb: {  	v3 =	vadd.s32 $0x6380, v1;
	_ =	sdelay $0x3  }
0xec: {  	[tilespmem:s7+$0xF300] =	vst v2  }
0xed: {  	v2 =	vld.idx.msk [tilespmem:v3+s2+$0x0], $0xffff  }
0xee: {  	v3 =	vadd.s32 $0x7000, v1;
	_ =	sdelay $0x3  }
0xef: {  	[tilespmem:s7+$0xF380] =	vst v2  }
0xf0: {  	v2 =	vld.idx.msk [tilespmem:v3+s2+$0x0], $0xffff  }
0xf1: {  	v3 =	vadd.s32 $0x7080, v1;
	_ =	sdelay $0x3  }
0xf2: {  	[tilespmem:s7+$0xF800] =	vst v2  }
0xf3: {  	v2 =	vld.idx.msk [tilespmem:v3+s2+$0x0], $0xffff  }
0xf4: {  	v3 =	vadd.s32 $0x7100, v1;
	_ =	sdelay $0x3  }
0xf5: {  	[tilespmem:s7+$0xF880] =	vst v2  }
0xf6: {  	v2 =	vld.idx.msk [tilespmem:v3+s2+$0x0], $0xffff  }
0xf7: {  	v3 =	vadd.s32 $0x7180, v1;
	_ =	sdelay $0x3  }
0xf8: {  	[tilespmem:s7+$0xF900] =	vst v2  }
0xf9: {  	v2 =	vld.idx.msk [tilespmem:v3+s2+$0x0], $0xffff  }
0xfa: {  	v3 =	vadd.s32 $0x7200, v1;
	_ =	sdelay $0x3  }
0xfb: {  	[tilespmem:s7+$0xF980] =	vst v2  }
0xfc: {  	v2 =	vld.idx.msk [tilespmem:v3+s2+$0x0], $0xffff  }
0xfd: {  	v3 =	vadd.s32 $0x7280, v1;
	_ =	sdelay $0x3  }
0xfe: {  	[tilespmem:s7+$0xFA00] =	vst v2  }
0xff: {  	v2 =	vld.idx.msk [tilespmem:v3+s2+$0x0], $0xffff  }
0x100: {  	v3 =	vadd.s32 $0x7300, v1;
	_ =	sdelay $0x3  }
0x101: {  	[tilespmem:s7+$0xFA80] =	vst v2  }
0x102: {  	v2 =	vld.idx.msk [tilespmem:v3+s2+$0x0], $0xffff  }
0x103: {  	v1 =	vadd.s32 $0x7380, v1;
	_ =	sdelay $0x3  }
0x104: {  	[tilespmem:s7+$0xFB00] =	vst v2  }
0x105: {  	v1 =	vld.idx.msk [tilespmem:v1+s2+$0x0], $0xffff  }
0x106: {  	s11 =	sadd.s32 s5, s30  }
0x107: {  	s8 =	sshll.u32 s11, $0x11  }
0x108: {  	s8 =	sadd.s32 s3, s8  }
0x109: {  	s8 =	sshrl.u32 s8, $0x3  }
0x10a: {  	s22 =	sadd.s32 s1, s8;
	[tilespmem:s7+$0xFB80] =	vst v1  }
0x10b: {  	[hbm4b:s22+s12] =	stream.strided.scatter [tilespmem:s19], [sflag:$0x2], $0x4000, s18, s12, $0x38;
	[tilespmem:$0x18000] =	vst v63  }
.LBB2_24:
0x10c: {  	s30 =	sadd.s32 $0x1, s30  }
0x10d: {  	p1 =	slt.u32 s30, s31  }
.Ltmp6:
0x10e: {  	_ = 	snop;
	(pc) =	sbr.rel @!p1 .LBB2_8-.Ltmp6, $2  }
0x10f: {  	_ =	sdelay $0x2  }
0x110: {  	s0 =	sadd.s32 $0xFFFFFFFF, s0  }
.LBB2_4:
0x111: {  	s7 =	ssub.s32 s30, s6  }
0x112: {  	s8 =	sand.u32 $0x1, s7  }
0x113: {  	p2 =	seq.s32 s8, $0x1  }
.Ltmp7:
0x114: {  	s22 =	sadd.s32 $0x0, s0;
	(pc) =	sbr.rel @!p2 .LBB2_5-.Ltmp7, $4  }
0x115: {  	v1 =	vadd.s32 s22, v0  }
0x116: {  	v2 =	vshll.u32 v1, $0x3  }
0x117: {  	v1 =	vand.u32 $0x7F, v1;
	v2 =	vand.u32 $0xFFFFFC00, v2  }
0x118: {  	p1 =	slt.u32 s7, $0x2;
	v1 =	vor.u32 v1, v2  }
0x119: {  	s7 =	simm.s32 @!p1 $0x2  }
0x11a: {  	_ =	swait.ge @!p1 [sflag:s7], $0x4000  }
0x11b: {  	[sflag:s7] =	ssyncset.done @!p1 $0x0  }
0x11c: {  	[sflag:s7] =	ssyncadd.s32 @!p1 $0xFFFFC000  }
0x11d: {  	v2 =	vld.idx.msk [tilespmem:v1+s2+$0x0], $0xffff  }
0x11e: {  	v3 =	vor.u32 $0x80, v1  }
0x11f: {  	s8 =	simm.s32 $0x0  }
0x120: {  	s11 =	sand.u32 $0x70, s8;
	s10 =	sand.u32 $0x400, s8  }
0x121: {  	s7 =	sor.u32 s11, s10  }
0x122: {  	[tilespmem:s7+$0xC000] =	vst v2  }
0x123: {  	v2 =	vld.idx.msk [tilespmem:v3+s2+$0x0], $0xffff  }
0x124: {  	v3 =	vor.u32 $0x100, v1;
	_ =	sdelay $0x3  }
0x125: {  	[tilespmem:s7+$0xC080] =	vst v2  }
0x126: {  	v2 =	vld.idx.msk [tilespmem:v3+s2+$0x0], $0xffff  }
0x127: {  	v3 =	vor.u32 $0x180, v1;
	_ =	sdelay $0x3  }
0x128: {  	[tilespmem:s7+$0xC100] =	vst v2  }
0x129: {  	v2 =	vld.idx.msk [tilespmem:v3+s2+$0x0], $0xffff  }
0x12a: {  	v3 =	vor.u32 $0x200, v1;
	_ =	sdelay $0x3  }
0x12b: {  	[tilespmem:s7+$0xC180] =	vst v2  }
0x12c: {  	v2 =	vld.idx.msk [tilespmem:v3+s2+$0x0], $0xffff  }
0x12d: {  	v3 =	vor.u32 $0x280, v1;
	_ =	sdelay $0x3  }
0x12e: {  	[tilespmem:s7+$0xC200] =	vst v2  }
0x12f: {  	v2 =	vld.idx.msk [tilespmem:v3+s2+$0x0], $0xffff  }
0x130: {  	v3 =	vor.u32 $0x300, v1;
	_ =	sdelay $0x3  }
0x131: {  	[tilespmem:s7+$0xC280] =	vst v2  }
0x132: {  	v2 =	vld.idx.msk [tilespmem:v3+s2+$0x0], $0xffff  }
0x133: {  	v3 =	vor.u32 $0x380, v1;
	_ =	sdelay $0x3  }
0x134: {  	[tilespmem:s7+$0xC300] =	vst v2  }
0x135: {  	v2 =	vld.idx.msk [tilespmem:v3+s2+$0x0], $0xffff  }
0x136: {  	v3 =	vadd.s32 $0x1000, v1;
	_ =	sdelay $0x1  }
0x137: {  	s22 =	sor.u32 s8, s8  }
0x138: {  	s10 =	sor.u32 $0x380, s22  }
0x139: {  	[tilespmem:s10+$0xC000] =	vst v2  }
0x13a: {  	v2 =	vld.idx.msk [tilespmem:v3+s2+$0x0], $0xffff  }
0x13b: {  	v3 =	vadd.s32 $0x1080, v1;
	_ =	sdelay $0x3  }
0x13c: {  	[tilespmem:s7+$0xC800] =	vst v2  }
0x13d: {  	v2 =	vld.idx.msk [tilespmem:v3+s2+$0x0], $0xffff  }
0x13e: {  	v3 =	vadd.s32 $0x1100, v1;
	_ =	sdelay $0x3  }
0x13f: {  	[tilespmem:s7+$0xC880] =	vst v2  }
0x140: {  	v2 =	vld.idx.msk [tilespmem:v3+s2+$0x0], $0xffff  }
0x141: {  	v3 =	vadd.s32 $0x1180, v1;
	_ =	sdelay $0x3  }
0x142: {  	[tilespmem:s7+$0xC900] =	vst v2  }
0x143: {  	v2 =	vld.idx.msk [tilespmem:v3+s2+$0x0], $0xffff  }
0x144: {  	v3 =	vadd.s32 $0x1200, v1;
	_ =	sdelay $0x3  }
0x145: {  	[tilespmem:s7+$0xC980] =	vst v2  }
0x146: {  	v2 =	vld.idx.msk [tilespmem:v3+s2+$0x0], $0xffff  }
0x147: {  	v3 =	vadd.s32 $0x1280, v1;
	_ =	sdelay $0x3  }
0x148: {  	[tilespmem:s7+$0xCA00] =	vst v2  }
0x149: {  	v2 =	vld.idx.msk [tilespmem:v3+s2+$0x0], $0xffff  }
0x14a: {  	v3 =	vadd.s32 $0x1300, v1;
	_ =	sdelay $0x3  }
0x14b: {  	[tilespmem:s7+$0xCA80] =	vst v2  }
0x14c: {  	v2 =	vld.idx.msk [tilespmem:v3+s2+$0x0], $0xffff  }
0x14d: {  	v3 =	vadd.s32 $0x1380, v1;
	_ =	sdelay $0x3  }
0x14e: {  	[tilespmem:s7+$0xCB00] =	vst v2  }
0x14f: {  	v2 =	vld.idx.msk [tilespmem:v3+s2+$0x0], $0xffff  }
0x150: {  	v3 =	vadd.s32 $0x2000, v1;
	_ =	sdelay $0x3  }
0x151: {  	[tilespmem:s7+$0xCB80] =	vst v2  }
0x152: {  	v2 =	vld.idx.msk [tilespmem:v3+s2+$0x0], $0xffff  }
0x153: {  	v3 =	vadd.s32 $0x2080, v1;
	_ =	sdelay $0x3  }
0x154: {  	[tilespmem:s7+$0xD000] =	vst v2  }
0x155: {  	v2 =	vld.idx.msk [tilespmem:v3+s2+$0x0], $0xffff  }
0x156: {  	v3 =	vadd.s32 $0x2100, v1;
	_ =	sdelay $0x3  }
0x157: {  	[tilespmem:s7+$0xD080] =	vst v2  }
0x158: {  	v2 =	vld.idx.msk [tilespmem:v3+s2+$0x0], $0xffff  }
0x159: {  	v3 =	vadd.s32 $0x2180, v1;
	_ =	sdelay $0x3  }
0x15a: {  	[tilespmem:s7+$0xD100] =	vst v2  }
0x15b: {  	v2 =	vld.idx.msk [tilespmem:v3+s2+$0x0], $0xffff  }
0x15c: {  	v3 =	vadd.s32 $0x2200, v1;
	_ =	sdelay $0x3  }
0x15d: {  	[tilespmem:s7+$0xD180] =	vst v2  }
0x15e: {  	v2 =	vld.idx.msk [tilespmem:v3+s2+$0x0], $0xffff  }
0x15f: {  	v3 =	vadd.s32 $0x2280, v1;
	_ =	sdelay $0x3  }
0x160: {  	[tilespmem:s7+$0xD200] =	vst v2  }
0x161: {  	v2 =	vld.idx.msk [tilespmem:v3+s2+$0x0], $0xffff  }
0x162: {  	v3 =	vadd.s32 $0x2300, v1;
	_ =	sdelay $0x3  }
0x163: {  	[tilespmem:s7+$0xD280] =	vst v2  }
0x164: {  	v2 =	vld.idx.msk [tilespmem:v3+s2+$0x0], $0xffff  }
0x165: {  	v3 =	vadd.s32 $0x2380, v1;
	_ =	sdelay $0x3  }
0x166: {  	[tilespmem:s7+$0xD300] =	vst v2  }
0x167: {  	v2 =	vld.idx.msk [tilespmem:v3+s2+$0x0], $0xffff  }
0x168: {  	v3 =	vadd.s32 $0x3000, v1;
	_ =	sdelay $0x3  }
0x169: {  	[tilespmem:s7+$0xD380] =	vst v2  }
0x16a: {  	v2 =	vld.idx.msk [tilespmem:v3+s2+$0x0], $0xffff  }
0x16b: {  	v3 =	vadd.s32 $0x3080, v1;
	_ =	sdelay $0x3  }
0x16c: {  	[tilespmem:s7+$0xD800] =	vst v2  }
0x16d: {  	v2 =	vld.idx.msk [tilespmem:v3+s2+$0x0], $0xffff  }
0x16e: {  	v3 =	vadd.s32 $0x3100, v1;
	_ =	sdelay $0x3  }
0x16f: {  	[tilespmem:s7+$0xD880] =	vst v2  }
0x170: {  	v2 =	vld.idx.msk [tilespmem:v3+s2+$0x0], $0xffff  }
0x171: {  	v3 =	vadd.s32 $0x3180, v1;
	_ =	sdelay $0x3  }
0x172: {  	[tilespmem:s7+$0xD900] =	vst v2  }
0x173: {  	v2 =	vld.idx.msk [tilespmem:v3+s2+$0x0], $0xffff  }
0x174: {  	v3 =	vadd.s32 $0x3200, v1;
	_ =	sdelay $0x3  }
0x175: {  	[tilespmem:s7+$0xD980] =	vst v2  }
0x176: {  	v2 =	vld.idx.msk [tilespmem:v3+s2+$0x0], $0xffff  }
0x177: {  	v3 =	vadd.s32 $0x3280, v1;
	_ =	sdelay $0x3  }
0x178: {  	[tilespmem:s7+$0xDA00] =	vst v2  }
0x179: {  	v2 =	vld.idx.msk [tilespmem:v3+s2+$0x0], $0xffff  }
0x17a: {  	v3 =	vadd.s32 $0x3300, v1;
	_ =	sdelay $0x3  }
0x17b: {  	[tilespmem:s7+$0xDA80] =	vst v2  }
0x17c: {  	v2 =	vld.idx.msk [tilespmem:v3+s2+$0x0], $0xffff  }
0x17d: {  	v3 =	vadd.s32 $0x3380, v1;
	_ =	sdelay $0x3  }
0x17e: {  	[tilespmem:s7+$0xDB00] =	vst v2  }
0x17f: {  	v2 =	vld.idx.msk [tilespmem:v3+s2+$0x0], $0xffff  }
0x180: {  	v3 =	vadd.s32 $0x4000, v1;
	_ =	sdelay $0x3  }
0x181: {  	[tilespmem:s7+$0xDB80] =	vst v2  }
0x182: {  	v2 =	vld.idx.msk [tilespmem:v3+s2+$0x0], $0xffff  }
0x183: {  	v3 =	vadd.s32 $0x4080, v1;
	_ =	sdelay $0x3  }
0x184: {  	[tilespmem:s7+$0xE000] =	vst v2  }
0x185: {  	v2 =	vld.idx.msk [tilespmem:v3+s2+$0x0], $0xffff  }
0x186: {  	v3 =	vadd.s32 $0x4100, v1;
	_ =	sdelay $0x3  }
0x187: {  	[tilespmem:s7+$0xE080] =	vst v2  }
0x188: {  	v2 =	vld.idx.msk [tilespmem:v3+s2+$0x0], $0xffff  }
0x189: {  	v3 =	vadd.s32 $0x4180, v1;
	_ =	sdelay $0x3  }
0x18a: {  	[tilespmem:s7+$0xE100] =	vst v2  }
0x18b: {  	v2 =	vld.idx.msk [tilespmem:v3+s2+$0x0], $0xffff  }
0x18c: {  	v3 =	vadd.s32 $0x4200, v1;
	_ =	sdelay $0x3  }
0x18d: {  	[tilespmem:s7+$0xE180] =	vst v2  }
0x18e: {  	v2 =	vld.idx.msk [tilespmem:v3+s2+$0x0], $0xffff  }
0x18f: {  	v3 =	vadd.s32 $0x4280, v1;
	_ =	sdelay $0x3  }
0x190: {  	[tilespmem:s7+$0xE200] =	vst v2  }
0x191: {  	v2 =	vld.idx.msk [tilespmem:v3+s2+$0x0], $0xffff  }
0x192: {  	v3 =	vadd.s32 $0x4300, v1;
	_ =	sdelay $0x3  }
0x193: {  	[tilespmem:s7+$0xE280] =	vst v2  }
0x194: {  	v2 =	vld.idx.msk [tilespmem:v3+s2+$0x0], $0xffff  }
0x195: {  	v3 =	vadd.s32 $0x4380, v1;
	_ =	sdelay $0x3  }
0x196: {  	[tilespmem:s7+$0xE300] =	vst v2  }
0x197: {  	v2 =	vld.idx.msk [tilespmem:v3+s2+$0x0], $0xffff  }
0x198: {  	v3 =	vadd.s32 $0x5000, v1;
	_ =	sdelay $0x3  }
0x199: {  	[tilespmem:s7+$0xE380] =	vst v2  }
0x19a: {  	v2 =	vld.idx.msk [tilespmem:v3+s2+$0x0], $0xffff  }
0x19b: {  	v3 =	vadd.s32 $0x5080, v1;
	_ =	sdelay $0x3  }
0x19c: {  	[tilespmem:s7+$0xE800] =	vst v2  }
0x19d: {  	v2 =	vld.idx.msk [tilespmem:v3+s2+$0x0], $0xffff  }
0x19e: {  	v3 =	vadd.s32 $0x5100, v1;
	_ =	sdelay $0x3  }
0x19f: {  	[tilespmem:s7+$0xE880] =	vst v2  }
0x1a0: {  	v2 =	vld.idx.msk [tilespmem:v3+s2+$0x0], $0xffff  }
0x1a1: {  	v3 =	vadd.s32 $0x5180, v1;
	_ =	sdelay $0x3  }
0x1a2: {  	[tilespmem:s7+$0xE900] =	vst v2  }
0x1a3: {  	v2 =	vld.idx.msk [tilespmem:v3+s2+$0x0], $0xffff  }
0x1a4: {  	v3 =	vadd.s32 $0x5200, v1;
	_ =	sdelay $0x3  }
0x1a5: {  	[tilespmem:s7+$0xE980] =	vst v2  }
0x1a6: {  	v2 =	vld.idx.msk [tilespmem:v3+s2+$0x0], $0xffff  }
0x1a7: {  	v3 =	vadd.s32 $0x5280, v1;
	_ =	sdelay $0x3  }
0x1a8: {  	[tilespmem:s7+$0xEA00] =	vst v2  }
0x1a9: {  	v2 =	vld.idx.msk [tilespmem:v3+s2+$0x0], $0xffff  }
0x1aa: {  	v3 =	vadd.s32 $0x5300, v1;
	_ =	sdelay $0x3  }
0x1ab: {  	[tilespmem:s7+$0xEA80] =	vst v2  }
0x1ac: {  	v2 =	vld.idx.msk [tilespmem:v3+s2+$0x0], $0xffff  }
0x1ad: {  	v3 =	vadd.s32 $0x5380, v1;
	_ =	sdelay $0x3  }
0x1ae: {  	[tilespmem:s7+$0xEB00] =	vst v2  }
0x1af: {  	v2 =	vld.idx.msk [tilespmem:v3+s2+$0x0], $0xffff  }
0x1b0: {  	v3 =	vadd.s32 $0x6000, v1;
	_ =	sdelay $0x3  }
0x1b1: {  	[tilespmem:s7+$0xEB80] =	vst v2  }
0x1b2: {  	v2 =	vld.idx.msk [tilespmem:v3+s2+$0x0], $0xffff  }
0x1b3: {  	v3 =	vadd.s32 $0x6080, v1;
	_ =	sdelay $0x3  }
0x1b4: {  	[tilespmem:s7+$0xF000] =	vst v2  }
0x1b5: {  	v2 =	vld.idx.msk [tilespmem:v3+s2+$0x0], $0xffff  }
0x1b6: {  	v3 =	vadd.s32 $0x6100, v1;
	_ =	sdelay $0x3  }
0x1b7: {  	[tilespmem:s7+$0xF080] =	vst v2  }
0x1b8: {  	v2 =	vld.idx.msk [tilespmem:v3+s2+$0x0], $0xffff  }
0x1b9: {  	v3 =	vadd.s32 $0x6180, v1;
	_ =	sdelay $0x3  }
0x1ba: {  	[tilespmem:s7+$0xF100] =	vst v2  }
0x1bb: {  	v2 =	vld.idx.msk [tilespmem:v3+s2+$0x0], $0xffff  }
0x1bc: {  	v3 =	vadd.s32 $0x6200, v1;
	_ =	sdelay $0x3  }
0x1bd: {  	[tilespmem:s7+$0xF180] =	vst v2  }
0x1be: {  	v2 =	vld.idx.msk [tilespmem:v3+s2+$0x0], $0xffff  }
0x1bf: {  	v3 =	vadd.s32 $0x6280, v1;
	_ =	sdelay $0x3  }
0x1c0: {  	[tilespmem:s7+$0xF200] =	vst v2  }
0x1c1: {  	v2 =	vld.idx.msk [tilespmem:v3+s2+$0x0], $0xffff  }
0x1c2: {  	v3 =	vadd.s32 $0x6300, v1;
	_ =	sdelay $0x3  }
0x1c3: {  	[tilespmem:s7+$0xF280] =	vst v2  }
0x1c4: {  	v2 =	vld.idx.msk [tilespmem:v3+s2+$0x0], $0xffff  }
0x1c5: {  	v3 =	vadd.s32 $0x6380, v1;
	_ =	sdelay $0x3  }
0x1c6: {  	[tilespmem:s7+$0xF300] =	vst v2  }
0x1c7: {  	v2 =	vld.idx.msk [tilespmem:v3+s2+$0x0], $0xffff  }
0x1c8: {  	v3 =	vadd.s32 $0x7000, v1;
	_ =	sdelay $0x3  }
0x1c9: {  	[tilespmem:s7+$0xF380] =	vst v2  }
0x1ca: {  	v2 =	vld.idx.msk [tilespmem:v3+s2+$0x0], $0xffff  }
0x1cb: {  	v3 =	vadd.s32 $0x7080, v1;
	_ =	sdelay $0x3  }
0x1cc: {  	[tilespmem:s7+$0xF800] =	vst v2  }
0x1cd: {  	v2 =	vld.idx.msk [tilespmem:v3+s2+$0x0], $0xffff  }
0x1ce: {  	v3 =	vadd.s32 $0x7100, v1;
	_ =	sdelay $0x3  }
0x1cf: {  	[tilespmem:s7+$0xF880] =	vst v2  }
0x1d0: {  	v2 =	vld.idx.msk [tilespmem:v3+s2+$0x0], $0xffff  }
0x1d1: {  	v3 =	vadd.s32 $0x7180, v1;
	_ =	sdelay $0x3  }
0x1d2: {  	[tilespmem:s7+$0xF900] =	vst v2  }
0x1d3: {  	v2 =	vld.idx.msk [tilespmem:v3+s2+$0x0], $0xffff  }
0x1d4: {  	v3 =	vadd.s32 $0x7200, v1;
	_ =	sdelay $0x3  }
0x1d5: {  	[tilespmem:s7+$0xF980] =	vst v2  }
0x1d6: {  	v2 =	vld.idx.msk [tilespmem:v3+s2+$0x0], $0xffff  }
0x1d7: {  	v3 =	vadd.s32 $0x7280, v1;
	_ =	sdelay $0x3  }
0x1d8: {  	[tilespmem:s7+$0xFA00] =	vst v2  }
0x1d9: {  	v2 =	vld.idx.msk [tilespmem:v3+s2+$0x0], $0xffff  }
0x1da: {  	v3 =	vadd.s32 $0x7300, v1;
	_ =	sdelay $0x3  }
0x1db: {  	[tilespmem:s7+$0xFA80] =	vst v2  }
0x1dc: {  	v2 =	vld.idx.msk [tilespmem:v3+s2+$0x0], $0xffff  }
0x1dd: {  	v1 =	vadd.s32 $0x7380, v1;
	_ =	sdelay $0x2  }
0x1de: {  	s22 =	sadd.s32 $0x10, s0;
	s11 =	simm.s32 $0x20;
	s10 =	simm.s32 $0x10  }
.LBB2_22:
0x1df: {  	p1 =	sne.s32 s11, $0xF0;
	v3 =	vadd.s32 s22, v0;
	[tilespmem:s7+$0xFB00] =	vst v2  }
0x1e0: {  	v2 =	vshll.u32 v3, $0x3;
	v4 =	vld.idx.msk [tilespmem:v1+s2+$0x0], $0xffff  }
0x1e1: {  	v1 =	vand.u32 $0x7F, v3;
	v2 =	vand.u32 $0xFFFFFC00, v2  }
0x1e2: {  	v1 =	vor.u32 v1, v2;
	_ =	sdelay $0x3  }
0x1e3: {  	[tilespmem:s7+$0xFB80] =	vst v4  }
0x1e4: {  	v2 =	vld.idx.msk [tilespmem:v1+s2+$0x0], $0xffff;
	_ =	sdelay $0x1  }
0x1e5: {  	v3 =	vor.u32 $0x80, v1  }
0x1e6: {  	s8 =	sadd.s32 $0x80, s8  }
0x1e7: {  	s22 =	sand.u32 $0x400, s8;
	s7 =	sand.u32 $0x70, s10  }
0x1e8: {  	s7 =	sor.u32 s7, s22  }
0x1e9: {  	[tilespmem:s7+$0xC000] =	vst v2  }
0x1ea: {  	v2 =	vld.idx.msk [tilespmem:v3+s2+$0x0], $0xffff;
	_ =	sdelay $0x1  }
0x1eb: {  	v3 =	vor.u32 $0x100, v1;
	_ =	sdelay $0x3  }
0x1ec: {  	[tilespmem:s7+$0xC080] =	vst v2  }
0x1ed: {  	v2 =	vld.idx.msk [tilespmem:v3+s2+$0x0], $0xffff;
	_ =	sdelay $0x1  }
0x1ee: {  	v3 =	vor.u32 $0x180, v1;
	_ =	sdelay $0x3  }
0x1ef: {  	[tilespmem:s7+$0xC100] =	vst v2  }
0x1f0: {  	v2 =	vld.idx.msk [tilespmem:v3+s2+$0x0], $0xffff;
	_ =	sdelay $0x1  }
0x1f1: {  	v3 =	vor.u32 $0x200, v1;
	_ =	sdelay $0x3  }
0x1f2: {  	[tilespmem:s7+$0xC180] =	vst v2  }
0x1f3: {  	v2 =	vld.idx.msk [tilespmem:v3+s2+$0x0], $0xffff;
	_ =	sdelay $0x1  }
0x1f4: {  	v3 =	vor.u32 $0x280, v1;
	_ =	sdelay $0x3  }
0x1f5: {  	[tilespmem:s7+$0xC200] =	vst v2  }
0x1f6: {  	v2 =	vld.idx.msk [tilespmem:v3+s2+$0x0], $0xffff;
	_ =	sdelay $0x1  }
0x1f7: {  	v3 =	vor.u32 $0x300, v1;
	_ =	sdelay $0x3  }
0x1f8: {  	[tilespmem:s7+$0xC280] =	vst v2  }
0x1f9: {  	v2 =	vld.idx.msk [tilespmem:v3+s2+$0x0], $0xffff;
	_ =	sdelay $0x1  }
0x1fa: {  	v3 =	vor.u32 $0x380, v1;
	_ =	sdelay $0x3  }
0x1fb: {  	[tilespmem:s7+$0xC300] =	vst v2  }
0x1fc: {  	v2 =	vld.idx.msk [tilespmem:v3+s2+$0x0], $0xffff;
	_ =	sdelay $0x1  }
0x1fd: {  	v3 =	vadd.s32 $0x1000, v1;
	_ =	sdelay $0x1  }
0x1fe: {  	s22 =	sor.u32 s8, s10;
	s10 =	smov.u32 s11  }
0x1ff: {  	s22 =	sor.u32 $0x380, s22  }
0x200: {  	[tilespmem:s22+$0xC000] =	vst v2  }
0x201: {  	v2 =	vld.idx.msk [tilespmem:v3+s2+$0x0], $0xffff;
	_ =	sdelay $0x1  }
0x202: {  	v3 =	vadd.s32 $0x1080, v1;
	_ =	sdelay $0x3  }
0x203: {  	[tilespmem:s7+$0xC800] =	vst v2  }
0x204: {  	v2 =	vld.idx.msk [tilespmem:v3+s2+$0x0], $0xffff;
	_ =	sdelay $0x1  }
0x205: {  	v3 =	vadd.s32 $0x1100, v1;
	_ =	sdelay $0x3  }
0x206: {  	[tilespmem:s7+$0xC880] =	vst v2  }
0x207: {  	v2 =	vld.idx.msk [tilespmem:v3+s2+$0x0], $0xffff;
	_ =	sdelay $0x1  }
0x208: {  	v3 =	vadd.s32 $0x1180, v1;
	_ =	sdelay $0x3  }
0x209: {  	[tilespmem:s7+$0xC900] =	vst v2  }
0x20a: {  	v2 =	vld.idx.msk [tilespmem:v3+s2+$0x0], $0xffff;
	_ =	sdelay $0x1  }
0x20b: {  	v3 =	vadd.s32 $0x1200, v1;
	_ =	sdelay $0x3  }
0x20c: {  	[tilespmem:s7+$0xC980] =	vst v2  }
0x20d: {  	v2 =	vld.idx.msk [tilespmem:v3+s2+$0x0], $0xffff;
	_ =	sdelay $0x1  }
0x20e: {  	v3 =	vadd.s32 $0x1280, v1;
	_ =	sdelay $0x3  }
0x20f: {  	[tilespmem:s7+$0xCA00] =	vst v2  }
0x210: {  	v2 =	vld.idx.msk [tilespmem:v3+s2+$0x0], $0xffff;
	_ =	sdelay $0x1  }
0x211: {  	v3 =	vadd.s32 $0x1300, v1;
	_ =	sdelay $0x3  }
0x212: {  	[tilespmem:s7+$0xCA80] =	vst v2  }
0x213: {  	v2 =	vld.idx.msk [tilespmem:v3+s2+$0x0], $0xffff;
	_ =	sdelay $0x1  }
0x214: {  	v3 =	vadd.s32 $0x1380, v1;
	_ =	sdelay $0x3  }
0x215: {  	[tilespmem:s7+$0xCB00] =	vst v2  }
0x216: {  	v2 =	vld.idx.msk [tilespmem:v3+s2+$0x0], $0xffff;
	_ =	sdelay $0x1  }
0x217: {  	v3 =	vadd.s32 $0x2000, v1;
	_ =	sdelay $0x3  }
0x218: {  	[tilespmem:s7+$0xCB80] =	vst v2  }
0x219: {  	v2 =	vld.idx.msk [tilespmem:v3+s2+$0x0], $0xffff;
	_ =	sdelay $0x1  }
0x21a: {  	v3 =	vadd.s32 $0x2080, v1;
	_ =	sdelay $0x3  }
0x21b: {  	[tilespmem:s7+$0xD000] =	vst v2  }
0x21c: {  	v2 =	vld.idx.msk [tilespmem:v3+s2+$0x0], $0xffff;
	_ =	sdelay $0x1  }
0x21d: {  	v3 =	vadd.s32 $0x2100, v1;
	_ =	sdelay $0x3  }
0x21e: {  	[tilespmem:s7+$0xD080] =	vst v2  }
0x21f: {  	v2 =	vld.idx.msk [tilespmem:v3+s2+$0x0], $0xffff;
	_ =	sdelay $0x1  }
0x220: {  	v3 =	vadd.s32 $0x2180, v1;
	_ =	sdelay $0x3  }
0x221: {  	[tilespmem:s7+$0xD100] =	vst v2  }
0x222: {  	v2 =	vld.idx.msk [tilespmem:v3+s2+$0x0], $0xffff;
	_ =	sdelay $0x1  }
0x223: {  	v3 =	vadd.s32 $0x2200, v1;
	_ =	sdelay $0x3  }
0x224: {  	[tilespmem:s7+$0xD180] =	vst v2  }
0x225: {  	v2 =	vld.idx.msk [tilespmem:v3+s2+$0x0], $0xffff;
	_ =	sdelay $0x1  }
0x226: {  	v3 =	vadd.s32 $0x2280, v1;
	_ =	sdelay $0x3  }
0x227: {  	[tilespmem:s7+$0xD200] =	vst v2  }
0x228: {  	v2 =	vld.idx.msk [tilespmem:v3+s2+$0x0], $0xffff;
	_ =	sdelay $0x1  }
0x229: {  	v3 =	vadd.s32 $0x2300, v1;
	_ =	sdelay $0x3  }
0x22a: {  	[tilespmem:s7+$0xD280] =	vst v2  }
0x22b: {  	v2 =	vld.idx.msk [tilespmem:v3+s2+$0x0], $0xffff;
	_ =	sdelay $0x1  }
0x22c: {  	v3 =	vadd.s32 $0x2380, v1;
	_ =	sdelay $0x3  }
0x22d: {  	[tilespmem:s7+$0xD300] =	vst v2  }
0x22e: {  	v2 =	vld.idx.msk [tilespmem:v3+s2+$0x0], $0xffff;
	_ =	sdelay $0x1  }
0x22f: {  	v3 =	vadd.s32 $0x3000, v1;
	_ =	sdelay $0x3  }
0x230: {  	[tilespmem:s7+$0xD380] =	vst v2  }
0x231: {  	v2 =	vld.idx.msk [tilespmem:v3+s2+$0x0], $0xffff;
	_ =	sdelay $0x1  }
0x232: {  	v3 =	vadd.s32 $0x3080, v1;
	_ =	sdelay $0x3  }
0x233: {  	[tilespmem:s7+$0xD800] =	vst v2  }
0x234: {  	v2 =	vld.idx.msk [tilespmem:v3+s2+$0x0], $0xffff;
	_ =	sdelay $0x1  }
0x235: {  	v3 =	vadd.s32 $0x3100, v1;
	_ =	sdelay $0x3  }
0x236: {  	[tilespmem:s7+$0xD880] =	vst v2  }
0x237: {  	v2 =	vld.idx.msk [tilespmem:v3+s2+$0x0], $0xffff;
	_ =	sdelay $0x1  }
0x238: {  	v3 =	vadd.s32 $0x3180, v1;
	_ =	sdelay $0x3  }
0x239: {  	[tilespmem:s7+$0xD900] =	vst v2  }
0x23a: {  	v2 =	vld.idx.msk [tilespmem:v3+s2+$0x0], $0xffff;
	_ =	sdelay $0x1  }
0x23b: {  	v3 =	vadd.s32 $0x3200, v1;
	_ =	sdelay $0x3  }
0x23c: {  	[tilespmem:s7+$0xD980] =	vst v2  }
0x23d: {  	v2 =	vld.idx.msk [tilespmem:v3+s2+$0x0], $0xffff;
	_ =	sdelay $0x1  }
0x23e: {  	v3 =	vadd.s32 $0x3280, v1;
	_ =	sdelay $0x3  }
0x23f: {  	[tilespmem:s7+$0xDA00] =	vst v2  }
0x240: {  	v2 =	vld.idx.msk [tilespmem:v3+s2+$0x0], $0xffff;
	_ =	sdelay $0x1  }
0x241: {  	v3 =	vadd.s32 $0x3300, v1;
	_ =	sdelay $0x3  }
0x242: {  	[tilespmem:s7+$0xDA80] =	vst v2  }
0x243: {  	v2 =	vld.idx.msk [tilespmem:v3+s2+$0x0], $0xffff;
	_ =	sdelay $0x1  }
0x244: {  	v3 =	vadd.s32 $0x3380, v1;
	_ =	sdelay $0x3  }
0x245: {  	[tilespmem:s7+$0xDB00] =	vst v2  }
0x246: {  	v2 =	vld.idx.msk [tilespmem:v3+s2+$0x0], $0xffff;
	_ =	sdelay $0x1  }
0x247: {  	v3 =	vadd.s32 $0x4000, v1;
	_ =	sdelay $0x3  }
0x248: {  	[tilespmem:s7+$0xDB80] =	vst v2  }
0x249: {  	v2 =	vld.idx.msk [tilespmem:v3+s2+$0x0], $0xffff;
	_ =	sdelay $0x1  }
0x24a: {  	v3 =	vadd.s32 $0x4080, v1;
	_ =	sdelay $0x3  }
0x24b: {  	[tilespmem:s7+$0xE000] =	vst v2  }
0x24c: {  	v2 =	vld.idx.msk [tilespmem:v3+s2+$0x0], $0xffff;
	_ =	sdelay $0x1  }
0x24d: {  	v3 =	vadd.s32 $0x4100, v1;
	_ =	sdelay $0x3  }
0x24e: {  	[tilespmem:s7+$0xE080] =	vst v2  }
0x24f: {  	v2 =	vld.idx.msk [tilespmem:v3+s2+$0x0], $0xffff;
	_ =	sdelay $0x1  }
0x250: {  	v3 =	vadd.s32 $0x4180, v1;
	_ =	sdelay $0x3  }
0x251: {  	[tilespmem:s7+$0xE100] =	vst v2  }
0x252: {  	v2 =	vld.idx.msk [tilespmem:v3+s2+$0x0], $0xffff;
	_ =	sdelay $0x1  }
0x253: {  	v3 =	vadd.s32 $0x4200, v1;
	_ =	sdelay $0x3  }
0x254: {  	[tilespmem:s7+$0xE180] =	vst v2  }
0x255: {  	v2 =	vld.idx.msk [tilespmem:v3+s2+$0x0], $0xffff;
	_ =	sdelay $0x1  }
0x256: {  	v3 =	vadd.s32 $0x4280, v1;
	_ =	sdelay $0x3  }
0x257: {  	[tilespmem:s7+$0xE200] =	vst v2  }
0x258: {  	v2 =	vld.idx.msk [tilespmem:v3+s2+$0x0], $0xffff;
	_ =	sdelay $0x1  }
0x259: {  	v3 =	vadd.s32 $0x4300, v1;
	_ =	sdelay $0x3  }
0x25a: {  	[tilespmem:s7+$0xE280] =	vst v2  }
0x25b: {  	v2 =	vld.idx.msk [tilespmem:v3+s2+$0x0], $0xffff;
	_ =	sdelay $0x1  }
0x25c: {  	v3 =	vadd.s32 $0x4380, v1;
	_ =	sdelay $0x3  }
0x25d: {  	[tilespmem:s7+$0xE300] =	vst v2  }
0x25e: {  	v2 =	vld.idx.msk [tilespmem:v3+s2+$0x0], $0xffff;
	_ =	sdelay $0x1  }
0x25f: {  	v3 =	vadd.s32 $0x5000, v1;
	_ =	sdelay $0x3  }
0x260: {  	[tilespmem:s7+$0xE380] =	vst v2  }
0x261: {  	v2 =	vld.idx.msk [tilespmem:v3+s2+$0x0], $0xffff;
	_ =	sdelay $0x1  }
0x262: {  	v3 =	vadd.s32 $0x5080, v1;
	_ =	sdelay $0x3  }
0x263: {  	[tilespmem:s7+$0xE800] =	vst v2  }
0x264: {  	v2 =	vld.idx.msk [tilespmem:v3+s2+$0x0], $0xffff;
	_ =	sdelay $0x1  }
0x265: {  	v3 =	vadd.s32 $0x5100, v1;
	_ =	sdelay $0x3  }
0x266: {  	[tilespmem:s7+$0xE880] =	vst v2  }
0x267: {  	v2 =	vld.idx.msk [tilespmem:v3+s2+$0x0], $0xffff;
	_ =	sdelay $0x1  }
0x268: {  	v3 =	vadd.s32 $0x5180, v1;
	_ =	sdelay $0x3  }
0x269: {  	[tilespmem:s7+$0xE900] =	vst v2  }
0x26a: {  	v2 =	vld.idx.msk [tilespmem:v3+s2+$0x0], $0xffff;
	_ =	sdelay $0x1  }
0x26b: {  	v3 =	vadd.s32 $0x5200, v1;
	_ =	sdelay $0x3  }
0x26c: {  	[tilespmem:s7+$0xE980] =	vst v2  }
0x26d: {  	v2 =	vld.idx.msk [tilespmem:v3+s2+$0x0], $0xffff;
	_ =	sdelay $0x1  }
0x26e: {  	v3 =	vadd.s32 $0x5280, v1;
	_ =	sdelay $0x3  }
0x26f: {  	[tilespmem:s7+$0xEA00] =	vst v2  }
0x270: {  	v2 =	vld.idx.msk [tilespmem:v3+s2+$0x0], $0xffff;
	_ =	sdelay $0x1  }
0x271: {  	v3 =	vadd.s32 $0x5300, v1;
	_ =	sdelay $0x3  }
0x272: {  	[tilespmem:s7+$0xEA80] =	vst v2  }
0x273: {  	v2 =	vld.idx.msk [tilespmem:v3+s2+$0x0], $0xffff;
	_ =	sdelay $0x1  }
0x274: {  	v3 =	vadd.s32 $0x5380, v1;
	_ =	sdelay $0x3  }
0x275: {  	[tilespmem:s7+$0xEB00] =	vst v2  }
0x276: {  	v2 =	vld.idx.msk [tilespmem:v3+s2+$0x0], $0xffff;
	_ =	sdelay $0x1  }
0x277: {  	v3 =	vadd.s32 $0x6000, v1;
	_ =	sdelay $0x3  }
0x278: {  	[tilespmem:s7+$0xEB80] =	vst v2  }
0x279: {  	v2 =	vld.idx.msk [tilespmem:v3+s2+$0x0], $0xffff;
	_ =	sdelay $0x1  }
0x27a: {  	v3 =	vadd.s32 $0x6080, v1;
	_ =	sdelay $0x3  }
0x27b: {  	[tilespmem:s7+$0xF000] =	vst v2  }
0x27c: {  	v2 =	vld.idx.msk [tilespmem:v3+s2+$0x0], $0xffff;
	_ =	sdelay $0x1  }
0x27d: {  	v3 =	vadd.s32 $0x6100, v1;
	_ =	sdelay $0x3  }
0x27e: {  	[tilespmem:s7+$0xF080] =	vst v2  }
0x27f: {  	v2 =	vld.idx.msk [tilespmem:v3+s2+$0x0], $0xffff;
	_ =	sdelay $0x1  }
0x280: {  	v3 =	vadd.s32 $0x6180, v1;
	_ =	sdelay $0x3  }
0x281: {  	[tilespmem:s7+$0xF100] =	vst v2  }
0x282: {  	v2 =	vld.idx.msk [tilespmem:v3+s2+$0x0], $0xffff;
	_ =	sdelay $0x1  }
0x283: {  	v3 =	vadd.s32 $0x6200, v1;
	_ =	sdelay $0x3  }
0x284: {  	[tilespmem:s7+$0xF180] =	vst v2  }
0x285: {  	v2 =	vld.idx.msk [tilespmem:v3+s2+$0x0], $0xffff;
	_ =	sdelay $0x1  }
0x286: {  	v3 =	vadd.s32 $0x6280, v1;
	_ =	sdelay $0x3  }
0x287: {  	[tilespmem:s7+$0xF200] =	vst v2  }
0x288: {  	v2 =	vld.idx.msk [tilespmem:v3+s2+$0x0], $0xffff;
	_ =	sdelay $0x1  }
0x289: {  	v3 =	vadd.s32 $0x6300, v1;
	_ =	sdelay $0x3  }
0x28a: {  	[tilespmem:s7+$0xF280] =	vst v2  }
0x28b: {  	v2 =	vld.idx.msk [tilespmem:v3+s2+$0x0], $0xffff;
	_ =	sdelay $0x1  }
0x28c: {  	v3 =	vadd.s32 $0x6380, v1;
	_ =	sdelay $0x3  }
0x28d: {  	[tilespmem:s7+$0xF300] =	vst v2  }
0x28e: {  	v2 =	vld.idx.msk [tilespmem:v3+s2+$0x0], $0xffff;
	_ =	sdelay $0x1  }
0x28f: {  	v3 =	vadd.s32 $0x7000, v1;
	_ =	sdelay $0x3  }
0x290: {  	[tilespmem:s7+$0xF380] =	vst v2  }
0x291: {  	v2 =	vld.idx.msk [tilespmem:v3+s2+$0x0], $0xffff;
	_ =	sdelay $0x1  }
0x292: {  	v3 =	vadd.s32 $0x7080, v1;
	_ =	sdelay $0x3  }
0x293: {  	[tilespmem:s7+$0xF800] =	vst v2  }
0x294: {  	v2 =	vld.idx.msk [tilespmem:v3+s2+$0x0], $0xffff;
	_ =	sdelay $0x1  }
0x295: {  	v3 =	vadd.s32 $0x7100, v1;
	_ =	sdelay $0x3  }
0x296: {  	[tilespmem:s7+$0xF880] =	vst v2  }
0x297: {  	v2 =	vld.idx.msk [tilespmem:v3+s2+$0x0], $0xffff;
	_ =	sdelay $0x1  }
0x298: {  	v3 =	vadd.s32 $0x7180, v1;
	_ =	sdelay $0x3  }
0x299: {  	[tilespmem:s7+$0xF900] =	vst v2  }
0x29a: {  	v2 =	vld.idx.msk [tilespmem:v3+s2+$0x0], $0xffff;
	_ =	sdelay $0x1  }
0x29b: {  	v3 =	vadd.s32 $0x7200, v1;
	_ =	sdelay $0x3  }
0x29c: {  	[tilespmem:s7+$0xF980] =	vst v2  }
0x29d: {  	v2 =	vld.idx.msk [tilespmem:v3+s2+$0x0], $0xffff;
	_ =	sdelay $0x1  }
0x29e: {  	v3 =	vadd.s32 $0x7280, v1;
	_ =	sdelay $0x3  }
0x29f: {  	[tilespmem:s7+$0xFA00] =	vst v2  }
0x2a0: {  	v2 =	vld.idx.msk [tilespmem:v3+s2+$0x0], $0xffff;
	_ =	sdelay $0x1  }
0x2a1: {  	v3 =	vadd.s32 $0x7300, v1;
	_ =	sdelay $0x3  }
0x2a2: {  	[tilespmem:s7+$0xFA80] =	vst v2  }
0x2a3: {  	v2 =	vld.idx.msk [tilespmem:v3+s2+$0x0], $0xffff  }
.Ltmp8:
0x2a4: {  	(pc) =	sbr.rel @p1 .LBB2_22-.Ltmp8, $2  }
0x2a5: {  	v1 =	vadd.s32 $0x7380, v1;
	_ =	sdelay $0x2  }
0x2a6: {  	s11 =	sadd.s32 $0x10, s11;
	s22 =	sadd.s32 s10, s0  }
.Ltmp9:
0x2a7: {  	_ = 	snop;
	(pc) =	sbr.rel .LBB2_23-.Ltmp9, $1  }
0x2a8: {  	_ =	sdelay $0x3  }
.LBB2_5:
0x2a9: {  	s7 =	simm.s32 @!p1 $0x1  }
0x2aa: {  	_ =	swait.ge @!p1 [sflag:s7], $0x4000  }
0x2ab: {  	[sflag:s7] =	ssyncset.done @!p1 $0x0  }
0x2ac: {  	[sflag:s7] =	ssyncadd.s32 @!p1 $0xFFFFC000  }
0x2ad: {  	v2 =	vld.idx.msk [tilespmem:v1+s2+$0x0], $0xffff  }
0x2ae: {  	v3 =	vor.u32 $0x80, v1  }
0x2af: {  	s8 =	simm.s32 $0x0  }
0x2b0: {  	s11 =	sand.u32 $0x70, s8;
	s10 =	sand.u32 $0x400, s8  }
0x2b1: {  	s7 =	sor.u32 s11, s10  }
0x2b2: {  	[tilespmem:s7+$0x8000] =	vst v2  }
0x2b3: {  	v2 =	vld.idx.msk [tilespmem:v3+s2+$0x0], $0xffff  }
0x2b4: {  	v3 =	vor.u32 $0x100, v1;
	_ =	sdelay $0x3  }
0x2b5: {  	[tilespmem:s7+$0x8080] =	vst v2  }
0x2b6: {  	v2 =	vld.idx.msk [tilespmem:v3+s2+$0x0], $0xffff  }
0x2b7: {  	v3 =	vor.u32 $0x180, v1;
	_ =	sdelay $0x3  }
0x2b8: {  	[tilespmem:s7+$0x8100] =	vst v2  }
0x2b9: {  	v2 =	vld.idx.msk [tilespmem:v3+s2+$0x0], $0xffff  }
0x2ba: {  	v3 =	vor.u32 $0x200, v1;
	_ =	sdelay $0x3  }
0x2bb: {  	[tilespmem:s7+$0x8180] =	vst v2  }
0x2bc: {  	v2 =	vld.idx.msk [tilespmem:v3+s2+$0x0], $0xffff  }
0x2bd: {  	v3 =	vor.u32 $0x280, v1;
	_ =	sdelay $0x3  }
0x2be: {  	[tilespmem:s7+$0x8200] =	vst v2  }
0x2bf: {  	v2 =	vld.idx.msk [tilespmem:v3+s2+$0x0], $0xffff  }
0x2c0: {  	v3 =	vor.u32 $0x300, v1;
	_ =	sdelay $0x3  }
0x2c1: {  	[tilespmem:s7+$0x8280] =	vst v2  }
0x2c2: {  	v2 =	vld.idx.msk [tilespmem:v3+s2+$0x0], $0xffff  }
0x2c3: {  	v3 =	vor.u32 $0x380, v1;
	_ =	sdelay $0x3  }
0x2c4: {  	[tilespmem:s7+$0x8300] =	vst v2  }
0x2c5: {  	v2 =	vld.idx.msk [tilespmem:v3+s2+$0x0], $0xffff  }
0x2c6: {  	v3 =	vadd.s32 $0x1000, v1;
	_ =	sdelay $0x1  }
0x2c7: {  	s22 =	sor.u32 s8, s8  }
0x2c8: {  	s10 =	sor.u32 $0x380, s22  }
0x2c9: {  	[tilespmem:s10+$0x8000] =	vst v2  }
0x2ca: {  	v2 =	vld.idx.msk [tilespmem:v3+s2+$0x0], $0xffff  }
0x2cb: {  	v3 =	vadd.s32 $0x1080, v1;
	_ =	sdelay $0x3  }
0x2cc: {  	[tilespmem:s7+$0x8800] =	vst v2  }
0x2cd: {  	v2 =	vld.idx.msk [tilespmem:v3+s2+$0x0], $0xffff  }
0x2ce: {  	v3 =	vadd.s32 $0x1100, v1;
	_ =	sdelay $0x3  }
0x2cf: {  	[tilespmem:s7+$0x8880] =	vst v2  }
0x2d0: {  	v2 =	vld.idx.msk [tilespmem:v3+s2+$0x0], $0xffff  }
0x2d1: {  	v3 =	vadd.s32 $0x1180, v1;
	_ =	sdelay $0x3  }
0x2d2: {  	[tilespmem:s7+$0x8900] =	vst v2  }
0x2d3: {  	v2 =	vld.idx.msk [tilespmem:v3+s2+$0x0], $0xffff  }
0x2d4: {  	v3 =	vadd.s32 $0x1200, v1;
	_ =	sdelay $0x3  }
0x2d5: {  	[tilespmem:s7+$0x8980] =	vst v2  }
0x2d6: {  	v2 =	vld.idx.msk [tilespmem:v3+s2+$0x0], $0xffff  }
0x2d7: {  	v3 =	vadd.s32 $0x1280, v1;
	_ =	sdelay $0x3  }
0x2d8: {  	[tilespmem:s7+$0x8A00] =	vst v2  }
0x2d9: {  	v2 =	vld.idx.msk [tilespmem:v3+s2+$0x0], $0xffff  }
0x2da: {  	v3 =	vadd.s32 $0x1300, v1;
	_ =	sdelay $0x3  }
0x2db: {  	[tilespmem:s7+$0x8A80] =	vst v2  }
0x2dc: {  	v2 =	vld.idx.msk [tilespmem:v3+s2+$0x0], $0xffff  }
0x2dd: {  	v3 =	vadd.s32 $0x1380, v1;
	_ =	sdelay $0x3  }
0x2de: {  	[tilespmem:s7+$0x8B00] =	vst v2  }
0x2df: {  	v2 =	vld.idx.msk [tilespmem:v3+s2+$0x0], $0xffff  }
0x2e0: {  	v3 =	vadd.s32 $0x2000, v1;
	_ =	sdelay $0x3  }
0x2e1: {  	[tilespmem:s7+$0x8B80] =	vst v2  }
0x2e2: {  	v2 =	vld.idx.msk [tilespmem:v3+s2+$0x0], $0xffff  }
0x2e3: {  	v3 =	vadd.s32 $0x2080, v1;
	_ =	sdelay $0x3  }
0x2e4: {  	[tilespmem:s7+$0x9000] =	vst v2  }
0x2e5: {  	v2 =	vld.idx.msk [tilespmem:v3+s2+$0x0], $0xffff  }
0x2e6: {  	v3 =	vadd.s32 $0x2100, v1;
	_ =	sdelay $0x3  }
0x2e7: {  	[tilespmem:s7+$0x9080] =	vst v2  }
0x2e8: {  	v2 =	vld.idx.msk [tilespmem:v3+s2+$0x0], $0xffff  }
0x2e9: {  	v3 =	vadd.s32 $0x2180, v1;
	_ =	sdelay $0x3  }
0x2ea: {  	[tilespmem:s7+$0x9100] =	vst v2  }
0x2eb: {  	v2 =	vld.idx.msk [tilespmem:v3+s2+$0x0], $0xffff  }
0x2ec: {  	v3 =	vadd.s32 $0x2200, v1;
	_ =	sdelay $0x3  }
0x2ed: {  	[tilespmem:s7+$0x9180] =	vst v2  }
0x2ee: {  	v2 =	vld.idx.msk [tilespmem:v3+s2+$0x0], $0xffff  }
0x2ef: {  	v3 =	vadd.s32 $0x2280, v1;
	_ =	sdelay $0x3  }
0x2f0: {  	[tilespmem:s7+$0x9200] =	vst v2  }
0x2f1: {  	v2 =	vld.idx.msk [tilespmem:v3+s2+$0x0], $0xffff  }
0x2f2: {  	v3 =	vadd.s32 $0x2300, v1;
	_ =	sdelay $0x3  }
0x2f3: {  	[tilespmem:s7+$0x9280] =	vst v2  }
0x2f4: {  	v2 =	vld.idx.msk [tilespmem:v3+s2+$0x0], $0xffff  }
0x2f5: {  	v3 =	vadd.s32 $0x2380, v1;
	_ =	sdelay $0x3  }
0x2f6: {  	[tilespmem:s7+$0x9300] =	vst v2  }
0x2f7: {  	v2 =	vld.idx.msk [tilespmem:v3+s2+$0x0], $0xffff  }
0x2f8: {  	v3 =	vadd.s32 $0x3000, v1;
	_ =	sdelay $0x3  }
0x2f9: {  	[tilespmem:s7+$0x9380] =	vst v2  }
0x2fa: {  	v2 =	vld.idx.msk [tilespmem:v3+s2+$0x0], $0xffff  }
0x2fb: {  	v3 =	vadd.s32 $0x3080, v1;
	_ =	sdelay $0x3  }
0x2fc: {  	[tilespmem:s7+$0x9800] =	vst v2  }
0x2fd: {  	v2 =	vld.idx.msk [tilespmem:v3+s2+$0x0], $0xffff  }
0x2fe: {  	v3 =	vadd.s32 $0x3100, v1;
	_ =	sdelay $0x3  }
0x2ff: {  	[tilespmem:s7+$0x9880] =	vst v2  }
0x300: {  	v2 =	vld.idx.msk [tilespmem:v3+s2+$0x0], $0xffff  }
0x301: {  	v3 =	vadd.s32 $0x3180, v1;
	_ =	sdelay $0x3  }
0x302: {  	[tilespmem:s7+$0x9900] =	vst v2  }
0x303: {  	v2 =	vld.idx.msk [tilespmem:v3+s2+$0x0], $0xffff  }
0x304: {  	v3 =	vadd.s32 $0x3200, v1;
	_ =	sdelay $0x3  }
0x305: {  	[tilespmem:s7+$0x9980] =	vst v2  }
0x306: {  	v2 =	vld.idx.msk [tilespmem:v3+s2+$0x0], $0xffff  }
0x307: {  	v3 =	vadd.s32 $0x3280, v1;
	_ =	sdelay $0x3  }
0x308: {  	[tilespmem:s7+$0x9A00] =	vst v2  }
0x309: {  	v2 =	vld.idx.msk [tilespmem:v3+s2+$0x0], $0xffff  }
0x30a: {  	v3 =	vadd.s32 $0x3300, v1;
	_ =	sdelay $0x3  }
0x30b: {  	[tilespmem:s7+$0x9A80] =	vst v2  }
0x30c: {  	v2 =	vld.idx.msk [tilespmem:v3+s2+$0x0], $0xffff  }
0x30d: {  	v3 =	vadd.s32 $0x3380, v1;
	_ =	sdelay $0x3  }
0x30e: {  	[tilespmem:s7+$0x9B00] =	vst v2  }
0x30f: {  	v2 =	vld.idx.msk [tilespmem:v3+s2+$0x0], $0xffff  }
0x310: {  	v3 =	vadd.s32 $0x4000, v1;
	_ =	sdelay $0x3  }
0x311: {  	[tilespmem:s7+$0x9B80] =	vst v2  }
0x312: {  	v2 =	vld.idx.msk [tilespmem:v3+s2+$0x0], $0xffff  }
0x313: {  	v3 =	vadd.s32 $0x4080, v1;
	_ =	sdelay $0x3  }
0x314: {  	[tilespmem:s7+$0xA000] =	vst v2  }
0x315: {  	v2 =	vld.idx.msk [tilespmem:v3+s2+$0x0], $0xffff  }
0x316: {  	v3 =	vadd.s32 $0x4100, v1;
	_ =	sdelay $0x3  }
0x317: {  	[tilespmem:s7+$0xA080] =	vst v2  }
0x318: {  	v2 =	vld.idx.msk [tilespmem:v3+s2+$0x0], $0xffff  }
0x319: {  	v3 =	vadd.s32 $0x4180, v1;
	_ =	sdelay $0x3  }
0x31a: {  	[tilespmem:s7+$0xA100] =	vst v2  }
0x31b: {  	v2 =	vld.idx.msk [tilespmem:v3+s2+$0x0], $0xffff  }
0x31c: {  	v3 =	vadd.s32 $0x4200, v1;
	_ =	sdelay $0x3  }
0x31d: {  	[tilespmem:s7+$0xA180] =	vst v2  }
0x31e: {  	v2 =	vld.idx.msk [tilespmem:v3+s2+$0x0], $0xffff  }
0x31f: {  	v3 =	vadd.s32 $0x4280, v1;
	_ =	sdelay $0x3  }
0x320: {  	[tilespmem:s7+$0xA200] =	vst v2  }
0x321: {  	v2 =	vld.idx.msk [tilespmem:v3+s2+$0x0], $0xffff  }
0x322: {  	v3 =	vadd.s32 $0x4300, v1;
	_ =	sdelay $0x3  }
0x323: {  	[tilespmem:s7+$0xA280] =	vst v2  }
0x324: {  	v2 =	vld.idx.msk [tilespmem:v3+s2+$0x0], $0xffff  }
0x325: {  	v3 =	vadd.s32 $0x4380, v1;
	_ =	sdelay $0x3  }
0x326: {  	[tilespmem:s7+$0xA300] =	vst v2  }
0x327: {  	v2 =	vld.idx.msk [tilespmem:v3+s2+$0x0], $0xffff  }
0x328: {  	v3 =	vadd.s32 $0x5000, v1;
	_ =	sdelay $0x3  }
0x329: {  	[tilespmem:s7+$0xA380] =	vst v2  }
0x32a: {  	v2 =	vld.idx.msk [tilespmem:v3+s2+$0x0], $0xffff  }
0x32b: {  	v3 =	vadd.s32 $0x5080, v1;
	_ =	sdelay $0x3  }
0x32c: {  	[tilespmem:s7+$0xA800] =	vst v2  }
0x32d: {  	v2 =	vld.idx.msk [tilespmem:v3+s2+$0x0], $0xffff  }
0x32e: {  	v3 =	vadd.s32 $0x5100, v1;
	_ =	sdelay $0x3  }
0x32f: {  	[tilespmem:s7+$0xA880] =	vst v2  }
0x330: {  	v2 =	vld.idx.msk [tilespmem:v3+s2+$0x0], $0xffff  }
0x331: {  	v3 =	vadd.s32 $0x5180, v1;
	_ =	sdelay $0x3  }
0x332: {  	[tilespmem:s7+$0xA900] =	vst v2  }
0x333: {  	v2 =	vld.idx.msk [tilespmem:v3+s2+$0x0], $0xffff  }
0x334: {  	v3 =	vadd.s32 $0x5200, v1;
	_ =	sdelay $0x3  }
0x335: {  	[tilespmem:s7+$0xA980] =	vst v2  }
0x336: {  	v2 =	vld.idx.msk [tilespmem:v3+s2+$0x0], $0xffff  }
0x337: {  	v3 =	vadd.s32 $0x5280, v1;
	_ =	sdelay $0x3  }
0x338: {  	[tilespmem:s7+$0xAA00] =	vst v2  }
0x339: {  	v2 =	vld.idx.msk [tilespmem:v3+s2+$0x0], $0xffff  }
0x33a: {  	v3 =	vadd.s32 $0x5300, v1;
	_ =	sdelay $0x3  }
0x33b: {  	[tilespmem:s7+$0xAA80] =	vst v2  }
0x33c: {  	v2 =	vld.idx.msk [tilespmem:v3+s2+$0x0], $0xffff  }
0x33d: {  	v3 =	vadd.s32 $0x5380, v1;
	_ =	sdelay $0x3  }
0x33e: {  	[tilespmem:s7+$0xAB00] =	vst v2  }
0x33f: {  	v2 =	vld.idx.msk [tilespmem:v3+s2+$0x0], $0xffff  }
0x340: {  	v3 =	vadd.s32 $0x6000, v1;
	_ =	sdelay $0x3  }
0x341: {  	[tilespmem:s7+$0xAB80] =	vst v2  }
0x342: {  	v2 =	vld.idx.msk [tilespmem:v3+s2+$0x0], $0xffff  }
0x343: {  	v3 =	vadd.s32 $0x6080, v1;
	_ =	sdelay $0x3  }
0x344: {  	[tilespmem:s7+$0xB000] =	vst v2  }
0x345: {  	v2 =	vld.idx.msk [tilespmem:v3+s2+$0x0], $0xffff  }
0x346: {  	v3 =	vadd.s32 $0x6100, v1;
	_ =	sdelay $0x3  }
0x347: {  	[tilespmem:s7+$0xB080] =	vst v2  }
0x348: {  	v2 =	vld.idx.msk [tilespmem:v3+s2+$0x0], $0xffff  }
0x349: {  	v3 =	vadd.s32 $0x6180, v1;
	_ =	sdelay $0x3  }
0x34a: {  	[tilespmem:s7+$0xB100] =	vst v2  }
0x34b: {  	v2 =	vld.idx.msk [tilespmem:v3+s2+$0x0], $0xffff  }
0x34c: {  	v3 =	vadd.s32 $0x6200, v1;
	_ =	sdelay $0x3  }
0x34d: {  	[tilespmem:s7+$0xB180] =	vst v2  }
0x34e: {  	v2 =	vld.idx.msk [tilespmem:v3+s2+$0x0], $0xffff  }
0x34f: {  	v3 =	vadd.s32 $0x6280, v1;
	_ =	sdelay $0x3  }
0x350: {  	[tilespmem:s7+$0xB200] =	vst v2  }
0x351: {  	v2 =	vld.idx.msk [tilespmem:v3+s2+$0x0], $0xffff  }
0x352: {  	v3 =	vadd.s32 $0x6300, v1;
	_ =	sdelay $0x3  }
0x353: {  	[tilespmem:s7+$0xB280] =	vst v2  }
0x354: {  	v2 =	vld.idx.msk [tilespmem:v3+s2+$0x0], $0xffff  }
0x355: {  	v3 =	vadd.s32 $0x6380, v1;
	_ =	sdelay $0x3  }
0x356: {  	[tilespmem:s7+$0xB300] =	vst v2  }
0x357: {  	v2 =	vld.idx.msk [tilespmem:v3+s2+$0x0], $0xffff  }
0x358: {  	v3 =	vadd.s32 $0x7000, v1;
	_ =	sdelay $0x3  }
0x359: {  	[tilespmem:s7+$0xB380] =	vst v2  }
0x35a: {  	v2 =	vld.idx.msk [tilespmem:v3+s2+$0x0], $0xffff  }
0x35b: {  	v3 =	vadd.s32 $0x7080, v1;
	_ =	sdelay $0x3  }
0x35c: {  	[tilespmem:s7+$0xB800] =	vst v2  }
0x35d: {  	v2 =	vld.idx.msk [tilespmem:v3+s2+$0x0], $0xffff  }
0x35e: {  	v3 =	vadd.s32 $0x7100, v1;
	_ =	sdelay $0x3  }
0x35f: {  	[tilespmem:s7+$0xB880] =	vst v2  }
0x360: {  	v2 =	vld.idx.msk [tilespmem:v3+s2+$0x0], $0xffff  }
0x361: {  	v3 =	vadd.s32 $0x7180, v1;
	_ =	sdelay $0x3  }
0x362: {  	[tilespmem:s7+$0xB900] =	vst v2  }
0x363: {  	v2 =	vld.idx.msk [tilespmem:v3+s2+$0x0], $0xffff  }
0x364: {  	v3 =	vadd.s32 $0x7200, v1;
	_ =	sdelay $0x3  }
0x365: {  	[tilespmem:s7+$0xB980] =	vst v2  }
0x366: {  	v2 =	vld.idx.msk [tilespmem:v3+s2+$0x0], $0xffff  }
0x367: {  	v3 =	vadd.s32 $0x7280, v1;
	_ =	sdelay $0x3  }
0x368: {  	[tilespmem:s7+$0xBA00] =	vst v2  }
0x369: {  	v2 =	vld.idx.msk [tilespmem:v3+s2+$0x0], $0xffff  }
0x36a: {  	v3 =	vadd.s32 $0x7300, v1;
	_ =	sdelay $0x3  }
0x36b: {  	[tilespmem:s7+$0xBA80] =	vst v2  }
0x36c: {  	v2 =	vld.idx.msk [tilespmem:v3+s2+$0x0], $0xffff  }
0x36d: {  	v1 =	vadd.s32 $0x7380, v1;
	_ =	sdelay $0x2  }
0x36e: {  	s22 =	sadd.s32 $0x10, s0;
	s11 =	simm.s32 $0x20;
	s10 =	simm.s32 $0x10  }
.LBB2_6:
0x36f: {  	p1 =	sne.s32 s11, $0xF0;
	v3 =	vadd.s32 s22, v0;
	[tilespmem:s7+$0xBB00] =	vst v2  }
0x370: {  	v2 =	vshll.u32 v3, $0x3;
	v4 =	vld.idx.msk [tilespmem:v1+s2+$0x0], $0xffff  }
0x371: {  	v1 =	vand.u32 $0x7F, v3;
	v2 =	vand.u32 $0xFFFFFC00, v2  }
0x372: {  	v1 =	vor.u32 v1, v2;
	_ =	sdelay $0x3  }
0x373: {  	[tilespmem:s7+$0xBB80] =	vst v4  }
0x374: {  	v2 =	vld.idx.msk [tilespmem:v1+s2+$0x0], $0xffff;
	_ =	sdelay $0x1  }
0x375: {  	v3 =	vor.u32 $0x80, v1  }
0x376: {  	s8 =	sadd.s32 $0x80, s8  }
0x377: {  	s22 =	sand.u32 $0x400, s8;
	s7 =	sand.u32 $0x70, s10  }
0x378: {  	s7 =	sor.u32 s7, s22  }
0x379: {  	[tilespmem:s7+$0x8000] =	vst v2  }
0x37a: {  	v2 =	vld.idx.msk [tilespmem:v3+s2+$0x0], $0xffff;
	_ =	sdelay $0x1  }
0x37b: {  	v3 =	vor.u32 $0x100, v1;
	_ =	sdelay $0x3  }
0x37c: {  	[tilespmem:s7+$0x8080] =	vst v2  }
0x37d: {  	v2 =	vld.idx.msk [tilespmem:v3+s2+$0x0], $0xffff;
	_ =	sdelay $0x1  }
0x37e: {  	v3 =	vor.u32 $0x180, v1;
	_ =	sdelay $0x3  }
0x37f: {  	[tilespmem:s7+$0x8100] =	vst v2  }
0x380: {  	v2 =	vld.idx.msk [tilespmem:v3+s2+$0x0], $0xffff;
	_ =	sdelay $0x1  }
0x381: {  	v3 =	vor.u32 $0x200, v1;
	_ =	sdelay $0x3  }
0x382: {  	[tilespmem:s7+$0x8180] =	vst v2  }
0x383: {  	v2 =	vld.idx.msk [tilespmem:v3+s2+$0x0], $0xffff;
	_ =	sdelay $0x1  }
0x384: {  	v3 =	vor.u32 $0x280, v1;
	_ =	sdelay $0x3  }
0x385: {  	[tilespmem:s7+$0x8200] =	vst v2  }
0x386: {  	v2 =	vld.idx.msk [tilespmem:v3+s2+$0x0], $0xffff;
	_ =	sdelay $0x1  }
0x387: {  	v3 =	vor.u32 $0x300, v1;
	_ =	sdelay $0x3  }
0x388: {  	[tilespmem:s7+$0x8280] =	vst v2  }
0x389: {  	v2 =	vld.idx.msk [tilespmem:v3+s2+$0x0], $0xffff;
	_ =	sdelay $0x1  }
0x38a: {  	v3 =	vor.u32 $0x380, v1;
	_ =	sdelay $0x3  }
0x38b: {  	[tilespmem:s7+$0x8300] =	vst v2  }
0x38c: {  	v2 =	vld.idx.msk [tilespmem:v3+s2+$0x0], $0xffff;
	_ =	sdelay $0x1  }
0x38d: {  	v3 =	vadd.s32 $0x1000, v1;
	_ =	sdelay $0x1  }
0x38e: {  	s22 =	sor.u32 s8, s10;
	s10 =	smov.u32 s11  }
0x38f: {  	s22 =	sor.u32 $0x380, s22  }
0x390: {  	[tilespmem:s22+$0x8000] =	vst v2  }
0x391: {  	v2 =	vld.idx.msk [tilespmem:v3+s2+$0x0], $0xffff;
	_ =	sdelay $0x1  }
0x392: {  	v3 =	vadd.s32 $0x1080, v1;
	_ =	sdelay $0x3  }
0x393: {  	[tilespmem:s7+$0x8800] =	vst v2  }
0x394: {  	v2 =	vld.idx.msk [tilespmem:v3+s2+$0x0], $0xffff;
	_ =	sdelay $0x1  }
0x395: {  	v3 =	vadd.s32 $0x1100, v1;
	_ =	sdelay $0x3  }
0x396: {  	[tilespmem:s7+$0x8880] =	vst v2  }
0x397: {  	v2 =	vld.idx.msk [tilespmem:v3+s2+$0x0], $0xffff;
	_ =	sdelay $0x1  }
0x398: {  	v3 =	vadd.s32 $0x1180, v1;
	_ =	sdelay $0x3  }
0x399: {  	[tilespmem:s7+$0x8900] =	vst v2  }
0x39a: {  	v2 =	vld.idx.msk [tilespmem:v3+s2+$0x0], $0xffff;
	_ =	sdelay $0x1  }
0x39b: {  	v3 =	vadd.s32 $0x1200, v1;
	_ =	sdelay $0x3  }
0x39c: {  	[tilespmem:s7+$0x8980] =	vst v2  }
0x39d: {  	v2 =	vld.idx.msk [tilespmem:v3+s2+$0x0], $0xffff;
	_ =	sdelay $0x1  }
0x39e: {  	v3 =	vadd.s32 $0x1280, v1;
	_ =	sdelay $0x3  }
0x39f: {  	[tilespmem:s7+$0x8A00] =	vst v2  }
0x3a0: {  	v2 =	vld.idx.msk [tilespmem:v3+s2+$0x0], $0xffff;
	_ =	sdelay $0x1  }
0x3a1: {  	v3 =	vadd.s32 $0x1300, v1;
	_ =	sdelay $0x3  }
0x3a2: {  	[tilespmem:s7+$0x8A80] =	vst v2  }
0x3a3: {  	v2 =	vld.idx.msk [tilespmem:v3+s2+$0x0], $0xffff;
	_ =	sdelay $0x1  }
0x3a4: {  	v3 =	vadd.s32 $0x1380, v1;
	_ =	sdelay $0x3  }
0x3a5: {  	[tilespmem:s7+$0x8B00] =	vst v2  }
0x3a6: {  	v2 =	vld.idx.msk [tilespmem:v3+s2+$0x0], $0xffff;
	_ =	sdelay $0x1  }
0x3a7: {  	v3 =	vadd.s32 $0x2000, v1;
	_ =	sdelay $0x3  }
0x3a8: {  	[tilespmem:s7+$0x8B80] =	vst v2  }
0x3a9: {  	v2 =	vld.idx.msk [tilespmem:v3+s2+$0x0], $0xffff;
	_ =	sdelay $0x1  }
0x3aa: {  	v3 =	vadd.s32 $0x2080, v1;
	_ =	sdelay $0x3  }
0x3ab: {  	[tilespmem:s7+$0x9000] =	vst v2  }
0x3ac: {  	v2 =	vld.idx.msk [tilespmem:v3+s2+$0x0], $0xffff;
	_ =	sdelay $0x1  }
0x3ad: {  	v3 =	vadd.s32 $0x2100, v1;
	_ =	sdelay $0x3  }
0x3ae: {  	[tilespmem:s7+$0x9080] =	vst v2  }
0x3af: {  	v2 =	vld.idx.msk [tilespmem:v3+s2+$0x0], $0xffff;
	_ =	sdelay $0x1  }
0x3b0: {  	v3 =	vadd.s32 $0x2180, v1;
	_ =	sdelay $0x3  }
0x3b1: {  	[tilespmem:s7+$0x9100] =	vst v2  }
0x3b2: {  	v2 =	vld.idx.msk [tilespmem:v3+s2+$0x0], $0xffff;
	_ =	sdelay $0x1  }
0x3b3: {  	v3 =	vadd.s32 $0x2200, v1;
	_ =	sdelay $0x3  }
0x3b4: {  	[tilespmem:s7+$0x9180] =	vst v2  }
0x3b5: {  	v2 =	vld.idx.msk [tilespmem:v3+s2+$0x0], $0xffff;
	_ =	sdelay $0x1  }
0x3b6: {  	v3 =	vadd.s32 $0x2280, v1;
	_ =	sdelay $0x3  }
0x3b7: {  	[tilespmem:s7+$0x9200] =	vst v2  }
0x3b8: {  	v2 =	vld.idx.msk [tilespmem:v3+s2+$0x0], $0xffff;
	_ =	sdelay $0x1  }
0x3b9: {  	v3 =	vadd.s32 $0x2300, v1;
	_ =	sdelay $0x3  }
0x3ba: {  	[tilespmem:s7+$0x9280] =	vst v2  }
0x3bb: {  	v2 =	vld.idx.msk [tilespmem:v3+s2+$0x0], $0xffff;
	_ =	sdelay $0x1  }
0x3bc: {  	v3 =	vadd.s32 $0x2380, v1;
	_ =	sdelay $0x3  }
0x3bd: {  	[tilespmem:s7+$0x9300] =	vst v2  }
0x3be: {  	v2 =	vld.idx.msk [tilespmem:v3+s2+$0x0], $0xffff;
	_ =	sdelay $0x1  }
0x3bf: {  	v3 =	vadd.s32 $0x3000, v1;
	_ =	sdelay $0x3  }
0x3c0: {  	[tilespmem:s7+$0x9380] =	vst v2  }
0x3c1: {  	v2 =	vld.idx.msk [tilespmem:v3+s2+$0x0], $0xffff;
	_ =	sdelay $0x1  }
0x3c2: {  	v3 =	vadd.s32 $0x3080, v1;
	_ =	sdelay $0x3  }
0x3c3: {  	[tilespmem:s7+$0x9800] =	vst v2  }
0x3c4: {  	v2 =	vld.idx.msk [tilespmem:v3+s2+$0x0], $0xffff;
	_ =	sdelay $0x1  }
0x3c5: {  	v3 =	vadd.s32 $0x3100, v1;
	_ =	sdelay $0x3  }
0x3c6: {  	[tilespmem:s7+$0x9880] =	vst v2  }
0x3c7: {  	v2 =	vld.idx.msk [tilespmem:v3+s2+$0x0], $0xffff;
	_ =	sdelay $0x1  }
0x3c8: {  	v3 =	vadd.s32 $0x3180, v1;
	_ =	sdelay $0x3  }
0x3c9: {  	[tilespmem:s7+$0x9900] =	vst v2  }
0x3ca: {  	v2 =	vld.idx.msk [tilespmem:v3+s2+$0x0], $0xffff;
	_ =	sdelay $0x1  }
0x3cb: {  	v3 =	vadd.s32 $0x3200, v1;
	_ =	sdelay $0x3  }
0x3cc: {  	[tilespmem:s7+$0x9980] =	vst v2  }
0x3cd: {  	v2 =	vld.idx.msk [tilespmem:v3+s2+$0x0], $0xffff;
	_ =	sdelay $0x1  }
0x3ce: {  	v3 =	vadd.s32 $0x3280, v1;
	_ =	sdelay $0x3  }
0x3cf: {  	[tilespmem:s7+$0x9A00] =	vst v2  }
0x3d0: {  	v2 =	vld.idx.msk [tilespmem:v3+s2+$0x0], $0xffff;
	_ =	sdelay $0x1  }
0x3d1: {  	v3 =	vadd.s32 $0x3300, v1;
	_ =	sdelay $0x3  }
0x3d2: {  	[tilespmem:s7+$0x9A80] =	vst v2  }
0x3d3: {  	v2 =	vld.idx.msk [tilespmem:v3+s2+$0x0], $0xffff;
	_ =	sdelay $0x1  }
0x3d4: {  	v3 =	vadd.s32 $0x3380, v1;
	_ =	sdelay $0x3  }
0x3d5: {  	[tilespmem:s7+$0x9B00] =	vst v2  }
0x3d6: {  	v2 =	vld.idx.msk [tilespmem:v3+s2+$0x0], $0xffff;
	_ =	sdelay $0x1  }
0x3d7: {  	v3 =	vadd.s32 $0x4000, v1;
	_ =	sdelay $0x3  }
0x3d8: {  	[tilespmem:s7+$0x9B80] =	vst v2  }
0x3d9: {  	v2 =	vld.idx.msk [tilespmem:v3+s2+$0x0], $0xffff;
	_ =	sdelay $0x1  }
0x3da: {  	v3 =	vadd.s32 $0x4080, v1;
	_ =	sdelay $0x3  }
0x3db: {  	[tilespmem:s7+$0xA000] =	vst v2  }
0x3dc: {  	v2 =	vld.idx.msk [tilespmem:v3+s2+$0x0], $0xffff;
	_ =	sdelay $0x1  }
0x3dd: {  	v3 =	vadd.s32 $0x4100, v1;
	_ =	sdelay $0x3  }
0x3de: {  	[tilespmem:s7+$0xA080] =	vst v2  }
0x3df: {  	v2 =	vld.idx.msk [tilespmem:v3+s2+$0x0], $0xffff;
	_ =	sdelay $0x1  }
0x3e0: {  	v3 =	vadd.s32 $0x4180, v1;
	_ =	sdelay $0x3  }
0x3e1: {  	[tilespmem:s7+$0xA100] =	vst v2  }
0x3e2: {  	v2 =	vld.idx.msk [tilespmem:v3+s2+$0x0], $0xffff;
	_ =	sdelay $0x1  }
0x3e3: {  	v3 =	vadd.s32 $0x4200, v1;
	_ =	sdelay $0x3  }
0x3e4: {  	[tilespmem:s7+$0xA180] =	vst v2  }
0x3e5: {  	v2 =	vld.idx.msk [tilespmem:v3+s2+$0x0], $0xffff;
	_ =	sdelay $0x1  }
0x3e6: {  	v3 =	vadd.s32 $0x4280, v1;
	_ =	sdelay $0x3  }
0x3e7: {  	[tilespmem:s7+$0xA200] =	vst v2  }
0x3e8: {  	v2 =	vld.idx.msk [tilespmem:v3+s2+$0x0], $0xffff;
	_ =	sdelay $0x1  }
0x3e9: {  	v3 =	vadd.s32 $0x4300, v1;
	_ =	sdelay $0x3  }
0x3ea: {  	[tilespmem:s7+$0xA280] =	vst v2  }
0x3eb: {  	v2 =	vld.idx.msk [tilespmem:v3+s2+$0x0], $0xffff;
	_ =	sdelay $0x1  }
0x3ec: {  	v3 =	vadd.s32 $0x4380, v1;
	_ =	sdelay $0x3  }
0x3ed: {  	[tilespmem:s7+$0xA300] =	vst v2  }
0x3ee: {  	v2 =	vld.idx.msk [tilespmem:v3+s2+$0x0], $0xffff;
	_ =	sdelay $0x1  }
0x3ef: {  	v3 =	vadd.s32 $0x5000, v1;
	_ =	sdelay $0x3  }
0x3f0: {  	[tilespmem:s7+$0xA380] =	vst v2  }
0x3f1: {  	v2 =	vld.idx.msk [tilespmem:v3+s2+$0x0], $0xffff;
	_ =	sdelay $0x1  }
0x3f2: {  	v3 =	vadd.s32 $0x5080, v1;
	_ =	sdelay $0x3  }
0x3f3: {  	[tilespmem:s7+$0xA800] =	vst v2  }
0x3f4: {  	v2 =	vld.idx.msk [tilespmem:v3+s2+$0x0], $0xffff;
	_ =	sdelay $0x1  }
0x3f5: {  	v3 =	vadd.s32 $0x5100, v1;
	_ =	sdelay $0x3  }
0x3f6: {  	[tilespmem:s7+$0xA880] =	vst v2  }
0x3f7: {  	v2 =	vld.idx.msk [tilespmem:v3+s2+$0x0], $0xffff;
	_ =	sdelay $0x1  }
0x3f8: {  	v3 =	vadd.s32 $0x5180, v1;
	_ =	sdelay $0x3  }
0x3f9: {  	[tilespmem:s7+$0xA900] =	vst v2  }
0x3fa: {  	v2 =	vld.idx.msk [tilespmem:v3+s2+$0x0], $0xffff;
	_ =	sdelay $0x1  }
0x3fb: {  	v3 =	vadd.s32 $0x5200, v1;
	_ =	sdelay $0x3  }
0x3fc: {  	[tilespmem:s7+$0xA980] =	vst v2  }
0x3fd: {  	v2 =	vld.idx.msk [tilespmem:v3+s2+$0x0], $0xffff;
	_ =	sdelay $0x1  }
0x3fe: {  	v3 =	vadd.s32 $0x5280, v1;
	_ =	sdelay $0x3  }
0x3ff: {  	[tilespmem:s7+$0xAA00] =	vst v2  }
0x400: {  	v2 =	vld.idx.msk [tilespmem:v3+s2+$0x0], $0xffff;
	_ =	sdelay $0x1  }
0x401: {  	v3 =	vadd.s32 $0x5300, v1;
	_ =	sdelay $0x3  }
0x402: {  	[tilespmem:s7+$0xAA80] =	vst v2  }
0x403: {  	v2 =	vld.idx.msk [tilespmem:v3+s2+$0x0], $0xffff;
	_ =	sdelay $0x1  }
0x404: {  	v3 =	vadd.s32 $0x5380, v1;
	_ =	sdelay $0x3  }
0x405: {  	[tilespmem:s7+$0xAB00] =	vst v2  }
0x406: {  	v2 =	vld.idx.msk [tilespmem:v3+s2+$0x0], $0xffff;
	_ =	sdelay $0x1  }
0x407: {  	v3 =	vadd.s32 $0x6000, v1;
	_ =	sdelay $0x3  }
0x408: {  	[tilespmem:s7+$0xAB80] =	vst v2  }
0x409: {  	v2 =	vld.idx.msk [tilespmem:v3+s2+$0x0], $0xffff;
	_ =	sdelay $0x1  }
0x40a: {  	v3 =	vadd.s32 $0x6080, v1;
	_ =	sdelay $0x3  }
0x40b: {  	[tilespmem:s7+$0xB000] =	vst v2  }
0x40c: {  	v2 =	vld.idx.msk [tilespmem:v3+s2+$0x0], $0xffff;
	_ =	sdelay $0x1  }
0x40d: {  	v3 =	vadd.s32 $0x6100, v1;
	_ =	sdelay $0x3  }
0x40e: {  	[tilespmem:s7+$0xB080] =	vst v2  }
0x40f: {  	v2 =	vld.idx.msk [tilespmem:v3+s2+$0x0], $0xffff;
	_ =	sdelay $0x1  }
0x410: {  	v3 =	vadd.s32 $0x6180, v1;
	_ =	sdelay $0x3  }
0x411: {  	[tilespmem:s7+$0xB100] =	vst v2  }
0x412: {  	v2 =	vld.idx.msk [tilespmem:v3+s2+$0x0], $0xffff;
	_ =	sdelay $0x1  }
0x413: {  	v3 =	vadd.s32 $0x6200, v1;
	_ =	sdelay $0x3  }
0x414: {  	[tilespmem:s7+$0xB180] =	vst v2  }
0x415: {  	v2 =	vld.idx.msk [tilespmem:v3+s2+$0x0], $0xffff;
	_ =	sdelay $0x1  }
0x416: {  	v3 =	vadd.s32 $0x6280, v1;
	_ =	sdelay $0x3  }
0x417: {  	[tilespmem:s7+$0xB200] =	vst v2  }
0x418: {  	v2 =	vld.idx.msk [tilespmem:v3+s2+$0x0], $0xffff;
	_ =	sdelay $0x1  }
0x419: {  	v3 =	vadd.s32 $0x6300, v1;
	_ =	sdelay $0x3  }
0x41a: {  	[tilespmem:s7+$0xB280] =	vst v2  }
0x41b: {  	v2 =	vld.idx.msk [tilespmem:v3+s2+$0x0], $0xffff;
	_ =	sdelay $0x1  }
0x41c: {  	v3 =	vadd.s32 $0x6380, v1;
	_ =	sdelay $0x3  }
0x41d: {  	[tilespmem:s7+$0xB300] =	vst v2  }
0x41e: {  	v2 =	vld.idx.msk [tilespmem:v3+s2+$0x0], $0xffff;
	_ =	sdelay $0x1  }
0x41f: {  	v3 =	vadd.s32 $0x7000, v1;
	_ =	sdelay $0x3  }
0x420: {  	[tilespmem:s7+$0xB380] =	vst v2  }
0x421: {  	v2 =	vld.idx.msk [tilespmem:v3+s2+$0x0], $0xffff;
	_ =	sdelay $0x1  }
0x422: {  	v3 =	vadd.s32 $0x7080, v1;
	_ =	sdelay $0x3  }
0x423: {  	[tilespmem:s7+$0xB800] =	vst v2  }
0x424: {  	v2 =	vld.idx.msk [tilespmem:v3+s2+$0x0], $0xffff;
	_ =	sdelay $0x1  }
0x425: {  	v3 =	vadd.s32 $0x7100, v1;
	_ =	sdelay $0x3  }
0x426: {  	[tilespmem:s7+$0xB880] =	vst v2  }
0x427: {  	v2 =	vld.idx.msk [tilespmem:v3+s2+$0x0], $0xffff;
	_ =	sdelay $0x1  }
0x428: {  	v3 =	vadd.s32 $0x7180, v1;
	_ =	sdelay $0x3  }
0x429: {  	[tilespmem:s7+$0xB900] =	vst v2  }
0x42a: {  	v2 =	vld.idx.msk [tilespmem:v3+s2+$0x0], $0xffff;
	_ =	sdelay $0x1  }
0x42b: {  	v3 =	vadd.s32 $0x7200, v1;
	_ =	sdelay $0x3  }
0x42c: {  	[tilespmem:s7+$0xB980] =	vst v2  }
0x42d: {  	v2 =	vld.idx.msk [tilespmem:v3+s2+$0x0], $0xffff;
	_ =	sdelay $0x1  }
0x42e: {  	v3 =	vadd.s32 $0x7280, v1;
	_ =	sdelay $0x3  }
0x42f: {  	[tilespmem:s7+$0xBA00] =	vst v2  }
0x430: {  	v2 =	vld.idx.msk [tilespmem:v3+s2+$0x0], $0xffff;
	_ =	sdelay $0x1  }
0x431: {  	v3 =	vadd.s32 $0x7300, v1;
	_ =	sdelay $0x3  }
0x432: {  	[tilespmem:s7+$0xBA80] =	vst v2  }
0x433: {  	v2 =	vld.idx.msk [tilespmem:v3+s2+$0x0], $0xffff  }
.Ltmp10:
0x434: {  	(pc) =	sbr.rel @p1 .LBB2_6-.Ltmp10, $2  }
0x435: {  	v1 =	vadd.s32 $0x7380, v1;
	_ =	sdelay $0x2  }
0x436: {  	s11 =	sadd.s32 $0x10, s11;
	s22 =	sadd.s32 s10, s0  }
0x437: {  	_ =	sdelay $0x1  }
0x438: {  	v3 =	vadd.s32 s22, v0  }
0x439: {  	[tilespmem:s7+$0xBB00] =	vst v2;
	v2 =	vshll.u32 v3, $0x3  }
0x43a: {  	v4 =	vld.idx.msk [tilespmem:v1+s2+$0x0], $0xffff;
	v1 =	vand.u32 $0x7F, v3;
	v2 =	vand.u32 $0xFFFFFC00, v2  }
0x43b: {  	v1 =	vor.u32 v1, v2;
	_ =	sdelay $0x3  }
0x43c: {  	[tilespmem:s7+$0xBB80] =	vst v4  }
0x43d: {  	v2 =	vld.idx.msk [tilespmem:v1+s2+$0x0], $0xffff  }
0x43e: {  	v3 =	vor.u32 $0x80, v1  }
0x43f: {  	s8 =	sadd.s32 $0x80, s8  }
0x440: {  	s22 =	sand.u32 $0x70, s10;
	s11 =	sand.u32 $0x400, s8  }
0x441: {  	s7 =	sor.u32 s22, s11  }
0x442: {  	[tilespmem:s7+$0x8000] =	vst v2  }
0x443: {  	v2 =	vld.idx.msk [tilespmem:v3+s2+$0x0], $0xffff  }
0x444: {  	v3 =	vor.u32 $0x100, v1;
	_ =	sdelay $0x3  }
0x445: {  	[tilespmem:s7+$0x8080] =	vst v2  }
0x446: {  	v2 =	vld.idx.msk [tilespmem:v3+s2+$0x0], $0xffff  }
0x447: {  	v3 =	vor.u32 $0x180, v1;
	_ =	sdelay $0x3  }
0x448: {  	[tilespmem:s7+$0x8100] =	vst v2  }
0x449: {  	v2 =	vld.idx.msk [tilespmem:v3+s2+$0x0], $0xffff  }
0x44a: {  	v3 =	vor.u32 $0x200, v1;
	_ =	sdelay $0x3  }
0x44b: {  	[tilespmem:s7+$0x8180] =	vst v2  }
0x44c: {  	v2 =	vld.idx.msk [tilespmem:v3+s2+$0x0], $0xffff  }
0x44d: {  	v3 =	vor.u32 $0x280, v1;
	_ =	sdelay $0x3  }
0x44e: {  	[tilespmem:s7+$0x8200] =	vst v2  }
0x44f: {  	v2 =	vld.idx.msk [tilespmem:v3+s2+$0x0], $0xffff  }
0x450: {  	v3 =	vor.u32 $0x300, v1;
	_ =	sdelay $0x3  }
0x451: {  	[tilespmem:s7+$0x8280] =	vst v2  }
0x452: {  	v2 =	vld.idx.msk [tilespmem:v3+s2+$0x0], $0xffff  }
0x453: {  	v3 =	vor.u32 $0x380, v1;
	_ =	sdelay $0x3  }
0x454: {  	[tilespmem:s7+$0x8300] =	vst v2  }
0x455: {  	v2 =	vld.idx.msk [tilespmem:v3+s2+$0x0], $0xffff  }
0x456: {  	v3 =	vadd.s32 $0x1000, v1;
	_ =	sdelay $0x1  }
0x457: {  	s8 =	sor.u32 s8, s10  }
0x458: {  	s8 =	sor.u32 $0x380, s8  }
0x459: {  	[tilespmem:s8+$0x8000] =	vst v2  }
0x45a: {  	v2 =	vld.idx.msk [tilespmem:v3+s2+$0x0], $0xffff  }
0x45b: {  	v3 =	vadd.s32 $0x1080, v1;
	_ =	sdelay $0x3  }
0x45c: {  	[tilespmem:s7+$0x8800] =	vst v2  }
0x45d: {  	v2 =	vld.idx.msk [tilespmem:v3+s2+$0x0], $0xffff  }
0x45e: {  	v3 =	vadd.s32 $0x1100, v1;
	_ =	sdelay $0x3  }
0x45f: {  	[tilespmem:s7+$0x8880] =	vst v2  }
0x460: {  	v2 =	vld.idx.msk [tilespmem:v3+s2+$0x0], $0xffff  }
0x461: {  	v3 =	vadd.s32 $0x1180, v1;
	_ =	sdelay $0x3  }
0x462: {  	[tilespmem:s7+$0x8900] =	vst v2  }
0x463: {  	v2 =	vld.idx.msk [tilespmem:v3+s2+$0x0], $0xffff  }
0x464: {  	v3 =	vadd.s32 $0x1200, v1;
	_ =	sdelay $0x3  }
0x465: {  	[tilespmem:s7+$0x8980] =	vst v2  }
0x466: {  	v2 =	vld.idx.msk [tilespmem:v3+s2+$0x0], $0xffff  }
0x467: {  	v3 =	vadd.s32 $0x1280, v1;
	_ =	sdelay $0x3  }
0x468: {  	[tilespmem:s7+$0x8A00] =	vst v2  }
0x469: {  	v2 =	vld.idx.msk [tilespmem:v3+s2+$0x0], $0xffff  }
0x46a: {  	v3 =	vadd.s32 $0x1300, v1;
	_ =	sdelay $0x3  }
0x46b: {  	[tilespmem:s7+$0x8A80] =	vst v2  }
0x46c: {  	v2 =	vld.idx.msk [tilespmem:v3+s2+$0x0], $0xffff  }
0x46d: {  	v3 =	vadd.s32 $0x1380, v1;
	_ =	sdelay $0x3  }
0x46e: {  	[tilespmem:s7+$0x8B00] =	vst v2  }
0x46f: {  	v2 =	vld.idx.msk [tilespmem:v3+s2+$0x0], $0xffff  }
0x470: {  	v3 =	vadd.s32 $0x2000, v1;
	_ =	sdelay $0x3  }
0x471: {  	[tilespmem:s7+$0x8B80] =	vst v2  }
0x472: {  	v2 =	vld.idx.msk [tilespmem:v3+s2+$0x0], $0xffff  }
0x473: {  	v3 =	vadd.s32 $0x2080, v1;
	_ =	sdelay $0x3  }
0x474: {  	[tilespmem:s7+$0x9000] =	vst v2  }
0x475: {  	v2 =	vld.idx.msk [tilespmem:v3+s2+$0x0], $0xffff  }
0x476: {  	v3 =	vadd.s32 $0x2100, v1;
	_ =	sdelay $0x3  }
0x477: {  	[tilespmem:s7+$0x9080] =	vst v2  }
0x478: {  	v2 =	vld.idx.msk [tilespmem:v3+s2+$0x0], $0xffff  }
0x479: {  	v3 =	vadd.s32 $0x2180, v1;
	_ =	sdelay $0x3  }
0x47a: {  	[tilespmem:s7+$0x9100] =	vst v2  }
0x47b: {  	v2 =	vld.idx.msk [tilespmem:v3+s2+$0x0], $0xffff  }
0x47c: {  	v3 =	vadd.s32 $0x2200, v1;
	_ =	sdelay $0x3  }
0x47d: {  	[tilespmem:s7+$0x9180] =	vst v2  }
0x47e: {  	v2 =	vld.idx.msk [tilespmem:v3+s2+$0x0], $0xffff  }
0x47f: {  	v3 =	vadd.s32 $0x2280, v1;
	_ =	sdelay $0x3  }
0x480: {  	[tilespmem:s7+$0x9200] =	vst v2  }
0x481: {  	v2 =	vld.idx.msk [tilespmem:v3+s2+$0x0], $0xffff  }
0x482: {  	v3 =	vadd.s32 $0x2300, v1;
	_ =	sdelay $0x3  }
0x483: {  	[tilespmem:s7+$0x9280] =	vst v2  }
0x484: {  	v2 =	vld.idx.msk [tilespmem:v3+s2+$0x0], $0xffff  }
0x485: {  	v3 =	vadd.s32 $0x2380, v1;
	_ =	sdelay $0x3  }
0x486: {  	[tilespmem:s7+$0x9300] =	vst v2  }
0x487: {  	v2 =	vld.idx.msk [tilespmem:v3+s2+$0x0], $0xffff  }
0x488: {  	v3 =	vadd.s32 $0x3000, v1;
	_ =	sdelay $0x3  }
0x489: {  	[tilespmem:s7+$0x9380] =	vst v2  }
0x48a: {  	v2 =	vld.idx.msk [tilespmem:v3+s2+$0x0], $0xffff  }
0x48b: {  	v3 =	vadd.s32 $0x3080, v1;
	_ =	sdelay $0x3  }
0x48c: {  	[tilespmem:s7+$0x9800] =	vst v2  }
0x48d: {  	v2 =	vld.idx.msk [tilespmem:v3+s2+$0x0], $0xffff  }
0x48e: {  	v3 =	vadd.s32 $0x3100, v1;
	_ =	sdelay $0x3  }
0x48f: {  	[tilespmem:s7+$0x9880] =	vst v2  }
0x490: {  	v2 =	vld.idx.msk [tilespmem:v3+s2+$0x0], $0xffff  }
0x491: {  	v3 =	vadd.s32 $0x3180, v1;
	_ =	sdelay $0x3  }
0x492: {  	[tilespmem:s7+$0x9900] =	vst v2  }
0x493: {  	v2 =	vld.idx.msk [tilespmem:v3+s2+$0x0], $0xffff  }
0x494: {  	v3 =	vadd.s32 $0x3200, v1;
	_ =	sdelay $0x3  }
0x495: {  	[tilespmem:s7+$0x9980] =	vst v2  }
0x496: {  	v2 =	vld.idx.msk [tilespmem:v3+s2+$0x0], $0xffff  }
0x497: {  	v3 =	vadd.s32 $0x3280, v1;
	_ =	sdelay $0x3  }
0x498: {  	[tilespmem:s7+$0x9A00] =	vst v2  }
0x499: {  	v2 =	vld.idx.msk [tilespmem:v3+s2+$0x0], $0xffff  }
0x49a: {  	v3 =	vadd.s32 $0x3300, v1;
	_ =	sdelay $0x3  }
0x49b: {  	[tilespmem:s7+$0x9A80] =	vst v2  }
0x49c: {  	v2 =	vld.idx.msk [tilespmem:v3+s2+$0x0], $0xffff  }
0x49d: {  	v3 =	vadd.s32 $0x3380, v1;
	_ =	sdelay $0x3  }
0x49e: {  	[tilespmem:s7+$0x9B00] =	vst v2  }
0x49f: {  	v2 =	vld.idx.msk [tilespmem:v3+s2+$0x0], $0xffff  }
0x4a0: {  	v3 =	vadd.s32 $0x4000, v1;
	_ =	sdelay $0x3  }
0x4a1: {  	[tilespmem:s7+$0x9B80] =	vst v2  }
0x4a2: {  	v2 =	vld.idx.msk [tilespmem:v3+s2+$0x0], $0xffff  }
0x4a3: {  	v3 =	vadd.s32 $0x4080, v1;
	_ =	sdelay $0x3  }
0x4a4: {  	[tilespmem:s7+$0xA000] =	vst v2  }
0x4a5: {  	v2 =	vld.idx.msk [tilespmem:v3+s2+$0x0], $0xffff  }
0x4a6: {  	v3 =	vadd.s32 $0x4100, v1;
	_ =	sdelay $0x3  }
0x4a7: {  	[tilespmem:s7+$0xA080] =	vst v2  }
0x4a8: {  	v2 =	vld.idx.msk [tilespmem:v3+s2+$0x0], $0xffff  }
0x4a9: {  	v3 =	vadd.s32 $0x4180, v1;
	_ =	sdelay $0x3  }
0x4aa: {  	[tilespmem:s7+$0xA100] =	vst v2  }
0x4ab: {  	v2 =	vld.idx.msk [tilespmem:v3+s2+$0x0], $0xffff  }
0x4ac: {  	v3 =	vadd.s32 $0x4200, v1;
	_ =	sdelay $0x3  }
0x4ad: {  	[tilespmem:s7+$0xA180] =	vst v2  }
0x4ae: {  	v2 =	vld.idx.msk [tilespmem:v3+s2+$0x0], $0xffff  }
0x4af: {  	v3 =	vadd.s32 $0x4280, v1;
	_ =	sdelay $0x3  }
0x4b0: {  	[tilespmem:s7+$0xA200] =	vst v2  }
0x4b1: {  	v2 =	vld.idx.msk [tilespmem:v3+s2+$0x0], $0xffff  }
0x4b2: {  	v3 =	vadd.s32 $0x4300, v1;
	_ =	sdelay $0x3  }
0x4b3: {  	[tilespmem:s7+$0xA280] =	vst v2  }
0x4b4: {  	v2 =	vld.idx.msk [tilespmem:v3+s2+$0x0], $0xffff  }
0x4b5: {  	v3 =	vadd.s32 $0x4380, v1;
	_ =	sdelay $0x3  }
0x4b6: {  	[tilespmem:s7+$0xA300] =	vst v2  }
0x4b7: {  	v2 =	vld.idx.msk [tilespmem:v3+s2+$0x0], $0xffff  }
0x4b8: {  	v3 =	vadd.s32 $0x5000, v1;
	_ =	sdelay $0x3  }
0x4b9: {  	[tilespmem:s7+$0xA380] =	vst v2  }
0x4ba: {  	v2 =	vld.idx.msk [tilespmem:v3+s2+$0x0], $0xffff  }
0x4bb: {  	v3 =	vadd.s32 $0x5080, v1;
	_ =	sdelay $0x3  }
0x4bc: {  	[tilespmem:s7+$0xA800] =	vst v2  }
0x4bd: {  	v2 =	vld.idx.msk [tilespmem:v3+s2+$0x0], $0xffff  }
0x4be: {  	v3 =	vadd.s32 $0x5100, v1;
	_ =	sdelay $0x3  }
0x4bf: {  	[tilespmem:s7+$0xA880] =	vst v2  }
0x4c0: {  	v2 =	vld.idx.msk [tilespmem:v3+s2+$0x0], $0xffff  }
0x4c1: {  	v3 =	vadd.s32 $0x5180, v1;
	_ =	sdelay $0x3  }
0x4c2: {  	[tilespmem:s7+$0xA900] =	vst v2  }
0x4c3: {  	v2 =	vld.idx.msk [tilespmem:v3+s2+$0x0], $0xffff  }
0x4c4: {  	v3 =	vadd.s32 $0x5200, v1;
	_ =	sdelay $0x3  }
0x4c5: {  	[tilespmem:s7+$0xA980] =	vst v2  }
0x4c6: {  	v2 =	vld.idx.msk [tilespmem:v3+s2+$0x0], $0xffff  }
0x4c7: {  	v3 =	vadd.s32 $0x5280, v1;
	_ =	sdelay $0x3  }
0x4c8: {  	[tilespmem:s7+$0xAA00] =	vst v2  }
0x4c9: {  	v2 =	vld.idx.msk [tilespmem:v3+s2+$0x0], $0xffff  }
0x4ca: {  	v3 =	vadd.s32 $0x5300, v1;
	_ =	sdelay $0x3  }
0x4cb: {  	[tilespmem:s7+$0xAA80] =	vst v2  }
0x4cc: {  	v2 =	vld.idx.msk [tilespmem:v3+s2+$0x0], $0xffff  }
0x4cd: {  	v3 =	vadd.s32 $0x5380, v1;
	_ =	sdelay $0x3  }
0x4ce: {  	[tilespmem:s7+$0xAB00] =	vst v2  }
0x4cf: {  	v2 =	vld.idx.msk [tilespmem:v3+s2+$0x0], $0xffff  }
0x4d0: {  	v3 =	vadd.s32 $0x6000, v1;
	_ =	sdelay $0x3  }
0x4d1: {  	[tilespmem:s7+$0xAB80] =	vst v2  }
0x4d2: {  	v2 =	vld.idx.msk [tilespmem:v3+s2+$0x0], $0xffff  }
0x4d3: {  	v3 =	vadd.s32 $0x6080, v1;
	_ =	sdelay $0x3  }
0x4d4: {  	[tilespmem:s7+$0xB000] =	vst v2  }
0x4d5: {  	v2 =	vld.idx.msk [tilespmem:v3+s2+$0x0], $0xffff  }
0x4d6: {  	v3 =	vadd.s32 $0x6100, v1;
	_ =	sdelay $0x3  }
0x4d7: {  	[tilespmem:s7+$0xB080] =	vst v2  }
0x4d8: {  	v2 =	vld.idx.msk [tilespmem:v3+s2+$0x0], $0xffff  }
0x4d9: {  	v3 =	vadd.s32 $0x6180, v1;
	_ =	sdelay $0x3  }
0x4da: {  	[tilespmem:s7+$0xB100] =	vst v2  }
0x4db: {  	v2 =	vld.idx.msk [tilespmem:v3+s2+$0x0], $0xffff  }
0x4dc: {  	v3 =	vadd.s32 $0x6200, v1;
	_ =	sdelay $0x3  }
0x4dd: {  	[tilespmem:s7+$0xB180] =	vst v2  }
0x4de: {  	v2 =	vld.idx.msk [tilespmem:v3+s2+$0x0], $0xffff  }
0x4df: {  	v3 =	vadd.s32 $0x6280, v1;
	_ =	sdelay $0x3  }
0x4e0: {  	[tilespmem:s7+$0xB200] =	vst v2  }
0x4e1: {  	v2 =	vld.idx.msk [tilespmem:v3+s2+$0x0], $0xffff  }
0x4e2: {  	v3 =	vadd.s32 $0x6300, v1;
	_ =	sdelay $0x3  }
0x4e3: {  	[tilespmem:s7+$0xB280] =	vst v2  }
0x4e4: {  	v2 =	vld.idx.msk [tilespmem:v3+s2+$0x0], $0xffff  }
0x4e5: {  	v3 =	vadd.s32 $0x6380, v1;
	_ =	sdelay $0x3  }
0x4e6: {  	[tilespmem:s7+$0xB300] =	vst v2  }
0x4e7: {  	v2 =	vld.idx.msk [tilespmem:v3+s2+$0x0], $0xffff  }
0x4e8: {  	v3 =	vadd.s32 $0x7000, v1;
	_ =	sdelay $0x3  }
0x4e9: {  	[tilespmem:s7+$0xB380] =	vst v2  }
0x4ea: {  	v2 =	vld.idx.msk [tilespmem:v3+s2+$0x0], $0xffff  }
0x4eb: {  	v3 =	vadd.s32 $0x7080, v1;
	_ =	sdelay $0x3  }
0x4ec: {  	[tilespmem:s7+$0xB800] =	vst v2  }
0x4ed: {  	v2 =	vld.idx.msk [tilespmem:v3+s2+$0x0], $0xffff  }
0x4ee: {  	v3 =	vadd.s32 $0x7100, v1;
	_ =	sdelay $0x3  }
0x4ef: {  	[tilespmem:s7+$0xB880] =	vst v2  }
0x4f0: {  	v2 =	vld.idx.msk [tilespmem:v3+s2+$0x0], $0xffff  }
0x4f1: {  	v3 =	vadd.s32 $0x7180, v1;
	_ =	sdelay $0x3  }
0x4f2: {  	[tilespmem:s7+$0xB900] =	vst v2  }
0x4f3: {  	v2 =	vld.idx.msk [tilespmem:v3+s2+$0x0], $0xffff  }
0x4f4: {  	v3 =	vadd.s32 $0x7200, v1;
	_ =	sdelay $0x3  }
0x4f5: {  	[tilespmem:s7+$0xB980] =	vst v2  }
0x4f6: {  	v2 =	vld.idx.msk [tilespmem:v3+s2+$0x0], $0xffff  }
0x4f7: {  	v3 =	vadd.s32 $0x7280, v1;
	_ =	sdelay $0x3  }
0x4f8: {  	[tilespmem:s7+$0xBA00] =	vst v2  }
0x4f9: {  	v2 =	vld.idx.msk [tilespmem:v3+s2+$0x0], $0xffff  }
0x4fa: {  	v3 =	vadd.s32 $0x7300, v1;
	_ =	sdelay $0x3  }
0x4fb: {  	[tilespmem:s7+$0xBA80] =	vst v2  }
0x4fc: {  	v2 =	vld.idx.msk [tilespmem:v3+s2+$0x0], $0xffff  }
0x4fd: {  	v1 =	vadd.s32 $0x7380, v1;
	_ =	sdelay $0x3  }
0x4fe: {  	[tilespmem:s7+$0xBB00] =	vst v2  }
0x4ff: {  	v1 =	vld.idx.msk [tilespmem:v1+s2+$0x0], $0xffff  }
0x500: {  	s11 =	sadd.s32 s5, s30  }
.Ltmp11:
0x501: {  	s8 =	sshll.u32 s11, $0x11;
	(pc) =	sbr.rel .LBB2_24-.Ltmp11, $4  }
0x502: {  	s8 =	sadd.s32 s3, s8  }
0x503: {  	s8 =	sshrl.u32 s8, $0x3  }
0x504: {  	s22 =	sadd.s32 s1, s8;
	[tilespmem:s7+$0xBB80] =	vst v1  }
0x505: {  	[hbm4b:s22+s12] =	stream.strided.scatter [tilespmem:s20], [sflag:$0x1], $0x4000, s18, s12, $0x38;
	[tilespmem:$0x18000] =	vst v63  }
.LBB2_8:
.Ltmp12:
0x506: {  	(pc) =	sbr.rel @!p0 .LBB2_11-.Ltmp12, $1  }
0x507: {  	_ =	sdelay $0x3  }
0x508: {  	p0 =	sgt.s32 s26, $0xA0;
	s0 =	smov.u32 s26  }
0x509: {  	s0 =	simm.s32 @!p0 $0xA0  }
0x50a: {  	s0 =	smin.u32 s0, $0xDF  }
0x50b: {  	s0 =	ssub.s32 $0x9F, s0  }
0x50c: {  	s0 =	sadd.s32 $0x1, s0  }
0x50d: {  	p0 =	seq.s32 s0, $0x0  }
.Ltmp13:
0x50e: {  	_ = 	snop;
	(pc) =	sbr.rel @p0 .LBB2_11-.Ltmp13, $3  }
0x50f: {  	_ =	sdelay $0x1  }
0x510: {  	[hbm4b:s25+s12] =	stream.strided.scatter [tilespmem:s16], [sflag:$0x3], $0x4000, s18, s12, $0x38;
	[tilespmem:$0x18000] =	vst v63  }
0x511: {  	s3 =	smov.u32 s25  }
.LBB2_10:
0x512: {  	s0 =	sadd.s32 $0x1, s0  }
0x513: {  	p0 =	seq.s32 s0, $0x0  }
.Ltmp14:
0x514: {  	_ = 	snop;
	(pc) =	sbr.rel @!p0 .LBB2_10-.Ltmp14, $3  }
0x515: {  	_ = 	snop  }
0x516: {  	s3 =	sadd.s32 $0x4000, s3;
	_ =	sdelay $0x1  }
0x517: {  	[hbm4b:s3+s12] =	stream.strided.scatter [tilespmem:s16], [sflag:$0x3], $0x4000, s18, s12, $0x38;
	[tilespmem:$0x18000] =	vst v63  }
.LBB2_11:
0x518: {  	p0 =	slt.u32 s29, $0xFFFFFEA2  }
.Ltmp15:
0x519: {  	_ = 	snop;
	(pc) =	sbr.rel @!p0 .LBB2_14-.Ltmp15, $1  }
0x51a: {  	_ =	sdelay $0x3  }
0x51b: {  	p0 =	sgt.s32 s26, $0xFFFFFE62;
	s0 =	smov.u32 s26  }
0x51c: {  	s0 =	simm.s32 @!p0 $0xFFFFFE62  }
0x51d: {  	p0 =	slt.s32 s0, $0xFFFFFEA2  }
0x51e: {  	s0 =	simm.s32 @!p0 $0xFFFFFEA2  }
0x51f: {  	s3 =	sshll.u32 s0, $0x11  }
0x520: {  	s30 =	sadd.s32 $0x19D, s0;
	s3 =	sadd.s32 s3, s24  }
0x521: {  	s7 =	sshrl.u32 s3, $0x3;
	s3 =	sadd.s32 $0x1, s30  }
0x522: {  	p0 =	slt.u32 s3, $0x3F  }
.Ltmp16:
0x523: {  	_ = 	snop;
	(pc) =	sbr.rel @!p0 .LBB2_14-.Ltmp16, $3  }
0x524: {  	_ =	sdelay $0x1  }
0x525: {  	s0 =	sadd.s32 s7, s1  }
0x526: {  	[hbm4b:s0+s12] =	stream.strided.scatter [tilespmem:s14], [sflag:$0x3], $0x4000, s18, s12, $0x38;
	[tilespmem:$0x18000] =	vst v63  }
.LBB2_13:
0x527: {  	s3 =	sadd.s32 $0x1, s3  }
0x528: {  	p0 =	slt.u32 s3, $0x3F  }
.Ltmp17:
0x529: {  	_ = 	snop;
	(pc) =	sbr.rel @p0 .LBB2_13-.Ltmp17, $3  }
0x52a: {  	_ = 	snop  }
0x52b: {  	s0 =	sadd.s32 $0x4000, s0;
	_ =	sdelay $0x1  }
0x52c: {  	[hbm4b:s0+s12] =	stream.strided.scatter [tilespmem:s14], [sflag:$0x3], $0x4000, s18, s12, $0x38;
	[tilespmem:$0x18000] =	vst v63  }
.Ltmp18:
0x52d: {  	_ = 	snop;
	(pc) =	sbr.rel .LBB2_14-.Ltmp18, $1  }
0x52e: {  	_ =	sdelay $0x3  }
.LBB2_15:
0x52f: {  	p0 =	sgt.s32 s23, $0x0  }
.Ltmp19:
0x530: {  	_ = 	snop;
	(pc) =	sbr.rel @!p0 .LBB2_19-.Ltmp19, $2  }
0x531: {  	_ =	sdelay $0x2  }
0x532: {  	s0 =	simm.s32 $0x0;
	s3 =	rddreg [dreg:$0x8]  }
0x533: {  	s0 =	sadd.s32 $0x1, s0  }
0x534: {  	p0 =	slt.s32 s0, s23  }
.Ltmp20:
0x535: {  	_ = 	snop;
	(pc) =	sbr.rel @!p0 .LBB2_18-.Ltmp20, $3  }
0x536: {  	_ =	sdelay $0x1  }
0x537: {  	_ =	swait.ge [sflag:s21], $0x4000  }
0x538: {  	[sflag:s21] =	ssyncset.done $0x0  }
.LBB2_17:
0x539: {  	s0 =	sadd.s32 $0x1, s0  }
0x53a: {  	[sflag:s21] =	ssyncadd.s32 $0xFFFFC000;
	p0 =	slt.s32 s0, s23  }
.Ltmp21:
0x53b: {  	(pc) =	sbr.rel @p0 .LBB2_17-.Ltmp21, $3  }
0x53c: {  	_ =	sdelay $0x1  }
0x53d: {  	_ =	swait.ge [sflag:s21], $0x4000  }
0x53e: {  	[sflag:s21] =	ssyncset.done $0x0  }
.Ltmp22:
0x53f: {  	_ = 	snop;
	(pc) =	sbr.rel .LBB2_18-.Ltmp22, $1  }
0x540: {  	_ =	sdelay $0x3  }
.LBB2_20:
0x541: {  	_ =	sfence.sel $0x180000  }
0x542: {  	[bflag:$0x0] =	sbarrier.arrive $0xFFFF  }
0x543: {  	_ =	strace $0x9000004A  }
0x544: {  	s0 =	stileid.u32;
	[bflag:$0x2] =	sbarrier.arrive $0xFFFF  }
0x545: {  	p0 =	sne.s32 s0, $0x0;
	s0 =	rddreg [dreg:$0x2]  }
0x546: {  	s0 =	sadd.s32 @!p0 $0x100000, s0  }
0x547: {  	[sflag:s0] =	ssyncadd.tile.s32 @!p0 $0x1;
	_ =	shalt  }
.Lfunc_end2:
_tile_overlayer_lowered:
.L_overlay_start_2:
0x548: {  	(tag) =	ssettag $0x2  }
0x549: {  	s0 =	rddreg [dreg:$0x0];
	s2 =	stileid.u32  }
0x54a: {  	s1 =	rddreg [dreg:$0x1];
	p0 =	sne.s32 s2, $0x0  }
0x54b: {  	s3 =	rddreg [dreg:$0x2];
	[bflag:$0x3] =	sbarrier.arrive $0xFFFF;
	s2 =	simm.s32 @!p0 $0x1C04  }
0x54c: {  	[timem:s3], [sflag:s2] =	dma.local @!p0 [hbm:s0], s1  }
0x54d: {  	s0 =	simm.s32 @!p0 $0x4  }
0x54e: {  	_ =	swait.ge @!p0 [sflag:s0], s1  }
0x54f: {  	s1 =	ssub.s32 @!p0 $0x0, s1;
	[sflag:s0] =	ssyncset.done @!p0 $0x0  }
0x550: {  	[sflag:s0] =	ssyncadd.s32 @!p0 s1  }
0x551: {  	[bflag:$0x3] =	sbarrier.arrive $0xFFFF  }
0x552: {  	_ =	shalt  }

</sc_bundles>
